<compile_context>
chip_gen: v7x
topology: tpu7x:2x2x1
jax: 0.10.2.dev20260603
libtpu: 0.0.44.dev20260713+nightly
codegen_flags: <defaults>
</compile_context>

<pallas_src>
import functools

import jax
import jax.numpy as jnp
from jax import lax
from jax.experimental import pallas as pl
from jax.experimental.pallas import tpu as pltpu
from jax.experimental.pallas import tpu_sc as plsc

N = 10000
E = 160000
D_IN = 256
D_H = 512
DHALF = 128

NC = 2
NS = 16
CH = 128

NP = 10240
EP = 172032
N_TRASH = 64

BLK = 256
_MESH = plsc.VectorSubcoreMesh(core_axis_name="c", subcore_axis_name="s")


_CPT1 = EP // CH // (NC * NS)


@functools.partial(
    pl.kernel,
    out_type=jax.ShapeDtypeStruct((NC, NP), jnp.float32),
    mesh=_MESH,
    scratch_types=[
        pltpu.VMEM((_CPT1, 1, CH), jnp.int32),
        pltpu.VMEM((CH,), jnp.float32),
        pltpu.VMEM((NP // NS,), jnp.float32),
        pltpu.VMEM_SHARED((NP,), jnp.float32),
        pltpu.SemaphoreType.DMA,
    ],
)
def _deg_kernel(dst2d_hbm, out_hbm, didx, ones_v, stage_v, acc_sh, sem):
    c = lax.axis_index("c")
    s = lax.axis_index("s")
    rows = NP // NS
    base = s * rows

    def _fill(i, _):
        ones_v[pl.ds(i * 16, 16)] = jnp.ones((16,), jnp.float32)
        return ()
    lax.fori_loop(0, CH // 16, _fill, ())

    def _zero(i, _):
        stage_v[pl.ds(i * 16, 16)] = jnp.zeros((16,), jnp.float32)
        return ()
    lax.fori_loop(0, rows // 16, _zero, ())
    pltpu.sync_copy(stage_v, acc_sh.at[pl.ds(base, rows)])
    chunk0 = (c * NS + s) * _CPT1
    pltpu.sync_copy(dst2d_hbm.at[pl.ds(chunk0, _CPT1)], didx)
    plsc.subcore_barrier()

    def _body(p, _):
        for b in range(6):
            pltpu.async_copy(ones_v, acc_sh.at[didx.at[p * 6 + b, 0]], sem,
                             add=True)
        for b in range(6):
            pltpu.make_async_copy(ones_v, acc_sh.at[didx.at[0, 0]],
                                  sem).wait()
        return ()
    lax.fori_loop(0, _CPT1 // 6, _body, ())
    plsc.subcore_barrier()

    pltpu.sync_copy(acc_sh.at[pl.ds(base, rows)], stage_v)
    pltpu.sync_copy(stage_v, out_hbm.at[c, pl.ds(base, rows)])


_PBLK = 1024


def _prescale_body(p0_ref, p1_ref, x_ref, dinv_ref, xs0_ref, xs1_ref):
    deg = p0_ref[...] + p1_ref[...]
    dinv = lax.rsqrt(jnp.maximum(deg, 1.0))
    dinv_ref[...] = dinv
    xs = x_ref[...] * dinv[:, None]
    xs0_ref[...] = xs[:, :DHALF]
    xs1_ref[...] = xs[:, DHALF:]


def _prescale(deg_flat, x):
    nblk = NP // _PBLK
    return pl.pallas_call(
        _prescale_body,
        grid=(nblk,),
        in_specs=[
            pl.BlockSpec((_PBLK,), lambda i: (i,)),
            pl.BlockSpec((_PBLK,), lambda i: (i + NP // _PBLK,)),
            pl.BlockSpec((_PBLK, D_IN), lambda i: (i, 0)),
        ],
        out_specs=[
            pl.BlockSpec((_PBLK,), lambda i: (i,)),
            pl.BlockSpec((_PBLK, DHALF), lambda i: (i, 0)),
            pl.BlockSpec((_PBLK, DHALF), lambda i: (i, 0)),
        ],
        out_shape=[
            jax.ShapeDtypeStruct((NP,), jnp.float32),
            jax.ShapeDtypeStruct((NP, DHALF), jnp.float32),
            jax.ShapeDtypeStruct((NP, DHALF), jnp.float32),
        ],
    )(deg_flat, deg_flat, x)


_CPT3 = EP // CH // NS


_GRP = 6
_NGRP = _CPT3 // _GRP


@functools.partial(
    pl.kernel,
    out_type=jax.ShapeDtypeStruct((NC, NP, DHALF), jnp.float32),
    mesh=_MESH,
    scratch_types=[
        pltpu.VMEM((_GRP, 1, CH), jnp.int32),
        pltpu.VMEM((_GRP, 1, CH), jnp.int32),
        pltpu.VMEM((_GRP, 1, CH), jnp.int32),
        pltpu.VMEM((_GRP, 1, CH), jnp.int32),
        pltpu.VMEM((CH, DHALF), jnp.float32),
        pltpu.VMEM((CH, DHALF), jnp.float32),
        pltpu.VMEM((16, DHALF), jnp.float32),
        pltpu.VMEM_SHARED((NP, DHALF), jnp.float32),
        pltpu.SemaphoreType.DMA,
        pltpu.SemaphoreType.DMA,
        pltpu.SemaphoreType.DMA,
        pltpu.SemaphoreType.DMA,
        pltpu.SemaphoreType.DMA,
    ],
)
def _agg_kernel(xs0, xs1, src2d, dst2d, out_hbm,
                gsa, gda, gsb, gdb, rb0, rb1, zblk, acc_sh,
                ga, gb, sa, sb, isem):
    c = lax.axis_index("c")
    s = lax.axis_index("s")
    rows = NP // NS
    base = s * rows
    rbs = (rb0, rb1)
    gsem = (ga, gb)
    ssem = (sa, sb)

    def _zfill(i, _):
        for j in range(DHALF // 16):
            zblk[i, pl.ds(j * 16, 16)] = jnp.zeros((16,), jnp.float32)
        return ()
    lax.fori_loop(0, 16, _zfill, ())

    def _zero(i, _):
        pltpu.sync_copy(zblk, acc_sh.at[pl.ds(base + i * 16, 16), :])
        return ()
    lax.fori_loop(0, rows // 16, _zero, ())
    plsc.subcore_barrier()

    chunk0 = s * _CPT3

    def _run(xs_hbm):
        def g_start(idx_row, b):
            pltpu.async_copy(xs_hbm.at[idx_row], rbs[b], gsem[b])

        def g_wait(b):
            pltpu.make_async_copy(xs_hbm.at[gsa.at[0, 0]], rbs[b],
                                  gsem[b]).wait()

        def s_start(idx_row, b):
            pltpu.async_copy(rbs[b], acc_sh.at[idx_row], ssem[b], add=True)

        def s_wait(b):
            pltpu.make_async_copy(rbs[b], acc_sh.at[gda.at[0, 0]],
                                  ssem[b]).wait()

        def i_wait():
            pltpu.make_async_copy(src2d.at[pl.ds(0, _GRP)], gsa,
                                  isem).wait()

        def do_group(g, cur_src, cur_dst, nxt_src, nxt_dst, first):
            for kk in range(_GRP):
                b = kk % 2
                if not (first and kk < 2):
                    s_wait(b)
                g_start(cur_src.at[kk, 0], b)
                if not (first and kk == 0):
                    g_wait(1 - b)
                    if kk == 0:
                        s_start(nxt_dst.at[_GRP - 1, 0], 1 - b)
                    else:
                        s_start(cur_dst.at[kk - 1, 0], 1 - b)
                if kk == 2:
                    start = chunk0 + jnp.minimum((g + 1) * _GRP,
                                                 _CPT3 - _GRP)
                    pltpu.async_copy(src2d.at[pl.ds(start, _GRP)],
                                     nxt_src, isem)
                    pltpu.async_copy(dst2d.at[pl.ds(start, _GRP)],
                                     nxt_dst, isem)
                if kk == _GRP - 1:
                    i_wait()
                    i_wait()

        pltpu.sync_copy(src2d.at[pl.ds(chunk0, _GRP)], gsa)
        pltpu.sync_copy(dst2d.at[pl.ds(chunk0, _GRP)], gda)
        do_group(0, gsa, gda, gsb, gdb, True)

        def _body(p, _):
            g = 2 * p + 1
            do_group(g, gsb, gdb, gsa, gda, False)
            do_group(g + 1, gsa, gda, gsb, gdb, False)
            return ()
        lax.fori_loop(0, (_NGRP - 2) // 2, _body, ())
        do_group(_NGRP - 1, gsb, gdb, gsa, gda, False)

        g_wait(1)
        s_wait(0)
        s_start(gdb.at[_GRP - 1, 0], 1)
        s_wait(1)

    @pl.when(c == 0)
    def _():
        _run(xs0)

    @pl.when(c == 1)
    def _():
        _run(xs1)

    plsc.subcore_barrier()

    def _out(i, _):
        r0 = base + i * CH
        pltpu.sync_copy(acc_sh.at[pl.ds(r0, CH), :], rb0)
        pltpu.sync_copy(rb0, out_hbm.at[c, pl.ds(r0, CH), :])
        return ()
    lax.fori_loop(0, rows // CH, _out, ())


_DBLK = 512


def _dense_body(dinv_ref, a0_ref, a1_ref, w1_ref, b1_ref, w2_ref, t_ref):
    dinv = dinv_ref[...]
    z0 = (a0_ref[0] * dinv[:, None]).astype(jnp.bfloat16)
    z1 = (a1_ref[0] * dinv[:, None]).astype(jnp.bfloat16)
    h = jnp.dot(z0, w1_ref[0:DHALF, :], preferred_element_type=jnp.float32)
    h += jnp.dot(z1, w1_ref[DHALF:D_IN, :], preferred_element_type=jnp.float32)
    h = jnp.maximum(h + b1_ref[...][None, :], 0.0).astype(jnp.bfloat16)
    s = jnp.dot(h, w2_ref[...], preferred_element_type=jnp.float32)
    t_ref[...] = s[:, 0] * dinv


def _dense(dinv, acc, W1, b1, w2pad):
    return pl.pallas_call(
        _dense_body,
        grid=(NP // _DBLK,),
        in_specs=[
            pl.BlockSpec((_DBLK,), lambda i: (i,)),
            pl.BlockSpec((1, _DBLK, DHALF), lambda i: (0, i, 0)),
            pl.BlockSpec((1, _DBLK, DHALF), lambda i: (1, i, 0)),
            pl.BlockSpec((D_IN, D_H), lambda i: (0, 0)),
            pl.BlockSpec((D_H,), lambda i: (0,)),
            pl.BlockSpec((D_H, 128), lambda i: (0, 0)),
        ],
        out_specs=pl.BlockSpec((_DBLK,), lambda i: (i,)),
        out_shape=jax.ShapeDtypeStruct((NP,), jnp.float32),
    )(dinv, acc, acc, W1, b1, w2pad)


_CPT5 = EP // CH // (NC * NS)


@functools.partial(
    pl.kernel,
    out_type=jax.ShapeDtypeStruct((NC, NP), jnp.float32),
    mesh=_MESH,
    compiler_params=pltpu.CompilerParams(needs_layout_passes=False),
    scratch_types=[
        pltpu.VMEM((_CPT5, 1, CH), jnp.int32),
        pltpu.VMEM((_CPT5, 1, CH), jnp.int32),
        pltpu.VMEM((NP,), jnp.float32),
        pltpu.VMEM((CH,), jnp.float32),
        pltpu.VMEM((CH,), jnp.float32),
        pltpu.VMEM((NP // NS,), jnp.float32),
        pltpu.VMEM_SHARED((NP,), jnp.float32),
        pltpu.SemaphoreType.DMA,
        pltpu.SemaphoreType.DMA,
    ],
)
def _agg2_kernel(t_hbm, src2d, dst2d, out_hbm,
                 gidx, sidx, tloc, msga, msgb, stage_v, acc_sh, sema, semb):
    c = lax.axis_index("c")
    s = lax.axis_index("s")
    rows = NP // NS
    base = s * rows

    def _zero(i, _):
        stage_v[pl.ds(i * 16, 16)] = jnp.zeros((16,), jnp.float32)
        return ()
    lax.fori_loop(0, rows // 16, _zero, ())
    pltpu.sync_copy(stage_v, acc_sh.at[pl.ds(base, rows)])
    chunk0 = (c * NS + s) * _CPT5
    pltpu.sync_copy(src2d.at[pl.ds(chunk0, _CPT5)], gidx)
    pltpu.sync_copy(dst2d.at[pl.ds(chunk0, _CPT5)], sidx)
    pltpu.sync_copy(t_hbm, tloc)
    plsc.subcore_barrier()

    def _msgs(j, buf):
        for v in range(CH // 16):
            idx = gidx[j, 0, pl.ds(v * 16, 16)]
            buf[pl.ds(v * 16, 16)] = plsc.load_gather(tloc, [idx])

    def _s_start(j, buf, sem):
        pltpu.async_copy(buf, acc_sh.at[sidx.at[j, 0]], sem, add=True)

    def _s_wait(buf, sem):
        pltpu.make_async_copy(buf, acc_sh.at[sidx.at[0, 0]], sem).wait()

    _msgs(0, msga)
    _s_start(0, msga, sema)
    _msgs(1, msgb)
    _s_start(1, msgb, semb)

    def _body(p, _):
        j = p * 2
        _s_wait(msga, sema)
        _msgs(j, msga)
        _s_start(j, msga, sema)
        _s_wait(msgb, semb)
        _msgs(j + 1, msgb)
        _s_start(j + 1, msgb, semb)
        return ()
    lax.fori_loop(1, _CPT5 // 2, _body, ())
    _s_wait(msga, sema)
    _s_wait(msgb, semb)
    plsc.subcore_barrier()

    pltpu.sync_copy(acc_sh.at[pl.ds(base, rows)], stage_v)
    pltpu.sync_copy(stage_v, out_hbm.at[c, pl.ds(base, rows)])


def _final_body(part_ref, dinv_ref, b2_ref, out_ref):
    v = (part_ref[0, :] + part_ref[1, :]) * dinv_ref[...] + b2_ref[0]
    out_ref[...] = lax.slice(jax.nn.sigmoid(v), (0,), (N,))


def _finalize(part, dinv, b2):
    return pl.pallas_call(
        _final_body,
        in_specs=[
            pl.BlockSpec((NC, NP), lambda: (0, 0)),
            pl.BlockSpec((NP,), lambda: (0,)),
            pl.BlockSpec(memory_space=pltpu.SMEM),
        ],
        out_specs=pl.BlockSpec((N,), lambda: (0,)),
        out_shape=jax.ShapeDtypeStruct((N,), jnp.float32),
    )(part, dinv, b2)


def kernel(x, edge_index, W1, b1, W2, b2):
    pad_e = EP - E - N
    loop = jnp.arange(N, dtype=jnp.int32)
    trash = (N + (jnp.arange(pad_e, dtype=jnp.int32) % N_TRASH))
    src2d = jnp.concatenate(
        [edge_index[0].astype(jnp.int32), loop, trash]).reshape(EP // CH, 1, CH)
    dst2d = jnp.concatenate(
        [edge_index[1].astype(jnp.int32), loop, trash]).reshape(EP // CH, 1, CH)
    deg2 = _deg_kernel(dst2d)
    dinv, xs0, xs1 = _prescale(deg2.reshape(NC * NP), x)
    acc = _agg_kernel(xs0, xs1, src2d, dst2d)
    w2pad = jnp.pad(W2.astype(jnp.bfloat16), ((0, 0), (0, 127)))
    t = _dense(dinv, acc, W1.astype(jnp.bfloat16), b1, w2pad)
    part = _agg2_kernel(t, src2d, dst2d)
    return _finalize(part, dinv, b2)[:, None]

# --- scband reference (transcript-rebuilt; emitter-appended) ---
"""Pipeline reference for scband-fraud-gnn-57878979281023 (READ-ONLY COPY).

The authoritative reference and input builder live on the scoring server;
editing this copy changes nothing except your own understanding.
"""

import jax, jax.numpy as jnp
import numpy as np

N = 10000
E = 160000
D_IN = 256
D_H = 512

def setup_inputs(seed: int = 0) -> dict:
    key = jax.random.key(seed)
    k1, k2, k3, k4, k5, k6 = jax.random.split(key, 6)
    x = jax.random.normal(k1, (N, D_IN), dtype=jnp.float32)
    edge_index = jax.random.randint(k2, (2, E), 0, N)
    W1 = jax.random.normal(k3, (D_IN, D_H), dtype=jnp.float32) * (1.0 / np.sqrt(D_IN))
    b1 = jnp.zeros((D_H,), dtype=jnp.float32)
    W2 = jax.random.normal(k4, (D_H, 1), dtype=jnp.float32) * (1.0 / np.sqrt(D_H))
    b2 = jnp.zeros((1,), dtype=jnp.float32)
    return {"x": x, "edge_index": edge_index, "W1": W1, "b1": b1, "W2": W2, "b2": b2}

def _gcn_conv(x, edge_index, W, b):
    n = x.shape[0]
    h = x @ W
    loop = jnp.arange(n, dtype=edge_index.dtype)
    src = jnp.concatenate([edge_index[0], loop])
    dst = jnp.concatenate([edge_index[1], loop])
    deg = jnp.zeros((n,), dtype=h.dtype).at[dst].add(1.0)
    dinv = jax.lax.rsqrt(jnp.maximum(deg, 1.0))
    norm = dinv[src] * dinv[dst]
    msg = jnp.take(h, src, axis=0) * norm[:, None]
    out = jnp.zeros((n, h.shape[1]), dtype=h.dtype).at[dst].add(msg)
    return out + b

def reference(x, edge_index, W1, b1, W2, b2):
    h = _gcn_conv(x, edge_index, W1, b1)
    h = jax.nn.relu(h)
    out = _gcn_conv(h, edge_index, W2, b2)
    return jax.nn.sigmoid(out)

if __name__ == "__main__":
    import jax
    _d = setup_inputs()
    print(jax.jit(kernel)(*tuple(_d.values())))

</pallas_src>

<mosaic_0001>
#map = affine_map<(d0, d1) -> (0, 0, 0)>
#map1 = affine_map<(d0, d1) -> (0, 0)>
module attributes {stable_mosaic.version = 14 : i64} {
  func.func @_deg_kernel(%arg0: i32, %arg1: i32, %arg2: memref<1344x1x128xi32, #tpu.memory_space<hbm>>, %arg3: memref<2x10240xf32, #tpu.memory_space<hbm>>, %arg4: memref<42x1x128xi32, #tpu.memory_space<vmem>>, %arg5: memref<128xf32, #tpu.memory_space<vmem>>, %arg6: memref<640xf32, #tpu.memory_space<vmem>>, %arg7: memref<10240xf32, #tpu.memory_space<vmem_shared>>, %arg8: memref<!tpu.dma_semaphore, #tpu.memory_space<semaphore_mem>>) attributes {dimension_semantics = [#tpu.dimension_semantics<core_parallel>, #tpu.dimension_semantics<subcore_parallel>], iteration_bounds = array<i64: 2, 16>, scalar_prefetch = 0 : i64, scratch_operands = 5 : i64, tpu.core_type = #tpu.core_type<sc_vector_subcore>, window_params = [{transform_indices = #map}, {transform_indices = #map1}]} {
    %mul3A = arith.constant 640 : i32
    %mul3A_0 = arith.muli %arg1, %mul3A : i32
    %scan3A = arith.constant 0 : i32
    %scan3A_1 = arith.constant 8 : i32
    %scan3A_2 = arith.addi %scan3A, %scan3A_1 : i32
    %scan3A_3 = arith.constant 1 : i32
    scf.for %scan3A_20 = %scan3A to %scan3A_2 step %scan3A_3  : i32 {
      %broadcast_in_dim3A = arith.constant 1.000000e+00 : f32
      %broadcast_in_dim3A_21 = vector.broadcast %broadcast_in_dim3A : f32 to vector<16xf32>
      %mul3A_22 = arith.constant 16 : i32
      %mul3A_23 = arith.muli %scan3A_20, %mul3A_22 : i32
      %swap3A = arith.index_cast %mul3A_23 : i32 to index
      %swap3A_24 = tpu.vector_load %arg5[%swap3A] {strides = array<i32>} : memref<128xf32, #tpu.memory_space<vmem>>, vector<16xf32>,
      %swap3A_25 = vector.shape_cast %swap3A_24 : vector<16xf32> to vector<16xf32>
      %swap3A_26 = vector.shape_cast %broadcast_in_dim3A_21 : vector<16xf32> to vector<16xf32>
      tpu.vector_store %arg5[%swap3A], %swap3A_26 {strides = array<i32>} : memref<128xf32, #tpu.memory_space<vmem>>, vector<16xf32>,
    }
    %scan3A_4 = arith.constant 8 : i32
    %scan3A_5 = arith.constant 0 : i32
    %scan3A_6 = arith.constant 40 : i32
    %scan3A_7 = arith.addi %scan3A_5, %scan3A_6 : i32
    %scan3A_8 = arith.constant 1 : i32
    scf.for %scan3A_20 = %scan3A_5 to %scan3A_7 step %scan3A_8  : i32 {
      %broadcast_in_dim3A = arith.constant 0.000000e+00 : f32
      %broadcast_in_dim3A_21 = vector.broadcast %broadcast_in_dim3A : f32 to vector<16xf32>
      %mul3A_22 = arith.constant 16 : i32
      %mul3A_23 = arith.muli %scan3A_20, %mul3A_22 : i32
      %swap3A = arith.index_cast %mul3A_23 : i32 to index
      %swap3A_24 = tpu.vector_load %arg6[%swap3A] {strides = array<i32>} : memref<640xf32, #tpu.memory_space<vmem>>, vector<16xf32>,
      %swap3A_25 = vector.shape_cast %swap3A_24 : vector<16xf32> to vector<16xf32>
      %swap3A_26 = vector.shape_cast %broadcast_in_dim3A_21 : vector<16xf32> to vector<16xf32>
      tpu.vector_store %arg6[%swap3A], %swap3A_26 {strides = array<i32>} : memref<640xf32, #tpu.memory_space<vmem>>, vector<16xf32>,
    }
    %scan3A_9 = arith.constant 40 : i32
    "tpu.region"() ({
      %run_scoped3A = tpu.sem_alloc : memref<!tpu.dma_semaphore, #tpu.memory_space<semaphore_mem>>
      %dma_start3A = tpu.memref_slice %arg7[%mul3A_0] : memref<10240xf32, #tpu.memory_space<vmem_shared>> -> memref<640xf32, #tpu.memory_space<vmem_shared>>
      %dma_start3A_20 = tpu.memref_slice %arg7[%mul3A_0] : memref<10240xf32, #tpu.memory_space<vmem_shared>> -> memref<640xf32, #tpu.memory_space<vmem_shared>>
      tpu.enqueue_dma source(%arg6 : memref<640xf32, #tpu.memory_space<vmem>>) target(%dma_start3A_20 : memref<640xf32, #tpu.memory_space<vmem_shared>>) target_semaphore(%run_scoped3A : memref<!tpu.dma_semaphore, #tpu.memory_space<semaphore_mem>>)
      %dma_wait3A = tpu.memref_slice %arg7[%mul3A_0] : memref<10240xf32, #tpu.memory_space<vmem_shared>> -> memref<640xf32, #tpu.memory_space<vmem_shared>>
      %dma_wait3A_21 = tpu.memref_slice %arg7[%mul3A_0] : memref<10240xf32, #tpu.memory_space<vmem_shared>> -> memref<640xf32, #tpu.memory_space<vmem_shared>>
      tpu.wait_dma2 semaphore(%run_scoped3A : memref<!tpu.dma_semaphore, #tpu.memory_space<semaphore_mem>>) src(%arg6 : memref<640xf32, #tpu.memory_space<vmem>>) dst(%dma_wait3A_21 : memref<640xf32, #tpu.memory_space<vmem_shared>>)
      tpu.yield
    }) : () -> ()
    %mul3A_10 = arith.constant 16 : i32
    %mul3A_11 = arith.muli %arg0, %mul3A_10 : i32
    %add3A = arith.addi %mul3A_11, %arg1 : i32
    %mul3A_12 = arith.constant 42 : i32
    %mul3A_13 = arith.muli %add3A, %mul3A_12 : i32
    "tpu.region"() ({
      %run_scoped3A = tpu.sem_alloc : memref<!tpu.dma_semaphore, #tpu.memory_space<semaphore_mem>>
      %dma_start3A = arith.constant 0 : i32
      %dma_start3A_20 = arith.constant 0 : i32
      %dma_start3A_21 = tpu.memref_slice %arg2[%mul3A_13, %dma_start3A, %dma_start3A_20] : memref<1344x1x128xi32, #tpu.memory_space<hbm>> -> memref<42x1x128xi32, #tpu.memory_space<hbm>>
      %dma_start3A_22 = arith.constant 0 : i32
      %dma_start3A_23 = arith.constant 0 : i32
      %dma_start3A_24 = tpu.memref_slice %arg2[%mul3A_13, %dma_start3A_22, %dma_start3A_23] : memref<1344x1x128xi32, #tpu.memory_space<hbm>> -> memref<42x1x128xi32, #tpu.memory_space<hbm>>
      tpu.enqueue_dma source(%dma_start3A_24 : memref<42x1x128xi32, #tpu.memory_space<hbm>>) target(%arg4 : memref<42x1x128xi32, #tpu.memory_space<vmem>>) target_semaphore(%run_scoped3A : memref<!tpu.dma_semaphore, #tpu.memory_space<semaphore_mem>>)
      %dma_wait3A = arith.constant 0 : i32
      %dma_wait3A_25 = arith.constant 0 : i32
      %dma_wait3A_26 = tpu.memref_slice %arg2[%mul3A_13, %dma_wait3A, %dma_wait3A_25] : memref<1344x1x128xi32, #tpu.memory_space<hbm>> -> memref<42x1x128xi32, #tpu.memory_space<hbm>>
      %dma_wait3A_27 = arith.constant 0 : i32
      %dma_wait3A_28 = arith.constant 0 : i32
      %dma_wait3A_29 = tpu.memref_slice %arg2[%mul3A_13, %dma_wait3A_27, %dma_wait3A_28] : memref<1344x1x128xi32, #tpu.memory_space<hbm>> -> memref<42x1x128xi32, #tpu.memory_space<hbm>>
      tpu.wait_dma2 semaphore(%run_scoped3A : memref<!tpu.dma_semaphore, #tpu.memory_space<semaphore_mem>>) src(%dma_wait3A_29 : memref<42x1x128xi32, #tpu.memory_space<hbm>>) dst(%arg4 : memref<42x1x128xi32, #tpu.memory_space<vmem>>)
      tpu.yield
    }) : () -> ()
    %barrier3A = arith.constant 0 : index
    tpu.barrier barrier_id(%barrier3A)
    %scan3A_14 = arith.constant 0 : i32
    %scan3A_15 = arith.constant 7 : i32
    %scan3A_16 = arith.addi %scan3A_14, %scan3A_15 : i32
    %scan3A_17 = arith.constant 1 : i32
    scf.for %scan3A_20 = %scan3A_14 to %scan3A_16 step %scan3A_17  : i32 {
      %mul3A_21 = arith.constant 6 : i32
      %mul3A_22 = arith.muli %scan3A_20, %mul3A_21 : i32
      %add3A_23 = arith.constant 0 : i32
      %add3A_24 = arith.addi %mul3A_22, %add3A_23 : i32
      %dma_start3A = arith.constant 0 : i32
      %dma_start3A_25 = arith.constant 0 : i32
      %dma_start3A_26 = tpu.memref_slice %arg4[%add3A_24, %dma_start3A, %dma_start3A_25] : memref<42x1x128xi32, #tpu.memory_space<vmem>> -> memref<1x1x128xi32, #tpu.memory_space<vmem>>
      %dma_start3A_27 = tpu.memref_squeeze %dma_start3A_26 : memref<1x1x128xi32, #tpu.memory_space<vmem>> -> memref<128xi32, #tpu.memory_space<vmem>>
      %dma_start3A_28 = arith.constant 0 : i32
      %dma_start3A_29 = tpu.memref_slice %arg7[%dma_start3A_28] : memref<10240xf32, #tpu.memory_space<vmem_shared>> -> memref<10240xf32, #tpu.memory_space<vmem_shared>>
      tpu.enqueue_indirect_dma source(%arg5 : memref<128xf32, #tpu.memory_space<vmem>>) target(%dma_start3A_29 : memref<10240xf32, #tpu.memory_space<vmem_shared>>) offsets(%dma_start3A_27 : memref<128xi32, #tpu.memory_space<vmem>>) semaphore(%arg8 : memref<!tpu.dma_semaphore, #tpu.memory_space<semaphore_mem>>) {add = true}
      %mul3A_30 = arith.constant 6 : i32
      %mul3A_31 = arith.muli %scan3A_20, %mul3A_30 : i32
      %add3A_32 = arith.constant 1 : i32
      %add3A_33 = arith.addi %mul3A_31, %add3A_32 : i32
      %dma_start3A_34 = arith.constant 0 : i32
      %dma_start3A_35 = arith.constant 0 : i32
      %dma_start3A_36 = tpu.memref_slice %arg4[%add3A_33, %dma_start3A_34, %dma_start3A_35] : memref<42x1x128xi32, #tpu.memory_space<vmem>> -> memref<1x1x128xi32, #tpu.memory_space<vmem>>
      %dma_start3A_37 = tpu.memref_squeeze %dma_start3A_36 : memref<1x1x128xi32, #tpu.memory_space<vmem>> -> memref<128xi32, #tpu.memory_space<vmem>>
      %dma_start3A_38 = arith.constant 0 : i32
      %dma_start3A_39 = tpu.memref_slice %arg7[%dma_start3A_38] : memref<10240xf32, #tpu.memory_space<vmem_shared>> -> memref<10240xf32, #tpu.memory_space<vmem_shared>>
      tpu.enqueue_indirect_dma source(%arg5 : memref<128xf32, #tpu.memory_space<vmem>>) target(%dma_start3A_39 : memref<10240xf32, #tpu.memory_space<vmem_shared>>) offsets(%dma_start3A_37 : memref<128xi32, #tpu.memory_space<vmem>>) semaphore(%arg8 : memref<!tpu.dma_semaphore, #tpu.memory_space<semaphore_mem>>) {add = true}
      %mul3A_40 = arith.constant 6 : i32
      %mul3A_41 = arith.muli %scan3A_20, %mul3A_40 : i32
      %add3A_42 = arith.constant 2 : i32
      %add3A_43 = arith.addi %mul3A_41, %add3A_42 : i32
      %dma_start3A_44 = arith.constant 0 : i32
      %dma_start3A_45 = arith.constant 0 : i32
      %dma_start3A_46 = tpu.memref_slice %arg4[%add3A_43, %dma_start3A_44, %dma_start3A_45] : memref<42x1x128xi32, #tpu.memory_space<vmem>> -> memref<1x1x128xi32, #tpu.memory_space<vmem>>
      %dma_start3A_47 = tpu.memref_squeeze %dma_start3A_46 : memref<1x1x128xi32, #tpu.memory_space<vmem>> -> memref<128xi32, #tpu.memory_space<vmem>>
      %dma_start3A_48 = arith.constant 0 : i32
      %dma_start3A_49 = tpu.memref_slice %arg7[%dma_start3A_48] : memref<10240xf32, #tpu.memory_space<vmem_shared>> -> memref<10240xf32, #tpu.memory_space<vmem_shared>>
      tpu.enqueue_indirect_dma source(%arg5 : memref<128xf32, #tpu.memory_space<vmem>>) target(%dma_start3A_49 : memref<10240xf32, #tpu.memory_space<vmem_shared>>) offsets(%dma_start3A_47 : memref<128xi32, #tpu.memory_space<vmem>>) semaphore(%arg8 : memref<!tpu.dma_semaphore, #tpu.memory_space<semaphore_mem>>) {add = true}
      %mul3A_50 = arith.constant 6 : i32
      %mul3A_51 = arith.muli %scan3A_20, %mul3A_50 : i32
      %add3A_52 = arith.constant 3 : i32
      %add3A_53 = arith.addi %mul3A_51, %add3A_52 : i32
      %dma_start3A_54 = arith.constant 0 : i32
      %dma_start3A_55 = arith.constant 0 : i32
      %dma_start3A_56 = tpu.memref_slice %arg4[%add3A_53, %dma_start3A_54, %dma_start3A_55] : memref<42x1x128xi32, #tpu.memory_space<vmem>> -> memref<1x1x128xi32, #tpu.memory_space<vmem>>
      %dma_start3A_57 = tpu.memref_squeeze %dma_start3A_56 : memref<1x1x128xi32, #tpu.memory_space<vmem>> -> memref<128xi32, #tpu.memory_space<vmem>>
      %dma_start3A_58 = arith.constant 0 : i32
      %dma_start3A_59 = tpu.memref_slice %arg7[%dma_start3A_58] : memref<10240xf32, #tpu.memory_space<vmem_shared>> -> memref<10240xf32, #tpu.memory_space<vmem_shared>>
      tpu.enqueue_indirect_dma source(%arg5 : memref<128xf32, #tpu.memory_space<vmem>>) target(%dma_start3A_59 : memref<10240xf32, #tpu.memory_space<vmem_shared>>) offsets(%dma_start3A_57 : memref<128xi32, #tpu.memory_space<vmem>>) semaphore(%arg8 : memref<!tpu.dma_semaphore, #tpu.memory_space<semaphore_mem>>) {add = true}
      %mul3A_60 = arith.constant 6 : i32
      %mul3A_61 = arith.muli %scan3A_20, %mul3A_60 : i32
      %add3A_62 = arith.constant 4 : i32
      %add3A_63 = arith.addi %mul3A_61, %add3A_62 : i32
      %dma_start3A_64 = arith.constant 0 : i32
      %dma_start3A_65 = arith.constant 0 : i32
      %dma_start3A_66 = tpu.memref_slice %arg4[%add3A_63, %dma_start3A_64, %dma_start3A_65] : memref<42x1x128xi32, #tpu.memory_space<vmem>> -> memref<1x1x128xi32, #tpu.memory_space<vmem>>
      %dma_start3A_67 = tpu.memref_squeeze %dma_start3A_66 : memref<1x1x128xi32, #tpu.memory_space<vmem>> -> memref<128xi32, #tpu.memory_space<vmem>>
      %dma_start3A_68 = arith.constant 0 : i32
      %dma_start3A_69 = tpu.memref_slice %arg7[%dma_start3A_68] : memref<10240xf32, #tpu.memory_space<vmem_shared>> -> memref<10240xf32, #tpu.memory_space<vmem_shared>>
      tpu.enqueue_indirect_dma source(%arg5 : memref<128xf32, #tpu.memory_space<vmem>>) target(%dma_start3A_69 : memref<10240xf32, #tpu.memory_space<vmem_shared>>) offsets(%dma_start3A_67 : memref<128xi32, #tpu.memory_space<vmem>>) semaphore(%arg8 : memref<!tpu.dma_semaphore, #tpu.memory_space<semaphore_mem>>) {add = true}
      %mul3A_70 = arith.constant 6 : i32
      %mul3A_71 = arith.muli %scan3A_20, %mul3A_70 : i32
      %add3A_72 = arith.constant 5 : i32
      %add3A_73 = arith.addi %mul3A_71, %add3A_72 : i32
      %dma_start3A_74 = arith.constant 0 : i32
      %dma_start3A_75 = arith.constant 0 : i32
      %dma_start3A_76 = tpu.memref_slice %arg4[%add3A_73, %dma_start3A_74, %dma_start3A_75] : memref<42x1x128xi32, #tpu.memory_space<vmem>> -> memref<1x1x128xi32, #tpu.memory_space<vmem>>
      %dma_start3A_77 = tpu.memref_squeeze %dma_start3A_76 : memref<1x1x128xi32, #tpu.memory_space<vmem>> -> memref<128xi32, #tpu.memory_space<vmem>>
      %dma_start3A_78 = arith.constant 0 : i32
      %dma_start3A_79 = tpu.memref_slice %arg7[%dma_start3A_78] : memref<10240xf32, #tpu.memory_space<vmem_shared>> -> memref<10240xf32, #tpu.memory_space<vmem_shared>>
      tpu.enqueue_indirect_dma source(%arg5 : memref<128xf32, #tpu.memory_space<vmem>>) target(%dma_start3A_79 : memref<10240xf32, #tpu.memory_space<vmem_shared>>) offsets(%dma_start3A_77 : memref<128xi32, #tpu.memory_space<vmem>>) semaphore(%arg8 : memref<!tpu.dma_semaphore, #tpu.memory_space<semaphore_mem>>) {add = true}
      %dma_wait3A = arith.constant 0 : i32
      %dma_wait3A_80 = arith.constant 0 : i32
      %dma_wait3A_81 = arith.constant 0 : i32
      %dma_wait3A_82 = tpu.memref_slice %arg4[%dma_wait3A, %dma_wait3A_80, %dma_wait3A_81] : memref<42x1x128xi32, #tpu.memory_space<vmem>> -> memref<1x1x128xi32, #tpu.memory_space<vmem>>
      %dma_wait3A_83 = tpu.memref_squeeze %dma_wait3A_82 : memref<1x1x128xi32, #tpu.memory_space<vmem>> -> memref<128xi32, #tpu.memory_space<vmem>>
      %dma_wait3A_84 = arith.constant 0 : i32
      %dma_wait3A_85 = tpu.memref_slice %arg7[%dma_wait3A_84] : memref<10240xf32, #tpu.memory_space<vmem_shared>> -> memref<10240xf32, #tpu.memory_space<vmem_shared>>
      tpu.wait_indirect_dma semaphore(%arg8 : memref<!tpu.dma_semaphore, #tpu.memory_space<semaphore_mem>>) src(%arg5 : memref<128xf32, #tpu.memory_space<vmem>>) dst(%dma_wait3A_85 : memref<10240xf32, #tpu.memory_space<vmem_shared>>)
      %dma_wait3A_86 = arith.constant 0 : i32
      %dma_wait3A_87 = arith.constant 0 : i32
      %dma_wait3A_88 = arith.constant 0 : i32
      %dma_wait3A_89 = tpu.memref_slice %arg4[%dma_wait3A_86, %dma_wait3A_87, %dma_wait3A_88] : memref<42x1x128xi32, #tpu.memory_space<vmem>> -> memref<1x1x128xi32, #tpu.memory_space<vmem>>
      %dma_wait3A_90 = tpu.memref_squeeze %dma_wait3A_89 : memref<1x1x128xi32, #tpu.memory_space<vmem>> -> memref<128xi32, #tpu.memory_space<vmem>>
      %dma_wait3A_91 = arith.constant 0 : i32
      %dma_wait3A_92 = tpu.memref_slice %arg7[%dma_wait3A_91] : memref<10240xf32, #tpu.memory_space<vmem_shared>> -> memref<10240xf32, #tpu.memory_space<vmem_shared>>
      tpu.wait_indirect_dma semaphore(%arg8 : memref<!tpu.dma_semaphore, #tpu.memory_space<semaphore_mem>>) src(%arg5 : memref<128xf32, #tpu.memory_space<vmem>>) dst(%dma_wait3A_92 : memref<10240xf32, #tpu.memory_space<vmem_shared>>)
      %dma_wait3A_93 = arith.constant 0 : i32
      %dma_wait3A_94 = arith.constant 0 : i32
      %dma_wait3A_95 = arith.constant 0 : i32
      %dma_wait3A_96 = tpu.memref_slice %arg4[%dma_wait3A_93, %dma_wait3A_94, %dma_wait3A_95] : memref<42x1x128xi32, #tpu.memory_space<vmem>> -> memref<1x1x128xi32, #tpu.memory_space<vmem>>
      %dma_wait3A_97 = tpu.memref_squeeze %dma_wait3A_96 : memref<1x1x128xi32, #tpu.memory_space<vmem>> -> memref<128xi32, #tpu.memory_space<vmem>>
      %dma_wait3A_98 = arith.constant 0 : i32
      %dma_wait3A_99 = tpu.memref_slice %arg7[%dma_wait3A_98] : memref<10240xf32, #tpu.memory_space<vmem_shared>> -> memref<10240xf32, #tpu.memory_space<vmem_shared>>
      tpu.wait_indirect_dma semaphore(%arg8 : memref<!tpu.dma_semaphore, #tpu.memory_space<semaphore_mem>>) src(%arg5 : memref<128xf32, #tpu.memory_space<vmem>>) dst(%dma_wait3A_99 : memref<10240xf32, #tpu.memory_space<vmem_shared>>)
      %dma_wait3A_100 = arith.constant 0 : i32
      %dma_wait3A_101 = arith.constant 0 : i32
      %dma_wait3A_102 = arith.constant 0 : i32
      %dma_wait3A_103 = tpu.memref_slice %arg4[%dma_wait3A_100, %dma_wait3A_101, %dma_wait3A_102] : memref<42x1x128xi32, #tpu.memory_space<vmem>> -> memref<1x1x128xi32, #tpu.memory_space<vmem>>
      %dma_wait3A_104 = tpu.memref_squeeze %dma_wait3A_103 : memref<1x1x128xi32, #tpu.memory_space<vmem>> -> memref<128xi32, #tpu.memory_space<vmem>>
      %dma_wait3A_105 = arith.constant 0 : i32
      %dma_wait3A_106 = tpu.memref_slice %arg7[%dma_wait3A_105] : memref<10240xf32, #tpu.memory_space<vmem_shared>> -> memref<10240xf32, #tpu.memory_space<vmem_shared>>
      tpu.wait_indirect_dma semaphore(%arg8 : memref<!tpu.dma_semaphore, #tpu.memory_space<semaphore_mem>>) src(%arg5 : memref<128xf32, #tpu.memory_space<vmem>>) dst(%dma_wait3A_106 : memref<10240xf32, #tpu.memory_space<vmem_shared>>)
      %dma_wait3A_107 = arith.constant 0 : i32
      %dma_wait3A_108 = arith.constant 0 : i32
      %dma_wait3A_109 = arith.constant 0 : i32
      %dma_wait3A_110 = tpu.memref_slice %arg4[%dma_wait3A_107, %dma_wait3A_108, %dma_wait3A_109] : memref<42x1x128xi32, #tpu.memory_space<vmem>> -> memref<1x1x128xi32, #tpu.memory_space<vmem>>
      %dma_wait3A_111 = tpu.memref_squeeze %dma_wait3A_110 : memref<1x1x128xi32, #tpu.memory_space<vmem>> -> memref<128xi32, #tpu.memory_space<vmem>>
      %dma_wait3A_112 = arith.constant 0 : i32
      %dma_wait3A_113 = tpu.memref_slice %arg7[%dma_wait3A_112] : memref<10240xf32, #tpu.memory_space<vmem_shared>> -> memref<10240xf32, #tpu.memory_space<vmem_shared>>
      tpu.wait_indirect_dma semaphore(%arg8 : memref<!tpu.dma_semaphore, #tpu.memory_space<semaphore_mem>>) src(%arg5 : memref<128xf32, #tpu.memory_space<vmem>>) dst(%dma_wait3A_113 : memref<10240xf32, #tpu.memory_space<vmem_shared>>)
      %dma_wait3A_114 = arith.constant 0 : i32
      %dma_wait3A_115 = arith.constant 0 : i32
      %dma_wait3A_116 = arith.constant 0 : i32
      %dma_wait3A_117 = tpu.memref_slice %arg4[%dma_wait3A_114, %dma_wait3A_115, %dma_wait3A_116] : memref<42x1x128xi32, #tpu.memory_space<vmem>> -> memref<1x1x128xi32, #tpu.memory_space<vmem>>
      %dma_wait3A_118 = tpu.memref_squeeze %dma_wait3A_117 : memref<1x1x128xi32, #tpu.memory_space<vmem>> -> memref<128xi32, #tpu.memory_space<vmem>>
      %dma_wait3A_119 = arith.constant 0 : i32
      %dma_wait3A_120 = tpu.memref_slice %arg7[%dma_wait3A_119] : memref<10240xf32, #tpu.memory_space<vmem_shared>> -> memref<10240xf32, #tpu.memory_space<vmem_shared>>
      tpu.wait_indirect_dma semaphore(%arg8 : memref<!tpu.dma_semaphore, #tpu.memory_space<semaphore_mem>>) src(%arg5 : memref<128xf32, #tpu.memory_space<vmem>>) dst(%dma_wait3A_120 : memref<10240xf32, #tpu.memory_space<vmem_shared>>)
    }
    %scan3A_18 = arith.constant 7 : i32
    %barrier3A_19 = arith.constant 0 : index
    tpu.barrier barrier_id(%barrier3A_19)
    "tpu.region"() ({
      %run_scoped3A = tpu.sem_alloc : memref<!tpu.dma_semaphore, #tpu.memory_space<semaphore_mem>>
      %dma_start3A = tpu.memref_slice %arg7[%mul3A_0] : memref<10240xf32, #tpu.memory_space<vmem_shared>> -> memref<640xf32, #tpu.memory_space<vmem_shared>>
      %dma_start3A_20 = tpu.memref_slice %arg7[%mul3A_0] : memref<10240xf32, #tpu.memory_space<vmem_shared>> -> memref<640xf32, #tpu.memory_space<vmem_shared>>
      tpu.enqueue_dma source(%dma_start3A_20 : memref<640xf32, #tpu.memory_space<vmem_shared>>) target(%arg6 : memref<640xf32, #tpu.memory_space<vmem>>) target_semaphore(%run_scoped3A : memref<!tpu.dma_semaphore, #tpu.memory_space<semaphore_mem>>)
      %dma_wait3A = tpu.memref_slice %arg7[%mul3A_0] : memref<10240xf32, #tpu.memory_space<vmem_shared>> -> memref<640xf32, #tpu.memory_space<vmem_shared>>
      %dma_wait3A_21 = tpu.memref_slice %arg7[%mul3A_0] : memref<10240xf32, #tpu.memory_space<vmem_shared>> -> memref<640xf32, #tpu.memory_space<vmem_shared>>
      tpu.wait_dma2 semaphore(%run_scoped3A : memref<!tpu.dma_semaphore, #tpu.memory_space<semaphore_mem>>) src(%dma_wait3A_21 : memref<640xf32, #tpu.memory_space<vmem_shared>>) dst(%arg6 : memref<640xf32, #tpu.memory_space<vmem>>)
      tpu.yield
    }) : () -> ()
    "tpu.region"() ({
      %run_scoped3A = tpu.sem_alloc : memref<!tpu.dma_semaphore, #tpu.memory_space<semaphore_mem>>
      %dma_start3A = tpu.memref_slice %arg3[%arg0, %mul3A_0] : memref<2x10240xf32, #tpu.memory_space<hbm>> -> memref<1x640xf32, #tpu.memory_space<hbm>>
      %dma_start3A_20 = tpu.memref_squeeze %dma_start3A : memref<1x640xf32, #tpu.memory_space<hbm>> -> memref<640xf32, #tpu.memory_space<hbm>>
      %dma_start3A_21 = tpu.memref_slice %arg3[%arg0, %mul3A_0] : memref<2x10240xf32, #tpu.memory_space<hbm>> -> memref<1x640xf32, #tpu.memory_space<hbm>>
      %dma_start3A_22 = tpu.memref_squeeze %dma_start3A_21 : memref<1x640xf32, #tpu.memory_space<hbm>> -> memref<640xf32, #tpu.memory_space<hbm>>
      tpu.enqueue_dma source(%arg6 : memref<640xf32, #tpu.memory_space<vmem>>) target(%dma_start3A_22 : memref<640xf32, #tpu.memory_space<hbm>>) target_semaphore(%run_scoped3A : memref<!tpu.dma_semaphore, #tpu.memory_space<semaphore_mem>>)
      %dma_wait3A = tpu.memref_slice %arg3[%arg0, %mul3A_0] : memref<2x10240xf32, #tpu.memory_space<hbm>> -> memref<1x640xf32, #tpu.memory_space<hbm>>
      %dma_wait3A_23 = tpu.memref_squeeze %dma_wait3A : memref<1x640xf32, #tpu.memory_space<hbm>> -> memref<640xf32, #tpu.memory_space<hbm>>
      %dma_wait3A_24 = tpu.memref_slice %arg3[%arg0, %mul3A_0] : memref<2x10240xf32, #tpu.memory_space<hbm>> -> memref<1x640xf32, #tpu.memory_space<hbm>>
      %dma_wait3A_25 = tpu.memref_squeeze %dma_wait3A_24 : memref<1x640xf32, #tpu.memory_space<hbm>> -> memref<640xf32, #tpu.memory_space<hbm>>
      tpu.wait_dma2 semaphore(%run_scoped3A : memref<!tpu.dma_semaphore, #tpu.memory_space<semaphore_mem>>) src(%arg6 : memref<640xf32, #tpu.memory_space<vmem>>) dst(%dma_wait3A_25 : memref<640xf32, #tpu.memory_space<hbm>>)
      tpu.yield
    }) : () -> ()
    return
  }
}

#map = affine_map<(d0, d1) -> (0)>
#map1 = affine_map<(d0, d1) -> (0, 0, 0)>
#map2 = affine_map<(d0, d1) -> (0, 0)>
module attributes {stable_mosaic.version = 14 : i64} {
  func.func @_agg2_kernel(%arg0: i32, %arg1: i32, %arg2: memref<10240xf32, #tpu.memory_space<hbm>>, %arg3: memref<1344x1x128xi32, #tpu.memory_space<hbm>>, %arg4: memref<1344x1x128xi32, #tpu.memory_space<hbm>>, %arg5: memref<2x10240xf32, #tpu.memory_space<hbm>>, %arg6: memref<42x1x128xi32, #tpu.memory_space<vmem>>, %arg7: memref<42x1x128xi32, #tpu.memory_space<vmem>>, %arg8: memref<10240xf32, #tpu.memory_space<vmem>>, %arg9: memref<128xf32, #tpu.memory_space<vmem>>, %arg10: memref<128xf32, #tpu.memory_space<vmem>>, %arg11: memref<640xf32, #tpu.memory_space<vmem>>, %arg12: memref<10240xf32, #tpu.memory_space<vmem_shared>>, %arg13: memref<!tpu.dma_semaphore, #tpu.memory_space<semaphore_mem>>, %arg14: memref<!tpu.dma_semaphore, #tpu.memory_space<semaphore_mem>>) attributes {dimension_semantics = [#tpu.dimension_semantics<core_parallel>, #tpu.dimension_semantics<subcore_parallel>], iteration_bounds = array<i64: 2, 16>, scalar_prefetch = 0 : i64, scratch_operands = 9 : i64, tpu.core_type = #tpu.core_type<sc_vector_subcore>, window_params = [{transform_indices = #map}, {transform_indices = #map1}, {transform_indices = #map1}, {transform_indices = #map2}]} {
    %mul3A = arith.constant 640 : i32
    %mul3A_0 = arith.muli %arg1, %mul3A : i32
    %scan3A = arith.constant 0 : i32
    %scan3A_1 = arith.constant 40 : i32
    %scan3A_2 = arith.addi %scan3A, %scan3A_1 : i32
    %scan3A_3 = arith.constant 1 : i32
    scf.for %scan3A_182 = %scan3A to %scan3A_2 step %scan3A_3  : i32 {
      %broadcast_in_dim3A = arith.constant 0.000000e+00 : f32
      %broadcast_in_dim3A_183 = vector.broadcast %broadcast_in_dim3A : f32 to vector<16xf32>
      %mul3A_184 = arith.constant 16 : i32
      %mul3A_185 = arith.muli %scan3A_182, %mul3A_184 : i32
      %swap3A_186 = arith.index_cast %mul3A_185 : i32 to index
      %swap3A_187 = tpu.vector_load %arg11[%swap3A_186] {strides = array<i32>} : memref<640xf32, #tpu.memory_space<vmem>>, vector<16xf32>,
      %swap3A_188 = vector.shape_cast %swap3A_187 : vector<16xf32> to vector<16xf32>
      %swap3A_189 = vector.shape_cast %broadcast_in_dim3A_183 : vector<16xf32> to vector<16xf32>
      tpu.vector_store %arg11[%swap3A_186], %swap3A_189 {strides = array<i32>} : memref<640xf32, #tpu.memory_space<vmem>>, vector<16xf32>,
    }
    %scan3A_4 = arith.constant 40 : i32
    "tpu.region"() ({
      %run_scoped3A = tpu.sem_alloc : memref<!tpu.dma_semaphore, #tpu.memory_space<semaphore_mem>>
      %dma_start3A_182 = tpu.memref_slice %arg12[%mul3A_0] : memref<10240xf32, #tpu.memory_space<vmem_shared>> -> memref<640xf32, #tpu.memory_space<vmem_shared>>
      %dma_start3A_183 = tpu.memref_slice %arg12[%mul3A_0] : memref<10240xf32, #tpu.memory_space<vmem_shared>> -> memref<640xf32, #tpu.memory_space<vmem_shared>>
      tpu.enqueue_dma source(%arg11 : memref<640xf32, #tpu.memory_space<vmem>>) target(%dma_start3A_183 : memref<640xf32, #tpu.memory_space<vmem_shared>>) target_semaphore(%run_scoped3A : memref<!tpu.dma_semaphore, #tpu.memory_space<semaphore_mem>>)
      %dma_wait3A_184 = tpu.memref_slice %arg12[%mul3A_0] : memref<10240xf32, #tpu.memory_space<vmem_shared>> -> memref<640xf32, #tpu.memory_space<vmem_shared>>
      %dma_wait3A_185 = tpu.memref_slice %arg12[%mul3A_0] : memref<10240xf32, #tpu.memory_space<vmem_shared>> -> memref<640xf32, #tpu.memory_space<vmem_shared>>
      tpu.wait_dma2 semaphore(%run_scoped3A : memref<!tpu.dma_semaphore, #tpu.memory_space<semaphore_mem>>) src(%arg11 : memref<640xf32, #tpu.memory_space<vmem>>) dst(%dma_wait3A_185 : memref<640xf32, #tpu.memory_space<vmem_shared>>)
      tpu.yield
    }) : () -> ()
    %mul3A_5 = arith.constant 16 : i32
    %mul3A_6 = arith.muli %arg0, %mul3A_5 : i32
    %add3A = arith.addi %mul3A_6, %arg1 : i32
    %mul3A_7 = arith.constant 42 : i32
    %mul3A_8 = arith.muli %add3A, %mul3A_7 : i32
    "tpu.region"() ({
      %run_scoped3A = tpu.sem_alloc : memref<!tpu.dma_semaphore, #tpu.memory_space<semaphore_mem>>
      %dma_start3A_182 = arith.constant 0 : i32
      %dma_start3A_183 = arith.constant 0 : i32
      %dma_start3A_184 = tpu.memref_slice %arg3[%mul3A_8, %dma_start3A_182, %dma_start3A_183] : memref<1344x1x128xi32, #tpu.memory_space<hbm>> -> memref<42x1x128xi32, #tpu.memory_space<hbm>>
      %dma_start3A_185 = arith.constant 0 : i32
      %dma_start3A_186 = arith.constant 0 : i32
      %dma_start3A_187 = tpu.memref_slice %arg3[%mul3A_8, %dma_start3A_185, %dma_start3A_186] : memref<1344x1x128xi32, #tpu.memory_space<hbm>> -> memref<42x1x128xi32, #tpu.memory_space<hbm>>
      tpu.enqueue_dma source(%dma_start3A_187 : memref<42x1x128xi32, #tpu.memory_space<hbm>>) target(%arg6 : memref<42x1x128xi32, #tpu.memory_space<vmem>>) target_semaphore(%run_scoped3A : memref<!tpu.dma_semaphore, #tpu.memory_space<semaphore_mem>>)
      %dma_wait3A_188 = arith.constant 0 : i32
      %dma_wait3A_189 = arith.constant 0 : i32
      %dma_wait3A_190 = tpu.memref_slice %arg3[%mul3A_8, %dma_wait3A_188, %dma_wait3A_189] : memref<1344x1x128xi32, #tpu.memory_space<hbm>> -> memref<42x1x128xi32, #tpu.memory_space<hbm>>
      %dma_wait3A_191 = arith.constant 0 : i32
      %dma_wait3A_192 = arith.constant 0 : i32
      %dma_wait3A_193 = tpu.memref_slice %arg3[%mul3A_8, %dma_wait3A_191, %dma_wait3A_192] : memref<1344x1x128xi32, #tpu.memory_space<hbm>> -> memref<42x1x128xi32, #tpu.memory_space<hbm>>
      tpu.wait_dma2 semaphore(%run_scoped3A : memref<!tpu.dma_semaphore, #tpu.memory_space<semaphore_mem>>) src(%dma_wait3A_193 : memref<42x1x128xi32, #tpu.memory_space<hbm>>) dst(%arg6 : memref<42x1x128xi32, #tpu.memory_space<vmem>>)
      tpu.yield
    }) : () -> ()
    "tpu.region"() ({
      %run_scoped3A = tpu.sem_alloc : memref<!tpu.dma_semaphore, #tpu.memory_space<semaphore_mem>>
      %dma_start3A_182 = arith.constant 0 : i32
      %dma_start3A_183 = arith.constant 0 : i32
      %dma_start3A_184 = tpu.memref_slice %arg4[%mul3A_8, %dma_start3A_182, %dma_start3A_183] : memref<1344x1x128xi32, #tpu.memory_space<hbm>> -> memref<42x1x128xi32, #tpu.memory_space<hbm>>
      %dma_start3A_185 = arith.constant 0 : i32
      %dma_start3A_186 = arith.constant 0 : i32
      %dma_start3A_187 = tpu.memref_slice %arg4[%mul3A_8, %dma_start3A_185, %dma_start3A_186] : memref<1344x1x128xi32, #tpu.memory_space<hbm>> -> memref<42x1x128xi32, #tpu.memory_space<hbm>>
      tpu.enqueue_dma source(%dma_start3A_187 : memref<42x1x128xi32, #tpu.memory_space<hbm>>) target(%arg7 : memref<42x1x128xi32, #tpu.memory_space<vmem>>) target_semaphore(%run_scoped3A : memref<!tpu.dma_semaphore, #tpu.memory_space<semaphore_mem>>)
      %dma_wait3A_188 = arith.constant 0 : i32
      %dma_wait3A_189 = arith.constant 0 : i32
      %dma_wait3A_190 = tpu.memref_slice %arg4[%mul3A_8, %dma_wait3A_188, %dma_wait3A_189] : memref<1344x1x128xi32, #tpu.memory_space<hbm>> -> memref<42x1x128xi32, #tpu.memory_space<hbm>>
      %dma_wait3A_191 = arith.constant 0 : i32
      %dma_wait3A_192 = arith.constant 0 : i32
      %dma_wait3A_193 = tpu.memref_slice %arg4[%mul3A_8, %dma_wait3A_191, %dma_wait3A_192] : memref<1344x1x128xi32, #tpu.memory_space<hbm>> -> memref<42x1x128xi32, #tpu.memory_space<hbm>>
      tpu.wait_dma2 semaphore(%run_scoped3A : memref<!tpu.dma_semaphore, #tpu.memory_space<semaphore_mem>>) src(%dma_wait3A_193 : memref<42x1x128xi32, #tpu.memory_space<hbm>>) dst(%arg7 : memref<42x1x128xi32, #tpu.memory_space<vmem>>)
      tpu.yield
    }) : () -> ()
    "tpu.region"() ({
      %run_scoped3A = tpu.sem_alloc : memref<!tpu.dma_semaphore, #tpu.memory_space<semaphore_mem>>
      tpu.enqueue_dma source(%arg2 : memref<10240xf32, #tpu.memory_space<hbm>>) target(%arg8 : memref<10240xf32, #tpu.memory_space<vmem>>) target_semaphore(%run_scoped3A : memref<!tpu.dma_semaphore, #tpu.memory_space<semaphore_mem>>)
      tpu.wait_dma2 semaphore(%run_scoped3A : memref<!tpu.dma_semaphore, #tpu.memory_space<semaphore_mem>>) src(%arg2 : memref<10240xf32, #tpu.memory_space<hbm>>) dst(%arg8 : memref<10240xf32, #tpu.memory_space<vmem>>)
      tpu.yield
    }) : () -> ()
    %barrier3A = arith.constant 0 : index
    tpu.barrier barrier_id(%barrier3A)
    %get3A = arith.constant 0 : i32
    %get3A_9 = arith.constant 0 : i32
    %get3A_10 = arith.index_cast %get3A : i32 to index
    %get3A_11 = arith.index_cast %get3A_9 : i32 to index
    %get3A_12 = arith.constant 0 : index
    %get3A_13 = tpu.vector_load %arg6[%get3A_10, %get3A_11, %get3A_12] {strides = array<i32>} : memref<42x1x128xi32, #tpu.memory_space<vmem>>, vector<16xi32>,
    %gather3A = tpu.vector_load_idx %arg8[%get3A_13] : memref<10240xf32, #tpu.memory_space<vmem>>[vector<16xi32>], vector<16xf32>,
    %swap3A = arith.constant 0 : index
    %swap3A_14 = tpu.vector_load %arg9[%swap3A] {strides = array<i32>} : memref<128xf32, #tpu.memory_space<vmem>>, vector<16xf32>,
    tpu.vector_store %arg9[%swap3A], %gather3A {strides = array<i32>} : memref<128xf32, #tpu.memory_space<vmem>>, vector<16xf32>,
    %get3A_15 = arith.constant 0 : i32
    %get3A_16 = arith.constant 0 : i32
    %get3A_17 = arith.index_cast %get3A_15 : i32 to index
    %get3A_18 = arith.index_cast %get3A_16 : i32 to index
    %get3A_19 = arith.constant 16 : index
    %get3A_20 = tpu.vector_load %arg6[%get3A_17, %get3A_18, %get3A_19] {strides = array<i32>} : memref<42x1x128xi32, #tpu.memory_space<vmem>>, vector<16xi32>,
    %gather3A_21 = tpu.vector_load_idx %arg8[%get3A_20] : memref<10240xf32, #tpu.memory_space<vmem>>[vector<16xi32>], vector<16xf32>,
    %swap3A_22 = arith.constant 16 : index
    %swap3A_23 = tpu.vector_load %arg9[%swap3A_22] {strides = array<i32>} : memref<128xf32, #tpu.memory_space<vmem>>, vector<16xf32>,
    tpu.vector_store %arg9[%swap3A_22], %gather3A_21 {strides = array<i32>} : memref<128xf32, #tpu.memory_space<vmem>>, vector<16xf32>,
    %get3A_24 = arith.constant 0 : i32
    %get3A_25 = arith.constant 0 : i32
    %get3A_26 = arith.index_cast %get3A_24 : i32 to index
    %get3A_27 = arith.index_cast %get3A_25 : i32 to index
    %get3A_28 = arith.constant 32 : index
    %get3A_29 = tpu.vector_load %arg6[%get3A_26, %get3A_27, %get3A_28] {strides = array<i32>} : memref<42x1x128xi32, #tpu.memory_space<vmem>>, vector<16xi32>,
    %gather3A_30 = tpu.vector_load_idx %arg8[%get3A_29] : memref<10240xf32, #tpu.memory_space<vmem>>[vector<16xi32>], vector<16xf32>,
    %swap3A_31 = arith.constant 32 : index
    %swap3A_32 = tpu.vector_load %arg9[%swap3A_31] {strides = array<i32>} : memref<128xf32, #tpu.memory_space<vmem>>, vector<16xf32>,
    tpu.vector_store %arg9[%swap3A_31], %gather3A_30 {strides = array<i32>} : memref<128xf32, #tpu.memory_space<vmem>>, vector<16xf32>,
    %get3A_33 = arith.constant 0 : i32
    %get3A_34 = arith.constant 0 : i32
    %get3A_35 = arith.index_cast %get3A_33 : i32 to index
    %get3A_36 = arith.index_cast %get3A_34 : i32 to index
    %get3A_37 = arith.constant 48 : index
    %get3A_38 = tpu.vector_load %arg6[%get3A_35, %get3A_36, %get3A_37] {strides = array<i32>} : memref<42x1x128xi32, #tpu.memory_space<vmem>>, vector<16xi32>,
    %gather3A_39 = tpu.vector_load_idx %arg8[%get3A_38] : memref<10240xf32, #tpu.memory_space<vmem>>[vector<16xi32>], vector<16xf32>,
    %swap3A_40 = arith.constant 48 : index
    %swap3A_41 = tpu.vector_load %arg9[%swap3A_40] {strides = array<i32>} : memref<128xf32, #tpu.memory_space<vmem>>, vector<16xf32>,
    tpu.vector_store %arg9[%swap3A_40], %gather3A_39 {strides = array<i32>} : memref<128xf32, #tpu.memory_space<vmem>>, vector<16xf32>,
    %get3A_42 = arith.constant 0 : i32
    %get3A_43 = arith.constant 0 : i32
    %get3A_44 = arith.index_cast %get3A_42 : i32 to index
    %get3A_45 = arith.index_cast %get3A_43 : i32 to index
    %get3A_46 = arith.constant 64 : index
    %get3A_47 = tpu.vector_load %arg6[%get3A_44, %get3A_45, %get3A_46] {strides = array<i32>} : memref<42x1x128xi32, #tpu.memory_space<vmem>>, vector<16xi32>,
    %gather3A_48 = tpu.vector_load_idx %arg8[%get3A_47] : memref<10240xf32, #tpu.memory_space<vmem>>[vector<16xi32>], vector<16xf32>,
    %swap3A_49 = arith.constant 64 : index
    %swap3A_50 = tpu.vector_load %arg9[%swap3A_49] {strides = array<i32>} : memref<128xf32, #tpu.memory_space<vmem>>, vector<16xf32>,
    tpu.vector_store %arg9[%swap3A_49], %gather3A_48 {strides = array<i32>} : memref<128xf32, #tpu.memory_space<vmem>>, vector<16xf32>,
    %get3A_51 = arith.constant 0 : i32
    %get3A_52 = arith.constant 0 : i32
    %get3A_53 = arith.index_cast %get3A_51 : i32 to index
    %get3A_54 = arith.index_cast %get3A_52 : i32 to index
    %get3A_55 = arith.constant 80 : index
    %get3A_56 = tpu.vector_load %arg6[%get3A_53, %get3A_54, %get3A_55] {strides = array<i32>} : memref<42x1x128xi32, #tpu.memory_space<vmem>>, vector<16xi32>,
    %gather3A_57 = tpu.vector_load_idx %arg8[%get3A_56] : memref<10240xf32, #tpu.memory_space<vmem>>[vector<16xi32>], vector<16xf32>,
    %swap3A_58 = arith.constant 80 : index
    %swap3A_59 = tpu.vector_load %arg9[%swap3A_58] {strides = array<i32>} : memref<128xf32, #tpu.memory_space<vmem>>, vector<16xf32>,
    tpu.vector_store %arg9[%swap3A_58], %gather3A_57 {strides = array<i32>} : memref<128xf32, #tpu.memory_space<vmem>>, vector<16xf32>,
    %get3A_60 = arith.constant 0 : i32
    %get3A_61 = arith.constant 0 : i32
    %get3A_62 = arith.index_cast %get3A_60 : i32 to index
    %get3A_63 = arith.index_cast %get3A_61 : i32 to index
    %get3A_64 = arith.constant 96 : index
    %get3A_65 = tpu.vector_load %arg6[%get3A_62, %get3A_63, %get3A_64] {strides = array<i32>} : memref<42x1x128xi32, #tpu.memory_space<vmem>>, vector<16xi32>,
    %gather3A_66 = tpu.vector_load_idx %arg8[%get3A_65] : memref<10240xf32, #tpu.memory_space<vmem>>[vector<16xi32>], vector<16xf32>,
    %swap3A_67 = arith.constant 96 : index
    %swap3A_68 = tpu.vector_load %arg9[%swap3A_67] {strides = array<i32>} : memref<128xf32, #tpu.memory_space<vmem>>, vector<16xf32>,
    tpu.vector_store %arg9[%swap3A_67], %gather3A_66 {strides = array<i32>} : memref<128xf32, #tpu.memory_space<vmem>>, vector<16xf32>,
    %get3A_69 = arith.constant 0 : i32
    %get3A_70 = arith.constant 0 : i32
    %get3A_71 = arith.index_cast %get3A_69 : i32 to index
    %get3A_72 = arith.index_cast %get3A_70 : i32 to index
    %get3A_73 = arith.constant 112 : index
    %get3A_74 = tpu.vector_load %arg6[%get3A_71, %get3A_72, %get3A_73] {strides = array<i32>} : memref<42x1x128xi32, #tpu.memory_space<vmem>>, vector<16xi32>,
    %gather3A_75 = tpu.vector_load_idx %arg8[%get3A_74] : memref<10240xf32, #tpu.memory_space<vmem>>[vector<16xi32>], vector<16xf32>,
    %swap3A_76 = arith.constant 112 : index
    %swap3A_77 = tpu.vector_load %arg9[%swap3A_76] {strides = array<i32>} : memref<128xf32, #tpu.memory_space<vmem>>, vector<16xf32>,
    tpu.vector_store %arg9[%swap3A_76], %gather3A_75 {strides = array<i32>} : memref<128xf32, #tpu.memory_space<vmem>>, vector<16xf32>,
    %dma_start3A = arith.constant 0 : i32
    %dma_start3A_78 = arith.constant 0 : i32
    %dma_start3A_79 = arith.constant 0 : i32
    %dma_start3A_80 = tpu.memref_slice %arg7[%dma_start3A, %dma_start3A_78, %dma_start3A_79] : memref<42x1x128xi32, #tpu.memory_space<vmem>> -> memref<1x1x128xi32, #tpu.memory_space<vmem>>
    %dma_start3A_81 = tpu.memref_squeeze %dma_start3A_80 : memref<1x1x128xi32, #tpu.memory_space<vmem>> -> memref<128xi32, #tpu.memory_space<vmem>>
    %dma_start3A_82 = arith.constant 0 : i32
    %dma_start3A_83 = tpu.memref_slice %arg12[%dma_start3A_82] : memref<10240xf32, #tpu.memory_space<vmem_shared>> -> memref<10240xf32, #tpu.memory_space<vmem_shared>>
    tpu.enqueue_indirect_dma source(%arg9 : memref<128xf32, #tpu.memory_space<vmem>>) target(%dma_start3A_83 : memref<10240xf32, #tpu.memory_space<vmem_shared>>) offsets(%dma_start3A_81 : memref<128xi32, #tpu.memory_space<vmem>>) semaphore(%arg13 : memref<!tpu.dma_semaphore, #tpu.memory_space<semaphore_mem>>) {add = true}
    %get3A_84 = arith.constant 1 : i32
    %get3A_85 = arith.constant 0 : i32
    %get3A_86 = arith.index_cast %get3A_84 : i32 to index
    %get3A_87 = arith.index_cast %get3A_85 : i32 to index
    %get3A_88 = arith.constant 0 : index
    %get3A_89 = tpu.vector_load %arg6[%get3A_86, %get3A_87, %get3A_88] {strides = array<i32>} : memref<42x1x128xi32, #tpu.memory_space<vmem>>, vector<16xi32>,
    %gather3A_90 = tpu.vector_load_idx %arg8[%get3A_89] : memref<10240xf32, #tpu.memory_space<vmem>>[vector<16xi32>], vector<16xf32>,
    %swap3A_91 = arith.constant 0 : index
    %swap3A_92 = tpu.vector_load %arg10[%swap3A_91] {strides = array<i32>} : memref<128xf32, #tpu.memory_space<vmem>>, vector<16xf32>,
    tpu.vector_store %arg10[%swap3A_91], %gather3A_90 {strides = array<i32>} : memref<128xf32, #tpu.memory_space<vmem>>, vector<16xf32>,
    %get3A_93 = arith.constant 1 : i32
    %get3A_94 = arith.constant 0 : i32
    %get3A_95 = arith.index_cast %get3A_93 : i32 to index
    %get3A_96 = arith.index_cast %get3A_94 : i32 to index
    %get3A_97 = arith.constant 16 : index
    %get3A_98 = tpu.vector_load %arg6[%get3A_95, %get3A_96, %get3A_97] {strides = array<i32>} : memref<42x1x128xi32, #tpu.memory_space<vmem>>, vector<16xi32>,
    %gather3A_99 = tpu.vector_load_idx %arg8[%get3A_98] : memref<10240xf32, #tpu.memory_space<vmem>>[vector<16xi32>], vector<16xf32>,
    %swap3A_100 = arith.constant 16 : index
    %swap3A_101 = tpu.vector_load %arg10[%swap3A_100] {strides = array<i32>} : memref<128xf32, #tpu.memory_space<vmem>>, vector<16xf32>,
    tpu.vector_store %arg10[%swap3A_100], %gather3A_99 {strides = array<i32>} : memref<128xf32, #tpu.memory_space<vmem>>, vector<16xf32>,
    %get3A_102 = arith.constant 1 : i32
    %get3A_103 = arith.constant 0 : i32
    %get3A_104 = arith.index_cast %get3A_102 : i32 to index
    %get3A_105 = arith.index_cast %get3A_103 : i32 to index
    %get3A_106 = arith.constant 32 : index
    %get3A_107 = tpu.vector_load %arg6[%get3A_104, %get3A_105, %get3A_106] {strides = array<i32>} : memref<42x1x128xi32, #tpu.memory_space<vmem>>, vector<16xi32>,
    %gather3A_108 = tpu.vector_load_idx %arg8[%get3A_107] : memref<10240xf32, #tpu.memory_space<vmem>>[vector<16xi32>], vector<16xf32>,
    %swap3A_109 = arith.constant 32 : index
    %swap3A_110 = tpu.vector_load %arg10[%swap3A_109] {strides = array<i32>} : memref<128xf32, #tpu.memory_space<vmem>>, vector<16xf32>,
    tpu.vector_store %arg10[%swap3A_109], %gather3A_108 {strides = array<i32>} : memref<128xf32, #tpu.memory_space<vmem>>, vector<16xf32>,
    %get3A_111 = arith.constant 1 : i32
    %get3A_112 = arith.constant 0 : i32
    %get3A_113 = arith.index_cast %get3A_111 : i32 to index
    %get3A_114 = arith.index_cast %get3A_112 : i32 to index
    %get3A_115 = arith.constant 48 : index
    %get3A_116 = tpu.vector_load %arg6[%get3A_113, %get3A_114, %get3A_115] {strides = array<i32>} : memref<42x1x128xi32, #tpu.memory_space<vmem>>, vector<16xi32>,
    %gather3A_117 = tpu.vector_load_idx %arg8[%get3A_116] : memref<10240xf32, #tpu.memory_space<vmem>>[vector<16xi32>], vector<16xf32>,
    %swap3A_118 = arith.constant 48 : index
    %swap3A_119 = tpu.vector_load %arg10[%swap3A_118] {strides = array<i32>} : memref<128xf32, #tpu.memory_space<vmem>>, vector<16xf32>,
    tpu.vector_store %arg10[%swap3A_118], %gather3A_117 {strides = array<i32>} : memref<128xf32, #tpu.memory_space<vmem>>, vector<16xf32>,
    %get3A_120 = arith.constant 1 : i32
    %get3A_121 = arith.constant 0 : i32
    %get3A_122 = arith.index_cast %get3A_120 : i32 to index
    %get3A_123 = arith.index_cast %get3A_121 : i32 to index
    %get3A_124 = arith.constant 64 : index
    %get3A_125 = tpu.vector_load %arg6[%get3A_122, %get3A_123, %get3A_124] {strides = array<i32>} : memref<42x1x128xi32, #tpu.memory_space<vmem>>, vector<16xi32>,
    %gather3A_126 = tpu.vector_load_idx %arg8[%get3A_125] : memref<10240xf32, #tpu.memory_space<vmem>>[vector<16xi32>], vector<16xf32>,
    %swap3A_127 = arith.constant 64 : index
    %swap3A_128 = tpu.vector_load %arg10[%swap3A_127] {strides = array<i32>} : memref<128xf32, #tpu.memory_space<vmem>>, vector<16xf32>,
    tpu.vector_store %arg10[%swap3A_127], %gather3A_126 {strides = array<i32>} : memref<128xf32, #tpu.memory_space<vmem>>, vector<16xf32>,
    %get3A_129 = arith.constant 1 : i32
    %get3A_130 = arith.constant 0 : i32
    %get3A_131 = arith.index_cast %get3A_129 : i32 to index
    %get3A_132 = arith.index_cast %get3A_130 : i32 to index
    %get3A_133 = arith.constant 80 : index
    %get3A_134 = tpu.vector_load %arg6[%get3A_131, %get3A_132, %get3A_133] {strides = array<i32>} : memref<42x1x128xi32, #tpu.memory_space<vmem>>, vector<16xi32>,
    %gather3A_135 = tpu.vector_load_idx %arg8[%get3A_134] : memref<10240xf32, #tpu.memory_space<vmem>>[vector<16xi32>], vector<16xf32>,
    %swap3A_136 = arith.constant 80 : index
    %swap3A_137 = tpu.vector_load %arg10[%swap3A_136] {strides = array<i32>} : memref<128xf32, #tpu.memory_space<vmem>>, vector<16xf32>,
    tpu.vector_store %arg10[%swap3A_136], %gather3A_135 {strides = array<i32>} : memref<128xf32, #tpu.memory_space<vmem>>, vector<16xf32>,
    %get3A_138 = arith.constant 1 : i32
    %get3A_139 = arith.constant 0 : i32
    %get3A_140 = arith.index_cast %get3A_138 : i32 to index
    %get3A_141 = arith.index_cast %get3A_139 : i32 to index
    %get3A_142 = arith.constant 96 : index
    %get3A_143 = tpu.vector_load %arg6[%get3A_140, %get3A_141, %get3A_142] {strides = array<i32>} : memref<42x1x128xi32, #tpu.memory_space<vmem>>, vector<16xi32>,
    %gather3A_144 = tpu.vector_load_idx %arg8[%get3A_143] : memref<10240xf32, #tpu.memory_space<vmem>>[vector<16xi32>], vector<16xf32>,
    %swap3A_145 = arith.constant 96 : index
    %swap3A_146 = tpu.vector_load %arg10[%swap3A_145] {strides = array<i32>} : memref<128xf32, #tpu.memory_space<vmem>>, vector<16xf32>,
    tpu.vector_store %arg10[%swap3A_145], %gather3A_144 {strides = array<i32>} : memref<128xf32, #tpu.memory_space<vmem>>, vector<16xf32>,
    %get3A_147 = arith.constant 1 : i32
    %get3A_148 = arith.constant 0 : i32
    %get3A_149 = arith.index_cast %get3A_147 : i32 to index
    %get3A_150 = arith.index_cast %get3A_148 : i32 to index
    %get3A_151 = arith.constant 112 : index
    %get3A_152 = tpu.vector_load %arg6[%get3A_149, %get3A_150, %get3A_151] {strides = array<i32>} : memref<42x1x128xi32, #tpu.memory_space<vmem>>, vector<16xi32>,
    %gather3A_153 = tpu.vector_load_idx %arg8[%get3A_152] : memref<10240xf32, #tpu.memory_space<vmem>>[vector<16xi32>], vector<16xf32>,
    %swap3A_154 = arith.constant 112 : index
    %swap3A_155 = tpu.vector_load %arg10[%swap3A_154] {strides = array<i32>} : memref<128xf32, #tpu.memory_space<vmem>>, vector<16xf32>,
    tpu.vector_store %arg10[%swap3A_154], %gather3A_153 {strides = array<i32>} : memref<128xf32, #tpu.memory_space<vmem>>, vector<16xf32>,
    %dma_start3A_156 = arith.constant 1 : i32
    %dma_start3A_157 = arith.constant 0 : i32
    %dma_start3A_158 = arith.constant 0 : i32
    %dma_start3A_159 = tpu.memref_slice %arg7[%dma_start3A_156, %dma_start3A_157, %dma_start3A_158] : memref<42x1x128xi32, #tpu.memory_space<vmem>> -> memref<1x1x128xi32, #tpu.memory_space<vmem>>
    %dma_start3A_160 = tpu.memref_squeeze %dma_start3A_159 : memref<1x1x128xi32, #tpu.memory_space<vmem>> -> memref<128xi32, #tpu.memory_space<vmem>>
    %dma_start3A_161 = arith.constant 0 : i32
    %dma_start3A_162 = tpu.memref_slice %arg12[%dma_start3A_161] : memref<10240xf32, #tpu.memory_space<vmem_shared>> -> memref<10240xf32, #tpu.memory_space<vmem_shared>>
    tpu.enqueue_indirect_dma source(%arg10 : memref<128xf32, #tpu.memory_space<vmem>>) target(%dma_start3A_162 : memref<10240xf32, #tpu.memory_space<vmem_shared>>) offsets(%dma_start3A_160 : memref<128xi32, #tpu.memory_space<vmem>>) semaphore(%arg14 : memref<!tpu.dma_semaphore, #tpu.memory_space<semaphore_mem>>) {add = true}
    %scan3A_163 = arith.constant 1 : i32
    %scan3A_164 = arith.constant 20 : i32
    %scan3A_165 = arith.addi %scan3A_163, %scan3A_164 : i32
    %scan3A_166 = arith.constant 1 : i32
    scf.for %scan3A_182 = %scan3A_163 to %scan3A_165 step %scan3A_166  : i32 {
      %mul3A_183 = arith.constant 2 : i32
      %mul3A_184 = arith.muli %scan3A_182, %mul3A_183 : i32
      %dma_wait3A_185 = arith.constant 0 : i32
      %dma_wait3A_186 = arith.constant 0 : i32
      %dma_wait3A_187 = arith.constant 0 : i32
      %dma_wait3A_188 = tpu.memref_slice %arg7[%dma_wait3A_185, %dma_wait3A_186, %dma_wait3A_187] : memref<42x1x128xi32, #tpu.memory_space<vmem>> -> memref<1x1x128xi32, #tpu.memory_space<vmem>>
      %dma_wait3A_189 = tpu.memref_squeeze %dma_wait3A_188 : memref<1x1x128xi32, #tpu.memory_space<vmem>> -> memref<128xi32, #tpu.memory_space<vmem>>
      %dma_wait3A_190 = arith.constant 0 : i32
      %dma_wait3A_191 = tpu.memref_slice %arg12[%dma_wait3A_190] : memref<10240xf32, #tpu.memory_space<vmem_shared>> -> memref<10240xf32, #tpu.memory_space<vmem_shared>>
      tpu.wait_indirect_dma semaphore(%arg13 : memref<!tpu.dma_semaphore, #tpu.memory_space<semaphore_mem>>) src(%arg9 : memref<128xf32, #tpu.memory_space<vmem>>) dst(%dma_wait3A_191 : memref<10240xf32, #tpu.memory_space<vmem_shared>>)
      %get3A_192 = arith.constant 0 : i32
      %get3A_193 = arith.index_cast %mul3A_184 : i32 to index
      %get3A_194 = arith.index_cast %get3A_192 : i32 to index
      %get3A_195 = arith.constant 0 : index
      %get3A_196 = tpu.vector_load %arg6[%get3A_193, %get3A_194, %get3A_195] {strides = array<i32>} : memref<42x1x128xi32, #tpu.memory_space<vmem>>, vector<16xi32>,
      %gather3A_197 = tpu.vector_load_idx %arg8[%get3A_196] : memref<10240xf32, #tpu.memory_space<vmem>>[vector<16xi32>], vector<16xf32>,
      %swap3A_198 = arith.constant 0 : index
      %swap3A_199 = tpu.vector_load %arg9[%swap3A_198] {strides = array<i32>} : memref<128xf32, #tpu.memory_space<vmem>>, vector<16xf32>,
      tpu.vector_store %arg9[%swap3A_198], %gather3A_197 {strides = array<i32>} : memref<128xf32, #tpu.memory_space<vmem>>, vector<16xf32>,
      %get3A_200 = arith.constant 0 : i32
      %get3A_201 = arith.index_cast %mul3A_184 : i32 to index
      %get3A_202 = arith.index_cast %get3A_200 : i32 to index
      %get3A_203 = arith.constant 16 : index
      %get3A_204 = tpu.vector_load %arg6[%get3A_201, %get3A_202, %get3A_203] {strides = array<i32>} : memref<42x1x128xi32, #tpu.memory_space<vmem>>, vector<16xi32>,
      %gather3A_205 = tpu.vector_load_idx %arg8[%get3A_204] : memref<10240xf32, #tpu.memory_space<vmem>>[vector<16xi32>], vector<16xf32>,
      %swap3A_206 = arith.constant 16 : index
      %swap3A_207 = tpu.vector_load %arg9[%swap3A_206] {strides = array<i32>} : memref<128xf32, #tpu.memory_space<vmem>>, vector<16xf32>,
      tpu.vector_store %arg9[%swap3A_206], %gather3A_205 {strides = array<i32>} : memref<128xf32, #tpu.memory_space<vmem>>, vector<16xf32>,
      %get3A_208 = arith.constant 0 : i32
      %get3A_209 = arith.index_cast %mul3A_184 : i32 to index
      %get3A_210 = arith.index_cast %get3A_208 : i32 to index
      %get3A_211 = arith.constant 32 : index
      %get3A_212 = tpu.vector_load %arg6[%get3A_209, %get3A_210, %get3A_211] {strides = array<i32>} : memref<42x1x128xi32, #tpu.memory_space<vmem>>, vector<16xi32>,
      %gather3A_213 = tpu.vector_load_idx %arg8[%get3A_212] : memref<10240xf32, #tpu.memory_space<vmem>>[vector<16xi32>], vector<16xf32>,
      %swap3A_214 = arith.constant 32 : index
      %swap3A_215 = tpu.vector_load %arg9[%swap3A_214] {strides = array<i32>} : memref<128xf32, #tpu.memory_space<vmem>>, vector<16xf32>,
      tpu.vector_store %arg9[%swap3A_214], %gather3A_213 {strides = array<i32>} : memref<128xf32, #tpu.memory_space<vmem>>, vector<16xf32>,
      %get3A_216 = arith.constant 0 : i32
      %get3A_217 = arith.index_cast %mul3A_184 : i32 to index
      %get3A_218 = arith.index_cast %get3A_216 : i32 to index
      %get3A_219 = arith.constant 48 : index
      %get3A_220 = tpu.vector_load %arg6[%get3A_217, %get3A_218, %get3A_219] {strides = array<i32>} : memref<42x1x128xi32, #tpu.memory_space<vmem>>, vector<16xi32>,
      %gather3A_221 = tpu.vector_load_idx %arg8[%get3A_220] : memref<10240xf32, #tpu.memory_space<vmem>>[vector<16xi32>], vector<16xf32>,
      %swap3A_222 = arith.constant 48 : index
      %swap3A_223 = tpu.vector_load %arg9[%swap3A_222] {strides = array<i32>} : memref<128xf32, #tpu.memory_space<vmem>>, vector<16xf32>,
      tpu.vector_store %arg9[%swap3A_222], %gather3A_221 {strides = array<i32>} : memref<128xf32, #tpu.memory_space<vmem>>, vector<16xf32>,
      %get3A_224 = arith.constant 0 : i32
      %get3A_225 = arith.index_cast %mul3A_184 : i32 to index
      %get3A_226 = arith.index_cast %get3A_224 : i32 to index
      %get3A_227 = arith.constant 64 : index
      %get3A_228 = tpu.vector_load %arg6[%get3A_225, %get3A_226, %get3A_227] {strides = array<i32>} : memref<42x1x128xi32, #tpu.memory_space<vmem>>, vector<16xi32>,
      %gather3A_229 = tpu.vector_load_idx %arg8[%get3A_228] : memref<10240xf32, #tpu.memory_space<vmem>>[vector<16xi32>], vector<16xf32>,
      %swap3A_230 = arith.constant 64 : index
      %swap3A_231 = tpu.vector_load %arg9[%swap3A_230] {strides = array<i32>} : memref<128xf32, #tpu.memory_space<vmem>>, vector<16xf32>,
      tpu.vector_store %arg9[%swap3A_230], %gather3A_229 {strides = array<i32>} : memref<128xf32, #tpu.memory_space<vmem>>, vector<16xf32>,
      %get3A_232 = arith.constant 0 : i32
      %get3A_233 = arith.index_cast %mul3A_184 : i32 to index
      %get3A_234 = arith.index_cast %get3A_232 : i32 to index
      %get3A_235 = arith.constant 80 : index
      %get3A_236 = tpu.vector_load %arg6[%get3A_233, %get3A_234, %get3A_235] {strides = array<i32>} : memref<42x1x128xi32, #tpu.memory_space<vmem>>, vector<16xi32>,
      %gather3A_237 = tpu.vector_load_idx %arg8[%get3A_236] : memref<10240xf32, #tpu.memory_space<vmem>>[vector<16xi32>], vector<16xf32>,
      %swap3A_238 = arith.constant 80 : index
      %swap3A_239 = tpu.vector_load %arg9[%swap3A_238] {strides = array<i32>} : memref<128xf32, #tpu.memory_space<vmem>>, vector<16xf32>,
      tpu.vector_store %arg9[%swap3A_238], %gather3A_237 {strides = array<i32>} : memref<128xf32, #tpu.memory_space<vmem>>, vector<16xf32>,
      %get3A_240 = arith.constant 0 : i32
      %get3A_241 = arith.index_cast %mul3A_184 : i32 to index
      %get3A_242 = arith.index_cast %get3A_240 : i32 to index
      %get3A_243 = arith.constant 96 : index
      %get3A_244 = tpu.vector_load %arg6[%get3A_241, %get3A_242, %get3A_243] {strides = array<i32>} : memref<42x1x128xi32, #tpu.memory_space<vmem>>, vector<16xi32>,
      %gather3A_245 = tpu.vector_load_idx %arg8[%get3A_244] : memref<10240xf32, #tpu.memory_space<vmem>>[vector<16xi32>], vector<16xf32>,
      %swap3A_246 = arith.constant 96 : index
      %swap3A_247 = tpu.vector_load %arg9[%swap3A_246] {strides = array<i32>} : memref<128xf32, #tpu.memory_space<vmem>>, vector<16xf32>,
      tpu.vector_store %arg9[%swap3A_246], %gather3A_245 {strides = array<i32>} : memref<128xf32, #tpu.memory_space<vmem>>, vector<16xf32>,
      %get3A_248 = arith.constant 0 : i32
      %get3A_249 = arith.index_cast %mul3A_184 : i32 to index
      %get3A_250 = arith.index_cast %get3A_248 : i32 to index
      %get3A_251 = arith.constant 112 : index
      %get3A_252 = tpu.vector_load %arg6[%get3A_249, %get3A_250, %get3A_251] {strides = array<i32>} : memref<42x1x128xi32, #tpu.memory_space<vmem>>, vector<16xi32>,
      %gather3A_253 = tpu.vector_load_idx %arg8[%get3A_252] : memref<10240xf32, #tpu.memory_space<vmem>>[vector<16xi32>], vector<16xf32>,
      %swap3A_254 = arith.constant 112 : index
      %swap3A_255 = tpu.vector_load %arg9[%swap3A_254] {strides = array<i32>} : memref<128xf32, #tpu.memory_space<vmem>>, vector<16xf32>,
      tpu.vector_store %arg9[%swap3A_254], %gather3A_253 {strides = array<i32>} : memref<128xf32, #tpu.memory_space<vmem>>, vector<16xf32>,
      %dma_start3A_256 = arith.constant 0 : i32
      %dma_start3A_257 = arith.constant 0 : i32
      %dma_start3A_258 = tpu.memref_slice %arg7[%mul3A_184, %dma_start3A_256, %dma_start3A_257] : memref<42x1x128xi32, #tpu.memory_space<vmem>> -> memref<1x1x128xi32, #tpu.memory_space<vmem>>
      %dma_start3A_259 = tpu.memref_squeeze %dma_start3A_258 : memref<1x1x128xi32, #tpu.memory_space<vmem>> -> memref<128xi32, #tpu.memory_space<vmem>>
      %dma_start3A_260 = arith.constant 0 : i32
      %dma_start3A_261 = tpu.memref_slice %arg12[%dma_start3A_260] : memref<10240xf32, #tpu.memory_space<vmem_shared>> -> memref<10240xf32, #tpu.memory_space<vmem_shared>>
      tpu.enqueue_indirect_dma source(%arg9 : memref<128xf32, #tpu.memory_space<vmem>>) target(%dma_start3A_261 : memref<10240xf32, #tpu.memory_space<vmem_shared>>) offsets(%dma_start3A_259 : memref<128xi32, #tpu.memory_space<vmem>>) semaphore(%arg13 : memref<!tpu.dma_semaphore, #tpu.memory_space<semaphore_mem>>) {add = true}
      %dma_wait3A_262 = arith.constant 0 : i32
      %dma_wait3A_263 = arith.constant 0 : i32
      %dma_wait3A_264 = arith.constant 0 : i32
      %dma_wait3A_265 = tpu.memref_slice %arg7[%dma_wait3A_262, %dma_wait3A_263, %dma_wait3A_264] : memref<42x1x128xi32, #tpu.memory_space<vmem>> -> memref<1x1x128xi32, #tpu.memory_space<vmem>>
      %dma_wait3A_266 = tpu.memref_squeeze %dma_wait3A_265 : memref<1x1x128xi32, #tpu.memory_space<vmem>> -> memref<128xi32, #tpu.memory_space<vmem>>
      %dma_wait3A_267 = arith.constant 0 : i32
      %dma_wait3A_268 = tpu.memref_slice %arg12[%dma_wait3A_267] : memref<10240xf32, #tpu.memory_space<vmem_shared>> -> memref<10240xf32, #tpu.memory_space<vmem_shared>>
      tpu.wait_indirect_dma semaphore(%arg14 : memref<!tpu.dma_semaphore, #tpu.memory_space<semaphore_mem>>) src(%arg10 : memref<128xf32, #tpu.memory_space<vmem>>) dst(%dma_wait3A_268 : memref<10240xf32, #tpu.memory_space<vmem_shared>>)
      %add3A_269 = arith.constant 1 : i32
      %add3A_270 = arith.addi %mul3A_184, %add3A_269 : i32
      %get3A_271 = arith.constant 0 : i32
      %get3A_272 = arith.index_cast %add3A_270 : i32 to index
      %get3A_273 = arith.index_cast %get3A_271 : i32 to index
      %get3A_274 = arith.constant 0 : index
      %get3A_275 = tpu.vector_load %arg6[%get3A_272, %get3A_273, %get3A_274] {strides = array<i32>} : memref<42x1x128xi32, #tpu.memory_space<vmem>>, vector<16xi32>,
      %gather3A_276 = tpu.vector_load_idx %arg8[%get3A_275] : memref<10240xf32, #tpu.memory_space<vmem>>[vector<16xi32>], vector<16xf32>,
      %swap3A_277 = arith.constant 0 : index
      %swap3A_278 = tpu.vector_load %arg10[%swap3A_277] {strides = array<i32>} : memref<128xf32, #tpu.memory_space<vmem>>, vector<16xf32>,
      tpu.vector_store %arg10[%swap3A_277], %gather3A_276 {strides = array<i32>} : memref<128xf32, #tpu.memory_space<vmem>>, vector<16xf32>,
      %get3A_279 = arith.constant 0 : i32
      %get3A_280 = arith.index_cast %add3A_270 : i32 to index
      %get3A_281 = arith.index_cast %get3A_279 : i32 to index
      %get3A_282 = arith.constant 16 : index
      %get3A_283 = tpu.vector_load %arg6[%get3A_280, %get3A_281, %get3A_282] {strides = array<i32>} : memref<42x1x128xi32, #tpu.memory_space<vmem>>, vector<16xi32>,
      %gather3A_284 = tpu.vector_load_idx %arg8[%get3A_283] : memref<10240xf32, #tpu.memory_space<vmem>>[vector<16xi32>], vector<16xf32>,
      %swap3A_285 = arith.constant 16 : index
      %swap3A_286 = tpu.vector_load %arg10[%swap3A_285] {strides = array<i32>} : memref<128xf32, #tpu.memory_space<vmem>>, vector<16xf32>,
      tpu.vector_store %arg10[%swap3A_285], %gather3A_284 {strides = array<i32>} : memref<128xf32, #tpu.memory_space<vmem>>, vector<16xf32>,
      %get3A_287 = arith.constant 0 : i32
      %get3A_288 = arith.index_cast %add3A_270 : i32 to index
      %get3A_289 = arith.index_cast %get3A_287 : i32 to index
      %get3A_290 = arith.constant 32 : index
      %get3A_291 = tpu.vector_load %arg6[%get3A_288, %get3A_289, %get3A_290] {strides = array<i32>} : memref<42x1x128xi32, #tpu.memory_space<vmem>>, vector<16xi32>,
      %gather3A_292 = tpu.vector_load_idx %arg8[%get3A_291] : memref<10240xf32, #tpu.memory_space<vmem>>[vector<16xi32>], vector<16xf32>,
      %swap3A_293 = arith.constant 32 : index
      %swap3A_294 = tpu.vector_load %arg10[%swap3A_293] {strides = array<i32>} : memref<128xf32, #tpu.memory_space<vmem>>, vector<16xf32>,
      tpu.vector_store %arg10[%swap3A_293], %gather3A_292 {strides = array<i32>} : memref<128xf32, #tpu.memory_space<vmem>>, vector<16xf32>,
      %get3A_295 = arith.constant 0 : i32
      %get3A_296 = arith.index_cast %add3A_270 : i32 to index
      %get3A_297 = arith.index_cast %get3A_295 : i32 to index
      %get3A_298 = arith.constant 48 : index
      %get3A_299 = tpu.vector_load %arg6[%get3A_296, %get3A_297, %get3A_298] {strides = array<i32>} : memref<42x1x128xi32, #tpu.memory_space<vmem>>, vector<16xi32>,
      %gather3A_300 = tpu.vector_load_idx %arg8[%get3A_299] : memref<10240xf32, #tpu.memory_space<vmem>>[vector<16xi32>], vector<16xf32>,
      %swap3A_301 = arith.constant 48 : index
      %swap3A_302 = tpu.vector_load %arg10[%swap3A_301] {strides = array<i32>} : memref<128xf32, #tpu.memory_space<vmem>>, vector<16xf32>,
      tpu.vector_store %arg10[%swap3A_301], %gather3A_300 {strides = array<i32>} : memref<128xf32, #tpu.memory_space<vmem>>, vector<16xf32>,
      %get3A_303 = arith.constant 0 : i32
      %get3A_304 = arith.index_cast %add3A_270 : i32 to index
      %get3A_305 = arith.index_cast %get3A_303 : i32 to index
      %get3A_306 = arith.constant 64 : index
      %get3A_307 = tpu.vector_load %arg6[%get3A_304, %get3A_305, %get3A_306] {strides = array<i32>} : memref<42x1x128xi32, #tpu.memory_space<vmem>>, vector<16xi32>,
      %gather3A_308 = tpu.vector_load_idx %arg8[%get3A_307] : memref<10240xf32, #tpu.memory_space<vmem>>[vector<16xi32>], vector<16xf32>,
      %swap3A_309 = arith.constant 64 : index
      %swap3A_310 = tpu.vector_load %arg10[%swap3A_309] {strides = array<i32>} : memref<128xf32, #tpu.memory_space<vmem>>, vector<16xf32>,
      tpu.vector_store %arg10[%swap3A_309], %gather3A_308 {strides = array<i32>} : memref<128xf32, #tpu.memory_space<vmem>>, vector<16xf32>,
      %get3A_311 = arith.constant 0 : i32
      %get3A_312 = arith.index_cast %add3A_270 : i32 to index
      %get3A_313 = arith.index_cast %get3A_311 : i32 to index
      %get3A_314 = arith.constant 80 : index
      %get3A_315 = tpu.vector_load %arg6[%get3A_312, %get3A_313, %get3A_314] {strides = array<i32>} : memref<42x1x128xi32, #tpu.memory_space<vmem>>, vector<16xi32>,
      %gather3A_316 = tpu.vector_load_idx %arg8[%get3A_315] : memref<10240xf32, #tpu.memory_space<vmem>>[vector<16xi32>], vector<16xf32>,
      %swap3A_317 = arith.constant 80 : index
      %swap3A_318 = tpu.vector_load %arg10[%swap3A_317] {strides = array<i32>} : memref<128xf32, #tpu.memory_space<vmem>>, vector<16xf32>,
      tpu.vector_store %arg10[%swap3A_317], %gather3A_316 {strides = array<i32>} : memref<128xf32, #tpu.memory_space<vmem>>, vector<16xf32>,
      %get3A_319 = arith.constant 0 : i32
      %get3A_320 = arith.index_cast %add3A_270 : i32 to index
      %get3A_321 = arith.index_cast %get3A_319 : i32 to index
      %get3A_322 = arith.constant 96 : index
      %get3A_323 = tpu.vector_load %arg6[%get3A_320, %get3A_321, %get3A_322] {strides = array<i32>} : memref<42x1x128xi32, #tpu.memory_space<vmem>>, vector<16xi32>,
      %gather3A_324 = tpu.vector_load_idx %arg8[%get3A_323] : memref<10240xf32, #tpu.memory_space<vmem>>[vector<16xi32>], vector<16xf32>,
      %swap3A_325 = arith.constant 96 : index
      %swap3A_326 = tpu.vector_load %arg10[%swap3A_325] {strides = array<i32>} : memref<128xf32, #tpu.memory_space<vmem>>, vector<16xf32>,
      tpu.vector_store %arg10[%swap3A_325], %gather3A_324 {strides = array<i32>} : memref<128xf32, #tpu.memory_space<vmem>>, vector<16xf32>,
      %get3A_327 = arith.constant 0 : i32
      %get3A_328 = arith.index_cast %add3A_270 : i32 to index
      %get3A_329 = arith.index_cast %get3A_327 : i32 to index
      %get3A_330 = arith.constant 112 : index
      %get3A_331 = tpu.vector_load %arg6[%get3A_328, %get3A_329, %get3A_330] {strides = array<i32>} : memref<42x1x128xi32, #tpu.memory_space<vmem>>, vector<16xi32>,
      %gather3A_332 = tpu.vector_load_idx %arg8[%get3A_331] : memref<10240xf32, #tpu.memory_space<vmem>>[vector<16xi32>], vector<16xf32>,
      %swap3A_333 = arith.constant 112 : index
      %swap3A_334 = tpu.vector_load %arg10[%swap3A_333] {strides = array<i32>} : memref<128xf32, #tpu.memory_space<vmem>>, vector<16xf32>,
      tpu.vector_store %arg10[%swap3A_333], %gather3A_332 {strides = array<i32>} : memref<128xf32, #tpu.memory_space<vmem>>, vector<16xf32>,
      %add3A_335 = arith.constant 1 : i32
      %add3A_336 = arith.addi %mul3A_184, %add3A_335 : i32
      %dma_start3A_337 = arith.constant 0 : i32
      %dma_start3A_338 = arith.constant 0 : i32
      %dma_start3A_339 = tpu.memref_slice %arg7[%add3A_336, %dma_start3A_337, %dma_start3A_338] : memref<42x1x128xi32, #tpu.memory_space<vmem>> -> memref<1x1x128xi32, #tpu.memory_space<vmem>>
      %dma_start3A_340 = tpu.memref_squeeze %dma_start3A_339 : memref<1x1x128xi32, #tpu.memory_space<vmem>> -> memref<128xi32, #tpu.memory_space<vmem>>
      %dma_start3A_341 = arith.constant 0 : i32
      %dma_start3A_342 = tpu.memref_slice %arg12[%dma_start3A_341] : memref<10240xf32, #tpu.memory_space<vmem_shared>> -> memref<10240xf32, #tpu.memory_space<vmem_shared>>
      tpu.enqueue_indirect_dma source(%arg10 : memref<128xf32, #tpu.memory_space<vmem>>) target(%dma_start3A_342 : memref<10240xf32, #tpu.memory_space<vmem_shared>>) offsets(%dma_start3A_340 : memref<128xi32, #tpu.memory_space<vmem>>) semaphore(%arg14 : memref<!tpu.dma_semaphore, #tpu.memory_space<semaphore_mem>>) {add = true}
    }
    %scan3A_167 = arith.constant 20 : i32
    %dma_wait3A = arith.constant 0 : i32
    %dma_wait3A_168 = arith.constant 0 : i32
    %dma_wait3A_169 = arith.constant 0 : i32
    %dma_wait3A_170 = tpu.memref_slice %arg7[%dma_wait3A, %dma_wait3A_168, %dma_wait3A_169] : memref<42x1x128xi32, #tpu.memory_space<vmem>> -> memref<1x1x128xi32, #tpu.memory_space<vmem>>
    %dma_wait3A_171 = tpu.memref_squeeze %dma_wait3A_170 : memref<1x1x128xi32, #tpu.memory_space<vmem>> -> memref<128xi32, #tpu.memory_space<vmem>>
    %dma_wait3A_172 = arith.constant 0 : i32
    %dma_wait3A_173 = tpu.memref_slice %arg12[%dma_wait3A_172] : memref<10240xf32, #tpu.memory_space<vmem_shared>> -> memref<10240xf32, #tpu.memory_space<vmem_shared>>
    tpu.wait_indirect_dma semaphore(%arg13 : memref<!tpu.dma_semaphore, #tpu.memory_space<semaphore_mem>>) src(%arg9 : memref<128xf32, #tpu.memory_space<vmem>>) dst(%dma_wait3A_173 : memref<10240xf32, #tpu.memory_space<vmem_shared>>)
    %dma_wait3A_174 = arith.constant 0 : i32
    %dma_wait3A_175 = arith.constant 0 : i32
    %dma_wait3A_176 = arith.constant 0 : i32
    %dma_wait3A_177 = tpu.memref_slice %arg7[%dma_wait3A_174, %dma_wait3A_175, %dma_wait3A_176] : memref<42x1x128xi32, #tpu.memory_space<vmem>> -> memref<1x1x128xi32, #tpu.memory_space<vmem>>
    %dma_wait3A_178 = tpu.memref_squeeze %dma_wait3A_177 : memref<1x1x128xi32, #tpu.memory_space<vmem>> -> memref<128xi32, #tpu.memory_space<vmem>>
    %dma_wait3A_179 = arith.constant 0 : i32
    %dma_wait3A_180 = tpu.memref_slice %arg12[%dma_wait3A_179] : memref<10240xf32, #tpu.memory_space<vmem_shared>> -> memref<10240xf32, #tpu.memory_space<vmem_shared>>
    tpu.wait_indirect_dma semaphore(%arg14 : memref<!tpu.dma_semaphore, #tpu.memory_space<semaphore_mem>>) src(%arg10 : memref<128xf32, #tpu.memory_space<vmem>>) dst(%dma_wait3A_180 : memref<10240xf32, #tpu.memory_space<vmem_shared>>)
    %barrier3A_181 = arith.constant 0 : index
    tpu.barrier barrier_id(%barrier3A_181)
    "tpu.region"() ({
      %run_scoped3A = tpu.sem_alloc : memref<!tpu.dma_semaphore, #tpu.memory_space<semaphore_mem>>
      %dma_start3A_182 = tpu.memref_slice %arg12[%mul3A_0] : memref<10240xf32, #tpu.memory_space<vmem_shared>> -> memref<640xf32, #tpu.memory_space<vmem_shared>>
      %dma_start3A_183 = tpu.memref_slice %arg12[%mul3A_0] : memref<10240xf32, #tpu.memory_space<vmem_shared>> -> memref<640xf32, #tpu.memory_space<vmem_shared>>
      tpu.enqueue_dma source(%dma_start3A_183 : memref<640xf32, #tpu.memory_space<vmem_shared>>) target(%arg11 : memref<640xf32, #tpu.memory_space<vmem>>) target_semaphore(%run_scoped3A : memref<!tpu.dma_semaphore, #tpu.memory_space<semaphore_mem>>)
      %dma_wait3A_184 = tpu.memref_slice %arg12[%mul3A_0] : memref<10240xf32, #tpu.memory_space<vmem_shared>> -> memref<640xf32, #tpu.memory_space<vmem_shared>>
      %dma_wait3A_185 = tpu.memref_slice %arg12[%mul3A_0] : memref<10240xf32, #tpu.memory_space<vmem_shared>> -> memref<640xf32, #tpu.memory_space<vmem_shared>>
      tpu.wait_dma2 semaphore(%run_scoped3A : memref<!tpu.dma_semaphore, #tpu.memory_space<semaphore_mem>>) src(%dma_wait3A_185 : memref<640xf32, #tpu.memory_space<vmem_shared>>) dst(%arg11 : memref<640xf32, #tpu.memory_space<vmem>>)
      tpu.yield
    }) : () -> ()
    "tpu.region"() ({
      %run_scoped3A = tpu.sem_alloc : memref<!tpu.dma_semaphore, #tpu.memory_space<semaphore_mem>>
      %dma_start3A_182 = tpu.memref_slice %arg5[%arg0, %mul3A_0] : memref<2x10240xf32, #tpu.memory_space<hbm>> -> memref<1x640xf32, #tpu.memory_space<hbm>>
      %dma_start3A_183 = tpu.memref_squeeze %dma_start3A_182 : memref<1x640xf32, #tpu.memory_space<hbm>> -> memref<640xf32, #tpu.memory_space<hbm>>
      %dma_start3A_184 = tpu.memref_slice %arg5[%arg0, %mul3A_0] : memref<2x10240xf32, #tpu.memory_space<hbm>> -> memref<1x640xf32, #tpu.memory_space<hbm>>
      %dma_start3A_185 = tpu.memref_squeeze %dma_start3A_184 : memref<1x640xf32, #tpu.memory_space<hbm>> -> memref<640xf32, #tpu.memory_space<hbm>>
      tpu.enqueue_dma source(%arg11 : memref<640xf32, #tpu.memory_space<vmem>>) target(%dma_start3A_185 : memref<640xf32, #tpu.memory_space<hbm>>) target_semaphore(%run_scoped3A : memref<!tpu.dma_semaphore, #tpu.memory_space<semaphore_mem>>)
      %dma_wait3A_186 = tpu.memref_slice %arg5[%arg0, %mul3A_0] : memref<2x10240xf32, #tpu.memory_space<hbm>> -> memref<1x640xf32, #tpu.memory_space<hbm>>
      %dma_wait3A_187 = tpu.memref_squeeze %dma_wait3A_186 : memref<1x640xf32, #tpu.memory_space<hbm>> -> memref<640xf32, #tpu.memory_space<hbm>>
      %dma_wait3A_188 = tpu.memref_slice %arg5[%arg0, %mul3A_0] : memref<2x10240xf32, #tpu.memory_space<hbm>> -> memref<1x640xf32, #tpu.memory_space<hbm>>
      %dma_wait3A_189 = tpu.memref_squeeze %dma_wait3A_188 : memref<1x640xf32, #tpu.memory_space<hbm>> -> memref<640xf32, #tpu.memory_space<hbm>>
      tpu.wait_dma2 semaphore(%run_scoped3A : memref<!tpu.dma_semaphore, #tpu.memory_space<semaphore_mem>>) src(%arg11 : memref<640xf32, #tpu.memory_space<vmem>>) dst(%dma_wait3A_189 : memref<640xf32, #tpu.memory_space<hbm>>)
      tpu.yield
    }) : () -> ()
    return
  }
}

#map = affine_map<(d0, d1) -> (0, 0)>
#map1 = affine_map<(d0, d1) -> (0, 0, 0)>
module attributes {stable_mosaic.version = 14 : i64} {
  func.func @_agg_kernel(%arg0: i32, %arg1: i32, %arg2: memref<10240x128xf32, #tpu.memory_space<hbm>>, %arg3: memref<10240x128xf32, #tpu.memory_space<hbm>>, %arg4: memref<1344x1x128xi32, #tpu.memory_space<hbm>>, %arg5: memref<1344x1x128xi32, #tpu.memory_space<hbm>>, %arg6: memref<2x10240x128xf32, #tpu.memory_space<hbm>>, %arg7: memref<6x1x128xi32, #tpu.memory_space<vmem>>, %arg8: memref<6x1x128xi32, #tpu.memory_space<vmem>>, %arg9: memref<6x1x128xi32, #tpu.memory_space<vmem>>, %arg10: memref<6x1x128xi32, #tpu.memory_space<vmem>>, %arg11: memref<128x128xf32, #tpu.memory_space<vmem>>, %arg12: memref<128x128xf32, #tpu.memory_space<vmem>>, %arg13: memref<16x128xf32, #tpu.memory_space<vmem>>, %arg14: memref<10240x128xf32, #tpu.memory_space<vmem_shared>>, %arg15: memref<!tpu.dma_semaphore, #tpu.memory_space<semaphore_mem>>, %arg16: memref<!tpu.dma_semaphore, #tpu.memory_space<semaphore_mem>>, %arg17: memref<!tpu.dma_semaphore, #tpu.memory_space<semaphore_mem>>, %arg18: memref<!tpu.dma_semaphore, #tpu.memory_space<semaphore_mem>>, %arg19: memref<!tpu.dma_semaphore, #tpu.memory_space<semaphore_mem>>) attributes {dimension_semantics = [#tpu.dimension_semantics<core_parallel>, #tpu.dimension_semantics<subcore_parallel>], iteration_bounds = array<i64: 2, 16>, scalar_prefetch = 0 : i64, scratch_operands = 13 : i64, tpu.core_type = #tpu.core_type<sc_vector_subcore>, window_params = [{transform_indices = #map}, {transform_indices = #map}, {transform_indices = #map1}, {transform_indices = #map1}, {transform_indices = #map1}]} {
    %mul3A = arith.constant 640 : i32
    %mul3A_0 = arith.muli %arg1, %mul3A : i32
    %scan3A = arith.constant 0 : i32
    %scan3A_1 = arith.constant 16 : i32
    %scan3A_2 = arith.addi %scan3A, %scan3A_1 : i32
    %scan3A_3 = arith.constant 1 : i32
    scf.for %scan3A_25 = %scan3A to %scan3A_2 step %scan3A_3  : i32 {
      %broadcast_in_dim3A = arith.constant 0.000000e+00 : f32
      %broadcast_in_dim3A_26 = vector.broadcast %broadcast_in_dim3A : f32 to vector<16xf32>
      %swap3A = arith.index_cast %scan3A_25 : i32 to index
      %swap3A_27 = arith.constant 0 : index
      %swap3A_28 = tpu.vector_load %arg13[%swap3A, %swap3A_27] {strides = array<i32>} : memref<16x128xf32, #tpu.memory_space<vmem>>, vector<1x16xf32>,
      %swap3A_29 = vector.shape_cast %swap3A_28 : vector<1x16xf32> to vector<16xf32>
      %swap3A_30 = vector.shape_cast %broadcast_in_dim3A_26 : vector<16xf32> to vector<1x16xf32>
      tpu.vector_store %arg13[%swap3A, %swap3A_27], %swap3A_30 {strides = array<i32>} : memref<16x128xf32, #tpu.memory_space<vmem>>, vector<1x16xf32>,
      %broadcast_in_dim3A_31 = arith.constant 0.000000e+00 : f32
      %broadcast_in_dim3A_32 = vector.broadcast %broadcast_in_dim3A_31 : f32 to vector<16xf32>
      %swap3A_33 = arith.index_cast %scan3A_25 : i32 to index
      %swap3A_34 = arith.constant 16 : index
      %swap3A_35 = tpu.vector_load %arg13[%swap3A_33, %swap3A_34] {strides = array<i32>} : memref<16x128xf32, #tpu.memory_space<vmem>>, vector<1x16xf32>,
      %swap3A_36 = vector.shape_cast %swap3A_35 : vector<1x16xf32> to vector<16xf32>
      %swap3A_37 = vector.shape_cast %broadcast_in_dim3A_32 : vector<16xf32> to vector<1x16xf32>
      tpu.vector_store %arg13[%swap3A_33, %swap3A_34], %swap3A_37 {strides = array<i32>} : memref<16x128xf32, #tpu.memory_space<vmem>>, vector<1x16xf32>,
      %broadcast_in_dim3A_38 = arith.constant 0.000000e+00 : f32
      %broadcast_in_dim3A_39 = vector.broadcast %broadcast_in_dim3A_38 : f32 to vector<16xf32>
      %swap3A_40 = arith.index_cast %scan3A_25 : i32 to index
      %swap3A_41 = arith.constant 32 : index
      %swap3A_42 = tpu.vector_load %arg13[%swap3A_40, %swap3A_41] {strides = array<i32>} : memref<16x128xf32, #tpu.memory_space<vmem>>, vector<1x16xf32>,
      %swap3A_43 = vector.shape_cast %swap3A_42 : vector<1x16xf32> to vector<16xf32>
      %swap3A_44 = vector.shape_cast %broadcast_in_dim3A_39 : vector<16xf32> to vector<1x16xf32>
      tpu.vector_store %arg13[%swap3A_40, %swap3A_41], %swap3A_44 {strides = array<i32>} : memref<16x128xf32, #tpu.memory_space<vmem>>, vector<1x16xf32>,
      %broadcast_in_dim3A_45 = arith.constant 0.000000e+00 : f32
      %broadcast_in_dim3A_46 = vector.broadcast %broadcast_in_dim3A_45 : f32 to vector<16xf32>
      %swap3A_47 = arith.index_cast %scan3A_25 : i32 to index
      %swap3A_48 = arith.constant 48 : index
      %swap3A_49 = tpu.vector_load %arg13[%swap3A_47, %swap3A_48] {strides = array<i32>} : memref<16x128xf32, #tpu.memory_space<vmem>>, vector<1x16xf32>,
      %swap3A_50 = vector.shape_cast %swap3A_49 : vector<1x16xf32> to vector<16xf32>
      %swap3A_51 = vector.shape_cast %broadcast_in_dim3A_46 : vector<16xf32> to vector<1x16xf32>
      tpu.vector_store %arg13[%swap3A_47, %swap3A_48], %swap3A_51 {strides = array<i32>} : memref<16x128xf32, #tpu.memory_space<vmem>>, vector<1x16xf32>,
      %broadcast_in_dim3A_52 = arith.constant 0.000000e+00 : f32
      %broadcast_in_dim3A_53 = vector.broadcast %broadcast_in_dim3A_52 : f32 to vector<16xf32>
      %swap3A_54 = arith.index_cast %scan3A_25 : i32 to index
      %swap3A_55 = arith.constant 64 : index
      %swap3A_56 = tpu.vector_load %arg13[%swap3A_54, %swap3A_55] {strides = array<i32>} : memref<16x128xf32, #tpu.memory_space<vmem>>, vector<1x16xf32>,
      %swap3A_57 = vector.shape_cast %swap3A_56 : vector<1x16xf32> to vector<16xf32>
      %swap3A_58 = vector.shape_cast %broadcast_in_dim3A_53 : vector<16xf32> to vector<1x16xf32>
      tpu.vector_store %arg13[%swap3A_54, %swap3A_55], %swap3A_58 {strides = array<i32>} : memref<16x128xf32, #tpu.memory_space<vmem>>, vector<1x16xf32>,
      %broadcast_in_dim3A_59 = arith.constant 0.000000e+00 : f32
      %broadcast_in_dim3A_60 = vector.broadcast %broadcast_in_dim3A_59 : f32 to vector<16xf32>
      %swap3A_61 = arith.index_cast %scan3A_25 : i32 to index
      %swap3A_62 = arith.constant 80 : index
      %swap3A_63 = tpu.vector_load %arg13[%swap3A_61, %swap3A_62] {strides = array<i32>} : memref<16x128xf32, #tpu.memory_space<vmem>>, vector<1x16xf32>,
      %swap3A_64 = vector.shape_cast %swap3A_63 : vector<1x16xf32> to vector<16xf32>
      %swap3A_65 = vector.shape_cast %broadcast_in_dim3A_60 : vector<16xf32> to vector<1x16xf32>
      tpu.vector_store %arg13[%swap3A_61, %swap3A_62], %swap3A_65 {strides = array<i32>} : memref<16x128xf32, #tpu.memory_space<vmem>>, vector<1x16xf32>,
      %broadcast_in_dim3A_66 = arith.constant 0.000000e+00 : f32
      %broadcast_in_dim3A_67 = vector.broadcast %broadcast_in_dim3A_66 : f32 to vector<16xf32>
      %swap3A_68 = arith.index_cast %scan3A_25 : i32 to index
      %swap3A_69 = arith.constant 96 : index
      %swap3A_70 = tpu.vector_load %arg13[%swap3A_68, %swap3A_69] {strides = array<i32>} : memref<16x128xf32, #tpu.memory_space<vmem>>, vector<1x16xf32>,
      %swap3A_71 = vector.shape_cast %swap3A_70 : vector<1x16xf32> to vector<16xf32>
      %swap3A_72 = vector.shape_cast %broadcast_in_dim3A_67 : vector<16xf32> to vector<1x16xf32>
      tpu.vector_store %arg13[%swap3A_68, %swap3A_69], %swap3A_72 {strides = array<i32>} : memref<16x128xf32, #tpu.memory_space<vmem>>, vector<1x16xf32>,
      %broadcast_in_dim3A_73 = arith.constant 0.000000e+00 : f32
      %broadcast_in_dim3A_74 = vector.broadcast %broadcast_in_dim3A_73 : f32 to vector<16xf32>
      %swap3A_75 = arith.index_cast %scan3A_25 : i32 to index
      %swap3A_76 = arith.constant 112 : index
      %swap3A_77 = tpu.vector_load %arg13[%swap3A_75, %swap3A_76] {strides = array<i32>} : memref<16x128xf32, #tpu.memory_space<vmem>>, vector<1x16xf32>,
      %swap3A_78 = vector.shape_cast %swap3A_77 : vector<1x16xf32> to vector<16xf32>
      %swap3A_79 = vector.shape_cast %broadcast_in_dim3A_74 : vector<16xf32> to vector<1x16xf32>
      tpu.vector_store %arg13[%swap3A_75, %swap3A_76], %swap3A_79 {strides = array<i32>} : memref<16x128xf32, #tpu.memory_space<vmem>>, vector<1x16xf32>,
    }
    %scan3A_4 = arith.constant 16 : i32
    %scan3A_5 = arith.constant 0 : i32
    %scan3A_6 = arith.constant 40 : i32
    %scan3A_7 = arith.addi %scan3A_5, %scan3A_6 : i32
    %scan3A_8 = arith.constant 1 : i32
    scf.for %scan3A_25 = %scan3A_5 to %scan3A_7 step %scan3A_8  : i32 {
      %mul3A_26 = arith.constant 16 : i32
      %mul3A_27 = arith.muli %scan3A_25, %mul3A_26 : i32
      %add3A = arith.addi %mul3A_0, %mul3A_27 : i32
      "tpu.region"() ({
        %run_scoped3A = tpu.sem_alloc : memref<!tpu.dma_semaphore, #tpu.memory_space<semaphore_mem>>
        %dma_start3A = arith.constant 0 : i32
        %dma_start3A_28 = tpu.memref_slice %arg14[%add3A, %dma_start3A] : memref<10240x128xf32, #tpu.memory_space<vmem_shared>> -> memref<16x128xf32, #tpu.memory_space<vmem_shared>>
        %dma_start3A_29 = arith.constant 0 : i32
        %dma_start3A_30 = tpu.memref_slice %arg14[%add3A, %dma_start3A_29] : memref<10240x128xf32, #tpu.memory_space<vmem_shared>> -> memref<16x128xf32, #tpu.memory_space<vmem_shared>>
        tpu.enqueue_dma source(%arg13 : memref<16x128xf32, #tpu.memory_space<vmem>>) target(%dma_start3A_30 : memref<16x128xf32, #tpu.memory_space<vmem_shared>>) target_semaphore(%run_scoped3A : memref<!tpu.dma_semaphore, #tpu.memory_space<semaphore_mem>>)
        %dma_wait3A = arith.constant 0 : i32
        %dma_wait3A_31 = tpu.memref_slice %arg14[%add3A, %dma_wait3A] : memref<10240x128xf32, #tpu.memory_space<vmem_shared>> -> memref<16x128xf32, #tpu.memory_space<vmem_shared>>
        %dma_wait3A_32 = arith.constant 0 : i32
        %dma_wait3A_33 = tpu.memref_slice %arg14[%add3A, %dma_wait3A_32] : memref<10240x128xf32, #tpu.memory_space<vmem_shared>> -> memref<16x128xf32, #tpu.memory_space<vmem_shared>>
        tpu.wait_dma2 semaphore(%run_scoped3A : memref<!tpu.dma_semaphore, #tpu.memory_space<semaphore_mem>>) src(%arg13 : memref<16x128xf32, #tpu.memory_space<vmem>>) dst(%dma_wait3A_33 : memref<16x128xf32, #tpu.memory_space<vmem_shared>>)
        tpu.yield
      }) : () -> ()
    }
    %scan3A_9 = arith.constant 40 : i32
    %barrier3A = arith.constant 0 : index
    tpu.barrier barrier_id(%barrier3A)
    %mul3A_10 = arith.constant 84 : i32
    %mul3A_11 = arith.muli %arg1, %mul3A_10 : i32
    %eq3A = arith.constant 0 : i32
    %eq3A_12 = arith.cmpi eq, %arg0, %eq3A : i32
    %convert_element_type3A = arith.extui %eq3A_12 : i1 to i32
    %cond3A = arith.constant 0 : i32
    %cond3A_13 = arith.cmpi ne, %convert_element_type3A, %cond3A : i32
    scf.if %cond3A_13 {
      "tpu.region"() ({
        %run_scoped3A = tpu.sem_alloc : memref<!tpu.dma_semaphore, #tpu.memory_space<semaphore_mem>>
        %dma_start3A_474 = arith.constant 0 : i32
        %dma_start3A_475 = arith.constant 0 : i32
        %dma_start3A_476 = tpu.memref_slice %arg4[%mul3A_11, %dma_start3A_474, %dma_start3A_475] : memref<1344x1x128xi32, #tpu.memory_space<hbm>> -> memref<6x1x128xi32, #tpu.memory_space<hbm>>
        %dma_start3A_477 = arith.constant 0 : i32
        %dma_start3A_478 = arith.constant 0 : i32
        %dma_start3A_479 = tpu.memref_slice %arg4[%mul3A_11, %dma_start3A_477, %dma_start3A_478] : memref<1344x1x128xi32, #tpu.memory_space<hbm>> -> memref<6x1x128xi32, #tpu.memory_space<hbm>>
        tpu.enqueue_dma source(%dma_start3A_479 : memref<6x1x128xi32, #tpu.memory_space<hbm>>) target(%arg7 : memref<6x1x128xi32, #tpu.memory_space<vmem>>) target_semaphore(%run_scoped3A : memref<!tpu.dma_semaphore, #tpu.memory_space<semaphore_mem>>)
        %dma_wait3A_480 = arith.constant 0 : i32
        %dma_wait3A_481 = arith.constant 0 : i32
        %dma_wait3A_482 = tpu.memref_slice %arg4[%mul3A_11, %dma_wait3A_480, %dma_wait3A_481] : memref<1344x1x128xi32, #tpu.memory_space<hbm>> -> memref<6x1x128xi32, #tpu.memory_space<hbm>>
        %dma_wait3A_483 = arith.constant 0 : i32
        %dma_wait3A_484 = arith.constant 0 : i32
        %dma_wait3A_485 = tpu.memref_slice %arg4[%mul3A_11, %dma_wait3A_483, %dma_wait3A_484] : memref<1344x1x128xi32, #tpu.memory_space<hbm>> -> memref<6x1x128xi32, #tpu.memory_space<hbm>>
        tpu.wait_dma2 semaphore(%run_scoped3A : memref<!tpu.dma_semaphore, #tpu.memory_space<semaphore_mem>>) src(%dma_wait3A_485 : memref<6x1x128xi32, #tpu.memory_space<hbm>>) dst(%arg7 : memref<6x1x128xi32, #tpu.memory_space<vmem>>)
        tpu.yield
      }) : () -> ()
      "tpu.region"() ({
        %run_scoped3A = tpu.sem_alloc : memref<!tpu.dma_semaphore, #tpu.memory_space<semaphore_mem>>
        %dma_start3A_474 = arith.constant 0 : i32
        %dma_start3A_475 = arith.constant 0 : i32
        %dma_start3A_476 = tpu.memref_slice %arg5[%mul3A_11, %dma_start3A_474, %dma_start3A_475] : memref<1344x1x128xi32, #tpu.memory_space<hbm>> -> memref<6x1x128xi32, #tpu.memory_space<hbm>>
        %dma_start3A_477 = arith.constant 0 : i32
        %dma_start3A_478 = arith.constant 0 : i32
        %dma_start3A_479 = tpu.memref_slice %arg5[%mul3A_11, %dma_start3A_477, %dma_start3A_478] : memref<1344x1x128xi32, #tpu.memory_space<hbm>> -> memref<6x1x128xi32, #tpu.memory_space<hbm>>
        tpu.enqueue_dma source(%dma_start3A_479 : memref<6x1x128xi32, #tpu.memory_space<hbm>>) target(%arg8 : memref<6x1x128xi32, #tpu.memory_space<vmem>>) target_semaphore(%run_scoped3A : memref<!tpu.dma_semaphore, #tpu.memory_space<semaphore_mem>>)
        %dma_wait3A_480 = arith.constant 0 : i32
        %dma_wait3A_481 = arith.constant 0 : i32
        %dma_wait3A_482 = tpu.memref_slice %arg5[%mul3A_11, %dma_wait3A_480, %dma_wait3A_481] : memref<1344x1x128xi32, #tpu.memory_space<hbm>> -> memref<6x1x128xi32, #tpu.memory_space<hbm>>
        %dma_wait3A_483 = arith.constant 0 : i32
        %dma_wait3A_484 = arith.constant 0 : i32
        %dma_wait3A_485 = tpu.memref_slice %arg5[%mul3A_11, %dma_wait3A_483, %dma_wait3A_484] : memref<1344x1x128xi32, #tpu.memory_space<hbm>> -> memref<6x1x128xi32, #tpu.memory_space<hbm>>
        tpu.wait_dma2 semaphore(%run_scoped3A : memref<!tpu.dma_semaphore, #tpu.memory_space<semaphore_mem>>) src(%dma_wait3A_485 : memref<6x1x128xi32, #tpu.memory_space<hbm>>) dst(%arg8 : memref<6x1x128xi32, #tpu.memory_space<vmem>>)
        tpu.yield
      }) : () -> ()
      %dma_start3A = arith.constant 0 : i32
      %dma_start3A_25 = arith.constant 0 : i32
      %dma_start3A_26 = arith.constant 0 : i32
      %dma_start3A_27 = tpu.memref_slice %arg7[%dma_start3A, %dma_start3A_25, %dma_start3A_26] : memref<6x1x128xi32, #tpu.memory_space<vmem>> -> memref<1x1x128xi32, #tpu.memory_space<vmem>>
      %dma_start3A_28 = tpu.memref_squeeze %dma_start3A_27 : memref<1x1x128xi32, #tpu.memory_space<vmem>> -> memref<128xi32, #tpu.memory_space<vmem>>
      %dma_start3A_29 = arith.constant 0 : i32
      %dma_start3A_30 = arith.constant 0 : i32
      %dma_start3A_31 = tpu.memref_slice %arg2[%dma_start3A_29, %dma_start3A_30] : memref<10240x128xf32, #tpu.memory_space<hbm>> -> memref<10240x128xf32, #tpu.memory_space<hbm>>
      tpu.enqueue_indirect_dma source(%dma_start3A_31 : memref<10240x128xf32, #tpu.memory_space<hbm>>) target(%arg11 : memref<128x128xf32, #tpu.memory_space<vmem>>) offsets(%dma_start3A_28 : memref<128xi32, #tpu.memory_space<vmem>>) semaphore(%arg15 : memref<!tpu.dma_semaphore, #tpu.memory_space<semaphore_mem>>)
      %dma_start3A_32 = arith.constant 1 : i32
      %dma_start3A_33 = arith.constant 0 : i32
      %dma_start3A_34 = arith.constant 0 : i32
      %dma_start3A_35 = tpu.memref_slice %arg7[%dma_start3A_32, %dma_start3A_33, %dma_start3A_34] : memref<6x1x128xi32, #tpu.memory_space<vmem>> -> memref<1x1x128xi32, #tpu.memory_space<vmem>>
      %dma_start3A_36 = tpu.memref_squeeze %dma_start3A_35 : memref<1x1x128xi32, #tpu.memory_space<vmem>> -> memref<128xi32, #tpu.memory_space<vmem>>
      %dma_start3A_37 = arith.constant 0 : i32
      %dma_start3A_38 = arith.constant 0 : i32
      %dma_start3A_39 = tpu.memref_slice %arg2[%dma_start3A_37, %dma_start3A_38] : memref<10240x128xf32, #tpu.memory_space<hbm>> -> memref<10240x128xf32, #tpu.memory_space<hbm>>
      tpu.enqueue_indirect_dma source(%dma_start3A_39 : memref<10240x128xf32, #tpu.memory_space<hbm>>) target(%arg12 : memref<128x128xf32, #tpu.memory_space<vmem>>) offsets(%dma_start3A_36 : memref<128xi32, #tpu.memory_space<vmem>>) semaphore(%arg16 : memref<!tpu.dma_semaphore, #tpu.memory_space<semaphore_mem>>)
      %dma_wait3A = arith.constant 0 : i32
      %dma_wait3A_40 = arith.constant 0 : i32
      %dma_wait3A_41 = arith.constant 0 : i32
      %dma_wait3A_42 = tpu.memref_slice %arg7[%dma_wait3A, %dma_wait3A_40, %dma_wait3A_41] : memref<6x1x128xi32, #tpu.memory_space<vmem>> -> memref<1x1x128xi32, #tpu.memory_space<vmem>>
      %dma_wait3A_43 = tpu.memref_squeeze %dma_wait3A_42 : memref<1x1x128xi32, #tpu.memory_space<vmem>> -> memref<128xi32, #tpu.memory_space<vmem>>
      %dma_wait3A_44 = arith.constant 0 : i32
      %dma_wait3A_45 = arith.constant 0 : i32
      %dma_wait3A_46 = tpu.memref_slice %arg2[%dma_wait3A_44, %dma_wait3A_45] : memref<10240x128xf32, #tpu.memory_space<hbm>> -> memref<10240x128xf32, #tpu.memory_space<hbm>>
      tpu.wait_indirect_dma semaphore(%arg15 : memref<!tpu.dma_semaphore, #tpu.memory_space<semaphore_mem>>) src(%dma_wait3A_46 : memref<10240x128xf32, #tpu.memory_space<hbm>>) dst(%arg11 : memref<128x128xf32, #tpu.memory_space<vmem>>)
      %dma_start3A_47 = arith.constant 0 : i32
      %dma_start3A_48 = arith.constant 0 : i32
      %dma_start3A_49 = arith.constant 0 : i32
      %dma_start3A_50 = tpu.memref_slice %arg8[%dma_start3A_47, %dma_start3A_48, %dma_start3A_49] : memref<6x1x128xi32, #tpu.memory_space<vmem>> -> memref<1x1x128xi32, #tpu.memory_space<vmem>>
      %dma_start3A_51 = tpu.memref_squeeze %dma_start3A_50 : memref<1x1x128xi32, #tpu.memory_space<vmem>> -> memref<128xi32, #tpu.memory_space<vmem>>
      %dma_start3A_52 = arith.constant 0 : i32
      %dma_start3A_53 = arith.constant 0 : i32
      %dma_start3A_54 = tpu.memref_slice %arg14[%dma_start3A_52, %dma_start3A_53] : memref<10240x128xf32, #tpu.memory_space<vmem_shared>> -> memref<10240x128xf32, #tpu.memory_space<vmem_shared>>
      tpu.enqueue_indirect_dma source(%arg11 : memref<128x128xf32, #tpu.memory_space<vmem>>) target(%dma_start3A_54 : memref<10240x128xf32, #tpu.memory_space<vmem_shared>>) offsets(%dma_start3A_51 : memref<128xi32, #tpu.memory_space<vmem>>) semaphore(%arg17 : memref<!tpu.dma_semaphore, #tpu.memory_space<semaphore_mem>>) {add = true}
      %dma_wait3A_55 = arith.constant 0 : i32
      %dma_wait3A_56 = arith.constant 0 : i32
      %dma_wait3A_57 = arith.constant 0 : i32
      %dma_wait3A_58 = tpu.memref_slice %arg8[%dma_wait3A_55, %dma_wait3A_56, %dma_wait3A_57] : memref<6x1x128xi32, #tpu.memory_space<vmem>> -> memref<1x1x128xi32, #tpu.memory_space<vmem>>
      %dma_wait3A_59 = tpu.memref_squeeze %dma_wait3A_58 : memref<1x1x128xi32, #tpu.memory_space<vmem>> -> memref<128xi32, #tpu.memory_space<vmem>>
      %dma_wait3A_60 = arith.constant 0 : i32
      %dma_wait3A_61 = arith.constant 0 : i32
      %dma_wait3A_62 = tpu.memref_slice %arg14[%dma_wait3A_60, %dma_wait3A_61] : memref<10240x128xf32, #tpu.memory_space<vmem_shared>> -> memref<10240x128xf32, #tpu.memory_space<vmem_shared>>
      tpu.wait_indirect_dma semaphore(%arg17 : memref<!tpu.dma_semaphore, #tpu.memory_space<semaphore_mem>>) src(%arg11 : memref<128x128xf32, #tpu.memory_space<vmem>>) dst(%dma_wait3A_62 : memref<10240x128xf32, #tpu.memory_space<vmem_shared>>)
      %dma_start3A_63 = arith.constant 2 : i32
      %dma_start3A_64 = arith.constant 0 : i32
      %dma_start3A_65 = arith.constant 0 : i32
      %dma_start3A_66 = tpu.memref_slice %arg7[%dma_start3A_63, %dma_start3A_64, %dma_start3A_65] : memref<6x1x128xi32, #tpu.memory_space<vmem>> -> memref<1x1x128xi32, #tpu.memory_space<vmem>>
      %dma_start3A_67 = tpu.memref_squeeze %dma_start3A_66 : memref<1x1x128xi32, #tpu.memory_space<vmem>> -> memref<128xi32, #tpu.memory_space<vmem>>
      %dma_start3A_68 = arith.constant 0 : i32
      %dma_start3A_69 = arith.constant 0 : i32
      %dma_start3A_70 = tpu.memref_slice %arg2[%dma_start3A_68, %dma_start3A_69] : memref<10240x128xf32, #tpu.memory_space<hbm>> -> memref<10240x128xf32, #tpu.memory_space<hbm>>
      tpu.enqueue_indirect_dma source(%dma_start3A_70 : memref<10240x128xf32, #tpu.memory_space<hbm>>) target(%arg11 : memref<128x128xf32, #tpu.memory_space<vmem>>) offsets(%dma_start3A_67 : memref<128xi32, #tpu.memory_space<vmem>>) semaphore(%arg15 : memref<!tpu.dma_semaphore, #tpu.memory_space<semaphore_mem>>)
      %dma_wait3A_71 = arith.constant 0 : i32
      %dma_wait3A_72 = arith.constant 0 : i32
      %dma_wait3A_73 = arith.constant 0 : i32
      %dma_wait3A_74 = tpu.memref_slice %arg7[%dma_wait3A_71, %dma_wait3A_72, %dma_wait3A_73] : memref<6x1x128xi32, #tpu.memory_space<vmem>> -> memref<1x1x128xi32, #tpu.memory_space<vmem>>
      %dma_wait3A_75 = tpu.memref_squeeze %dma_wait3A_74 : memref<1x1x128xi32, #tpu.memory_space<vmem>> -> memref<128xi32, #tpu.memory_space<vmem>>
      %dma_wait3A_76 = arith.constant 0 : i32
      %dma_wait3A_77 = arith.constant 0 : i32
      %dma_wait3A_78 = tpu.memref_slice %arg2[%dma_wait3A_76, %dma_wait3A_77] : memref<10240x128xf32, #tpu.memory_space<hbm>> -> memref<10240x128xf32, #tpu.memory_space<hbm>>
      tpu.wait_indirect_dma semaphore(%arg16 : memref<!tpu.dma_semaphore, #tpu.memory_space<semaphore_mem>>) src(%dma_wait3A_78 : memref<10240x128xf32, #tpu.memory_space<hbm>>) dst(%arg12 : memref<128x128xf32, #tpu.memory_space<vmem>>)
      %dma_start3A_79 = arith.constant 1 : i32
      %dma_start3A_80 = arith.constant 0 : i32
      %dma_start3A_81 = arith.constant 0 : i32
      %dma_start3A_82 = tpu.memref_slice %arg8[%dma_start3A_79, %dma_start3A_80, %dma_start3A_81] : memref<6x1x128xi32, #tpu.memory_space<vmem>> -> memref<1x1x128xi32, #tpu.memory_space<vmem>>
      %dma_start3A_83 = tpu.memref_squeeze %dma_start3A_82 : memref<1x1x128xi32, #tpu.memory_space<vmem>> -> memref<128xi32, #tpu.memory_space<vmem>>
      %dma_start3A_84 = arith.constant 0 : i32
      %dma_start3A_85 = arith.constant 0 : i32
      %dma_start3A_86 = tpu.memref_slice %arg14[%dma_start3A_84, %dma_start3A_85] : memref<10240x128xf32, #tpu.memory_space<vmem_shared>> -> memref<10240x128xf32, #tpu.memory_space<vmem_shared>>
      tpu.enqueue_indirect_dma source(%arg12 : memref<128x128xf32, #tpu.memory_space<vmem>>) target(%dma_start3A_86 : memref<10240x128xf32, #tpu.memory_space<vmem_shared>>) offsets(%dma_start3A_83 : memref<128xi32, #tpu.memory_space<vmem>>) semaphore(%arg18 : memref<!tpu.dma_semaphore, #tpu.memory_space<semaphore_mem>>) {add = true}
      %min3A = arith.constant 6 : i32
      %min3A_87 = arith.constant 78 : i32
      %min3A_88 = arith.minsi %min3A, %min3A_87 : i32
      %add3A = arith.addi %mul3A_11, %min3A_88 : i32
      %dma_start3A_89 = arith.constant 0 : i32
      %dma_start3A_90 = arith.constant 0 : i32
      %dma_start3A_91 = tpu.memref_slice %arg4[%add3A, %dma_start3A_89, %dma_start3A_90] : memref<1344x1x128xi32, #tpu.memory_space<hbm>> -> memref<6x1x128xi32, #tpu.memory_space<hbm>>
      %dma_start3A_92 = arith.constant 0 : i32
      %dma_start3A_93 = arith.constant 0 : i32
      %dma_start3A_94 = tpu.memref_slice %arg4[%add3A, %dma_start3A_92, %dma_start3A_93] : memref<1344x1x128xi32, #tpu.memory_space<hbm>> -> memref<6x1x128xi32, #tpu.memory_space<hbm>>
      tpu.enqueue_dma source(%dma_start3A_94 : memref<6x1x128xi32, #tpu.memory_space<hbm>>) target(%arg9 : memref<6x1x128xi32, #tpu.memory_space<vmem>>) target_semaphore(%arg19 : memref<!tpu.dma_semaphore, #tpu.memory_space<semaphore_mem>>)
      %dma_start3A_95 = arith.constant 0 : i32
      %dma_start3A_96 = arith.constant 0 : i32
      %dma_start3A_97 = tpu.memref_slice %arg5[%add3A, %dma_start3A_95, %dma_start3A_96] : memref<1344x1x128xi32, #tpu.memory_space<hbm>> -> memref<6x1x128xi32, #tpu.memory_space<hbm>>
      %dma_start3A_98 = arith.constant 0 : i32
      %dma_start3A_99 = arith.constant 0 : i32
      %dma_start3A_100 = tpu.memref_slice %arg5[%add3A, %dma_start3A_98, %dma_start3A_99] : memref<1344x1x128xi32, #tpu.memory_space<hbm>> -> memref<6x1x128xi32, #tpu.memory_space<hbm>>
      tpu.enqueue_dma source(%dma_start3A_100 : memref<6x1x128xi32, #tpu.memory_space<hbm>>) target(%arg10 : memref<6x1x128xi32, #tpu.memory_space<vmem>>) target_semaphore(%arg19 : memref<!tpu.dma_semaphore, #tpu.memory_space<semaphore_mem>>)
      %dma_wait3A_101 = arith.constant 0 : i32
      %dma_wait3A_102 = arith.constant 0 : i32
      %dma_wait3A_103 = arith.constant 0 : i32
      %dma_wait3A_104 = tpu.memref_slice %arg8[%dma_wait3A_101, %dma_wait3A_102, %dma_wait3A_103] : memref<6x1x128xi32, #tpu.memory_space<vmem>> -> memref<1x1x128xi32, #tpu.memory_space<vmem>>
      %dma_wait3A_105 = tpu.memref_squeeze %dma_wait3A_104 : memref<1x1x128xi32, #tpu.memory_space<vmem>> -> memref<128xi32, #tpu.memory_space<vmem>>
      %dma_wait3A_106 = arith.constant 0 : i32
      %dma_wait3A_107 = arith.constant 0 : i32
      %dma_wait3A_108 = tpu.memref_slice %arg14[%dma_wait3A_106, %dma_wait3A_107] : memref<10240x128xf32, #tpu.memory_space<vmem_shared>> -> memref<10240x128xf32, #tpu.memory_space<vmem_shared>>
      tpu.wait_indirect_dma semaphore(%arg18 : memref<!tpu.dma_semaphore, #tpu.memory_space<semaphore_mem>>) src(%arg12 : memref<128x128xf32, #tpu.memory_space<vmem>>) dst(%dma_wait3A_108 : memref<10240x128xf32, #tpu.memory_space<vmem_shared>>)
      %dma_start3A_109 = arith.constant 3 : i32
      %dma_start3A_110 = arith.constant 0 : i32
      %dma_start3A_111 = arith.constant 0 : i32
      %dma_start3A_112 = tpu.memref_slice %arg7[%dma_start3A_109, %dma_start3A_110, %dma_start3A_111] : memref<6x1x128xi32, #tpu.memory_space<vmem>> -> memref<1x1x128xi32, #tpu.memory_space<vmem>>
      %dma_start3A_113 = tpu.memref_squeeze %dma_start3A_112 : memref<1x1x128xi32, #tpu.memory_space<vmem>> -> memref<128xi32, #tpu.memory_space<vmem>>
      %dma_start3A_114 = arith.constant 0 : i32
      %dma_start3A_115 = arith.constant 0 : i32
      %dma_start3A_116 = tpu.memref_slice %arg2[%dma_start3A_114, %dma_start3A_115] : memref<10240x128xf32, #tpu.memory_space<hbm>> -> memref<10240x128xf32, #tpu.memory_space<hbm>>
      tpu.enqueue_indirect_dma source(%dma_start3A_116 : memref<10240x128xf32, #tpu.memory_space<hbm>>) target(%arg12 : memref<128x128xf32, #tpu.memory_space<vmem>>) offsets(%dma_start3A_113 : memref<128xi32, #tpu.memory_space<vmem>>) semaphore(%arg16 : memref<!tpu.dma_semaphore, #tpu.memory_space<semaphore_mem>>)
      %dma_wait3A_117 = arith.constant 0 : i32
      %dma_wait3A_118 = arith.constant 0 : i32
      %dma_wait3A_119 = arith.constant 0 : i32
      %dma_wait3A_120 = tpu.memref_slice %arg7[%dma_wait3A_117, %dma_wait3A_118, %dma_wait3A_119] : memref<6x1x128xi32, #tpu.memory_space<vmem>> -> memref<1x1x128xi32, #tpu.memory_space<vmem>>
      %dma_wait3A_121 = tpu.memref_squeeze %dma_wait3A_120 : memref<1x1x128xi32, #tpu.memory_space<vmem>> -> memref<128xi32, #tpu.memory_space<vmem>>
      %dma_wait3A_122 = arith.constant 0 : i32
      %dma_wait3A_123 = arith.constant 0 : i32
      %dma_wait3A_124 = tpu.memref_slice %arg2[%dma_wait3A_122, %dma_wait3A_123] : memref<10240x128xf32, #tpu.memory_space<hbm>> -> memref<10240x128xf32, #tpu.memory_space<hbm>>
      tpu.wait_indirect_dma semaphore(%arg15 : memref<!tpu.dma_semaphore, #tpu.memory_space<semaphore_mem>>) src(%dma_wait3A_124 : memref<10240x128xf32, #tpu.memory_space<hbm>>) dst(%arg11 : memref<128x128xf32, #tpu.memory_space<vmem>>)
      %dma_start3A_125 = arith.constant 2 : i32
      %dma_start3A_126 = arith.constant 0 : i32
      %dma_start3A_127 = arith.constant 0 : i32
      %dma_start3A_128 = tpu.memref_slice %arg8[%dma_start3A_125, %dma_start3A_126, %dma_start3A_127] : memref<6x1x128xi32, #tpu.memory_space<vmem>> -> memref<1x1x128xi32, #tpu.memory_space<vmem>>
      %dma_start3A_129 = tpu.memref_squeeze %dma_start3A_128 : memref<1x1x128xi32, #tpu.memory_space<vmem>> -> memref<128xi32, #tpu.memory_space<vmem>>
      %dma_start3A_130 = arith.constant 0 : i32
      %dma_start3A_131 = arith.constant 0 : i32
      %dma_start3A_132 = tpu.memref_slice %arg14[%dma_start3A_130, %dma_start3A_131] : memref<10240x128xf32, #tpu.memory_space<vmem_shared>> -> memref<10240x128xf32, #tpu.memory_space<vmem_shared>>
      tpu.enqueue_indirect_dma source(%arg11 : memref<128x128xf32, #tpu.memory_space<vmem>>) target(%dma_start3A_132 : memref<10240x128xf32, #tpu.memory_space<vmem_shared>>) offsets(%dma_start3A_129 : memref<128xi32, #tpu.memory_space<vmem>>) semaphore(%arg17 : memref<!tpu.dma_semaphore, #tpu.memory_space<semaphore_mem>>) {add = true}
      %dma_wait3A_133 = arith.constant 0 : i32
      %dma_wait3A_134 = arith.constant 0 : i32
      %dma_wait3A_135 = arith.constant 0 : i32
      %dma_wait3A_136 = tpu.memref_slice %arg8[%dma_wait3A_133, %dma_wait3A_134, %dma_wait3A_135] : memref<6x1x128xi32, #tpu.memory_space<vmem>> -> memref<1x1x128xi32, #tpu.memory_space<vmem>>
      %dma_wait3A_137 = tpu.memref_squeeze %dma_wait3A_136 : memref<1x1x128xi32, #tpu.memory_space<vmem>> -> memref<128xi32, #tpu.memory_space<vmem>>
      %dma_wait3A_138 = arith.constant 0 : i32
      %dma_wait3A_139 = arith.constant 0 : i32
      %dma_wait3A_140 = tpu.memref_slice %arg14[%dma_wait3A_138, %dma_wait3A_139] : memref<10240x128xf32, #tpu.memory_space<vmem_shared>> -> memref<10240x128xf32, #tpu.memory_space<vmem_shared>>
      tpu.wait_indirect_dma semaphore(%arg17 : memref<!tpu.dma_semaphore, #tpu.memory_space<semaphore_mem>>) src(%arg11 : memref<128x128xf32, #tpu.memory_space<vmem>>) dst(%dma_wait3A_140 : memref<10240x128xf32, #tpu.memory_space<vmem_shared>>)
      %dma_start3A_141 = arith.constant 4 : i32
      %dma_start3A_142 = arith.constant 0 : i32
      %dma_start3A_143 = arith.constant 0 : i32
      %dma_start3A_144 = tpu.memref_slice %arg7[%dma_start3A_141, %dma_start3A_142, %dma_start3A_143] : memref<6x1x128xi32, #tpu.memory_space<vmem>> -> memref<1x1x128xi32, #tpu.memory_space<vmem>>
      %dma_start3A_145 = tpu.memref_squeeze %dma_start3A_144 : memref<1x1x128xi32, #tpu.memory_space<vmem>> -> memref<128xi32, #tpu.memory_space<vmem>>
      %dma_start3A_146 = arith.constant 0 : i32
      %dma_start3A_147 = arith.constant 0 : i32
      %dma_start3A_148 = tpu.memref_slice %arg2[%dma_start3A_146, %dma_start3A_147] : memref<10240x128xf32, #tpu.memory_space<hbm>> -> memref<10240x128xf32, #tpu.memory_space<hbm>>
      tpu.enqueue_indirect_dma source(%dma_start3A_148 : memref<10240x128xf32, #tpu.memory_space<hbm>>) target(%arg11 : memref<128x128xf32, #tpu.memory_space<vmem>>) offsets(%dma_start3A_145 : memref<128xi32, #tpu.memory_space<vmem>>) semaphore(%arg15 : memref<!tpu.dma_semaphore, #tpu.memory_space<semaphore_mem>>)
      %dma_wait3A_149 = arith.constant 0 : i32
      %dma_wait3A_150 = arith.constant 0 : i32
      %dma_wait3A_151 = arith.constant 0 : i32
      %dma_wait3A_152 = tpu.memref_slice %arg7[%dma_wait3A_149, %dma_wait3A_150, %dma_wait3A_151] : memref<6x1x128xi32, #tpu.memory_space<vmem>> -> memref<1x1x128xi32, #tpu.memory_space<vmem>>
      %dma_wait3A_153 = tpu.memref_squeeze %dma_wait3A_152 : memref<1x1x128xi32, #tpu.memory_space<vmem>> -> memref<128xi32, #tpu.memory_space<vmem>>
      %dma_wait3A_154 = arith.constant 0 : i32
      %dma_wait3A_155 = arith.constant 0 : i32
      %dma_wait3A_156 = tpu.memref_slice %arg2[%dma_wait3A_154, %dma_wait3A_155] : memref<10240x128xf32, #tpu.memory_space<hbm>> -> memref<10240x128xf32, #tpu.memory_space<hbm>>
      tpu.wait_indirect_dma semaphore(%arg16 : memref<!tpu.dma_semaphore, #tpu.memory_space<semaphore_mem>>) src(%dma_wait3A_156 : memref<10240x128xf32, #tpu.memory_space<hbm>>) dst(%arg12 : memref<128x128xf32, #tpu.memory_space<vmem>>)
      %dma_start3A_157 = arith.constant 3 : i32
      %dma_start3A_158 = arith.constant 0 : i32
      %dma_start3A_159 = arith.constant 0 : i32
      %dma_start3A_160 = tpu.memref_slice %arg8[%dma_start3A_157, %dma_start3A_158, %dma_start3A_159] : memref<6x1x128xi32, #tpu.memory_space<vmem>> -> memref<1x1x128xi32, #tpu.memory_space<vmem>>
      %dma_start3A_161 = tpu.memref_squeeze %dma_start3A_160 : memref<1x1x128xi32, #tpu.memory_space<vmem>> -> memref<128xi32, #tpu.memory_space<vmem>>
      %dma_start3A_162 = arith.constant 0 : i32
      %dma_start3A_163 = arith.constant 0 : i32
      %dma_start3A_164 = tpu.memref_slice %arg14[%dma_start3A_162, %dma_start3A_163] : memref<10240x128xf32, #tpu.memory_space<vmem_shared>> -> memref<10240x128xf32, #tpu.memory_space<vmem_shared>>
      tpu.enqueue_indirect_dma source(%arg12 : memref<128x128xf32, #tpu.memory_space<vmem>>) target(%dma_start3A_164 : memref<10240x128xf32, #tpu.memory_space<vmem_shared>>) offsets(%dma_start3A_161 : memref<128xi32, #tpu.memory_space<vmem>>) semaphore(%arg18 : memref<!tpu.dma_semaphore, #tpu.memory_space<semaphore_mem>>) {add = true}
      %dma_wait3A_165 = arith.constant 0 : i32
      %dma_wait3A_166 = arith.constant 0 : i32
      %dma_wait3A_167 = arith.constant 0 : i32
      %dma_wait3A_168 = tpu.memref_slice %arg8[%dma_wait3A_165, %dma_wait3A_166, %dma_wait3A_167] : memref<6x1x128xi32, #tpu.memory_space<vmem>> -> memref<1x1x128xi32, #tpu.memory_space<vmem>>
      %dma_wait3A_169 = tpu.memref_squeeze %dma_wait3A_168 : memref<1x1x128xi32, #tpu.memory_space<vmem>> -> memref<128xi32, #tpu.memory_space<vmem>>
      %dma_wait3A_170 = arith.constant 0 : i32
      %dma_wait3A_171 = arith.constant 0 : i32
      %dma_wait3A_172 = tpu.memref_slice %arg14[%dma_wait3A_170, %dma_wait3A_171] : memref<10240x128xf32, #tpu.memory_space<vmem_shared>> -> memref<10240x128xf32, #tpu.memory_space<vmem_shared>>
      tpu.wait_indirect_dma semaphore(%arg18 : memref<!tpu.dma_semaphore, #tpu.memory_space<semaphore_mem>>) src(%arg12 : memref<128x128xf32, #tpu.memory_space<vmem>>) dst(%dma_wait3A_172 : memref<10240x128xf32, #tpu.memory_space<vmem_shared>>)
      %dma_start3A_173 = arith.constant 5 : i32
      %dma_start3A_174 = arith.constant 0 : i32
      %dma_start3A_175 = arith.constant 0 : i32
      %dma_start3A_176 = tpu.memref_slice %arg7[%dma_start3A_173, %dma_start3A_174, %dma_start3A_175] : memref<6x1x128xi32, #tpu.memory_space<vmem>> -> memref<1x1x128xi32, #tpu.memory_space<vmem>>
      %dma_start3A_177 = tpu.memref_squeeze %dma_start3A_176 : memref<1x1x128xi32, #tpu.memory_space<vmem>> -> memref<128xi32, #tpu.memory_space<vmem>>
      %dma_start3A_178 = arith.constant 0 : i32
      %dma_start3A_179 = arith.constant 0 : i32
      %dma_start3A_180 = tpu.memref_slice %arg2[%dma_start3A_178, %dma_start3A_179] : memref<10240x128xf32, #tpu.memory_space<hbm>> -> memref<10240x128xf32, #tpu.memory_space<hbm>>
      tpu.enqueue_indirect_dma source(%dma_start3A_180 : memref<10240x128xf32, #tpu.memory_space<hbm>>) target(%arg12 : memref<128x128xf32, #tpu.memory_space<vmem>>) offsets(%dma_start3A_177 : memref<128xi32, #tpu.memory_space<vmem>>) semaphore(%arg16 : memref<!tpu.dma_semaphore, #tpu.memory_space<semaphore_mem>>)
      %dma_wait3A_181 = arith.constant 0 : i32
      %dma_wait3A_182 = arith.constant 0 : i32
      %dma_wait3A_183 = arith.constant 0 : i32
      %dma_wait3A_184 = tpu.memref_slice %arg7[%dma_wait3A_181, %dma_wait3A_182, %dma_wait3A_183] : memref<6x1x128xi32, #tpu.memory_space<vmem>> -> memref<1x1x128xi32, #tpu.memory_space<vmem>>
      %dma_wait3A_185 = tpu.memref_squeeze %dma_wait3A_184 : memref<1x1x128xi32, #tpu.memory_space<vmem>> -> memref<128xi32, #tpu.memory_space<vmem>>
      %dma_wait3A_186 = arith.constant 0 : i32
      %dma_wait3A_187 = arith.constant 0 : i32
      %dma_wait3A_188 = tpu.memref_slice %arg2[%dma_wait3A_186, %dma_wait3A_187] : memref<10240x128xf32, #tpu.memory_space<hbm>> -> memref<10240x128xf32, #tpu.memory_space<hbm>>
      tpu.wait_indirect_dma semaphore(%arg15 : memref<!tpu.dma_semaphore, #tpu.memory_space<semaphore_mem>>) src(%dma_wait3A_188 : memref<10240x128xf32, #tpu.memory_space<hbm>>) dst(%arg11 : memref<128x128xf32, #tpu.memory_space<vmem>>)
      %dma_start3A_189 = arith.constant 4 : i32
      %dma_start3A_190 = arith.constant 0 : i32
      %dma_start3A_191 = arith.constant 0 : i32
      %dma_start3A_192 = tpu.memref_slice %arg8[%dma_start3A_189, %dma_start3A_190, %dma_start3A_191] : memref<6x1x128xi32, #tpu.memory_space<vmem>> -> memref<1x1x128xi32, #tpu.memory_space<vmem>>
      %dma_start3A_193 = tpu.memref_squeeze %dma_start3A_192 : memref<1x1x128xi32, #tpu.memory_space<vmem>> -> memref<128xi32, #tpu.memory_space<vmem>>
      %dma_start3A_194 = arith.constant 0 : i32
      %dma_start3A_195 = arith.constant 0 : i32
      %dma_start3A_196 = tpu.memref_slice %arg14[%dma_start3A_194, %dma_start3A_195] : memref<10240x128xf32, #tpu.memory_space<vmem_shared>> -> memref<10240x128xf32, #tpu.memory_space<vmem_shared>>
      tpu.enqueue_indirect_dma source(%arg11 : memref<128x128xf32, #tpu.memory_space<vmem>>) target(%dma_start3A_196 : memref<10240x128xf32, #tpu.memory_space<vmem_shared>>) offsets(%dma_start3A_193 : memref<128xi32, #tpu.memory_space<vmem>>) semaphore(%arg17 : memref<!tpu.dma_semaphore, #tpu.memory_space<semaphore_mem>>) {add = true}
      %dma_wait3A_197 = arith.constant 0 : i32
      %dma_wait3A_198 = arith.constant 0 : i32
      %dma_wait3A_199 = arith.constant 0 : i32
      %dma_wait3A_200 = tpu.memref_slice %arg4[%dma_wait3A_197, %dma_wait3A_198, %dma_wait3A_199] : memref<1344x1x128xi32, #tpu.memory_space<hbm>> -> memref<6x1x128xi32, #tpu.memory_space<hbm>>
      %dma_wait3A_201 = arith.constant 0 : i32
      %dma_wait3A_202 = arith.constant 0 : i32
      %dma_wait3A_203 = arith.constant 0 : i32
      %dma_wait3A_204 = tpu.memref_slice %arg4[%dma_wait3A_201, %dma_wait3A_202, %dma_wait3A_203] : memref<1344x1x128xi32, #tpu.memory_space<hbm>> -> memref<6x1x128xi32, #tpu.memory_space<hbm>>
      tpu.wait_dma2 semaphore(%arg19 : memref<!tpu.dma_semaphore, #tpu.memory_space<semaphore_mem>>) src(%dma_wait3A_204 : memref<6x1x128xi32, #tpu.memory_space<hbm>>) dst(%arg7 : memref<6x1x128xi32, #tpu.memory_space<vmem>>)
      %dma_wait3A_205 = arith.constant 0 : i32
      %dma_wait3A_206 = arith.constant 0 : i32
      %dma_wait3A_207 = arith.constant 0 : i32
      %dma_wait3A_208 = tpu.memref_slice %arg4[%dma_wait3A_205, %dma_wait3A_206, %dma_wait3A_207] : memref<1344x1x128xi32, #tpu.memory_space<hbm>> -> memref<6x1x128xi32, #tpu.memory_space<hbm>>
      %dma_wait3A_209 = arith.constant 0 : i32
      %dma_wait3A_210 = arith.constant 0 : i32
      %dma_wait3A_211 = arith.constant 0 : i32
      %dma_wait3A_212 = tpu.memref_slice %arg4[%dma_wait3A_209, %dma_wait3A_210, %dma_wait3A_211] : memref<1344x1x128xi32, #tpu.memory_space<hbm>> -> memref<6x1x128xi32, #tpu.memory_space<hbm>>
      tpu.wait_dma2 semaphore(%arg19 : memref<!tpu.dma_semaphore, #tpu.memory_space<semaphore_mem>>) src(%dma_wait3A_212 : memref<6x1x128xi32, #tpu.memory_space<hbm>>) dst(%arg7 : memref<6x1x128xi32, #tpu.memory_space<vmem>>)
      %scan3A_213 = arith.constant 0 : i32
      %scan3A_214 = arith.constant 6 : i32
      %scan3A_215 = arith.addi %scan3A_213, %scan3A_214 : i32
      %scan3A_216 = arith.constant 1 : i32
      scf.for %scan3A_474 = %scan3A_213 to %scan3A_215 step %scan3A_216  : i32 {
        %mul3A_475 = arith.constant 2 : i32
        %mul3A_476 = arith.muli %mul3A_475, %scan3A_474 : i32
        %add3A_477 = arith.constant 1 : i32
        %add3A_478 = arith.addi %mul3A_476, %add3A_477 : i32
        %dma_wait3A_479 = arith.constant 0 : i32
        %dma_wait3A_480 = arith.constant 0 : i32
        %dma_wait3A_481 = arith.constant 0 : i32
        %dma_wait3A_482 = tpu.memref_slice %arg8[%dma_wait3A_479, %dma_wait3A_480, %dma_wait3A_481] : memref<6x1x128xi32, #tpu.memory_space<vmem>> -> memref<1x1x128xi32, #tpu.memory_space<vmem>>
        %dma_wait3A_483 = tpu.memref_squeeze %dma_wait3A_482 : memref<1x1x128xi32, #tpu.memory_space<vmem>> -> memref<128xi32, #tpu.memory_space<vmem>>
        %dma_wait3A_484 = arith.constant 0 : i32
        %dma_wait3A_485 = arith.constant 0 : i32
        %dma_wait3A_486 = tpu.memref_slice %arg14[%dma_wait3A_484, %dma_wait3A_485] : memref<10240x128xf32, #tpu.memory_space<vmem_shared>> -> memref<10240x128xf32, #tpu.memory_space<vmem_shared>>
        tpu.wait_indirect_dma semaphore(%arg17 : memref<!tpu.dma_semaphore, #tpu.memory_space<semaphore_mem>>) src(%arg11 : memref<128x128xf32, #tpu.memory_space<vmem>>) dst(%dma_wait3A_486 : memref<10240x128xf32, #tpu.memory_space<vmem_shared>>)
        %dma_start3A_487 = arith.constant 0 : i32
        %dma_start3A_488 = arith.constant 0 : i32
        %dma_start3A_489 = arith.constant 0 : i32
        %dma_start3A_490 = tpu.memref_slice %arg9[%dma_start3A_487, %dma_start3A_488, %dma_start3A_489] : memref<6x1x128xi32, #tpu.memory_space<vmem>> -> memref<1x1x128xi32, #tpu.memory_space<vmem>>
        %dma_start3A_491 = tpu.memref_squeeze %dma_start3A_490 : memref<1x1x128xi32, #tpu.memory_space<vmem>> -> memref<128xi32, #tpu.memory_space<vmem>>
        %dma_start3A_492 = arith.constant 0 : i32
        %dma_start3A_493 = arith.constant 0 : i32
        %dma_start3A_494 = tpu.memref_slice %arg2[%dma_start3A_492, %dma_start3A_493] : memref<10240x128xf32, #tpu.memory_space<hbm>> -> memref<10240x128xf32, #tpu.memory_space<hbm>>
        tpu.enqueue_indirect_dma source(%dma_start3A_494 : memref<10240x128xf32, #tpu.memory_space<hbm>>) target(%arg11 : memref<128x128xf32, #tpu.memory_space<vmem>>) offsets(%dma_start3A_491 : memref<128xi32, #tpu.memory_space<vmem>>) semaphore(%arg15 : memref<!tpu.dma_semaphore, #tpu.memory_space<semaphore_mem>>)
        %dma_wait3A_495 = arith.constant 0 : i32
        %dma_wait3A_496 = arith.constant 0 : i32
        %dma_wait3A_497 = arith.constant 0 : i32
        %dma_wait3A_498 = tpu.memref_slice %arg7[%dma_wait3A_495, %dma_wait3A_496, %dma_wait3A_497] : memref<6x1x128xi32, #tpu.memory_space<vmem>> -> memref<1x1x128xi32, #tpu.memory_space<vmem>>
        %dma_wait3A_499 = tpu.memref_squeeze %dma_wait3A_498 : memref<1x1x128xi32, #tpu.memory_space<vmem>> -> memref<128xi32, #tpu.memory_space<vmem>>
        %dma_wait3A_500 = arith.constant 0 : i32
        %dma_wait3A_501 = arith.constant 0 : i32
        %dma_wait3A_502 = tpu.memref_slice %arg2[%dma_wait3A_500, %dma_wait3A_501] : memref<10240x128xf32, #tpu.memory_space<hbm>> -> memref<10240x128xf32, #tpu.memory_space<hbm>>
        tpu.wait_indirect_dma semaphore(%arg16 : memref<!tpu.dma_semaphore, #tpu.memory_space<semaphore_mem>>) src(%dma_wait3A_502 : memref<10240x128xf32, #tpu.memory_space<hbm>>) dst(%arg12 : memref<128x128xf32, #tpu.memory_space<vmem>>)
        %dma_start3A_503 = arith.constant 5 : i32
        %dma_start3A_504 = arith.constant 0 : i32
        %dma_start3A_505 = arith.constant 0 : i32
        %dma_start3A_506 = tpu.memref_slice %arg8[%dma_start3A_503, %dma_start3A_504, %dma_start3A_505] : memref<6x1x128xi32, #tpu.memory_space<vmem>> -> memref<1x1x128xi32, #tpu.memory_space<vmem>>
        %dma_start3A_507 = tpu.memref_squeeze %dma_start3A_506 : memref<1x1x128xi32, #tpu.memory_space<vmem>> -> memref<128xi32, #tpu.memory_space<vmem>>
        %dma_start3A_508 = arith.constant 0 : i32
        %dma_start3A_509 = arith.constant 0 : i32
        %dma_start3A_510 = tpu.memref_slice %arg14[%dma_start3A_508, %dma_start3A_509] : memref<10240x128xf32, #tpu.memory_space<vmem_shared>> -> memref<10240x128xf32, #tpu.memory_space<vmem_shared>>
        tpu.enqueue_indirect_dma source(%arg12 : memref<128x128xf32, #tpu.memory_space<vmem>>) target(%dma_start3A_510 : memref<10240x128xf32, #tpu.memory_space<vmem_shared>>) offsets(%dma_start3A_507 : memref<128xi32, #tpu.memory_space<vmem>>) semaphore(%arg18 : memref<!tpu.dma_semaphore, #tpu.memory_space<semaphore_mem>>) {add = true}
        %dma_wait3A_511 = arith.constant 0 : i32
        %dma_wait3A_512 = arith.constant 0 : i32
        %dma_wait3A_513 = arith.constant 0 : i32
        %dma_wait3A_514 = tpu.memref_slice %arg8[%dma_wait3A_511, %dma_wait3A_512, %dma_wait3A_513] : memref<6x1x128xi32, #tpu.memory_space<vmem>> -> memref<1x1x128xi32, #tpu.memory_space<vmem>>
        %dma_wait3A_515 = tpu.memref_squeeze %dma_wait3A_514 : memref<1x1x128xi32, #tpu.memory_space<vmem>> -> memref<128xi32, #tpu.memory_space<vmem>>
        %dma_wait3A_516 = arith.constant 0 : i32
        %dma_wait3A_517 = arith.constant 0 : i32
        %dma_wait3A_518 = tpu.memref_slice %arg14[%dma_wait3A_516, %dma_wait3A_517] : memref<10240x128xf32, #tpu.memory_space<vmem_shared>> -> memref<10240x128xf32, #tpu.memory_space<vmem_shared>>
        tpu.wait_indirect_dma semaphore(%arg18 : memref<!tpu.dma_semaphore, #tpu.memory_space<semaphore_mem>>) src(%arg12 : memref<128x128xf32, #tpu.memory_space<vmem>>) dst(%dma_wait3A_518 : memref<10240x128xf32, #tpu.memory_space<vmem_shared>>)
        %dma_start3A_519 = arith.constant 1 : i32
        %dma_start3A_520 = arith.constant 0 : i32
        %dma_start3A_521 = arith.constant 0 : i32
        %dma_start3A_522 = tpu.memref_slice %arg9[%dma_start3A_519, %dma_start3A_520, %dma_start3A_521] : memref<6x1x128xi32, #tpu.memory_space<vmem>> -> memref<1x1x128xi32, #tpu.memory_space<vmem>>
        %dma_start3A_523 = tpu.memref_squeeze %dma_start3A_522 : memref<1x1x128xi32, #tpu.memory_space<vmem>> -> memref<128xi32, #tpu.memory_space<vmem>>
        %dma_start3A_524 = arith.constant 0 : i32
        %dma_start3A_525 = arith.constant 0 : i32
        %dma_start3A_526 = tpu.memref_slice %arg2[%dma_start3A_524, %dma_start3A_525] : memref<10240x128xf32, #tpu.memory_space<hbm>> -> memref<10240x128xf32, #tpu.memory_space<hbm>>
        tpu.enqueue_indirect_dma source(%dma_start3A_526 : memref<10240x128xf32, #tpu.memory_space<hbm>>) target(%arg12 : memref<128x128xf32, #tpu.memory_space<vmem>>) offsets(%dma_start3A_523 : memref<128xi32, #tpu.memory_space<vmem>>) semaphore(%arg16 : memref<!tpu.dma_semaphore, #tpu.memory_space<semaphore_mem>>)
        %dma_wait3A_527 = arith.constant 0 : i32
        %dma_wait3A_528 = arith.constant 0 : i32
        %dma_wait3A_529 = arith.constant 0 : i32
        %dma_wait3A_530 = tpu.memref_slice %arg7[%dma_wait3A_527, %dma_wait3A_528, %dma_wait3A_529] : memref<6x1x128xi32, #tpu.memory_space<vmem>> -> memref<1x1x128xi32, #tpu.memory_space<vmem>>
        %dma_wait3A_531 = tpu.memref_squeeze %dma_wait3A_530 : memref<1x1x128xi32, #tpu.memory_space<vmem>> -> memref<128xi32, #tpu.memory_space<vmem>>
        %dma_wait3A_532 = arith.constant 0 : i32
        %dma_wait3A_533 = arith.constant 0 : i32
        %dma_wait3A_534 = tpu.memref_slice %arg2[%dma_wait3A_532, %dma_wait3A_533] : memref<10240x128xf32, #tpu.memory_space<hbm>> -> memref<10240x128xf32, #tpu.memory_space<hbm>>
        tpu.wait_indirect_dma semaphore(%arg15 : memref<!tpu.dma_semaphore, #tpu.memory_space<semaphore_mem>>) src(%dma_wait3A_534 : memref<10240x128xf32, #tpu.memory_space<hbm>>) dst(%arg11 : memref<128x128xf32, #tpu.memory_space<vmem>>)
        %dma_start3A_535 = arith.constant 0 : i32
        %dma_start3A_536 = arith.constant 0 : i32
        %dma_start3A_537 = arith.constant 0 : i32
        %dma_start3A_538 = tpu.memref_slice %arg10[%dma_start3A_535, %dma_start3A_536, %dma_start3A_537] : memref<6x1x128xi32, #tpu.memory_space<vmem>> -> memref<1x1x128xi32, #tpu.memory_space<vmem>>
        %dma_start3A_539 = tpu.memref_squeeze %dma_start3A_538 : memref<1x1x128xi32, #tpu.memory_space<vmem>> -> memref<128xi32, #tpu.memory_space<vmem>>
        %dma_start3A_540 = arith.constant 0 : i32
        %dma_start3A_541 = arith.constant 0 : i32
        %dma_start3A_542 = tpu.memref_slice %arg14[%dma_start3A_540, %dma_start3A_541] : memref<10240x128xf32, #tpu.memory_space<vmem_shared>> -> memref<10240x128xf32, #tpu.memory_space<vmem_shared>>
        tpu.enqueue_indirect_dma source(%arg11 : memref<128x128xf32, #tpu.memory_space<vmem>>) target(%dma_start3A_542 : memref<10240x128xf32, #tpu.memory_space<vmem_shared>>) offsets(%dma_start3A_539 : memref<128xi32, #tpu.memory_space<vmem>>) semaphore(%arg17 : memref<!tpu.dma_semaphore, #tpu.memory_space<semaphore_mem>>) {add = true}
        %dma_wait3A_543 = arith.constant 0 : i32
        %dma_wait3A_544 = arith.constant 0 : i32
        %dma_wait3A_545 = arith.constant 0 : i32
        %dma_wait3A_546 = tpu.memref_slice %arg8[%dma_wait3A_543, %dma_wait3A_544, %dma_wait3A_545] : memref<6x1x128xi32, #tpu.memory_space<vmem>> -> memref<1x1x128xi32, #tpu.memory_space<vmem>>
        %dma_wait3A_547 = tpu.memref_squeeze %dma_wait3A_546 : memref<1x1x128xi32, #tpu.memory_space<vmem>> -> memref<128xi32, #tpu.memory_space<vmem>>
        %dma_wait3A_548 = arith.constant 0 : i32
        %dma_wait3A_549 = arith.constant 0 : i32
        %dma_wait3A_550 = tpu.memref_slice %arg14[%dma_wait3A_548, %dma_wait3A_549] : memref<10240x128xf32, #tpu.memory_space<vmem_shared>> -> memref<10240x128xf32, #tpu.memory_space<vmem_shared>>
        tpu.wait_indirect_dma semaphore(%arg17 : memref<!tpu.dma_semaphore, #tpu.memory_space<semaphore_mem>>) src(%arg11 : memref<128x128xf32, #tpu.memory_space<vmem>>) dst(%dma_wait3A_550 : memref<10240x128xf32, #tpu.memory_space<vmem_shared>>)
        %dma_start3A_551 = arith.constant 2 : i32
        %dma_start3A_552 = arith.constant 0 : i32
        %dma_start3A_553 = arith.constant 0 : i32
        %dma_start3A_554 = tpu.memref_slice %arg9[%dma_start3A_551, %dma_start3A_552, %dma_start3A_553] : memref<6x1x128xi32, #tpu.memory_space<vmem>> -> memref<1x1x128xi32, #tpu.memory_space<vmem>>
        %dma_start3A_555 = tpu.memref_squeeze %dma_start3A_554 : memref<1x1x128xi32, #tpu.memory_space<vmem>> -> memref<128xi32, #tpu.memory_space<vmem>>
        %dma_start3A_556 = arith.constant 0 : i32
        %dma_start3A_557 = arith.constant 0 : i32
        %dma_start3A_558 = tpu.memref_slice %arg2[%dma_start3A_556, %dma_start3A_557] : memref<10240x128xf32, #tpu.memory_space<hbm>> -> memref<10240x128xf32, #tpu.memory_space<hbm>>
        tpu.enqueue_indirect_dma source(%dma_start3A_558 : memref<10240x128xf32, #tpu.memory_space<hbm>>) target(%arg11 : memref<128x128xf32, #tpu.memory_space<vmem>>) offsets(%dma_start3A_555 : memref<128xi32, #tpu.memory_space<vmem>>) semaphore(%arg15 : memref<!tpu.dma_semaphore, #tpu.memory_space<semaphore_mem>>)
        %dma_wait3A_559 = arith.constant 0 : i32
        %dma_wait3A_560 = arith.constant 0 : i32
        %dma_wait3A_561 = arith.constant 0 : i32
        %dma_wait3A_562 = tpu.memref_slice %arg7[%dma_wait3A_559, %dma_wait3A_560, %dma_wait3A_561] : memref<6x1x128xi32, #tpu.memory_space<vmem>> -> memref<1x1x128xi32, #tpu.memory_space<vmem>>
        %dma_wait3A_563 = tpu.memref_squeeze %dma_wait3A_562 : memref<1x1x128xi32, #tpu.memory_space<vmem>> -> memref<128xi32, #tpu.memory_space<vmem>>
        %dma_wait3A_564 = arith.constant 0 : i32
        %dma_wait3A_565 = arith.constant 0 : i32
        %dma_wait3A_566 = tpu.memref_slice %arg2[%dma_wait3A_564, %dma_wait3A_565] : memref<10240x128xf32, #tpu.memory_space<hbm>> -> memref<10240x128xf32, #tpu.memory_space<hbm>>
        tpu.wait_indirect_dma semaphore(%arg16 : memref<!tpu.dma_semaphore, #tpu.memory_space<semaphore_mem>>) src(%dma_wait3A_566 : memref<10240x128xf32, #tpu.memory_space<hbm>>) dst(%arg12 : memref<128x128xf32, #tpu.memory_space<vmem>>)
        %dma_start3A_567 = arith.constant 1 : i32
        %dma_start3A_568 = arith.constant 0 : i32
        %dma_start3A_569 = arith.constant 0 : i32
        %dma_start3A_570 = tpu.memref_slice %arg10[%dma_start3A_567, %dma_start3A_568, %dma_start3A_569] : memref<6x1x128xi32, #tpu.memory_space<vmem>> -> memref<1x1x128xi32, #tpu.memory_space<vmem>>
        %dma_start3A_571 = tpu.memref_squeeze %dma_start3A_570 : memref<1x1x128xi32, #tpu.memory_space<vmem>> -> memref<128xi32, #tpu.memory_space<vmem>>
        %dma_start3A_572 = arith.constant 0 : i32
        %dma_start3A_573 = arith.constant 0 : i32
        %dma_start3A_574 = tpu.memref_slice %arg14[%dma_start3A_572, %dma_start3A_573] : memref<10240x128xf32, #tpu.memory_space<vmem_shared>> -> memref<10240x128xf32, #tpu.memory_space<vmem_shared>>
        tpu.enqueue_indirect_dma source(%arg12 : memref<128x128xf32, #tpu.memory_space<vmem>>) target(%dma_start3A_574 : memref<10240x128xf32, #tpu.memory_space<vmem_shared>>) offsets(%dma_start3A_571 : memref<128xi32, #tpu.memory_space<vmem>>) semaphore(%arg18 : memref<!tpu.dma_semaphore, #tpu.memory_space<semaphore_mem>>) {add = true}
        %add3A_575 = arith.constant 1 : i32
        %add3A_576 = arith.addi %add3A_478, %add3A_575 : i32
        %mul3A_577 = arith.constant 6 : i32
        %mul3A_578 = arith.muli %add3A_576, %mul3A_577 : i32
        %min3A_579 = arith.constant 78 : i32
        %min3A_580 = arith.minsi %mul3A_578, %min3A_579 : i32
        %add3A_581 = arith.addi %mul3A_11, %min3A_580 : i32
        %dma_start3A_582 = arith.constant 0 : i32
        %dma_start3A_583 = arith.constant 0 : i32
        %dma_start3A_584 = tpu.memref_slice %arg4[%add3A_581, %dma_start3A_582, %dma_start3A_583] : memref<1344x1x128xi32, #tpu.memory_space<hbm>> -> memref<6x1x128xi32, #tpu.memory_space<hbm>>
        %dma_start3A_585 = arith.constant 0 : i32
        %dma_start3A_586 = arith.constant 0 : i32
        %dma_start3A_587 = tpu.memref_slice %arg4[%add3A_581, %dma_start3A_585, %dma_start3A_586] : memref<1344x1x128xi32, #tpu.memory_space<hbm>> -> memref<6x1x128xi32, #tpu.memory_space<hbm>>
        tpu.enqueue_dma source(%dma_start3A_587 : memref<6x1x128xi32, #tpu.memory_space<hbm>>) target(%arg7 : memref<6x1x128xi32, #tpu.memory_space<vmem>>) target_semaphore(%arg19 : memref<!tpu.dma_semaphore, #tpu.memory_space<semaphore_mem>>)
        %dma_start3A_588 = arith.constant 0 : i32
        %dma_start3A_589 = arith.constant 0 : i32
        %dma_start3A_590 = tpu.memref_slice %arg5[%add3A_581, %dma_start3A_588, %dma_start3A_589] : memref<1344x1x128xi32, #tpu.memory_space<hbm>> -> memref<6x1x128xi32, #tpu.memory_space<hbm>>
        %dma_start3A_591 = arith.constant 0 : i32
        %dma_start3A_592 = arith.constant 0 : i32
        %dma_start3A_593 = tpu.memref_slice %arg5[%add3A_581, %dma_start3A_591, %dma_start3A_592] : memref<1344x1x128xi32, #tpu.memory_space<hbm>> -> memref<6x1x128xi32, #tpu.memory_space<hbm>>
        tpu.enqueue_dma source(%dma_start3A_593 : memref<6x1x128xi32, #tpu.memory_space<hbm>>) target(%arg8 : memref<6x1x128xi32, #tpu.memory_space<vmem>>) target_semaphore(%arg19 : memref<!tpu.dma_semaphore, #tpu.memory_space<semaphore_mem>>)
        %dma_wait3A_594 = arith.constant 0 : i32
        %dma_wait3A_595 = arith.constant 0 : i32
        %dma_wait3A_596 = arith.constant 0 : i32
        %dma_wait3A_597 = tpu.memref_slice %arg8[%dma_wait3A_594, %dma_wait3A_595, %dma_wait3A_596] : memref<6x1x128xi32, #tpu.memory_space<vmem>> -> memref<1x1x128xi32, #tpu.memory_space<vmem>>
        %dma_wait3A_598 = tpu.memref_squeeze %dma_wait3A_597 : memref<1x1x128xi32, #tpu.memory_space<vmem>> -> memref<128xi32, #tpu.memory_space<vmem>>
        %dma_wait3A_599 = arith.constant 0 : i32
        %dma_wait3A_600 = arith.constant 0 : i32
        %dma_wait3A_601 = tpu.memref_slice %arg14[%dma_wait3A_599, %dma_wait3A_600] : memref<10240x128xf32, #tpu.memory_space<vmem_shared>> -> memref<10240x128xf32, #tpu.memory_space<vmem_shared>>
        tpu.wait_indirect_dma semaphore(%arg18 : memref<!tpu.dma_semaphore, #tpu.memory_space<semaphore_mem>>) src(%arg12 : memref<128x128xf32, #tpu.memory_space<vmem>>) dst(%dma_wait3A_601 : memref<10240x128xf32, #tpu.memory_space<vmem_shared>>)
        %dma_start3A_602 = arith.constant 3 : i32
        %dma_start3A_603 = arith.constant 0 : i32
        %dma_start3A_604 = arith.constant 0 : i32
        %dma_start3A_605 = tpu.memref_slice %arg9[%dma_start3A_602, %dma_start3A_603, %dma_start3A_604] : memref<6x1x128xi32, #tpu.memory_space<vmem>> -> memref<1x1x128xi32, #tpu.memory_space<vmem>>
        %dma_start3A_606 = tpu.memref_squeeze %dma_start3A_605 : memref<1x1x128xi32, #tpu.memory_space<vmem>> -> memref<128xi32, #tpu.memory_space<vmem>>
        %dma_start3A_607 = arith.constant 0 : i32
        %dma_start3A_608 = arith.constant 0 : i32
        %dma_start3A_609 = tpu.memref_slice %arg2[%dma_start3A_607, %dma_start3A_608] : memref<10240x128xf32, #tpu.memory_space<hbm>> -> memref<10240x128xf32, #tpu.memory_space<hbm>>
        tpu.enqueue_indirect_dma source(%dma_start3A_609 : memref<10240x128xf32, #tpu.memory_space<hbm>>) target(%arg12 : memref<128x128xf32, #tpu.memory_space<vmem>>) offsets(%dma_start3A_606 : memref<128xi32, #tpu.memory_space<vmem>>) semaphore(%arg16 : memref<!tpu.dma_semaphore, #tpu.memory_space<semaphore_mem>>)
        %dma_wait3A_610 = arith.constant 0 : i32
        %dma_wait3A_611 = arith.constant 0 : i32
        %dma_wait3A_612 = arith.constant 0 : i32
        %dma_wait3A_613 = tpu.memref_slice %arg7[%dma_wait3A_610, %dma_wait3A_611, %dma_wait3A_612] : memref<6x1x128xi32, #tpu.memory_space<vmem>> -> memref<1x1x128xi32, #tpu.memory_space<vmem>>
        %dma_wait3A_614 = tpu.memref_squeeze %dma_wait3A_613 : memref<1x1x128xi32, #tpu.memory_space<vmem>> -> memref<128xi32, #tpu.memory_space<vmem>>
        %dma_wait3A_615 = arith.constant 0 : i32
        %dma_wait3A_616 = arith.constant 0 : i32
        %dma_wait3A_617 = tpu.memref_slice %arg2[%dma_wait3A_615, %dma_wait3A_616] : memref<10240x128xf32, #tpu.memory_space<hbm>> -> memref<10240x128xf32, #tpu.memory_space<hbm>>
        tpu.wait_indirect_dma semaphore(%arg15 : memref<!tpu.dma_semaphore, #tpu.memory_space<semaphore_mem>>) src(%dma_wait3A_617 : memref<10240x128xf32, #tpu.memory_space<hbm>>) dst(%arg11 : memref<128x128xf32, #tpu.memory_space<vmem>>)
        %dma_start3A_618 = arith.constant 2 : i32
        %dma_start3A_619 = arith.constant 0 : i32
        %dma_start3A_620 = arith.constant 0 : i32
        %dma_start3A_621 = tpu.memref_slice %arg10[%dma_start3A_618, %dma_start3A_619, %dma_start3A_620] : memref<6x1x128xi32, #tpu.memory_space<vmem>> -> memref<1x1x128xi32, #tpu.memory_space<vmem>>
        %dma_start3A_622 = tpu.memref_squeeze %dma_start3A_621 : memref<1x1x128xi32, #tpu.memory_space<vmem>> -> memref<128xi32, #tpu.memory_space<vmem>>
        %dma_start3A_623 = arith.constant 0 : i32
        %dma_start3A_624 = arith.constant 0 : i32
        %dma_start3A_625 = tpu.memref_slice %arg14[%dma_start3A_623, %dma_start3A_624] : memref<10240x128xf32, #tpu.memory_space<vmem_shared>> -> memref<10240x128xf32, #tpu.memory_space<vmem_shared>>
        tpu.enqueue_indirect_dma source(%arg11 : memref<128x128xf32, #tpu.memory_space<vmem>>) target(%dma_start3A_625 : memref<10240x128xf32, #tpu.memory_space<vmem_shared>>) offsets(%dma_start3A_622 : memref<128xi32, #tpu.memory_space<vmem>>) semaphore(%arg17 : memref<!tpu.dma_semaphore, #tpu.memory_space<semaphore_mem>>) {add = true}
        %dma_wait3A_626 = arith.constant 0 : i32
        %dma_wait3A_627 = arith.constant 0 : i32
        %dma_wait3A_628 = arith.constant 0 : i32
        %dma_wait3A_629 = tpu.memref_slice %arg8[%dma_wait3A_626, %dma_wait3A_627, %dma_wait3A_628] : memref<6x1x128xi32, #tpu.memory_space<vmem>> -> memref<1x1x128xi32, #tpu.memory_space<vmem>>
        %dma_wait3A_630 = tpu.memref_squeeze %dma_wait3A_629 : memref<1x1x128xi32, #tpu.memory_space<vmem>> -> memref<128xi32, #tpu.memory_space<vmem>>
        %dma_wait3A_631 = arith.constant 0 : i32
        %dma_wait3A_632 = arith.constant 0 : i32
        %dma_wait3A_633 = tpu.memref_slice %arg14[%dma_wait3A_631, %dma_wait3A_632] : memref<10240x128xf32, #tpu.memory_space<vmem_shared>> -> memref<10240x128xf32, #tpu.memory_space<vmem_shared>>
        tpu.wait_indirect_dma semaphore(%arg17 : memref<!tpu.dma_semaphore, #tpu.memory_space<semaphore_mem>>) src(%arg11 : memref<128x128xf32, #tpu.memory_space<vmem>>) dst(%dma_wait3A_633 : memref<10240x128xf32, #tpu.memory_space<vmem_shared>>)
        %dma_start3A_634 = arith.constant 4 : i32
        %dma_start3A_635 = arith.constant 0 : i32
        %dma_start3A_636 = arith.constant 0 : i32
        %dma_start3A_637 = tpu.memref_slice %arg9[%dma_start3A_634, %dma_start3A_635, %dma_start3A_636] : memref<6x1x128xi32, #tpu.memory_space<vmem>> -> memref<1x1x128xi32, #tpu.memory_space<vmem>>
        %dma_start3A_638 = tpu.memref_squeeze %dma_start3A_637 : memref<1x1x128xi32, #tpu.memory_space<vmem>> -> memref<128xi32, #tpu.memory_space<vmem>>
        %dma_start3A_639 = arith.constant 0 : i32
        %dma_start3A_640 = arith.constant 0 : i32
        %dma_start3A_641 = tpu.memref_slice %arg2[%dma_start3A_639, %dma_start3A_640] : memref<10240x128xf32, #tpu.memory_space<hbm>> -> memref<10240x128xf32, #tpu.memory_space<hbm>>
        tpu.enqueue_indirect_dma source(%dma_start3A_641 : memref<10240x128xf32, #tpu.memory_space<hbm>>) target(%arg11 : memref<128x128xf32, #tpu.memory_space<vmem>>) offsets(%dma_start3A_638 : memref<128xi32, #tpu.memory_space<vmem>>) semaphore(%arg15 : memref<!tpu.dma_semaphore, #tpu.memory_space<semaphore_mem>>)
        %dma_wait3A_642 = arith.constant 0 : i32
        %dma_wait3A_643 = arith.constant 0 : i32
        %dma_wait3A_644 = arith.constant 0 : i32
        %dma_wait3A_645 = tpu.memref_slice %arg7[%dma_wait3A_642, %dma_wait3A_643, %dma_wait3A_644] : memref<6x1x128xi32, #tpu.memory_space<vmem>> -> memref<1x1x128xi32, #tpu.memory_space<vmem>>
        %dma_wait3A_646 = tpu.memref_squeeze %dma_wait3A_645 : memref<1x1x128xi32, #tpu.memory_space<vmem>> -> memref<128xi32, #tpu.memory_space<vmem>>
        %dma_wait3A_647 = arith.constant 0 : i32
        %dma_wait3A_648 = arith.constant 0 : i32
        %dma_wait3A_649 = tpu.memref_slice %arg2[%dma_wait3A_647, %dma_wait3A_648] : memref<10240x128xf32, #tpu.memory_space<hbm>> -> memref<10240x128xf32, #tpu.memory_space<hbm>>
        tpu.wait_indirect_dma semaphore(%arg16 : memref<!tpu.dma_semaphore, #tpu.memory_space<semaphore_mem>>) src(%dma_wait3A_649 : memref<10240x128xf32, #tpu.memory_space<hbm>>) dst(%arg12 : memref<128x128xf32, #tpu.memory_space<vmem>>)
        %dma_start3A_650 = arith.constant 3 : i32
        %dma_start3A_651 = arith.constant 0 : i32
        %dma_start3A_652 = arith.constant 0 : i32
        %dma_start3A_653 = tpu.memref_slice %arg10[%dma_start3A_650, %dma_start3A_651, %dma_start3A_652] : memref<6x1x128xi32, #tpu.memory_space<vmem>> -> memref<1x1x128xi32, #tpu.memory_space<vmem>>
        %dma_start3A_654 = tpu.memref_squeeze %dma_start3A_653 : memref<1x1x128xi32, #tpu.memory_space<vmem>> -> memref<128xi32, #tpu.memory_space<vmem>>
        %dma_start3A_655 = arith.constant 0 : i32
        %dma_start3A_656 = arith.constant 0 : i32
        %dma_start3A_657 = tpu.memref_slice %arg14[%dma_start3A_655, %dma_start3A_656] : memref<10240x128xf32, #tpu.memory_space<vmem_shared>> -> memref<10240x128xf32, #tpu.memory_space<vmem_shared>>
        tpu.enqueue_indirect_dma source(%arg12 : memref<128x128xf32, #tpu.memory_space<vmem>>) target(%dma_start3A_657 : memref<10240x128xf32, #tpu.memory_space<vmem_shared>>) offsets(%dma_start3A_654 : memref<128xi32, #tpu.memory_space<vmem>>) semaphore(%arg18 : memref<!tpu.dma_semaphore, #tpu.memory_space<semaphore_mem>>) {add = true}
        %dma_wait3A_658 = arith.constant 0 : i32
        %dma_wait3A_659 = arith.constant 0 : i32
        %dma_wait3A_660 = arith.constant 0 : i32
        %dma_wait3A_661 = tpu.memref_slice %arg8[%dma_wait3A_658, %dma_wait3A_659, %dma_wait3A_660] : memref<6x1x128xi32, #tpu.memory_space<vmem>> -> memref<1x1x128xi32, #tpu.memory_space<vmem>>
        %dma_wait3A_662 = tpu.memref_squeeze %dma_wait3A_661 : memref<1x1x128xi32, #tpu.memory_space<vmem>> -> memref<128xi32, #tpu.memory_space<vmem>>
        %dma_wait3A_663 = arith.constant 0 : i32
        %dma_wait3A_664 = arith.constant 0 : i32
        %dma_wait3A_665 = tpu.memref_slice %arg14[%dma_wait3A_663, %dma_wait3A_664] : memref<10240x128xf32, #tpu.memory_space<vmem_shared>> -> memref<10240x128xf32, #tpu.memory_space<vmem_shared>>
        tpu.wait_indirect_dma semaphore(%arg18 : memref<!tpu.dma_semaphore, #tpu.memory_space<semaphore_mem>>) src(%arg12 : memref<128x128xf32, #tpu.memory_space<vmem>>) dst(%dma_wait3A_665 : memref<10240x128xf32, #tpu.memory_space<vmem_shared>>)
        %dma_start3A_666 = arith.constant 5 : i32
        %dma_start3A_667 = arith.constant 0 : i32
        %dma_start3A_668 = arith.constant 0 : i32
        %dma_start3A_669 = tpu.memref_slice %arg9[%dma_start3A_666, %dma_start3A_667, %dma_start3A_668] : memref<6x1x128xi32, #tpu.memory_space<vmem>> -> memref<1x1x128xi32, #tpu.memory_space<vmem>>
        %dma_start3A_670 = tpu.memref_squeeze %dma_start3A_669 : memref<1x1x128xi32, #tpu.memory_space<vmem>> -> memref<128xi32, #tpu.memory_space<vmem>>
        %dma_start3A_671 = arith.constant 0 : i32
        %dma_start3A_672 = arith.constant 0 : i32
        %dma_start3A_673 = tpu.memref_slice %arg2[%dma_start3A_671, %dma_start3A_672] : memref<10240x128xf32, #tpu.memory_space<hbm>> -> memref<10240x128xf32, #tpu.memory_space<hbm>>
        tpu.enqueue_indirect_dma source(%dma_start3A_673 : memref<10240x128xf32, #tpu.memory_space<hbm>>) target(%arg12 : memref<128x128xf32, #tpu.memory_space<vmem>>) offsets(%dma_start3A_670 : memref<128xi32, #tpu.memory_space<vmem>>) semaphore(%arg16 : memref<!tpu.dma_semaphore, #tpu.memory_space<semaphore_mem>>)
        %dma_wait3A_674 = arith.constant 0 : i32
        %dma_wait3A_675 = arith.constant 0 : i32
        %dma_wait3A_676 = arith.constant 0 : i32
        %dma_wait3A_677 = tpu.memref_slice %arg7[%dma_wait3A_674, %dma_wait3A_675, %dma_wait3A_676] : memref<6x1x128xi32, #tpu.memory_space<vmem>> -> memref<1x1x128xi32, #tpu.memory_space<vmem>>
        %dma_wait3A_678 = tpu.memref_squeeze %dma_wait3A_677 : memref<1x1x128xi32, #tpu.memory_space<vmem>> -> memref<128xi32, #tpu.memory_space<vmem>>
        %dma_wait3A_679 = arith.constant 0 : i32
        %dma_wait3A_680 = arith.constant 0 : i32
        %dma_wait3A_681 = tpu.memref_slice %arg2[%dma_wait3A_679, %dma_wait3A_680] : memref<10240x128xf32, #tpu.memory_space<hbm>> -> memref<10240x128xf32, #tpu.memory_space<hbm>>
        tpu.wait_indirect_dma semaphore(%arg15 : memref<!tpu.dma_semaphore, #tpu.memory_space<semaphore_mem>>) src(%dma_wait3A_681 : memref<10240x128xf32, #tpu.memory_space<hbm>>) dst(%arg11 : memref<128x128xf32, #tpu.memory_space<vmem>>)
        %dma_start3A_682 = arith.constant 4 : i32
        %dma_start3A_683 = arith.constant 0 : i32
        %dma_start3A_684 = arith.constant 0 : i32
        %dma_start3A_685 = tpu.memref_slice %arg10[%dma_start3A_682, %dma_start3A_683, %dma_start3A_684] : memref<6x1x128xi32, #tpu.memory_space<vmem>> -> memref<1x1x128xi32, #tpu.memory_space<vmem>>
        %dma_start3A_686 = tpu.memref_squeeze %dma_start3A_685 : memref<1x1x128xi32, #tpu.memory_space<vmem>> -> memref<128xi32, #tpu.memory_space<vmem>>
        %dma_start3A_687 = arith.constant 0 : i32
        %dma_start3A_688 = arith.constant 0 : i32
        %dma_start3A_689 = tpu.memref_slice %arg14[%dma_start3A_687, %dma_start3A_688] : memref<10240x128xf32, #tpu.memory_space<vmem_shared>> -> memref<10240x128xf32, #tpu.memory_space<vmem_shared>>
        tpu.enqueue_indirect_dma source(%arg11 : memref<128x128xf32, #tpu.memory_space<vmem>>) target(%dma_start3A_689 : memref<10240x128xf32, #tpu.memory_space<vmem_shared>>) offsets(%dma_start3A_686 : memref<128xi32, #tpu.memory_space<vmem>>) semaphore(%arg17 : memref<!tpu.dma_semaphore, #tpu.memory_space<semaphore_mem>>) {add = true}
        %dma_wait3A_690 = arith.constant 0 : i32
        %dma_wait3A_691 = arith.constant 0 : i32
        %dma_wait3A_692 = arith.constant 0 : i32
        %dma_wait3A_693 = tpu.memref_slice %arg4[%dma_wait3A_690, %dma_wait3A_691, %dma_wait3A_692] : memref<1344x1x128xi32, #tpu.memory_space<hbm>> -> memref<6x1x128xi32, #tpu.memory_space<hbm>>
        %dma_wait3A_694 = arith.constant 0 : i32
        %dma_wait3A_695 = arith.constant 0 : i32
        %dma_wait3A_696 = arith.constant 0 : i32
        %dma_wait3A_697 = tpu.memref_slice %arg4[%dma_wait3A_694, %dma_wait3A_695, %dma_wait3A_696] : memref<1344x1x128xi32, #tpu.memory_space<hbm>> -> memref<6x1x128xi32, #tpu.memory_space<hbm>>
        tpu.wait_dma2 semaphore(%arg19 : memref<!tpu.dma_semaphore, #tpu.memory_space<semaphore_mem>>) src(%dma_wait3A_697 : memref<6x1x128xi32, #tpu.memory_space<hbm>>) dst(%arg7 : memref<6x1x128xi32, #tpu.memory_space<vmem>>)
        %dma_wait3A_698 = arith.constant 0 : i32
        %dma_wait3A_699 = arith.constant 0 : i32
        %dma_wait3A_700 = arith.constant 0 : i32
        %dma_wait3A_701 = tpu.memref_slice %arg4[%dma_wait3A_698, %dma_wait3A_699, %dma_wait3A_700] : memref<1344x1x128xi32, #tpu.memory_space<hbm>> -> memref<6x1x128xi32, #tpu.memory_space<hbm>>
        %dma_wait3A_702 = arith.constant 0 : i32
        %dma_wait3A_703 = arith.constant 0 : i32
        %dma_wait3A_704 = arith.constant 0 : i32
        %dma_wait3A_705 = tpu.memref_slice %arg4[%dma_wait3A_702, %dma_wait3A_703, %dma_wait3A_704] : memref<1344x1x128xi32, #tpu.memory_space<hbm>> -> memref<6x1x128xi32, #tpu.memory_space<hbm>>
        tpu.wait_dma2 semaphore(%arg19 : memref<!tpu.dma_semaphore, #tpu.memory_space<semaphore_mem>>) src(%dma_wait3A_705 : memref<6x1x128xi32, #tpu.memory_space<hbm>>) dst(%arg7 : memref<6x1x128xi32, #tpu.memory_space<vmem>>)
        %add3A_706 = arith.constant 1 : i32
        %add3A_707 = arith.addi %add3A_478, %add3A_706 : i32
        %dma_wait3A_708 = arith.constant 0 : i32
        %dma_wait3A_709 = arith.constant 0 : i32
        %dma_wait3A_710 = arith.constant 0 : i32
        %dma_wait3A_711 = tpu.memref_slice %arg8[%dma_wait3A_708, %dma_wait3A_709, %dma_wait3A_710] : memref<6x1x128xi32, #tpu.memory_space<vmem>> -> memref<1x1x128xi32, #tpu.memory_space<vmem>>
        %dma_wait3A_712 = tpu.memref_squeeze %dma_wait3A_711 : memref<1x1x128xi32, #tpu.memory_space<vmem>> -> memref<128xi32, #tpu.memory_space<vmem>>
        %dma_wait3A_713 = arith.constant 0 : i32
        %dma_wait3A_714 = arith.constant 0 : i32
        %dma_wait3A_715 = tpu.memref_slice %arg14[%dma_wait3A_713, %dma_wait3A_714] : memref<10240x128xf32, #tpu.memory_space<vmem_shared>> -> memref<10240x128xf32, #tpu.memory_space<vmem_shared>>
        tpu.wait_indirect_dma semaphore(%arg17 : memref<!tpu.dma_semaphore, #tpu.memory_space<semaphore_mem>>) src(%arg11 : memref<128x128xf32, #tpu.memory_space<vmem>>) dst(%dma_wait3A_715 : memref<10240x128xf32, #tpu.memory_space<vmem_shared>>)
        %dma_start3A_716 = arith.constant 0 : i32
        %dma_start3A_717 = arith.constant 0 : i32
        %dma_start3A_718 = arith.constant 0 : i32
        %dma_start3A_719 = tpu.memref_slice %arg7[%dma_start3A_716, %dma_start3A_717, %dma_start3A_718] : memref<6x1x128xi32, #tpu.memory_space<vmem>> -> memref<1x1x128xi32, #tpu.memory_space<vmem>>
        %dma_start3A_720 = tpu.memref_squeeze %dma_start3A_719 : memref<1x1x128xi32, #tpu.memory_space<vmem>> -> memref<128xi32, #tpu.memory_space<vmem>>
        %dma_start3A_721 = arith.constant 0 : i32
        %dma_start3A_722 = arith.constant 0 : i32
        %dma_start3A_723 = tpu.memref_slice %arg2[%dma_start3A_721, %dma_start3A_722] : memref<10240x128xf32, #tpu.memory_space<hbm>> -> memref<10240x128xf32, #tpu.memory_space<hbm>>
        tpu.enqueue_indirect_dma source(%dma_start3A_723 : memref<10240x128xf32, #tpu.memory_space<hbm>>) target(%arg11 : memref<128x128xf32, #tpu.memory_space<vmem>>) offsets(%dma_start3A_720 : memref<128xi32, #tpu.memory_space<vmem>>) semaphore(%arg15 : memref<!tpu.dma_semaphore, #tpu.memory_space<semaphore_mem>>)
        %dma_wait3A_724 = arith.constant 0 : i32
        %dma_wait3A_725 = arith.constant 0 : i32
        %dma_wait3A_726 = arith.constant 0 : i32
        %dma_wait3A_727 = tpu.memref_slice %arg7[%dma_wait3A_724, %dma_wait3A_725, %dma_wait3A_726] : memref<6x1x128xi32, #tpu.memory_space<vmem>> -> memref<1x1x128xi32, #tpu.memory_space<vmem>>
        %dma_wait3A_728 = tpu.memref_squeeze %dma_wait3A_727 : memref<1x1x128xi32, #tpu.memory_space<vmem>> -> memref<128xi32, #tpu.memory_space<vmem>>
        %dma_wait3A_729 = arith.constant 0 : i32
        %dma_wait3A_730 = arith.constant 0 : i32
        %dma_wait3A_731 = tpu.memref_slice %arg2[%dma_wait3A_729, %dma_wait3A_730] : memref<10240x128xf32, #tpu.memory_space<hbm>> -> memref<10240x128xf32, #tpu.memory_space<hbm>>
        tpu.wait_indirect_dma semaphore(%arg16 : memref<!tpu.dma_semaphore, #tpu.memory_space<semaphore_mem>>) src(%dma_wait3A_731 : memref<10240x128xf32, #tpu.memory_space<hbm>>) dst(%arg12 : memref<128x128xf32, #tpu.memory_space<vmem>>)
        %dma_start3A_732 = arith.constant 5 : i32
        %dma_start3A_733 = arith.constant 0 : i32
        %dma_start3A_734 = arith.constant 0 : i32
        %dma_start3A_735 = tpu.memref_slice %arg10[%dma_start3A_732, %dma_start3A_733, %dma_start3A_734] : memref<6x1x128xi32, #tpu.memory_space<vmem>> -> memref<1x1x128xi32, #tpu.memory_space<vmem>>
        %dma_start3A_736 = tpu.memref_squeeze %dma_start3A_735 : memref<1x1x128xi32, #tpu.memory_space<vmem>> -> memref<128xi32, #tpu.memory_space<vmem>>
        %dma_start3A_737 = arith.constant 0 : i32
        %dma_start3A_738 = arith.constant 0 : i32
        %dma_start3A_739 = tpu.memref_slice %arg14[%dma_start3A_737, %dma_start3A_738] : memref<10240x128xf32, #tpu.memory_space<vmem_shared>> -> memref<10240x128xf32, #tpu.memory_space<vmem_shared>>
        tpu.enqueue_indirect_dma source(%arg12 : memref<128x128xf32, #tpu.memory_space<vmem>>) target(%dma_start3A_739 : memref<10240x128xf32, #tpu.memory_space<vmem_shared>>) offsets(%dma_start3A_736 : memref<128xi32, #tpu.memory_space<vmem>>) semaphore(%arg18 : memref<!tpu.dma_semaphore, #tpu.memory_space<semaphore_mem>>) {add = true}
        %dma_wait3A_740 = arith.constant 0 : i32
        %dma_wait3A_741 = arith.constant 0 : i32
        %dma_wait3A_742 = arith.constant 0 : i32
        %dma_wait3A_743 = tpu.memref_slice %arg8[%dma_wait3A_740, %dma_wait3A_741, %dma_wait3A_742] : memref<6x1x128xi32, #tpu.memory_space<vmem>> -> memref<1x1x128xi32, #tpu.memory_space<vmem>>
        %dma_wait3A_744 = tpu.memref_squeeze %dma_wait3A_743 : memref<1x1x128xi32, #tpu.memory_space<vmem>> -> memref<128xi32, #tpu.memory_space<vmem>>
        %dma_wait3A_745 = arith.constant 0 : i32
        %dma_wait3A_746 = arith.constant 0 : i32
        %dma_wait3A_747 = tpu.memref_slice %arg14[%dma_wait3A_745, %dma_wait3A_746] : memref<10240x128xf32, #tpu.memory_space<vmem_shared>> -> memref<10240x128xf32, #tpu.memory_space<vmem_shared>>
        tpu.wait_indirect_dma semaphore(%arg18 : memref<!tpu.dma_semaphore, #tpu.memory_space<semaphore_mem>>) src(%arg12 : memref<128x128xf32, #tpu.memory_space<vmem>>) dst(%dma_wait3A_747 : memref<10240x128xf32, #tpu.memory_space<vmem_shared>>)
        %dma_start3A_748 = arith.constant 1 : i32
        %dma_start3A_749 = arith.constant 0 : i32
        %dma_start3A_750 = arith.constant 0 : i32
        %dma_start3A_751 = tpu.memref_slice %arg7[%dma_start3A_748, %dma_start3A_749, %dma_start3A_750] : memref<6x1x128xi32, #tpu.memory_space<vmem>> -> memref<1x1x128xi32, #tpu.memory_space<vmem>>
        %dma_start3A_752 = tpu.memref_squeeze %dma_start3A_751 : memref<1x1x128xi32, #tpu.memory_space<vmem>> -> memref<128xi32, #tpu.memory_space<vmem>>
        %dma_start3A_753 = arith.constant 0 : i32
        %dma_start3A_754 = arith.constant 0 : i32
        %dma_start3A_755 = tpu.memref_slice %arg2[%dma_start3A_753, %dma_start3A_754] : memref<10240x128xf32, #tpu.memory_space<hbm>> -> memref<10240x128xf32, #tpu.memory_space<hbm>>
        tpu.enqueue_indirect_dma source(%dma_start3A_755 : memref<10240x128xf32, #tpu.memory_space<hbm>>) target(%arg12 : memref<128x128xf32, #tpu.memory_space<vmem>>) offsets(%dma_start3A_752 : memref<128xi32, #tpu.memory_space<vmem>>) semaphore(%arg16 : memref<!tpu.dma_semaphore, #tpu.memory_space<semaphore_mem>>)
        %dma_wait3A_756 = arith.constant 0 : i32
        %dma_wait3A_757 = arith.constant 0 : i32
        %dma_wait3A_758 = arith.constant 0 : i32
        %dma_wait3A_759 = tpu.memref_slice %arg7[%dma_wait3A_756, %dma_wait3A_757, %dma_wait3A_758] : memref<6x1x128xi32, #tpu.memory_space<vmem>> -> memref<1x1x128xi32, #tpu.memory_space<vmem>>
        %dma_wait3A_760 = tpu.memref_squeeze %dma_wait3A_759 : memref<1x1x128xi32, #tpu.memory_space<vmem>> -> memref<128xi32, #tpu.memory_space<vmem>>
        %dma_wait3A_761 = arith.constant 0 : i32
        %dma_wait3A_762 = arith.constant 0 : i32
        %dma_wait3A_763 = tpu.memref_slice %arg2[%dma_wait3A_761, %dma_wait3A_762] : memref<10240x128xf32, #tpu.memory_space<hbm>> -> memref<10240x128xf32, #tpu.memory_space<hbm>>
        tpu.wait_indirect_dma semaphore(%arg15 : memref<!tpu.dma_semaphore, #tpu.memory_space<semaphore_mem>>) src(%dma_wait3A_763 : memref<10240x128xf32, #tpu.memory_space<hbm>>) dst(%arg11 : memref<128x128xf32, #tpu.memory_space<vmem>>)
        %dma_start3A_764 = arith.constant 0 : i32
        %dma_start3A_765 = arith.constant 0 : i32
        %dma_start3A_766 = arith.constant 0 : i32
        %dma_start3A_767 = tpu.memref_slice %arg8[%dma_start3A_764, %dma_start3A_765, %dma_start3A_766] : memref<6x1x128xi32, #tpu.memory_space<vmem>> -> memref<1x1x128xi32, #tpu.memory_space<vmem>>
        %dma_start3A_768 = tpu.memref_squeeze %dma_start3A_767 : memref<1x1x128xi32, #tpu.memory_space<vmem>> -> memref<128xi32, #tpu.memory_space<vmem>>
        %dma_start3A_769 = arith.constant 0 : i32
        %dma_start3A_770 = arith.constant 0 : i32
        %dma_start3A_771 = tpu.memref_slice %arg14[%dma_start3A_769, %dma_start3A_770] : memref<10240x128xf32, #tpu.memory_space<vmem_shared>> -> memref<10240x128xf32, #tpu.memory_space<vmem_shared>>
        tpu.enqueue_indirect_dma source(%arg11 : memref<128x128xf32, #tpu.memory_space<vmem>>) target(%dma_start3A_771 : memref<10240x128xf32, #tpu.memory_space<vmem_shared>>) offsets(%dma_start3A_768 : memref<128xi32, #tpu.memory_space<vmem>>) semaphore(%arg17 : memref<!tpu.dma_semaphore, #tpu.memory_space<semaphore_mem>>) {add = true}
        %dma_wait3A_772 = arith.constant 0 : i32
        %dma_wait3A_773 = arith.constant 0 : i32
        %dma_wait3A_774 = arith.constant 0 : i32
        %dma_wait3A_775 = tpu.memref_slice %arg8[%dma_wait3A_772, %dma_wait3A_773, %dma_wait3A_774] : memref<6x1x128xi32, #tpu.memory_space<vmem>> -> memref<1x1x128xi32, #tpu.memory_space<vmem>>
        %dma_wait3A_776 = tpu.memref_squeeze %dma_wait3A_775 : memref<1x1x128xi32, #tpu.memory_space<vmem>> -> memref<128xi32, #tpu.memory_space<vmem>>
        %dma_wait3A_777 = arith.constant 0 : i32
        %dma_wait3A_778 = arith.constant 0 : i32
        %dma_wait3A_779 = tpu.memref_slice %arg14[%dma_wait3A_777, %dma_wait3A_778] : memref<10240x128xf32, #tpu.memory_space<vmem_shared>> -> memref<10240x128xf32, #tpu.memory_space<vmem_shared>>
        tpu.wait_indirect_dma semaphore(%arg17 : memref<!tpu.dma_semaphore, #tpu.memory_space<semaphore_mem>>) src(%arg11 : memref<128x128xf32, #tpu.memory_space<vmem>>) dst(%dma_wait3A_779 : memref<10240x128xf32, #tpu.memory_space<vmem_shared>>)
        %dma_start3A_780 = arith.constant 2 : i32
        %dma_start3A_781 = arith.constant 0 : i32
        %dma_start3A_782 = arith.constant 0 : i32
        %dma_start3A_783 = tpu.memref_slice %arg7[%dma_start3A_780, %dma_start3A_781, %dma_start3A_782] : memref<6x1x128xi32, #tpu.memory_space<vmem>> -> memref<1x1x128xi32, #tpu.memory_space<vmem>>
        %dma_start3A_784 = tpu.memref_squeeze %dma_start3A_783 : memref<1x1x128xi32, #tpu.memory_space<vmem>> -> memref<128xi32, #tpu.memory_space<vmem>>
        %dma_start3A_785 = arith.constant 0 : i32
        %dma_start3A_786 = arith.constant 0 : i32
        %dma_start3A_787 = tpu.memref_slice %arg2[%dma_start3A_785, %dma_start3A_786] : memref<10240x128xf32, #tpu.memory_space<hbm>> -> memref<10240x128xf32, #tpu.memory_space<hbm>>
        tpu.enqueue_indirect_dma source(%dma_start3A_787 : memref<10240x128xf32, #tpu.memory_space<hbm>>) target(%arg11 : memref<128x128xf32, #tpu.memory_space<vmem>>) offsets(%dma_start3A_784 : memref<128xi32, #tpu.memory_space<vmem>>) semaphore(%arg15 : memref<!tpu.dma_semaphore, #tpu.memory_space<semaphore_mem>>)
        %dma_wait3A_788 = arith.constant 0 : i32
        %dma_wait3A_789 = arith.constant 0 : i32
        %dma_wait3A_790 = arith.constant 0 : i32
        %dma_wait3A_791 = tpu.memref_slice %arg7[%dma_wait3A_788, %dma_wait3A_789, %dma_wait3A_790] : memref<6x1x128xi32, #tpu.memory_space<vmem>> -> memref<1x1x128xi32, #tpu.memory_space<vmem>>
        %dma_wait3A_792 = tpu.memref_squeeze %dma_wait3A_791 : memref<1x1x128xi32, #tpu.memory_space<vmem>> -> memref<128xi32, #tpu.memory_space<vmem>>
        %dma_wait3A_793 = arith.constant 0 : i32
        %dma_wait3A_794 = arith.constant 0 : i32
        %dma_wait3A_795 = tpu.memref_slice %arg2[%dma_wait3A_793, %dma_wait3A_794] : memref<10240x128xf32, #tpu.memory_space<hbm>> -> memref<10240x128xf32, #tpu.memory_space<hbm>>
        tpu.wait_indirect_dma semaphore(%arg16 : memref<!tpu.dma_semaphore, #tpu.memory_space<semaphore_mem>>) src(%dma_wait3A_795 : memref<10240x128xf32, #tpu.memory_space<hbm>>) dst(%arg12 : memref<128x128xf32, #tpu.memory_space<vmem>>)
        %dma_start3A_796 = arith.constant 1 : i32
        %dma_start3A_797 = arith.constant 0 : i32
        %dma_start3A_798 = arith.constant 0 : i32
        %dma_start3A_799 = tpu.memref_slice %arg8[%dma_start3A_796, %dma_start3A_797, %dma_start3A_798] : memref<6x1x128xi32, #tpu.memory_space<vmem>> -> memref<1x1x128xi32, #tpu.memory_space<vmem>>
        %dma_start3A_800 = tpu.memref_squeeze %dma_start3A_799 : memref<1x1x128xi32, #tpu.memory_space<vmem>> -> memref<128xi32, #tpu.memory_space<vmem>>
        %dma_start3A_801 = arith.constant 0 : i32
        %dma_start3A_802 = arith.constant 0 : i32
        %dma_start3A_803 = tpu.memref_slice %arg14[%dma_start3A_801, %dma_start3A_802] : memref<10240x128xf32, #tpu.memory_space<vmem_shared>> -> memref<10240x128xf32, #tpu.memory_space<vmem_shared>>
        tpu.enqueue_indirect_dma source(%arg12 : memref<128x128xf32, #tpu.memory_space<vmem>>) target(%dma_start3A_803 : memref<10240x128xf32, #tpu.memory_space<vmem_shared>>) offsets(%dma_start3A_800 : memref<128xi32, #tpu.memory_space<vmem>>) semaphore(%arg18 : memref<!tpu.dma_semaphore, #tpu.memory_space<semaphore_mem>>) {add = true}
        %add3A_804 = arith.constant 1 : i32
        %add3A_805 = arith.addi %add3A_707, %add3A_804 : i32
        %mul3A_806 = arith.constant 6 : i32
        %mul3A_807 = arith.muli %add3A_805, %mul3A_806 : i32
        %min3A_808 = arith.constant 78 : i32
        %min3A_809 = arith.minsi %mul3A_807, %min3A_808 : i32
        %add3A_810 = arith.addi %mul3A_11, %min3A_809 : i32
        %dma_start3A_811 = arith.constant 0 : i32
        %dma_start3A_812 = arith.constant 0 : i32
        %dma_start3A_813 = tpu.memref_slice %arg4[%add3A_810, %dma_start3A_811, %dma_start3A_812] : memref<1344x1x128xi32, #tpu.memory_space<hbm>> -> memref<6x1x128xi32, #tpu.memory_space<hbm>>
        %dma_start3A_814 = arith.constant 0 : i32
        %dma_start3A_815 = arith.constant 0 : i32
        %dma_start3A_816 = tpu.memref_slice %arg4[%add3A_810, %dma_start3A_814, %dma_start3A_815] : memref<1344x1x128xi32, #tpu.memory_space<hbm>> -> memref<6x1x128xi32, #tpu.memory_space<hbm>>
        tpu.enqueue_dma source(%dma_start3A_816 : memref<6x1x128xi32, #tpu.memory_space<hbm>>) target(%arg9 : memref<6x1x128xi32, #tpu.memory_space<vmem>>) target_semaphore(%arg19 : memref<!tpu.dma_semaphore, #tpu.memory_space<semaphore_mem>>)
        %dma_start3A_817 = arith.constant 0 : i32
        %dma_start3A_818 = arith.constant 0 : i32
        %dma_start3A_819 = tpu.memref_slice %arg5[%add3A_810, %dma_start3A_817, %dma_start3A_818] : memref<1344x1x128xi32, #tpu.memory_space<hbm>> -> memref<6x1x128xi32, #tpu.memory_space<hbm>>
        %dma_start3A_820 = arith.constant 0 : i32
        %dma_start3A_821 = arith.constant 0 : i32
        %dma_start3A_822 = tpu.memref_slice %arg5[%add3A_810, %dma_start3A_820, %dma_start3A_821] : memref<1344x1x128xi32, #tpu.memory_space<hbm>> -> memref<6x1x128xi32, #tpu.memory_space<hbm>>
        tpu.enqueue_dma source(%dma_start3A_822 : memref<6x1x128xi32, #tpu.memory_space<hbm>>) target(%arg10 : memref<6x1x128xi32, #tpu.memory_space<vmem>>) target_semaphore(%arg19 : memref<!tpu.dma_semaphore, #tpu.memory_space<semaphore_mem>>)
        %dma_wait3A_823 = arith.constant 0 : i32
        %dma_wait3A_824 = arith.constant 0 : i32
        %dma_wait3A_825 = arith.constant 0 : i32
        %dma_wait3A_826 = tpu.memref_slice %arg8[%dma_wait3A_823, %dma_wait3A_824, %dma_wait3A_825] : memref<6x1x128xi32, #tpu.memory_space<vmem>> -> memref<1x1x128xi32, #tpu.memory_space<vmem>>
        %dma_wait3A_827 = tpu.memref_squeeze %dma_wait3A_826 : memref<1x1x128xi32, #tpu.memory_space<vmem>> -> memref<128xi32, #tpu.memory_space<vmem>>
        %dma_wait3A_828 = arith.constant 0 : i32
        %dma_wait3A_829 = arith.constant 0 : i32
        %dma_wait3A_830 = tpu.memref_slice %arg14[%dma_wait3A_828, %dma_wait3A_829] : memref<10240x128xf32, #tpu.memory_space<vmem_shared>> -> memref<10240x128xf32, #tpu.memory_space<vmem_shared>>
        tpu.wait_indirect_dma semaphore(%arg18 : memref<!tpu.dma_semaphore, #tpu.memory_space<semaphore_mem>>) src(%arg12 : memref<128x128xf32, #tpu.memory_space<vmem>>) dst(%dma_wait3A_830 : memref<10240x128xf32, #tpu.memory_space<vmem_shared>>)
        %dma_start3A_831 = arith.constant 3 : i32
        %dma_start3A_832 = arith.constant 0 : i32
        %dma_start3A_833 = arith.constant 0 : i32
        %dma_start3A_834 = tpu.memref_slice %arg7[%dma_start3A_831, %dma_start3A_832, %dma_start3A_833] : memref<6x1x128xi32, #tpu.memory_space<vmem>> -> memref<1x1x128xi32, #tpu.memory_space<vmem>>
        %dma_start3A_835 = tpu.memref_squeeze %dma_start3A_834 : memref<1x1x128xi32, #tpu.memory_space<vmem>> -> memref<128xi32, #tpu.memory_space<vmem>>
        %dma_start3A_836 = arith.constant 0 : i32
        %dma_start3A_837 = arith.constant 0 : i32
        %dma_start3A_838 = tpu.memref_slice %arg2[%dma_start3A_836, %dma_start3A_837] : memref<10240x128xf32, #tpu.memory_space<hbm>> -> memref<10240x128xf32, #tpu.memory_space<hbm>>
        tpu.enqueue_indirect_dma source(%dma_start3A_838 : memref<10240x128xf32, #tpu.memory_space<hbm>>) target(%arg12 : memref<128x128xf32, #tpu.memory_space<vmem>>) offsets(%dma_start3A_835 : memref<128xi32, #tpu.memory_space<vmem>>) semaphore(%arg16 : memref<!tpu.dma_semaphore, #tpu.memory_space<semaphore_mem>>)
        %dma_wait3A_839 = arith.constant 0 : i32
        %dma_wait3A_840 = arith.constant 0 : i32
        %dma_wait3A_841 = arith.constant 0 : i32
        %dma_wait3A_842 = tpu.memref_slice %arg7[%dma_wait3A_839, %dma_wait3A_840, %dma_wait3A_841] : memref<6x1x128xi32, #tpu.memory_space<vmem>> -> memref<1x1x128xi32, #tpu.memory_space<vmem>>
        %dma_wait3A_843 = tpu.memref_squeeze %dma_wait3A_842 : memref<1x1x128xi32, #tpu.memory_space<vmem>> -> memref<128xi32, #tpu.memory_space<vmem>>
        %dma_wait3A_844 = arith.constant 0 : i32
        %dma_wait3A_845 = arith.constant 0 : i32
        %dma_wait3A_846 = tpu.memref_slice %arg2[%dma_wait3A_844, %dma_wait3A_845] : memref<10240x128xf32, #tpu.memory_space<hbm>> -> memref<10240x128xf32, #tpu.memory_space<hbm>>
        tpu.wait_indirect_dma semaphore(%arg15 : memref<!tpu.dma_semaphore, #tpu.memory_space<semaphore_mem>>) src(%dma_wait3A_846 : memref<10240x128xf32, #tpu.memory_space<hbm>>) dst(%arg11 : memref<128x128xf32, #tpu.memory_space<vmem>>)
        %dma_start3A_847 = arith.constant 2 : i32
        %dma_start3A_848 = arith.constant 0 : i32
        %dma_start3A_849 = arith.constant 0 : i32
        %dma_start3A_850 = tpu.memref_slice %arg8[%dma_start3A_847, %dma_start3A_848, %dma_start3A_849] : memref<6x1x128xi32, #tpu.memory_space<vmem>> -> memref<1x1x128xi32, #tpu.memory_space<vmem>>
        %dma_start3A_851 = tpu.memref_squeeze %dma_start3A_850 : memref<1x1x128xi32, #tpu.memory_space<vmem>> -> memref<128xi32, #tpu.memory_space<vmem>>
        %dma_start3A_852 = arith.constant 0 : i32
        %dma_start3A_853 = arith.constant 0 : i32
        %dma_start3A_854 = tpu.memref_slice %arg14[%dma_start3A_852, %dma_start3A_853] : memref<10240x128xf32, #tpu.memory_space<vmem_shared>> -> memref<10240x128xf32, #tpu.memory_space<vmem_shared>>
        tpu.enqueue_indirect_dma source(%arg11 : memref<128x128xf32, #tpu.memory_space<vmem>>) target(%dma_start3A_854 : memref<10240x128xf32, #tpu.memory_space<vmem_shared>>) offsets(%dma_start3A_851 : memref<128xi32, #tpu.memory_space<vmem>>) semaphore(%arg17 : memref<!tpu.dma_semaphore, #tpu.memory_space<semaphore_mem>>) {add = true}
        %dma_wait3A_855 = arith.constant 0 : i32
        %dma_wait3A_856 = arith.constant 0 : i32
        %dma_wait3A_857 = arith.constant 0 : i32
        %dma_wait3A_858 = tpu.memref_slice %arg8[%dma_wait3A_855, %dma_wait3A_856, %dma_wait3A_857] : memref<6x1x128xi32, #tpu.memory_space<vmem>> -> memref<1x1x128xi32, #tpu.memory_space<vmem>>
        %dma_wait3A_859 = tpu.memref_squeeze %dma_wait3A_858 : memref<1x1x128xi32, #tpu.memory_space<vmem>> -> memref<128xi32, #tpu.memory_space<vmem>>
        %dma_wait3A_860 = arith.constant 0 : i32
        %dma_wait3A_861 = arith.constant 0 : i32
        %dma_wait3A_862 = tpu.memref_slice %arg14[%dma_wait3A_860, %dma_wait3A_861] : memref<10240x128xf32, #tpu.memory_space<vmem_shared>> -> memref<10240x128xf32, #tpu.memory_space<vmem_shared>>
        tpu.wait_indirect_dma semaphore(%arg17 : memref<!tpu.dma_semaphore, #tpu.memory_space<semaphore_mem>>) src(%arg11 : memref<128x128xf32, #tpu.memory_space<vmem>>) dst(%dma_wait3A_862 : memref<10240x128xf32, #tpu.memory_space<vmem_shared>>)
        %dma_start3A_863 = arith.constant 4 : i32
        %dma_start3A_864 = arith.constant 0 : i32
        %dma_start3A_865 = arith.constant 0 : i32
        %dma_start3A_866 = tpu.memref_slice %arg7[%dma_start3A_863, %dma_start3A_864, %dma_start3A_865] : memref<6x1x128xi32, #tpu.memory_space<vmem>> -> memref<1x1x128xi32, #tpu.memory_space<vmem>>
        %dma_start3A_867 = tpu.memref_squeeze %dma_start3A_866 : memref<1x1x128xi32, #tpu.memory_space<vmem>> -> memref<128xi32, #tpu.memory_space<vmem>>
        %dma_start3A_868 = arith.constant 0 : i32
        %dma_start3A_869 = arith.constant 0 : i32
        %dma_start3A_870 = tpu.memref_slice %arg2[%dma_start3A_868, %dma_start3A_869] : memref<10240x128xf32, #tpu.memory_space<hbm>> -> memref<10240x128xf32, #tpu.memory_space<hbm>>
        tpu.enqueue_indirect_dma source(%dma_start3A_870 : memref<10240x128xf32, #tpu.memory_space<hbm>>) target(%arg11 : memref<128x128xf32, #tpu.memory_space<vmem>>) offsets(%dma_start3A_867 : memref<128xi32, #tpu.memory_space<vmem>>) semaphore(%arg15 : memref<!tpu.dma_semaphore, #tpu.memory_space<semaphore_mem>>)
        %dma_wait3A_871 = arith.constant 0 : i32
        %dma_wait3A_872 = arith.constant 0 : i32
        %dma_wait3A_873 = arith.constant 0 : i32
        %dma_wait3A_874 = tpu.memref_slice %arg7[%dma_wait3A_871, %dma_wait3A_872, %dma_wait3A_873] : memref<6x1x128xi32, #tpu.memory_space<vmem>> -> memref<1x1x128xi32, #tpu.memory_space<vmem>>
        %dma_wait3A_875 = tpu.memref_squeeze %dma_wait3A_874 : memref<1x1x128xi32, #tpu.memory_space<vmem>> -> memref<128xi32, #tpu.memory_space<vmem>>
        %dma_wait3A_876 = arith.constant 0 : i32
        %dma_wait3A_877 = arith.constant 0 : i32
        %dma_wait3A_878 = tpu.memref_slice %arg2[%dma_wait3A_876, %dma_wait3A_877] : memref<10240x128xf32, #tpu.memory_space<hbm>> -> memref<10240x128xf32, #tpu.memory_space<hbm>>
        tpu.wait_indirect_dma semaphore(%arg16 : memref<!tpu.dma_semaphore, #tpu.memory_space<semaphore_mem>>) src(%dma_wait3A_878 : memref<10240x128xf32, #tpu.memory_space<hbm>>) dst(%arg12 : memref<128x128xf32, #tpu.memory_space<vmem>>)
        %dma_start3A_879 = arith.constant 3 : i32
        %dma_start3A_880 = arith.constant 0 : i32
        %dma_start3A_881 = arith.constant 0 : i32
        %dma_start3A_882 = tpu.memref_slice %arg8[%dma_start3A_879, %dma_start3A_880, %dma_start3A_881] : memref<6x1x128xi32, #tpu.memory_space<vmem>> -> memref<1x1x128xi32, #tpu.memory_space<vmem>>
        %dma_start3A_883 = tpu.memref_squeeze %dma_start3A_882 : memref<1x1x128xi32, #tpu.memory_space<vmem>> -> memref<128xi32, #tpu.memory_space<vmem>>
        %dma_start3A_884 = arith.constant 0 : i32
        %dma_start3A_885 = arith.constant 0 : i32
        %dma_start3A_886 = tpu.memref_slice %arg14[%dma_start3A_884, %dma_start3A_885] : memref<10240x128xf32, #tpu.memory_space<vmem_shared>> -> memref<10240x128xf32, #tpu.memory_space<vmem_shared>>
        tpu.enqueue_indirect_dma source(%arg12 : memref<128x128xf32, #tpu.memory_space<vmem>>) target(%dma_start3A_886 : memref<10240x128xf32, #tpu.memory_space<vmem_shared>>) offsets(%dma_start3A_883 : memref<128xi32, #tpu.memory_space<vmem>>) semaphore(%arg18 : memref<!tpu.dma_semaphore, #tpu.memory_space<semaphore_mem>>) {add = true}
        %dma_wait3A_887 = arith.constant 0 : i32
        %dma_wait3A_888 = arith.constant 0 : i32
        %dma_wait3A_889 = arith.constant 0 : i32
        %dma_wait3A_890 = tpu.memref_slice %arg8[%dma_wait3A_887, %dma_wait3A_888, %dma_wait3A_889] : memref<6x1x128xi32, #tpu.memory_space<vmem>> -> memref<1x1x128xi32, #tpu.memory_space<vmem>>
        %dma_wait3A_891 = tpu.memref_squeeze %dma_wait3A_890 : memref<1x1x128xi32, #tpu.memory_space<vmem>> -> memref<128xi32, #tpu.memory_space<vmem>>
        %dma_wait3A_892 = arith.constant 0 : i32
        %dma_wait3A_893 = arith.constant 0 : i32
        %dma_wait3A_894 = tpu.memref_slice %arg14[%dma_wait3A_892, %dma_wait3A_893] : memref<10240x128xf32, #tpu.memory_space<vmem_shared>> -> memref<10240x128xf32, #tpu.memory_space<vmem_shared>>
        tpu.wait_indirect_dma semaphore(%arg18 : memref<!tpu.dma_semaphore, #tpu.memory_space<semaphore_mem>>) src(%arg12 : memref<128x128xf32, #tpu.memory_space<vmem>>) dst(%dma_wait3A_894 : memref<10240x128xf32, #tpu.memory_space<vmem_shared>>)
        %dma_start3A_895 = arith.constant 5 : i32
        %dma_start3A_896 = arith.constant 0 : i32
        %dma_start3A_897 = arith.constant 0 : i32
        %dma_start3A_898 = tpu.memref_slice %arg7[%dma_start3A_895, %dma_start3A_896, %dma_start3A_897] : memref<6x1x128xi32, #tpu.memory_space<vmem>> -> memref<1x1x128xi32, #tpu.memory_space<vmem>>
        %dma_start3A_899 = tpu.memref_squeeze %dma_start3A_898 : memref<1x1x128xi32, #tpu.memory_space<vmem>> -> memref<128xi32, #tpu.memory_space<vmem>>
        %dma_start3A_900 = arith.constant 0 : i32
        %dma_start3A_901 = arith.constant 0 : i32
        %dma_start3A_902 = tpu.memref_slice %arg2[%dma_start3A_900, %dma_start3A_901] : memref<10240x128xf32, #tpu.memory_space<hbm>> -> memref<10240x128xf32, #tpu.memory_space<hbm>>
        tpu.enqueue_indirect_dma source(%dma_start3A_902 : memref<10240x128xf32, #tpu.memory_space<hbm>>) target(%arg12 : memref<128x128xf32, #tpu.memory_space<vmem>>) offsets(%dma_start3A_899 : memref<128xi32, #tpu.memory_space<vmem>>) semaphore(%arg16 : memref<!tpu.dma_semaphore, #tpu.memory_space<semaphore_mem>>)
        %dma_wait3A_903 = arith.constant 0 : i32
        %dma_wait3A_904 = arith.constant 0 : i32
        %dma_wait3A_905 = arith.constant 0 : i32
        %dma_wait3A_906 = tpu.memref_slice %arg7[%dma_wait3A_903, %dma_wait3A_904, %dma_wait3A_905] : memref<6x1x128xi32, #tpu.memory_space<vmem>> -> memref<1x1x128xi32, #tpu.memory_space<vmem>>
        %dma_wait3A_907 = tpu.memref_squeeze %dma_wait3A_906 : memref<1x1x128xi32, #tpu.memory_space<vmem>> -> memref<128xi32, #tpu.memory_space<vmem>>
        %dma_wait3A_908 = arith.constant 0 : i32
        %dma_wait3A_909 = arith.constant 0 : i32
        %dma_wait3A_910 = tpu.memref_slice %arg2[%dma_wait3A_908, %dma_wait3A_909] : memref<10240x128xf32, #tpu.memory_space<hbm>> -> memref<10240x128xf32, #tpu.memory_space<hbm>>
        tpu.wait_indirect_dma semaphore(%arg15 : memref<!tpu.dma_semaphore, #tpu.memory_space<semaphore_mem>>) src(%dma_wait3A_910 : memref<10240x128xf32, #tpu.memory_space<hbm>>) dst(%arg11 : memref<128x128xf32, #tpu.memory_space<vmem>>)
        %dma_start3A_911 = arith.constant 4 : i32
        %dma_start3A_912 = arith.constant 0 : i32
        %dma_start3A_913 = arith.constant 0 : i32
        %dma_start3A_914 = tpu.memref_slice %arg8[%dma_start3A_911, %dma_start3A_912, %dma_start3A_913] : memref<6x1x128xi32, #tpu.memory_space<vmem>> -> memref<1x1x128xi32, #tpu.memory_space<vmem>>
        %dma_start3A_915 = tpu.memref_squeeze %dma_start3A_914 : memref<1x1x128xi32, #tpu.memory_space<vmem>> -> memref<128xi32, #tpu.memory_space<vmem>>
        %dma_start3A_916 = arith.constant 0 : i32
        %dma_start3A_917 = arith.constant 0 : i32
        %dma_start3A_918 = tpu.memref_slice %arg14[%dma_start3A_916, %dma_start3A_917] : memref<10240x128xf32, #tpu.memory_space<vmem_shared>> -> memref<10240x128xf32, #tpu.memory_space<vmem_shared>>
        tpu.enqueue_indirect_dma source(%arg11 : memref<128x128xf32, #tpu.memory_space<vmem>>) target(%dma_start3A_918 : memref<10240x128xf32, #tpu.memory_space<vmem_shared>>) offsets(%dma_start3A_915 : memref<128xi32, #tpu.memory_space<vmem>>) semaphore(%arg17 : memref<!tpu.dma_semaphore, #tpu.memory_space<semaphore_mem>>) {add = true}
        %dma_wait3A_919 = arith.constant 0 : i32
        %dma_wait3A_920 = arith.constant 0 : i32
        %dma_wait3A_921 = arith.constant 0 : i32
        %dma_wait3A_922 = tpu.memref_slice %arg4[%dma_wait3A_919, %dma_wait3A_920, %dma_wait3A_921] : memref<1344x1x128xi32, #tpu.memory_space<hbm>> -> memref<6x1x128xi32, #tpu.memory_space<hbm>>
        %dma_wait3A_923 = arith.constant 0 : i32
        %dma_wait3A_924 = arith.constant 0 : i32
        %dma_wait3A_925 = arith.constant 0 : i32
        %dma_wait3A_926 = tpu.memref_slice %arg4[%dma_wait3A_923, %dma_wait3A_924, %dma_wait3A_925] : memref<1344x1x128xi32, #tpu.memory_space<hbm>> -> memref<6x1x128xi32, #tpu.memory_space<hbm>>
        tpu.wait_dma2 semaphore(%arg19 : memref<!tpu.dma_semaphore, #tpu.memory_space<semaphore_mem>>) src(%dma_wait3A_926 : memref<6x1x128xi32, #tpu.memory_space<hbm>>) dst(%arg7 : memref<6x1x128xi32, #tpu.memory_space<vmem>>)
        %dma_wait3A_927 = arith.constant 0 : i32
        %dma_wait3A_928 = arith.constant 0 : i32
        %dma_wait3A_929 = arith.constant 0 : i32
        %dma_wait3A_930 = tpu.memref_slice %arg4[%dma_wait3A_927, %dma_wait3A_928, %dma_wait3A_929] : memref<1344x1x128xi32, #tpu.memory_space<hbm>> -> memref<6x1x128xi32, #tpu.memory_space<hbm>>
        %dma_wait3A_931 = arith.constant 0 : i32
        %dma_wait3A_932 = arith.constant 0 : i32
        %dma_wait3A_933 = arith.constant 0 : i32
        %dma_wait3A_934 = tpu.memref_slice %arg4[%dma_wait3A_931, %dma_wait3A_932, %dma_wait3A_933] : memref<1344x1x128xi32, #tpu.memory_space<hbm>> -> memref<6x1x128xi32, #tpu.memory_space<hbm>>
        tpu.wait_dma2 semaphore(%arg19 : memref<!tpu.dma_semaphore, #tpu.memory_space<semaphore_mem>>) src(%dma_wait3A_934 : memref<6x1x128xi32, #tpu.memory_space<hbm>>) dst(%arg7 : memref<6x1x128xi32, #tpu.memory_space<vmem>>)
      }
      %scan3A_217 = arith.constant 6 : i32
      %dma_wait3A_218 = arith.constant 0 : i32
      %dma_wait3A_219 = arith.constant 0 : i32
      %dma_wait3A_220 = arith.constant 0 : i32
      %dma_wait3A_221 = tpu.memref_slice %arg8[%dma_wait3A_218, %dma_wait3A_219, %dma_wait3A_220] : memref<6x1x128xi32, #tpu.memory_space<vmem>> -> memref<1x1x128xi32, #tpu.memory_space<vmem>>
      %dma_wait3A_222 = tpu.memref_squeeze %dma_wait3A_221 : memref<1x1x128xi32, #tpu.memory_space<vmem>> -> memref<128xi32, #tpu.memory_space<vmem>>
      %dma_wait3A_223 = arith.constant 0 : i32
      %dma_wait3A_224 = arith.constant 0 : i32
      %dma_wait3A_225 = tpu.memref_slice %arg14[%dma_wait3A_223, %dma_wait3A_224] : memref<10240x128xf32, #tpu.memory_space<vmem_shared>> -> memref<10240x128xf32, #tpu.memory_space<vmem_shared>>
      tpu.wait_indirect_dma semaphore(%arg17 : memref<!tpu.dma_semaphore, #tpu.memory_space<semaphore_mem>>) src(%arg11 : memref<128x128xf32, #tpu.memory_space<vmem>>) dst(%dma_wait3A_225 : memref<10240x128xf32, #tpu.memory_space<vmem_shared>>)
      %dma_start3A_226 = arith.constant 0 : i32
      %dma_start3A_227 = arith.constant 0 : i32
      %dma_start3A_228 = arith.constant 0 : i32
      %dma_start3A_229 = tpu.memref_slice %arg9[%dma_start3A_226, %dma_start3A_227, %dma_start3A_228] : memref<6x1x128xi32, #tpu.memory_space<vmem>> -> memref<1x1x128xi32, #tpu.memory_space<vmem>>
      %dma_start3A_230 = tpu.memref_squeeze %dma_start3A_229 : memref<1x1x128xi32, #tpu.memory_space<vmem>> -> memref<128xi32, #tpu.memory_space<vmem>>
      %dma_start3A_231 = arith.constant 0 : i32
      %dma_start3A_232 = arith.constant 0 : i32
      %dma_start3A_233 = tpu.memref_slice %arg2[%dma_start3A_231, %dma_start3A_232] : memref<10240x128xf32, #tpu.memory_space<hbm>> -> memref<10240x128xf32, #tpu.memory_space<hbm>>
      tpu.enqueue_indirect_dma source(%dma_start3A_233 : memref<10240x128xf32, #tpu.memory_space<hbm>>) target(%arg11 : memref<128x128xf32, #tpu.memory_space<vmem>>) offsets(%dma_start3A_230 : memref<128xi32, #tpu.memory_space<vmem>>) semaphore(%arg15 : memref<!tpu.dma_semaphore, #tpu.memory_space<semaphore_mem>>)
      %dma_wait3A_234 = arith.constant 0 : i32
      %dma_wait3A_235 = arith.constant 0 : i32
      %dma_wait3A_236 = arith.constant 0 : i32
      %dma_wait3A_237 = tpu.memref_slice %arg7[%dma_wait3A_234, %dma_wait3A_235, %dma_wait3A_236] : memref<6x1x128xi32, #tpu.memory_space<vmem>> -> memref<1x1x128xi32, #tpu.memory_space<vmem>>
      %dma_wait3A_238 = tpu.memref_squeeze %dma_wait3A_237 : memref<1x1x128xi32, #tpu.memory_space<vmem>> -> memref<128xi32, #tpu.memory_space<vmem>>
      %dma_wait3A_239 = arith.constant 0 : i32
      %dma_wait3A_240 = arith.constant 0 : i32
      %dma_wait3A_241 = tpu.memref_slice %arg2[%dma_wait3A_239, %dma_wait3A_240] : memref<10240x128xf32, #tpu.memory_space<hbm>> -> memref<10240x128xf32, #tpu.memory_space<hbm>>
      tpu.wait_indirect_dma semaphore(%arg16 : memref<!tpu.dma_semaphore, #tpu.memory_space<semaphore_mem>>) src(%dma_wait3A_241 : memref<10240x128xf32, #tpu.memory_space<hbm>>) dst(%arg12 : memref<128x128xf32, #tpu.memory_space<vmem>>)
      %dma_start3A_242 = arith.constant 5 : i32
      %dma_start3A_243 = arith.constant 0 : i32
      %dma_start3A_244 = arith.constant 0 : i32
      %dma_start3A_245 = tpu.memref_slice %arg8[%dma_start3A_242, %dma_start3A_243, %dma_start3A_244] : memref<6x1x128xi32, #tpu.memory_space<vmem>> -> memref<1x1x128xi32, #tpu.memory_space<vmem>>
      %dma_start3A_246 = tpu.memref_squeeze %dma_start3A_245 : memref<1x1x128xi32, #tpu.memory_space<vmem>> -> memref<128xi32, #tpu.memory_space<vmem>>
      %dma_start3A_247 = arith.constant 0 : i32
      %dma_start3A_248 = arith.constant 0 : i32
      %dma_start3A_249 = tpu.memref_slice %arg14[%dma_start3A_247, %dma_start3A_248] : memref<10240x128xf32, #tpu.memory_space<vmem_shared>> -> memref<10240x128xf32, #tpu.memory_space<vmem_shared>>
      tpu.enqueue_indirect_dma source(%arg12 : memref<128x128xf32, #tpu.memory_space<vmem>>) target(%dma_start3A_249 : memref<10240x128xf32, #tpu.memory_space<vmem_shared>>) offsets(%dma_start3A_246 : memref<128xi32, #tpu.memory_space<vmem>>) semaphore(%arg18 : memref<!tpu.dma_semaphore, #tpu.memory_space<semaphore_mem>>) {add = true}
      %dma_wait3A_250 = arith.constant 0 : i32
      %dma_wait3A_251 = arith.constant 0 : i32
      %dma_wait3A_252 = arith.constant 0 : i32
      %dma_wait3A_253 = tpu.memref_slice %arg8[%dma_wait3A_250, %dma_wait3A_251, %dma_wait3A_252] : memref<6x1x128xi32, #tpu.memory_space<vmem>> -> memref<1x1x128xi32, #tpu.memory_space<vmem>>
      %dma_wait3A_254 = tpu.memref_squeeze %dma_wait3A_253 : memref<1x1x128xi32, #tpu.memory_space<vmem>> -> memref<128xi32, #tpu.memory_space<vmem>>
      %dma_wait3A_255 = arith.constant 0 : i32
      %dma_wait3A_256 = arith.constant 0 : i32
      %dma_wait3A_257 = tpu.memref_slice %arg14[%dma_wait3A_255, %dma_wait3A_256] : memref<10240x128xf32, #tpu.memory_space<vmem_shared>> -> memref<10240x128xf32, #tpu.memory_space<vmem_shared>>
      tpu.wait_indirect_dma semaphore(%arg18 : memref<!tpu.dma_semaphore, #tpu.memory_space<semaphore_mem>>) src(%arg12 : memref<128x128xf32, #tpu.memory_space<vmem>>) dst(%dma_wait3A_257 : memref<10240x128xf32, #tpu.memory_space<vmem_shared>>)
      %dma_start3A_258 = arith.constant 1 : i32
      %dma_start3A_259 = arith.constant 0 : i32
      %dma_start3A_260 = arith.constant 0 : i32
      %dma_start3A_261 = tpu.memref_slice %arg9[%dma_start3A_258, %dma_start3A_259, %dma_start3A_260] : memref<6x1x128xi32, #tpu.memory_space<vmem>> -> memref<1x1x128xi32, #tpu.memory_space<vmem>>
      %dma_start3A_262 = tpu.memref_squeeze %dma_start3A_261 : memref<1x1x128xi32, #tpu.memory_space<vmem>> -> memref<128xi32, #tpu.memory_space<vmem>>
      %dma_start3A_263 = arith.constant 0 : i32
      %dma_start3A_264 = arith.constant 0 : i32
      %dma_start3A_265 = tpu.memref_slice %arg2[%dma_start3A_263, %dma_start3A_264] : memref<10240x128xf32, #tpu.memory_space<hbm>> -> memref<10240x128xf32, #tpu.memory_space<hbm>>
      tpu.enqueue_indirect_dma source(%dma_start3A_265 : memref<10240x128xf32, #tpu.memory_space<hbm>>) target(%arg12 : memref<128x128xf32, #tpu.memory_space<vmem>>) offsets(%dma_start3A_262 : memref<128xi32, #tpu.memory_space<vmem>>) semaphore(%arg16 : memref<!tpu.dma_semaphore, #tpu.memory_space<semaphore_mem>>)
      %dma_wait3A_266 = arith.constant 0 : i32
      %dma_wait3A_267 = arith.constant 0 : i32
      %dma_wait3A_268 = arith.constant 0 : i32
      %dma_wait3A_269 = tpu.memref_slice %arg7[%dma_wait3A_266, %dma_wait3A_267, %dma_wait3A_268] : memref<6x1x128xi32, #tpu.memory_space<vmem>> -> memref<1x1x128xi32, #tpu.memory_space<vmem>>
      %dma_wait3A_270 = tpu.memref_squeeze %dma_wait3A_269 : memref<1x1x128xi32, #tpu.memory_space<vmem>> -> memref<128xi32, #tpu.memory_space<vmem>>
      %dma_wait3A_271 = arith.constant 0 : i32
      %dma_wait3A_272 = arith.constant 0 : i32
      %dma_wait3A_273 = tpu.memref_slice %arg2[%dma_wait3A_271, %dma_wait3A_272] : memref<10240x128xf32, #tpu.memory_space<hbm>> -> memref<10240x128xf32, #tpu.memory_space<hbm>>
      tpu.wait_indirect_dma semaphore(%arg15 : memref<!tpu.dma_semaphore, #tpu.memory_space<semaphore_mem>>) src(%dma_wait3A_273 : memref<10240x128xf32, #tpu.memory_space<hbm>>) dst(%arg11 : memref<128x128xf32, #tpu.memory_space<vmem>>)
      %dma_start3A_274 = arith.constant 0 : i32
      %dma_start3A_275 = arith.constant 0 : i32
      %dma_start3A_276 = arith.constant 0 : i32
      %dma_start3A_277 = tpu.memref_slice %arg10[%dma_start3A_274, %dma_start3A_275, %dma_start3A_276] : memref<6x1x128xi32, #tpu.memory_space<vmem>> -> memref<1x1x128xi32, #tpu.memory_space<vmem>>
      %dma_start3A_278 = tpu.memref_squeeze %dma_start3A_277 : memref<1x1x128xi32, #tpu.memory_space<vmem>> -> memref<128xi32, #tpu.memory_space<vmem>>
      %dma_start3A_279 = arith.constant 0 : i32
      %dma_start3A_280 = arith.constant 0 : i32
      %dma_start3A_281 = tpu.memref_slice %arg14[%dma_start3A_279, %dma_start3A_280] : memref<10240x128xf32, #tpu.memory_space<vmem_shared>> -> memref<10240x128xf32, #tpu.memory_space<vmem_shared>>
      tpu.enqueue_indirect_dma source(%arg11 : memref<128x128xf32, #tpu.memory_space<vmem>>) target(%dma_start3A_281 : memref<10240x128xf32, #tpu.memory_space<vmem_shared>>) offsets(%dma_start3A_278 : memref<128xi32, #tpu.memory_space<vmem>>) semaphore(%arg17 : memref<!tpu.dma_semaphore, #tpu.memory_space<semaphore_mem>>) {add = true}
      %dma_wait3A_282 = arith.constant 0 : i32
      %dma_wait3A_283 = arith.constant 0 : i32
      %dma_wait3A_284 = arith.constant 0 : i32
      %dma_wait3A_285 = tpu.memref_slice %arg8[%dma_wait3A_282, %dma_wait3A_283, %dma_wait3A_284] : memref<6x1x128xi32, #tpu.memory_space<vmem>> -> memref<1x1x128xi32, #tpu.memory_space<vmem>>
      %dma_wait3A_286 = tpu.memref_squeeze %dma_wait3A_285 : memref<1x1x128xi32, #tpu.memory_space<vmem>> -> memref<128xi32, #tpu.memory_space<vmem>>
      %dma_wait3A_287 = arith.constant 0 : i32
      %dma_wait3A_288 = arith.constant 0 : i32
      %dma_wait3A_289 = tpu.memref_slice %arg14[%dma_wait3A_287, %dma_wait3A_288] : memref<10240x128xf32, #tpu.memory_space<vmem_shared>> -> memref<10240x128xf32, #tpu.memory_space<vmem_shared>>
      tpu.wait_indirect_dma semaphore(%arg17 : memref<!tpu.dma_semaphore, #tpu.memory_space<semaphore_mem>>) src(%arg11 : memref<128x128xf32, #tpu.memory_space<vmem>>) dst(%dma_wait3A_289 : memref<10240x128xf32, #tpu.memory_space<vmem_shared>>)
      %dma_start3A_290 = arith.constant 2 : i32
      %dma_start3A_291 = arith.constant 0 : i32
      %dma_start3A_292 = arith.constant 0 : i32
      %dma_start3A_293 = tpu.memref_slice %arg9[%dma_start3A_290, %dma_start3A_291, %dma_start3A_292] : memref<6x1x128xi32, #tpu.memory_space<vmem>> -> memref<1x1x128xi32, #tpu.memory_space<vmem>>
      %dma_start3A_294 = tpu.memref_squeeze %dma_start3A_293 : memref<1x1x128xi32, #tpu.memory_space<vmem>> -> memref<128xi32, #tpu.memory_space<vmem>>
      %dma_start3A_295 = arith.constant 0 : i32
      %dma_start3A_296 = arith.constant 0 : i32
      %dma_start3A_297 = tpu.memref_slice %arg2[%dma_start3A_295, %dma_start3A_296] : memref<10240x128xf32, #tpu.memory_space<hbm>> -> memref<10240x128xf32, #tpu.memory_space<hbm>>
      tpu.enqueue_indirect_dma source(%dma_start3A_297 : memref<10240x128xf32, #tpu.memory_space<hbm>>) target(%arg11 : memref<128x128xf32, #tpu.memory_space<vmem>>) offsets(%dma_start3A_294 : memref<128xi32, #tpu.memory_space<vmem>>) semaphore(%arg15 : memref<!tpu.dma_semaphore, #tpu.memory_space<semaphore_mem>>)
      %dma_wait3A_298 = arith.constant 0 : i32
      %dma_wait3A_299 = arith.constant 0 : i32
      %dma_wait3A_300 = arith.constant 0 : i32
      %dma_wait3A_301 = tpu.memref_slice %arg7[%dma_wait3A_298, %dma_wait3A_299, %dma_wait3A_300] : memref<6x1x128xi32, #tpu.memory_space<vmem>> -> memref<1x1x128xi32, #tpu.memory_space<vmem>>
      %dma_wait3A_302 = tpu.memref_squeeze %dma_wait3A_301 : memref<1x1x128xi32, #tpu.memory_space<vmem>> -> memref<128xi32, #tpu.memory_space<vmem>>
      %dma_wait3A_303 = arith.constant 0 : i32
      %dma_wait3A_304 = arith.constant 0 : i32
      %dma_wait3A_305 = tpu.memref_slice %arg2[%dma_wait3A_303, %dma_wait3A_304] : memref<10240x128xf32, #tpu.memory_space<hbm>> -> memref<10240x128xf32, #tpu.memory_space<hbm>>
      tpu.wait_indirect_dma semaphore(%arg16 : memref<!tpu.dma_semaphore, #tpu.memory_space<semaphore_mem>>) src(%dma_wait3A_305 : memref<10240x128xf32, #tpu.memory_space<hbm>>) dst(%arg12 : memref<128x128xf32, #tpu.memory_space<vmem>>)
      %dma_start3A_306 = arith.constant 1 : i32
      %dma_start3A_307 = arith.constant 0 : i32
      %dma_start3A_308 = arith.constant 0 : i32
      %dma_start3A_309 = tpu.memref_slice %arg10[%dma_start3A_306, %dma_start3A_307, %dma_start3A_308] : memref<6x1x128xi32, #tpu.memory_space<vmem>> -> memref<1x1x128xi32, #tpu.memory_space<vmem>>
      %dma_start3A_310 = tpu.memref_squeeze %dma_start3A_309 : memref<1x1x128xi32, #tpu.memory_space<vmem>> -> memref<128xi32, #tpu.memory_space<vmem>>
      %dma_start3A_311 = arith.constant 0 : i32
      %dma_start3A_312 = arith.constant 0 : i32
      %dma_start3A_313 = tpu.memref_slice %arg14[%dma_start3A_311, %dma_start3A_312] : memref<10240x128xf32, #tpu.memory_space<vmem_shared>> -> memref<10240x128xf32, #tpu.memory_space<vmem_shared>>
      tpu.enqueue_indirect_dma source(%arg12 : memref<128x128xf32, #tpu.memory_space<vmem>>) target(%dma_start3A_313 : memref<10240x128xf32, #tpu.memory_space<vmem_shared>>) offsets(%dma_start3A_310 : memref<128xi32, #tpu.memory_space<vmem>>) semaphore(%arg18 : memref<!tpu.dma_semaphore, #tpu.memory_space<semaphore_mem>>) {add = true}
      %min3A_314 = arith.constant 84 : i32
      %min3A_315 = arith.constant 78 : i32
      %min3A_316 = arith.minsi %min3A_314, %min3A_315 : i32
      %add3A_317 = arith.addi %mul3A_11, %min3A_316 : i32
      %dma_start3A_318 = arith.constant 0 : i32
      %dma_start3A_319 = arith.constant 0 : i32
      %dma_start3A_320 = tpu.memref_slice %arg4[%add3A_317, %dma_start3A_318, %dma_start3A_319] : memref<1344x1x128xi32, #tpu.memory_space<hbm>> -> memref<6x1x128xi32, #tpu.memory_space<hbm>>
      %dma_start3A_321 = arith.constant 0 : i32
      %dma_start3A_322 = arith.constant 0 : i32
      %dma_start3A_323 = tpu.memref_slice %arg4[%add3A_317, %dma_start3A_321, %dma_start3A_322] : memref<1344x1x128xi32, #tpu.memory_space<hbm>> -> memref<6x1x128xi32, #tpu.memory_space<hbm>>
      tpu.enqueue_dma source(%dma_start3A_323 : memref<6x1x128xi32, #tpu.memory_space<hbm>>) target(%arg7 : memref<6x1x128xi32, #tpu.memory_space<vmem>>) target_semaphore(%arg19 : memref<!tpu.dma_semaphore, #tpu.memory_space<semaphore_mem>>)
      %dma_start3A_324 = arith.constant 0 : i32
      %dma_start3A_325 = arith.constant 0 : i32
      %dma_start3A_326 = tpu.memref_slice %arg5[%add3A_317, %dma_start3A_324, %dma_start3A_325] : memref<1344x1x128xi32, #tpu.memory_space<hbm>> -> memref<6x1x128xi32, #tpu.memory_space<hbm>>
      %dma_start3A_327 = arith.constant 0 : i32
      %dma_start3A_328 = arith.constant 0 : i32
      %dma_start3A_329 = tpu.memref_slice %arg5[%add3A_317, %dma_start3A_327, %dma_start3A_328] : memref<1344x1x128xi32, #tpu.memory_space<hbm>> -> memref<6x1x128xi32, #tpu.memory_space<hbm>>
      tpu.enqueue_dma source(%dma_start3A_329 : memref<6x1x128xi32, #tpu.memory_space<hbm>>) target(%arg8 : memref<6x1x128xi32, #tpu.memory_space<vmem>>) target_semaphore(%arg19 : memref<!tpu.dma_semaphore, #tpu.memory_space<semaphore_mem>>)
      %dma_wait3A_330 = arith.constant 0 : i32
      %dma_wait3A_331 = arith.constant 0 : i32
      %dma_wait3A_332 = arith.constant 0 : i32
      %dma_wait3A_333 = tpu.memref_slice %arg8[%dma_wait3A_330, %dma_wait3A_331, %dma_wait3A_332] : memref<6x1x128xi32, #tpu.memory_space<vmem>> -> memref<1x1x128xi32, #tpu.memory_space<vmem>>
      %dma_wait3A_334 = tpu.memref_squeeze %dma_wait3A_333 : memref<1x1x128xi32, #tpu.memory_space<vmem>> -> memref<128xi32, #tpu.memory_space<vmem>>
      %dma_wait3A_335 = arith.constant 0 : i32
      %dma_wait3A_336 = arith.constant 0 : i32
      %dma_wait3A_337 = tpu.memref_slice %arg14[%dma_wait3A_335, %dma_wait3A_336] : memref<10240x128xf32, #tpu.memory_space<vmem_shared>> -> memref<10240x128xf32, #tpu.memory_space<vmem_shared>>
      tpu.wait_indirect_dma semaphore(%arg18 : memref<!tpu.dma_semaphore, #tpu.memory_space<semaphore_mem>>) src(%arg12 : memref<128x128xf32, #tpu.memory_space<vmem>>) dst(%dma_wait3A_337 : memref<10240x128xf32, #tpu.memory_space<vmem_shared>>)
      %dma_start3A_338 = arith.constant 3 : i32
      %dma_start3A_339 = arith.constant 0 : i32
      %dma_start3A_340 = arith.constant 0 : i32
      %dma_start3A_341 = tpu.memref_slice %arg9[%dma_start3A_338, %dma_start3A_339, %dma_start3A_340] : memref<6x1x128xi32, #tpu.memory_space<vmem>> -> memref<1x1x128xi32, #tpu.memory_space<vmem>>
      %dma_start3A_342 = tpu.memref_squeeze %dma_start3A_341 : memref<1x1x128xi32, #tpu.memory_space<vmem>> -> memref<128xi32, #tpu.memory_space<vmem>>
      %dma_start3A_343 = arith.constant 0 : i32
      %dma_start3A_344 = arith.constant 0 : i32
      %dma_start3A_345 = tpu.memref_slice %arg2[%dma_start3A_343, %dma_start3A_344] : memref<10240x128xf32, #tpu.memory_space<hbm>> -> memref<10240x128xf32, #tpu.memory_space<hbm>>
      tpu.enqueue_indirect_dma source(%dma_start3A_345 : memref<10240x128xf32, #tpu.memory_space<hbm>>) target(%arg12 : memref<128x128xf32, #tpu.memory_space<vmem>>) offsets(%dma_start3A_342 : memref<128xi32, #tpu.memory_space<vmem>>) semaphore(%arg16 : memref<!tpu.dma_semaphore, #tpu.memory_space<semaphore_mem>>)
      %dma_wait3A_346 = arith.constant 0 : i32
      %dma_wait3A_347 = arith.constant 0 : i32
      %dma_wait3A_348 = arith.constant 0 : i32
      %dma_wait3A_349 = tpu.memref_slice %arg7[%dma_wait3A_346, %dma_wait3A_347, %dma_wait3A_348] : memref<6x1x128xi32, #tpu.memory_space<vmem>> -> memref<1x1x128xi32, #tpu.memory_space<vmem>>
      %dma_wait3A_350 = tpu.memref_squeeze %dma_wait3A_349 : memref<1x1x128xi32, #tpu.memory_space<vmem>> -> memref<128xi32, #tpu.memory_space<vmem>>
      %dma_wait3A_351 = arith.constant 0 : i32
      %dma_wait3A_352 = arith.constant 0 : i32
      %dma_wait3A_353 = tpu.memref_slice %arg2[%dma_wait3A_351, %dma_wait3A_352] : memref<10240x128xf32, #tpu.memory_space<hbm>> -> memref<10240x128xf32, #tpu.memory_space<hbm>>
      tpu.wait_indirect_dma semaphore(%arg15 : memref<!tpu.dma_semaphore, #tpu.memory_space<semaphore_mem>>) src(%dma_wait3A_353 : memref<10240x128xf32, #tpu.memory_space<hbm>>) dst(%arg11 : memref<128x128xf32, #tpu.memory_space<vmem>>)
      %dma_start3A_354 = arith.constant 2 : i32
      %dma_start3A_355 = arith.constant 0 : i32
      %dma_start3A_356 = arith.constant 0 : i32
      %dma_start3A_357 = tpu.memref_slice %arg10[%dma_start3A_354, %dma_start3A_355, %dma_start3A_356] : memref<6x1x128xi32, #tpu.memory_space<vmem>> -> memref<1x1x128xi32, #tpu.memory_space<vmem>>
      %dma_start3A_358 = tpu.memref_squeeze %dma_start3A_357 : memref<1x1x128xi32, #tpu.memory_space<vmem>> -> memref<128xi32, #tpu.memory_space<vmem>>
      %dma_start3A_359 = arith.constant 0 : i32
      %dma_start3A_360 = arith.constant 0 : i32
      %dma_start3A_361 = tpu.memref_slice %arg14[%dma_start3A_359, %dma_start3A_360] : memref<10240x128xf32, #tpu.memory_space<vmem_shared>> -> memref<10240x128xf32, #tpu.memory_space<vmem_shared>>
      tpu.enqueue_indirect_dma source(%arg11 : memref<128x128xf32, #tpu.memory_space<vmem>>) target(%dma_start3A_361 : memref<10240x128xf32, #tpu.memory_space<vmem_shared>>) offsets(%dma_start3A_358 : memref<128xi32, #tpu.memory_space<vmem>>) semaphore(%arg17 : memref<!tpu.dma_semaphore, #tpu.memory_space<semaphore_mem>>) {add = true}
      %dma_wait3A_362 = arith.constant 0 : i32
      %dma_wait3A_363 = arith.constant 0 : i32
      %dma_wait3A_364 = arith.constant 0 : i32
      %dma_wait3A_365 = tpu.memref_slice %arg8[%dma_wait3A_362, %dma_wait3A_363, %dma_wait3A_364] : memref<6x1x128xi32, #tpu.memory_space<vmem>> -> memref<1x1x128xi32, #tpu.memory_space<vmem>>
      %dma_wait3A_366 = tpu.memref_squeeze %dma_wait3A_365 : memref<1x1x128xi32, #tpu.memory_space<vmem>> -> memref<128xi32, #tpu.memory_space<vmem>>
      %dma_wait3A_367 = arith.constant 0 : i32
      %dma_wait3A_368 = arith.constant 0 : i32
      %dma_wait3A_369 = tpu.memref_slice %arg14[%dma_wait3A_367, %dma_wait3A_368] : memref<10240x128xf32, #tpu.memory_space<vmem_shared>> -> memref<10240x128xf32, #tpu.memory_space<vmem_shared>>
      tpu.wait_indirect_dma semaphore(%arg17 : memref<!tpu.dma_semaphore, #tpu.memory_space<semaphore_mem>>) src(%arg11 : memref<128x128xf32, #tpu.memory_space<vmem>>) dst(%dma_wait3A_369 : memref<10240x128xf32, #tpu.memory_space<vmem_shared>>)
      %dma_start3A_370 = arith.constant 4 : i32
      %dma_start3A_371 = arith.constant 0 : i32
      %dma_start3A_372 = arith.constant 0 : i32
      %dma_start3A_373 = tpu.memref_slice %arg9[%dma_start3A_370, %dma_start3A_371, %dma_start3A_372] : memref<6x1x128xi32, #tpu.memory_space<vmem>> -> memref<1x1x128xi32, #tpu.memory_space<vmem>>
      %dma_start3A_374 = tpu.memref_squeeze %dma_start3A_373 : memref<1x1x128xi32, #tpu.memory_space<vmem>> -> memref<128xi32, #tpu.memory_space<vmem>>
      %dma_start3A_375 = arith.constant 0 : i32
      %dma_start3A_376 = arith.constant 0 : i32
      %dma_start3A_377 = tpu.memref_slice %arg2[%dma_start3A_375, %dma_start3A_376] : memref<10240x128xf32, #tpu.memory_space<hbm>> -> memref<10240x128xf32, #tpu.memory_space<hbm>>
      tpu.enqueue_indirect_dma source(%dma_start3A_377 : memref<10240x128xf32, #tpu.memory_space<hbm>>) target(%arg11 : memref<128x128xf32, #tpu.memory_space<vmem>>) offsets(%dma_start3A_374 : memref<128xi32, #tpu.memory_space<vmem>>) semaphore(%arg15 : memref<!tpu.dma_semaphore, #tpu.memory_space<semaphore_mem>>)
      %dma_wait3A_378 = arith.constant 0 : i32
      %dma_wait3A_379 = arith.constant 0 : i32
      %dma_wait3A_380 = arith.constant 0 : i32
      %dma_wait3A_381 = tpu.memref_slice %arg7[%dma_wait3A_378, %dma_wait3A_379, %dma_wait3A_380] : memref<6x1x128xi32, #tpu.memory_space<vmem>> -> memref<1x1x128xi32, #tpu.memory_space<vmem>>
      %dma_wait3A_382 = tpu.memref_squeeze %dma_wait3A_381 : memref<1x1x128xi32, #tpu.memory_space<vmem>> -> memref<128xi32, #tpu.memory_space<vmem>>
      %dma_wait3A_383 = arith.constant 0 : i32
      %dma_wait3A_384 = arith.constant 0 : i32
      %dma_wait3A_385 = tpu.memref_slice %arg2[%dma_wait3A_383, %dma_wait3A_384] : memref<10240x128xf32, #tpu.memory_space<hbm>> -> memref<10240x128xf32, #tpu.memory_space<hbm>>
      tpu.wait_indirect_dma semaphore(%arg16 : memref<!tpu.dma_semaphore, #tpu.memory_space<semaphore_mem>>) src(%dma_wait3A_385 : memref<10240x128xf32, #tpu.memory_space<hbm>>) dst(%arg12 : memref<128x128xf32, #tpu.memory_space<vmem>>)
      %dma_start3A_386 = arith.constant 3 : i32
      %dma_start3A_387 = arith.constant 0 : i32
      %dma_start3A_388 = arith.constant 0 : i32
      %dma_start3A_389 = tpu.memref_slice %arg10[%dma_start3A_386, %dma_start3A_387, %dma_start3A_388] : memref<6x1x128xi32, #tpu.memory_space<vmem>> -> memref<1x1x128xi32, #tpu.memory_space<vmem>>
      %dma_start3A_390 = tpu.memref_squeeze %dma_start3A_389 : memref<1x1x128xi32, #tpu.memory_space<vmem>> -> memref<128xi32, #tpu.memory_space<vmem>>
      %dma_start3A_391 = arith.constant 0 : i32
      %dma_start3A_392 = arith.constant 0 : i32
      %dma_start3A_393 = tpu.memref_slice %arg14[%dma_start3A_391, %dma_start3A_392] : memref<10240x128xf32, #tpu.memory_space<vmem_shared>> -> memref<10240x128xf32, #tpu.memory_space<vmem_shared>>
      tpu.enqueue_indirect_dma source(%arg12 : memref<128x128xf32, #tpu.memory_space<vmem>>) target(%dma_start3A_393 : memref<10240x128xf32, #tpu.memory_space<vmem_shared>>) offsets(%dma_start3A_390 : memref<128xi32, #tpu.memory_space<vmem>>) semaphore(%arg18 : memref<!tpu.dma_semaphore, #tpu.memory_space<semaphore_mem>>) {add = true}
      %dma_wait3A_394 = arith.constant 0 : i32
      %dma_wait3A_395 = arith.constant 0 : i32
      %dma_wait3A_396 = arith.constant 0 : i32
      %dma_wait3A_397 = tpu.memref_slice %arg8[%dma_wait3A_394, %dma_wait3A_395, %dma_wait3A_396] : memref<6x1x128xi32, #tpu.memory_space<vmem>> -> memref<1x1x128xi32, #tpu.memory_space<vmem>>
      %dma_wait3A_398 = tpu.memref_squeeze %dma_wait3A_397 : memref<1x1x128xi32, #tpu.memory_space<vmem>> -> memref<128xi32, #tpu.memory_space<vmem>>
      %dma_wait3A_399 = arith.constant 0 : i32
      %dma_wait3A_400 = arith.constant 0 : i32
      %dma_wait3A_401 = tpu.memref_slice %arg14[%dma_wait3A_399, %dma_wait3A_400] : memref<10240x128xf32, #tpu.memory_space<vmem_shared>> -> memref<10240x128xf32, #tpu.memory_space<vmem_shared>>
      tpu.wait_indirect_dma semaphore(%arg18 : memref<!tpu.dma_semaphore, #tpu.memory_space<semaphore_mem>>) src(%arg12 : memref<128x128xf32, #tpu.memory_space<vmem>>) dst(%dma_wait3A_401 : memref<10240x128xf32, #tpu.memory_space<vmem_shared>>)
      %dma_start3A_402 = arith.constant 5 : i32
      %dma_start3A_403 = arith.constant 0 : i32
      %dma_start3A_404 = arith.constant 0 : i32
      %dma_start3A_405 = tpu.memref_slice %arg9[%dma_start3A_402, %dma_start3A_403, %dma_start3A_404] : memref<6x1x128xi32, #tpu.memory_space<vmem>> -> memref<1x1x128xi32, #tpu.memory_space<vmem>>
      %dma_start3A_406 = tpu.memref_squeeze %dma_start3A_405 : memref<1x1x128xi32, #tpu.memory_space<vmem>> -> memref<128xi32, #tpu.memory_space<vmem>>
      %dma_start3A_407 = arith.constant 0 : i32
      %dma_start3A_408 = arith.constant 0 : i32
      %dma_start3A_409 = tpu.memref_slice %arg2[%dma_start3A_407, %dma_start3A_408] : memref<10240x128xf32, #tpu.memory_space<hbm>> -> memref<10240x128xf32, #tpu.memory_space<hbm>>
      tpu.enqueue_indirect_dma source(%dma_start3A_409 : memref<10240x128xf32, #tpu.memory_space<hbm>>) target(%arg12 : memref<128x128xf32, #tpu.memory_space<vmem>>) offsets(%dma_start3A_406 : memref<128xi32, #tpu.memory_space<vmem>>) semaphore(%arg16 : memref<!tpu.dma_semaphore, #tpu.memory_space<semaphore_mem>>)
      %dma_wait3A_410 = arith.constant 0 : i32
      %dma_wait3A_411 = arith.constant 0 : i32
      %dma_wait3A_412 = arith.constant 0 : i32
      %dma_wait3A_413 = tpu.memref_slice %arg7[%dma_wait3A_410, %dma_wait3A_411, %dma_wait3A_412] : memref<6x1x128xi32, #tpu.memory_space<vmem>> -> memref<1x1x128xi32, #tpu.memory_space<vmem>>
      %dma_wait3A_414 = tpu.memref_squeeze %dma_wait3A_413 : memref<1x1x128xi32, #tpu.memory_space<vmem>> -> memref<128xi32, #tpu.memory_space<vmem>>
      %dma_wait3A_415 = arith.constant 0 : i32
      %dma_wait3A_416 = arith.constant 0 : i32
      %dma_wait3A_417 = tpu.memref_slice %arg2[%dma_wait3A_415, %dma_wait3A_416] : memref<10240x128xf32, #tpu.memory_space<hbm>> -> memref<10240x128xf32, #tpu.memory_space<hbm>>
      tpu.wait_indirect_dma semaphore(%arg15 : memref<!tpu.dma_semaphore, #tpu.memory_space<semaphore_mem>>) src(%dma_wait3A_417 : memref<10240x128xf32, #tpu.memory_space<hbm>>) dst(%arg11 : memref<128x128xf32, #tpu.memory_space<vmem>>)
      %dma_start3A_418 = arith.constant 4 : i32
      %dma_start3A_419 = arith.constant 0 : i32
      %dma_start3A_420 = arith.constant 0 : i32
      %dma_start3A_421 = tpu.memref_slice %arg10[%dma_start3A_418, %dma_start3A_419, %dma_start3A_420] : memref<6x1x128xi32, #tpu.memory_space<vmem>> -> memref<1x1x128xi32, #tpu.memory_space<vmem>>
      %dma_start3A_422 = tpu.memref_squeeze %dma_start3A_421 : memref<1x1x128xi32, #tpu.memory_space<vmem>> -> memref<128xi32, #tpu.memory_space<vmem>>
      %dma_start3A_423 = arith.constant 0 : i32
      %dma_start3A_424 = arith.constant 0 : i32
      %dma_start3A_425 = tpu.memref_slice %arg14[%dma_start3A_423, %dma_start3A_424] : memref<10240x128xf32, #tpu.memory_space<vmem_shared>> -> memref<10240x128xf32, #tpu.memory_space<vmem_shared>>
      tpu.enqueue_indirect_dma source(%arg11 : memref<128x128xf32, #tpu.memory_space<vmem>>) target(%dma_start3A_425 : memref<10240x128xf32, #tpu.memory_space<vmem_shared>>) offsets(%dma_start3A_422 : memref<128xi32, #tpu.memory_space<vmem>>) semaphore(%arg17 : memref<!tpu.dma_semaphore, #tpu.memory_space<semaphore_mem>>) {add = true}
      %dma_wait3A_426 = arith.constant 0 : i32
      %dma_wait3A_427 = arith.constant 0 : i32
      %dma_wait3A_428 = arith.constant 0 : i32
      %dma_wait3A_429 = tpu.memref_slice %arg4[%dma_wait3A_426, %dma_wait3A_427, %dma_wait3A_428] : memref<1344x1x128xi32, #tpu.memory_space<hbm>> -> memref<6x1x128xi32, #tpu.memory_space<hbm>>
      %dma_wait3A_430 = arith.constant 0 : i32
      %dma_wait3A_431 = arith.constant 0 : i32
      %dma_wait3A_432 = arith.constant 0 : i32
      %dma_wait3A_433 = tpu.memref_slice %arg4[%dma_wait3A_430, %dma_wait3A_431, %dma_wait3A_432] : memref<1344x1x128xi32, #tpu.memory_space<hbm>> -> memref<6x1x128xi32, #tpu.memory_space<hbm>>
      tpu.wait_dma2 semaphore(%arg19 : memref<!tpu.dma_semaphore, #tpu.memory_space<semaphore_mem>>) src(%dma_wait3A_433 : memref<6x1x128xi32, #tpu.memory_space<hbm>>) dst(%arg7 : memref<6x1x128xi32, #tpu.memory_space<vmem>>)
      %dma_wait3A_434 = arith.constant 0 : i32
      %dma_wait3A_435 = arith.constant 0 : i32
      %dma_wait3A_436 = arith.constant 0 : i32
      %dma_wait3A_437 = tpu.memref_slice %arg4[%dma_wait3A_434, %dma_wait3A_435, %dma_wait3A_436] : memref<1344x1x128xi32, #tpu.memory_space<hbm>> -> memref<6x1x128xi32, #tpu.memory_space<hbm>>
      %dma_wait3A_438 = arith.constant 0 : i32
      %dma_wait3A_439 = arith.constant 0 : i32
      %dma_wait3A_440 = arith.constant 0 : i32
      %dma_wait3A_441 = tpu.memref_slice %arg4[%dma_wait3A_438, %dma_wait3A_439, %dma_wait3A_440] : memref<1344x1x128xi32, #tpu.memory_space<hbm>> -> memref<6x1x128xi32, #tpu.memory_space<hbm>>
      tpu.wait_dma2 semaphore(%arg19 : memref<!tpu.dma_semaphore, #tpu.memory_space<semaphore_mem>>) src(%dma_wait3A_441 : memref<6x1x128xi32, #tpu.memory_space<hbm>>) dst(%arg7 : memref<6x1x128xi32, #tpu.memory_space<vmem>>)
      %dma_wait3A_442 = arith.constant 0 : i32
      %dma_wait3A_443 = arith.constant 0 : i32
      %dma_wait3A_444 = arith.constant 0 : i32
      %dma_wait3A_445 = tpu.memref_slice %arg7[%dma_wait3A_442, %dma_wait3A_443, %dma_wait3A_444] : memref<6x1x128xi32, #tpu.memory_space<vmem>> -> memref<1x1x128xi32, #tpu.memory_space<vmem>>
      %dma_wait3A_446 = tpu.memref_squeeze %dma_wait3A_445 : memref<1x1x128xi32, #tpu.memory_space<vmem>> -> memref<128xi32, #tpu.memory_space<vmem>>
      %dma_wait3A_447 = arith.constant 0 : i32
      %dma_wait3A_448 = arith.constant 0 : i32
      %dma_wait3A_449 = tpu.memref_slice %arg2[%dma_wait3A_447, %dma_wait3A_448] : memref<10240x128xf32, #tpu.memory_space<hbm>> -> memref<10240x128xf32, #tpu.memory_space<hbm>>
      tpu.wait_indirect_dma semaphore(%arg16 : memref<!tpu.dma_semaphore, #tpu.memory_space<semaphore_mem>>) src(%dma_wait3A_449 : memref<10240x128xf32, #tpu.memory_space<hbm>>) dst(%arg12 : memref<128x128xf32, #tpu.memory_space<vmem>>)
      %dma_wait3A_450 = arith.constant 0 : i32
      %dma_wait3A_451 = arith.constant 0 : i32
      %dma_wait3A_452 = arith.constant 0 : i32
      %dma_wait3A_453 = tpu.memref_slice %arg8[%dma_wait3A_450, %dma_wait3A_451, %dma_wait3A_452] : memref<6x1x128xi32, #tpu.memory_space<vmem>> -> memref<1x1x128xi32, #tpu.memory_space<vmem>>
      %dma_wait3A_454 = tpu.memref_squeeze %dma_wait3A_453 : memref<1x1x128xi32, #tpu.memory_space<vmem>> -> memref<128xi32, #tpu.memory_space<vmem>>
      %dma_wait3A_455 = arith.constant 0 : i32
      %dma_wait3A_456 = arith.constant 0 : i32
      %dma_wait3A_457 = tpu.memref_slice %arg14[%dma_wait3A_455, %dma_wait3A_456] : memref<10240x128xf32, #tpu.memory_space<vmem_shared>> -> memref<10240x128xf32, #tpu.memory_space<vmem_shared>>
      tpu.wait_indirect_dma semaphore(%arg17 : memref<!tpu.dma_semaphore, #tpu.memory_space<semaphore_mem>>) src(%arg11 : memref<128x128xf32, #tpu.memory_space<vmem>>) dst(%dma_wait3A_457 : memref<10240x128xf32, #tpu.memory_space<vmem_shared>>)
      %dma_start3A_458 = arith.constant 5 : i32
      %dma_start3A_459 = arith.constant 0 : i32
      %dma_start3A_460 = arith.constant 0 : i32
      %dma_start3A_461 = tpu.memref_slice %arg10[%dma_start3A_458, %dma_start3A_459, %dma_start3A_460] : memref<6x1x128xi32, #tpu.memory_space<vmem>> -> memref<1x1x128xi32, #tpu.memory_space<vmem>>
      %dma_start3A_462 = tpu.memref_squeeze %dma_start3A_461 : memref<1x1x128xi32, #tpu.memory_space<vmem>> -> memref<128xi32, #tpu.memory_space<vmem>>
      %dma_start3A_463 = arith.constant 0 : i32
      %dma_start3A_464 = arith.constant 0 : i32
      %dma_start3A_465 = tpu.memref_slice %arg14[%dma_start3A_463, %dma_start3A_464] : memref<10240x128xf32, #tpu.memory_space<vmem_shared>> -> memref<10240x128xf32, #tpu.memory_space<vmem_shared>>
      tpu.enqueue_indirect_dma source(%arg12 : memref<128x128xf32, #tpu.memory_space<vmem>>) target(%dma_start3A_465 : memref<10240x128xf32, #tpu.memory_space<vmem_shared>>) offsets(%dma_start3A_462 : memref<128xi32, #tpu.memory_space<vmem>>) semaphore(%arg18 : memref<!tpu.dma_semaphore, #tpu.memory_space<semaphore_mem>>) {add = true}
      %dma_wait3A_466 = arith.constant 0 : i32
      %dma_wait3A_467 = arith.constant 0 : i32
      %dma_wait3A_468 = arith.constant 0 : i32
      %dma_wait3A_469 = tpu.memref_slice %arg8[%dma_wait3A_466, %dma_wait3A_467, %dma_wait3A_468] : memref<6x1x128xi32, #tpu.memory_space<vmem>> -> memref<1x1x128xi32, #tpu.memory_space<vmem>>
      %dma_wait3A_470 = tpu.memref_squeeze %dma_wait3A_469 : memref<1x1x128xi32, #tpu.memory_space<vmem>> -> memref<128xi32, #tpu.memory_space<vmem>>
      %dma_wait3A_471 = arith.constant 0 : i32
      %dma_wait3A_472 = arith.constant 0 : i32
      %dma_wait3A_473 = tpu.memref_slice %arg14[%dma_wait3A_471, %dma_wait3A_472] : memref<10240x128xf32, #tpu.memory_space<vmem_shared>> -> memref<10240x128xf32, #tpu.memory_space<vmem_shared>>
      tpu.wait_indirect_dma semaphore(%arg18 : memref<!tpu.dma_semaphore, #tpu.memory_space<semaphore_mem>>) src(%arg12 : memref<128x128xf32, #tpu.memory_space<vmem>>) dst(%dma_wait3A_473 : memref<10240x128xf32, #tpu.memory_space<vmem_shared>>)
    } else {
    }
    %eq3A_14 = arith.constant 1 : i32
    %eq3A_15 = arith.cmpi eq, %arg0, %eq3A_14 : i32
    %convert_element_type3A_16 = arith.extui %eq3A_15 : i1 to i32
    %cond3A_17 = arith.constant 0 : i32
    %cond3A_18 = arith.cmpi ne, %convert_element_type3A_16, %cond3A_17 : i32
    scf.if %cond3A_18 {
      "tpu.region"() ({
        %run_scoped3A = tpu.sem_alloc : memref<!tpu.dma_semaphore, #tpu.memory_space<semaphore_mem>>
        %dma_start3A_474 = arith.constant 0 : i32
        %dma_start3A_475 = arith.constant 0 : i32
        %dma_start3A_476 = tpu.memref_slice %arg4[%mul3A_11, %dma_start3A_474, %dma_start3A_475] : memref<1344x1x128xi32, #tpu.memory_space<hbm>> -> memref<6x1x128xi32, #tpu.memory_space<hbm>>
        %dma_start3A_477 = arith.constant 0 : i32
        %dma_start3A_478 = arith.constant 0 : i32
        %dma_start3A_479 = tpu.memref_slice %arg4[%mul3A_11, %dma_start3A_477, %dma_start3A_478] : memref<1344x1x128xi32, #tpu.memory_space<hbm>> -> memref<6x1x128xi32, #tpu.memory_space<hbm>>
        tpu.enqueue_dma source(%dma_start3A_479 : memref<6x1x128xi32, #tpu.memory_space<hbm>>) target(%arg7 : memref<6x1x128xi32, #tpu.memory_space<vmem>>) target_semaphore(%run_scoped3A : memref<!tpu.dma_semaphore, #tpu.memory_space<semaphore_mem>>)
        %dma_wait3A_480 = arith.constant 0 : i32
        %dma_wait3A_481 = arith.constant 0 : i32
        %dma_wait3A_482 = tpu.memref_slice %arg4[%mul3A_11, %dma_wait3A_480, %dma_wait3A_481] : memref<1344x1x128xi32, #tpu.memory_space<hbm>> -> memref<6x1x128xi32, #tpu.memory_space<hbm>>
        %dma_wait3A_483 = arith.constant 0 : i32
        %dma_wait3A_484 = arith.constant 0 : i32
        %dma_wait3A_485 = tpu.memref_slice %arg4[%mul3A_11, %dma_wait3A_483, %dma_wait3A_484] : memref<1344x1x128xi32, #tpu.memory_space<hbm>> -> memref<6x1x128xi32, #tpu.memory_space<hbm>>
        tpu.wait_dma2 semaphore(%run_scoped3A : memref<!tpu.dma_semaphore, #tpu.memory_space<semaphore_mem>>) src(%dma_wait3A_485 : memref<6x1x128xi32, #tpu.memory_space<hbm>>) dst(%arg7 : memref<6x1x128xi32, #tpu.memory_space<vmem>>)
        tpu.yield
      }) : () -> ()
      "tpu.region"() ({
        %run_scoped3A = tpu.sem_alloc : memref<!tpu.dma_semaphore, #tpu.memory_space<semaphore_mem>>
        %dma_start3A_474 = arith.constant 0 : i32
        %dma_start3A_475 = arith.constant 0 : i32
        %dma_start3A_476 = tpu.memref_slice %arg5[%mul3A_11, %dma_start3A_474, %dma_start3A_475] : memref<1344x1x128xi32, #tpu.memory_space<hbm>> -> memref<6x1x128xi32, #tpu.memory_space<hbm>>
        %dma_start3A_477 = arith.constant 0 : i32
        %dma_start3A_478 = arith.constant 0 : i32
        %dma_start3A_479 = tpu.memref_slice %arg5[%mul3A_11, %dma_start3A_477, %dma_start3A_478] : memref<1344x1x128xi32, #tpu.memory_space<hbm>> -> memref<6x1x128xi32, #tpu.memory_space<hbm>>
        tpu.enqueue_dma source(%dma_start3A_479 : memref<6x1x128xi32, #tpu.memory_space<hbm>>) target(%arg8 : memref<6x1x128xi32, #tpu.memory_space<vmem>>) target_semaphore(%run_scoped3A : memref<!tpu.dma_semaphore, #tpu.memory_space<semaphore_mem>>)
        %dma_wait3A_480 = arith.constant 0 : i32
        %dma_wait3A_481 = arith.constant 0 : i32
        %dma_wait3A_482 = tpu.memref_slice %arg5[%mul3A_11, %dma_wait3A_480, %dma_wait3A_481] : memref<1344x1x128xi32, #tpu.memory_space<hbm>> -> memref<6x1x128xi32, #tpu.memory_space<hbm>>
        %dma_wait3A_483 = arith.constant 0 : i32
        %dma_wait3A_484 = arith.constant 0 : i32
        %dma_wait3A_485 = tpu.memref_slice %arg5[%mul3A_11, %dma_wait3A_483, %dma_wait3A_484] : memref<1344x1x128xi32, #tpu.memory_space<hbm>> -> memref<6x1x128xi32, #tpu.memory_space<hbm>>
        tpu.wait_dma2 semaphore(%run_scoped3A : memref<!tpu.dma_semaphore, #tpu.memory_space<semaphore_mem>>) src(%dma_wait3A_485 : memref<6x1x128xi32, #tpu.memory_space<hbm>>) dst(%arg8 : memref<6x1x128xi32, #tpu.memory_space<vmem>>)
        tpu.yield
      }) : () -> ()
      %dma_start3A = arith.constant 0 : i32
      %dma_start3A_25 = arith.constant 0 : i32
      %dma_start3A_26 = arith.constant 0 : i32
      %dma_start3A_27 = tpu.memref_slice %arg7[%dma_start3A, %dma_start3A_25, %dma_start3A_26] : memref<6x1x128xi32, #tpu.memory_space<vmem>> -> memref<1x1x128xi32, #tpu.memory_space<vmem>>
      %dma_start3A_28 = tpu.memref_squeeze %dma_start3A_27 : memref<1x1x128xi32, #tpu.memory_space<vmem>> -> memref<128xi32, #tpu.memory_space<vmem>>
      %dma_start3A_29 = arith.constant 0 : i32
      %dma_start3A_30 = arith.constant 0 : i32
      %dma_start3A_31 = tpu.memref_slice %arg3[%dma_start3A_29, %dma_start3A_30] : memref<10240x128xf32, #tpu.memory_space<hbm>> -> memref<10240x128xf32, #tpu.memory_space<hbm>>
      tpu.enqueue_indirect_dma source(%dma_start3A_31 : memref<10240x128xf32, #tpu.memory_space<hbm>>) target(%arg11 : memref<128x128xf32, #tpu.memory_space<vmem>>) offsets(%dma_start3A_28 : memref<128xi32, #tpu.memory_space<vmem>>) semaphore(%arg15 : memref<!tpu.dma_semaphore, #tpu.memory_space<semaphore_mem>>)
      %dma_start3A_32 = arith.constant 1 : i32
      %dma_start3A_33 = arith.constant 0 : i32
      %dma_start3A_34 = arith.constant 0 : i32
      %dma_start3A_35 = tpu.memref_slice %arg7[%dma_start3A_32, %dma_start3A_33, %dma_start3A_34] : memref<6x1x128xi32, #tpu.memory_space<vmem>> -> memref<1x1x128xi32, #tpu.memory_space<vmem>>
      %dma_start3A_36 = tpu.memref_squeeze %dma_start3A_35 : memref<1x1x128xi32, #tpu.memory_space<vmem>> -> memref<128xi32, #tpu.memory_space<vmem>>
      %dma_start3A_37 = arith.constant 0 : i32
      %dma_start3A_38 = arith.constant 0 : i32
      %dma_start3A_39 = tpu.memref_slice %arg3[%dma_start3A_37, %dma_start3A_38] : memref<10240x128xf32, #tpu.memory_space<hbm>> -> memref<10240x128xf32, #tpu.memory_space<hbm>>
      tpu.enqueue_indirect_dma source(%dma_start3A_39 : memref<10240x128xf32, #tpu.memory_space<hbm>>) target(%arg12 : memref<128x128xf32, #tpu.memory_space<vmem>>) offsets(%dma_start3A_36 : memref<128xi32, #tpu.memory_space<vmem>>) semaphore(%arg16 : memref<!tpu.dma_semaphore, #tpu.memory_space<semaphore_mem>>)
      %dma_wait3A = arith.constant 0 : i32
      %dma_wait3A_40 = arith.constant 0 : i32
      %dma_wait3A_41 = arith.constant 0 : i32
      %dma_wait3A_42 = tpu.memref_slice %arg7[%dma_wait3A, %dma_wait3A_40, %dma_wait3A_41] : memref<6x1x128xi32, #tpu.memory_space<vmem>> -> memref<1x1x128xi32, #tpu.memory_space<vmem>>
      %dma_wait3A_43 = tpu.memref_squeeze %dma_wait3A_42 : memref<1x1x128xi32, #tpu.memory_space<vmem>> -> memref<128xi32, #tpu.memory_space<vmem>>
      %dma_wait3A_44 = arith.constant 0 : i32
      %dma_wait3A_45 = arith.constant 0 : i32
      %dma_wait3A_46 = tpu.memref_slice %arg3[%dma_wait3A_44, %dma_wait3A_45] : memref<10240x128xf32, #tpu.memory_space<hbm>> -> memref<10240x128xf32, #tpu.memory_space<hbm>>
      tpu.wait_indirect_dma semaphore(%arg15 : memref<!tpu.dma_semaphore, #tpu.memory_space<semaphore_mem>>) src(%dma_wait3A_46 : memref<10240x128xf32, #tpu.memory_space<hbm>>) dst(%arg11 : memref<128x128xf32, #tpu.memory_space<vmem>>)
      %dma_start3A_47 = arith.constant 0 : i32
      %dma_start3A_48 = arith.constant 0 : i32
      %dma_start3A_49 = arith.constant 0 : i32
      %dma_start3A_50 = tpu.memref_slice %arg8[%dma_start3A_47, %dma_start3A_48, %dma_start3A_49] : memref<6x1x128xi32, #tpu.memory_space<vmem>> -> memref<1x1x128xi32, #tpu.memory_space<vmem>>
      %dma_start3A_51 = tpu.memref_squeeze %dma_start3A_50 : memref<1x1x128xi32, #tpu.memory_space<vmem>> -> memref<128xi32, #tpu.memory_space<vmem>>
      %dma_start3A_52 = arith.constant 0 : i32
      %dma_start3A_53 = arith.constant 0 : i32
      %dma_start3A_54 = tpu.memref_slice %arg14[%dma_start3A_52, %dma_start3A_53] : memref<10240x128xf32, #tpu.memory_space<vmem_shared>> -> memref<10240x128xf32, #tpu.memory_space<vmem_shared>>
      tpu.enqueue_indirect_dma source(%arg11 : memref<128x128xf32, #tpu.memory_space<vmem>>) target(%dma_start3A_54 : memref<10240x128xf32, #tpu.memory_space<vmem_shared>>) offsets(%dma_start3A_51 : memref<128xi32, #tpu.memory_space<vmem>>) semaphore(%arg17 : memref<!tpu.dma_semaphore, #tpu.memory_space<semaphore_mem>>) {add = true}
      %dma_wait3A_55 = arith.constant 0 : i32
      %dma_wait3A_56 = arith.constant 0 : i32
      %dma_wait3A_57 = arith.constant 0 : i32
      %dma_wait3A_58 = tpu.memref_slice %arg8[%dma_wait3A_55, %dma_wait3A_56, %dma_wait3A_57] : memref<6x1x128xi32, #tpu.memory_space<vmem>> -> memref<1x1x128xi32, #tpu.memory_space<vmem>>
      %dma_wait3A_59 = tpu.memref_squeeze %dma_wait3A_58 : memref<1x1x128xi32, #tpu.memory_space<vmem>> -> memref<128xi32, #tpu.memory_space<vmem>>
      %dma_wait3A_60 = arith.constant 0 : i32
      %dma_wait3A_61 = arith.constant 0 : i32
      %dma_wait3A_62 = tpu.memref_slice %arg14[%dma_wait3A_60, %dma_wait3A_61] : memref<10240x128xf32, #tpu.memory_space<vmem_shared>> -> memref<10240x128xf32, #tpu.memory_space<vmem_shared>>
      tpu.wait_indirect_dma semaphore(%arg17 : memref<!tpu.dma_semaphore, #tpu.memory_space<semaphore_mem>>) src(%arg11 : memref<128x128xf32, #tpu.memory_space<vmem>>) dst(%dma_wait3A_62 : memref<10240x128xf32, #tpu.memory_space<vmem_shared>>)
      %dma_start3A_63 = arith.constant 2 : i32
      %dma_start3A_64 = arith.constant 0 : i32
      %dma_start3A_65 = arith.constant 0 : i32
      %dma_start3A_66 = tpu.memref_slice %arg7[%dma_start3A_63, %dma_start3A_64, %dma_start3A_65] : memref<6x1x128xi32, #tpu.memory_space<vmem>> -> memref<1x1x128xi32, #tpu.memory_space<vmem>>
      %dma_start3A_67 = tpu.memref_squeeze %dma_start3A_66 : memref<1x1x128xi32, #tpu.memory_space<vmem>> -> memref<128xi32, #tpu.memory_space<vmem>>
      %dma_start3A_68 = arith.constant 0 : i32
      %dma_start3A_69 = arith.constant 0 : i32
      %dma_start3A_70 = tpu.memref_slice %arg3[%dma_start3A_68, %dma_start3A_69] : memref<10240x128xf32, #tpu.memory_space<hbm>> -> memref<10240x128xf32, #tpu.memory_space<hbm>>
      tpu.enqueue_indirect_dma source(%dma_start3A_70 : memref<10240x128xf32, #tpu.memory_space<hbm>>) target(%arg11 : memref<128x128xf32, #tpu.memory_space<vmem>>) offsets(%dma_start3A_67 : memref<128xi32, #tpu.memory_space<vmem>>) semaphore(%arg15 : memref<!tpu.dma_semaphore, #tpu.memory_space<semaphore_mem>>)
      %dma_wait3A_71 = arith.constant 0 : i32
      %dma_wait3A_72 = arith.constant 0 : i32
      %dma_wait3A_73 = arith.constant 0 : i32
      %dma_wait3A_74 = tpu.memref_slice %arg7[%dma_wait3A_71, %dma_wait3A_72, %dma_wait3A_73] : memref<6x1x128xi32, #tpu.memory_space<vmem>> -> memref<1x1x128xi32, #tpu.memory_space<vmem>>
      %dma_wait3A_75 = tpu.memref_squeeze %dma_wait3A_74 : memref<1x1x128xi32, #tpu.memory_space<vmem>> -> memref<128xi32, #tpu.memory_space<vmem>>
      %dma_wait3A_76 = arith.constant 0 : i32
      %dma_wait3A_77 = arith.constant 0 : i32
      %dma_wait3A_78 = tpu.memref_slice %arg3[%dma_wait3A_76, %dma_wait3A_77] : memref<10240x128xf32, #tpu.memory_space<hbm>> -> memref<10240x128xf32, #tpu.memory_space<hbm>>
      tpu.wait_indirect_dma semaphore(%arg16 : memref<!tpu.dma_semaphore, #tpu.memory_space<semaphore_mem>>) src(%dma_wait3A_78 : memref<10240x128xf32, #tpu.memory_space<hbm>>) dst(%arg12 : memref<128x128xf32, #tpu.memory_space<vmem>>)
      %dma_start3A_79 = arith.constant 1 : i32
      %dma_start3A_80 = arith.constant 0 : i32
      %dma_start3A_81 = arith.constant 0 : i32
      %dma_start3A_82 = tpu.memref_slice %arg8[%dma_start3A_79, %dma_start3A_80, %dma_start3A_81] : memref<6x1x128xi32, #tpu.memory_space<vmem>> -> memref<1x1x128xi32, #tpu.memory_space<vmem>>
      %dma_start3A_83 = tpu.memref_squeeze %dma_start3A_82 : memref<1x1x128xi32, #tpu.memory_space<vmem>> -> memref<128xi32, #tpu.memory_space<vmem>>
      %dma_start3A_84 = arith.constant 0 : i32
      %dma_start3A_85 = arith.constant 0 : i32
      %dma_start3A_86 = tpu.memref_slice %arg14[%dma_start3A_84, %dma_start3A_85] : memref<10240x128xf32, #tpu.memory_space<vmem_shared>> -> memref<10240x128xf32, #tpu.memory_space<vmem_shared>>
      tpu.enqueue_indirect_dma source(%arg12 : memref<128x128xf32, #tpu.memory_space<vmem>>) target(%dma_start3A_86 : memref<10240x128xf32, #tpu.memory_space<vmem_shared>>) offsets(%dma_start3A_83 : memref<128xi32, #tpu.memory_space<vmem>>) semaphore(%arg18 : memref<!tpu.dma_semaphore, #tpu.memory_space<semaphore_mem>>) {add = true}
      %min3A = arith.constant 6 : i32
      %min3A_87 = arith.constant 78 : i32
      %min3A_88 = arith.minsi %min3A, %min3A_87 : i32
      %add3A = arith.addi %mul3A_11, %min3A_88 : i32
      %dma_start3A_89 = arith.constant 0 : i32
      %dma_start3A_90 = arith.constant 0 : i32
      %dma_start3A_91 = tpu.memref_slice %arg4[%add3A, %dma_start3A_89, %dma_start3A_90] : memref<1344x1x128xi32, #tpu.memory_space<hbm>> -> memref<6x1x128xi32, #tpu.memory_space<hbm>>
      %dma_start3A_92 = arith.constant 0 : i32
      %dma_start3A_93 = arith.constant 0 : i32
      %dma_start3A_94 = tpu.memref_slice %arg4[%add3A, %dma_start3A_92, %dma_start3A_93] : memref<1344x1x128xi32, #tpu.memory_space<hbm>> -> memref<6x1x128xi32, #tpu.memory_space<hbm>>
      tpu.enqueue_dma source(%dma_start3A_94 : memref<6x1x128xi32, #tpu.memory_space<hbm>>) target(%arg9 : memref<6x1x128xi32, #tpu.memory_space<vmem>>) target_semaphore(%arg19 : memref<!tpu.dma_semaphore, #tpu.memory_space<semaphore_mem>>)
      %dma_start3A_95 = arith.constant 0 : i32
      %dma_start3A_96 = arith.constant 0 : i32
      %dma_start3A_97 = tpu.memref_slice %arg5[%add3A, %dma_start3A_95, %dma_start3A_96] : memref<1344x1x128xi32, #tpu.memory_space<hbm>> -> memref<6x1x128xi32, #tpu.memory_space<hbm>>
      %dma_start3A_98 = arith.constant 0 : i32
      %dma_start3A_99 = arith.constant 0 : i32
      %dma_start3A_100 = tpu.memref_slice %arg5[%add3A, %dma_start3A_98, %dma_start3A_99] : memref<1344x1x128xi32, #tpu.memory_space<hbm>> -> memref<6x1x128xi32, #tpu.memory_space<hbm>>
      tpu.enqueue_dma source(%dma_start3A_100 : memref<6x1x128xi32, #tpu.memory_space<hbm>>) target(%arg10 : memref<6x1x128xi32, #tpu.memory_space<vmem>>) target_semaphore(%arg19 : memref<!tpu.dma_semaphore, #tpu.memory_space<semaphore_mem>>)
      %dma_wait3A_101 = arith.constant 0 : i32
      %dma_wait3A_102 = arith.constant 0 : i32
      %dma_wait3A_103 = arith.constant 0 : i32
      %dma_wait3A_104 = tpu.memref_slice %arg8[%dma_wait3A_101, %dma_wait3A_102, %dma_wait3A_103] : memref<6x1x128xi32, #tpu.memory_space<vmem>> -> memref<1x1x128xi32, #tpu.memory_space<vmem>>
      %dma_wait3A_105 = tpu.memref_squeeze %dma_wait3A_104 : memref<1x1x128xi32, #tpu.memory_space<vmem>> -> memref<128xi32, #tpu.memory_space<vmem>>
      %dma_wait3A_106 = arith.constant 0 : i32
      %dma_wait3A_107 = arith.constant 0 : i32
      %dma_wait3A_108 = tpu.memref_slice %arg14[%dma_wait3A_106, %dma_wait3A_107] : memref<10240x128xf32, #tpu.memory_space<vmem_shared>> -> memref<10240x128xf32, #tpu.memory_space<vmem_shared>>
      tpu.wait_indirect_dma semaphore(%arg18 : memref<!tpu.dma_semaphore, #tpu.memory_space<semaphore_mem>>) src(%arg12 : memref<128x128xf32, #tpu.memory_space<vmem>>) dst(%dma_wait3A_108 : memref<10240x128xf32, #tpu.memory_space<vmem_shared>>)
      %dma_start3A_109 = arith.constant 3 : i32
      %dma_start3A_110 = arith.constant 0 : i32
      %dma_start3A_111 = arith.constant 0 : i32
      %dma_start3A_112 = tpu.memref_slice %arg7[%dma_start3A_109, %dma_start3A_110, %dma_start3A_111] : memref<6x1x128xi32, #tpu.memory_space<vmem>> -> memref<1x1x128xi32, #tpu.memory_space<vmem>>
      %dma_start3A_113 = tpu.memref_squeeze %dma_start3A_112 : memref<1x1x128xi32, #tpu.memory_space<vmem>> -> memref<128xi32, #tpu.memory_space<vmem>>
      %dma_start3A_114 = arith.constant 0 : i32
      %dma_start3A_115 = arith.constant 0 : i32
      %dma_start3A_116 = tpu.memref_slice %arg3[%dma_start3A_114, %dma_start3A_115] : memref<10240x128xf32, #tpu.memory_space<hbm>> -> memref<10240x128xf32, #tpu.memory_space<hbm>>
      tpu.enqueue_indirect_dma source(%dma_start3A_116 : memref<10240x128xf32, #tpu.memory_space<hbm>>) target(%arg12 : memref<128x128xf32, #tpu.memory_space<vmem>>) offsets(%dma_start3A_113 : memref<128xi32, #tpu.memory_space<vmem>>) semaphore(%arg16 : memref<!tpu.dma_semaphore, #tpu.memory_space<semaphore_mem>>)
      %dma_wait3A_117 = arith.constant 0 : i32
      %dma_wait3A_118 = arith.constant 0 : i32
      %dma_wait3A_119 = arith.constant 0 : i32
      %dma_wait3A_120 = tpu.memref_slice %arg7[%dma_wait3A_117, %dma_wait3A_118, %dma_wait3A_119] : memref<6x1x128xi32, #tpu.memory_space<vmem>> -> memref<1x1x128xi32, #tpu.memory_space<vmem>>
      %dma_wait3A_121 = tpu.memref_squeeze %dma_wait3A_120 : memref<1x1x128xi32, #tpu.memory_space<vmem>> -> memref<128xi32, #tpu.memory_space<vmem>>
      %dma_wait3A_122 = arith.constant 0 : i32
      %dma_wait3A_123 = arith.constant 0 : i32
      %dma_wait3A_124 = tpu.memref_slice %arg3[%dma_wait3A_122, %dma_wait3A_123] : memref<10240x128xf32, #tpu.memory_space<hbm>> -> memref<10240x128xf32, #tpu.memory_space<hbm>>
      tpu.wait_indirect_dma semaphore(%arg15 : memref<!tpu.dma_semaphore, #tpu.memory_space<semaphore_mem>>) src(%dma_wait3A_124 : memref<10240x128xf32, #tpu.memory_space<hbm>>) dst(%arg11 : memref<128x128xf32, #tpu.memory_space<vmem>>)
      %dma_start3A_125 = arith.constant 2 : i32
      %dma_start3A_126 = arith.constant 0 : i32
      %dma_start3A_127 = arith.constant 0 : i32
      %dma_start3A_128 = tpu.memref_slice %arg8[%dma_start3A_125, %dma_start3A_126, %dma_start3A_127] : memref<6x1x128xi32, #tpu.memory_space<vmem>> -> memref<1x1x128xi32, #tpu.memory_space<vmem>>
      %dma_start3A_129 = tpu.memref_squeeze %dma_start3A_128 : memref<1x1x128xi32, #tpu.memory_space<vmem>> -> memref<128xi32, #tpu.memory_space<vmem>>
      %dma_start3A_130 = arith.constant 0 : i32
      %dma_start3A_131 = arith.constant 0 : i32
      %dma_start3A_132 = tpu.memref_slice %arg14[%dma_start3A_130, %dma_start3A_131] : memref<10240x128xf32, #tpu.memory_space<vmem_shared>> -> memref<10240x128xf32, #tpu.memory_space<vmem_shared>>
      tpu.enqueue_indirect_dma source(%arg11 : memref<128x128xf32, #tpu.memory_space<vmem>>) target(%dma_start3A_132 : memref<10240x128xf32, #tpu.memory_space<vmem_shared>>) offsets(%dma_start3A_129 : memref<128xi32, #tpu.memory_space<vmem>>) semaphore(%arg17 : memref<!tpu.dma_semaphore, #tpu.memory_space<semaphore_mem>>) {add = true}
      %dma_wait3A_133 = arith.constant 0 : i32
      %dma_wait3A_134 = arith.constant 0 : i32
      %dma_wait3A_135 = arith.constant 0 : i32
      %dma_wait3A_136 = tpu.memref_slice %arg8[%dma_wait3A_133, %dma_wait3A_134, %dma_wait3A_135] : memref<6x1x128xi32, #tpu.memory_space<vmem>> -> memref<1x1x128xi32, #tpu.memory_space<vmem>>
      %dma_wait3A_137 = tpu.memref_squeeze %dma_wait3A_136 : memref<1x1x128xi32, #tpu.memory_space<vmem>> -> memref<128xi32, #tpu.memory_space<vmem>>
      %dma_wait3A_138 = arith.constant 0 : i32
      %dma_wait3A_139 = arith.constant 0 : i32
      %dma_wait3A_140 = tpu.memref_slice %arg14[%dma_wait3A_138, %dma_wait3A_139] : memref<10240x128xf32, #tpu.memory_space<vmem_shared>> -> memref<10240x128xf32, #tpu.memory_space<vmem_shared>>
      tpu.wait_indirect_dma semaphore(%arg17 : memref<!tpu.dma_semaphore, #tpu.memory_space<semaphore_mem>>) src(%arg11 : memref<128x128xf32, #tpu.memory_space<vmem>>) dst(%dma_wait3A_140 : memref<10240x128xf32, #tpu.memory_space<vmem_shared>>)
      %dma_start3A_141 = arith.constant 4 : i32
      %dma_start3A_142 = arith.constant 0 : i32
      %dma_start3A_143 = arith.constant 0 : i32
      %dma_start3A_144 = tpu.memref_slice %arg7[%dma_start3A_141, %dma_start3A_142, %dma_start3A_143] : memref<6x1x128xi32, #tpu.memory_space<vmem>> -> memref<1x1x128xi32, #tpu.memory_space<vmem>>
      %dma_start3A_145 = tpu.memref_squeeze %dma_start3A_144 : memref<1x1x128xi32, #tpu.memory_space<vmem>> -> memref<128xi32, #tpu.memory_space<vmem>>
      %dma_start3A_146 = arith.constant 0 : i32
      %dma_start3A_147 = arith.constant 0 : i32
      %dma_start3A_148 = tpu.memref_slice %arg3[%dma_start3A_146, %dma_start3A_147] : memref<10240x128xf32, #tpu.memory_space<hbm>> -> memref<10240x128xf32, #tpu.memory_space<hbm>>
      tpu.enqueue_indirect_dma source(%dma_start3A_148 : memref<10240x128xf32, #tpu.memory_space<hbm>>) target(%arg11 : memref<128x128xf32, #tpu.memory_space<vmem>>) offsets(%dma_start3A_145 : memref<128xi32, #tpu.memory_space<vmem>>) semaphore(%arg15 : memref<!tpu.dma_semaphore, #tpu.memory_space<semaphore_mem>>)
      %dma_wait3A_149 = arith.constant 0 : i32
      %dma_wait3A_150 = arith.constant 0 : i32
      %dma_wait3A_151 = arith.constant 0 : i32
      %dma_wait3A_152 = tpu.memref_slice %arg7[%dma_wait3A_149, %dma_wait3A_150, %dma_wait3A_151] : memref<6x1x128xi32, #tpu.memory_space<vmem>> -> memref<1x1x128xi32, #tpu.memory_space<vmem>>
      %dma_wait3A_153 = tpu.memref_squeeze %dma_wait3A_152 : memref<1x1x128xi32, #tpu.memory_space<vmem>> -> memref<128xi32, #tpu.memory_space<vmem>>
      %dma_wait3A_154 = arith.constant 0 : i32
      %dma_wait3A_155 = arith.constant 0 : i32
      %dma_wait3A_156 = tpu.memref_slice %arg3[%dma_wait3A_154, %dma_wait3A_155] : memref<10240x128xf32, #tpu.memory_space<hbm>> -> memref<10240x128xf32, #tpu.memory_space<hbm>>
      tpu.wait_indirect_dma semaphore(%arg16 : memref<!tpu.dma_semaphore, #tpu.memory_space<semaphore_mem>>) src(%dma_wait3A_156 : memref<10240x128xf32, #tpu.memory_space<hbm>>) dst(%arg12 : memref<128x128xf32, #tpu.memory_space<vmem>>)
      %dma_start3A_157 = arith.constant 3 : i32
      %dma_start3A_158 = arith.constant 0 : i32
      %dma_start3A_159 = arith.constant 0 : i32
      %dma_start3A_160 = tpu.memref_slice %arg8[%dma_start3A_157, %dma_start3A_158, %dma_start3A_159] : memref<6x1x128xi32, #tpu.memory_space<vmem>> -> memref<1x1x128xi32, #tpu.memory_space<vmem>>
      %dma_start3A_161 = tpu.memref_squeeze %dma_start3A_160 : memref<1x1x128xi32, #tpu.memory_space<vmem>> -> memref<128xi32, #tpu.memory_space<vmem>>
      %dma_start3A_162 = arith.constant 0 : i32
      %dma_start3A_163 = arith.constant 0 : i32
      %dma_start3A_164 = tpu.memref_slice %arg14[%dma_start3A_162, %dma_start3A_163] : memref<10240x128xf32, #tpu.memory_space<vmem_shared>> -> memref<10240x128xf32, #tpu.memory_space<vmem_shared>>
      tpu.enqueue_indirect_dma source(%arg12 : memref<128x128xf32, #tpu.memory_space<vmem>>) target(%dma_start3A_164 : memref<10240x128xf32, #tpu.memory_space<vmem_shared>>) offsets(%dma_start3A_161 : memref<128xi32, #tpu.memory_space<vmem>>) semaphore(%arg18 : memref<!tpu.dma_semaphore, #tpu.memory_space<semaphore_mem>>) {add = true}
      %dma_wait3A_165 = arith.constant 0 : i32
      %dma_wait3A_166 = arith.constant 0 : i32
      %dma_wait3A_167 = arith.constant 0 : i32
      %dma_wait3A_168 = tpu.memref_slice %arg8[%dma_wait3A_165, %dma_wait3A_166, %dma_wait3A_167] : memref<6x1x128xi32, #tpu.memory_space<vmem>> -> memref<1x1x128xi32, #tpu.memory_space<vmem>>
      %dma_wait3A_169 = tpu.memref_squeeze %dma_wait3A_168 : memref<1x1x128xi32, #tpu.memory_space<vmem>> -> memref<128xi32, #tpu.memory_space<vmem>>
      %dma_wait3A_170 = arith.constant 0 : i32
      %dma_wait3A_171 = arith.constant 0 : i32
      %dma_wait3A_172 = tpu.memref_slice %arg14[%dma_wait3A_170, %dma_wait3A_171] : memref<10240x128xf32, #tpu.memory_space<vmem_shared>> -> memref<10240x128xf32, #tpu.memory_space<vmem_shared>>
      tpu.wait_indirect_dma semaphore(%arg18 : memref<!tpu.dma_semaphore, #tpu.memory_space<semaphore_mem>>) src(%arg12 : memref<128x128xf32, #tpu.memory_space<vmem>>) dst(%dma_wait3A_172 : memref<10240x128xf32, #tpu.memory_space<vmem_shared>>)
      %dma_start3A_173 = arith.constant 5 : i32
      %dma_start3A_174 = arith.constant 0 : i32
      %dma_start3A_175 = arith.constant 0 : i32
      %dma_start3A_176 = tpu.memref_slice %arg7[%dma_start3A_173, %dma_start3A_174, %dma_start3A_175] : memref<6x1x128xi32, #tpu.memory_space<vmem>> -> memref<1x1x128xi32, #tpu.memory_space<vmem>>
      %dma_start3A_177 = tpu.memref_squeeze %dma_start3A_176 : memref<1x1x128xi32, #tpu.memory_space<vmem>> -> memref<128xi32, #tpu.memory_space<vmem>>
      %dma_start3A_178 = arith.constant 0 : i32
      %dma_start3A_179 = arith.constant 0 : i32
      %dma_start3A_180 = tpu.memref_slice %arg3[%dma_start3A_178, %dma_start3A_179] : memref<10240x128xf32, #tpu.memory_space<hbm>> -> memref<10240x128xf32, #tpu.memory_space<hbm>>
      tpu.enqueue_indirect_dma source(%dma_start3A_180 : memref<10240x128xf32, #tpu.memory_space<hbm>>) target(%arg12 : memref<128x128xf32, #tpu.memory_space<vmem>>) offsets(%dma_start3A_177 : memref<128xi32, #tpu.memory_space<vmem>>) semaphore(%arg16 : memref<!tpu.dma_semaphore, #tpu.memory_space<semaphore_mem>>)
      %dma_wait3A_181 = arith.constant 0 : i32
      %dma_wait3A_182 = arith.constant 0 : i32
      %dma_wait3A_183 = arith.constant 0 : i32
      %dma_wait3A_184 = tpu.memref_slice %arg7[%dma_wait3A_181, %dma_wait3A_182, %dma_wait3A_183] : memref<6x1x128xi32, #tpu.memory_space<vmem>> -> memref<1x1x128xi32, #tpu.memory_space<vmem>>
      %dma_wait3A_185 = tpu.memref_squeeze %dma_wait3A_184 : memref<1x1x128xi32, #tpu.memory_space<vmem>> -> memref<128xi32, #tpu.memory_space<vmem>>
      %dma_wait3A_186 = arith.constant 0 : i32
      %dma_wait3A_187 = arith.constant 0 : i32
      %dma_wait3A_188 = tpu.memref_slice %arg3[%dma_wait3A_186, %dma_wait3A_187] : memref<10240x128xf32, #tpu.memory_space<hbm>> -> memref<10240x128xf32, #tpu.memory_space<hbm>>
      tpu.wait_indirect_dma semaphore(%arg15 : memref<!tpu.dma_semaphore, #tpu.memory_space<semaphore_mem>>) src(%dma_wait3A_188 : memref<10240x128xf32, #tpu.memory_space<hbm>>) dst(%arg11 : memref<128x128xf32, #tpu.memory_space<vmem>>)
      %dma_start3A_189 = arith.constant 4 : i32
      %dma_start3A_190 = arith.constant 0 : i32
      %dma_start3A_191 = arith.constant 0 : i32
      %dma_start3A_192 = tpu.memref_slice %arg8[%dma_start3A_189, %dma_start3A_190, %dma_start3A_191] : memref<6x1x128xi32, #tpu.memory_space<vmem>> -> memref<1x1x128xi32, #tpu.memory_space<vmem>>
      %dma_start3A_193 = tpu.memref_squeeze %dma_start3A_192 : memref<1x1x128xi32, #tpu.memory_space<vmem>> -> memref<128xi32, #tpu.memory_space<vmem>>
      %dma_start3A_194 = arith.constant 0 : i32
      %dma_start3A_195 = arith.constant 0 : i32
      %dma_start3A_196 = tpu.memref_slice %arg14[%dma_start3A_194, %dma_start3A_195] : memref<10240x128xf32, #tpu.memory_space<vmem_shared>> -> memref<10240x128xf32, #tpu.memory_space<vmem_shared>>
      tpu.enqueue_indirect_dma source(%arg11 : memref<128x128xf32, #tpu.memory_space<vmem>>) target(%dma_start3A_196 : memref<10240x128xf32, #tpu.memory_space<vmem_shared>>) offsets(%dma_start3A_193 : memref<128xi32, #tpu.memory_space<vmem>>) semaphore(%arg17 : memref<!tpu.dma_semaphore, #tpu.memory_space<semaphore_mem>>) {add = true}
      %dma_wait3A_197 = arith.constant 0 : i32
      %dma_wait3A_198 = arith.constant 0 : i32
      %dma_wait3A_199 = arith.constant 0 : i32
      %dma_wait3A_200 = tpu.memref_slice %arg4[%dma_wait3A_197, %dma_wait3A_198, %dma_wait3A_199] : memref<1344x1x128xi32, #tpu.memory_space<hbm>> -> memref<6x1x128xi32, #tpu.memory_space<hbm>>
      %dma_wait3A_201 = arith.constant 0 : i32
      %dma_wait3A_202 = arith.constant 0 : i32
      %dma_wait3A_203 = arith.constant 0 : i32
      %dma_wait3A_204 = tpu.memref_slice %arg4[%dma_wait3A_201, %dma_wait3A_202, %dma_wait3A_203] : memref<1344x1x128xi32, #tpu.memory_space<hbm>> -> memref<6x1x128xi32, #tpu.memory_space<hbm>>
      tpu.wait_dma2 semaphore(%arg19 : memref<!tpu.dma_semaphore, #tpu.memory_space<semaphore_mem>>) src(%dma_wait3A_204 : memref<6x1x128xi32, #tpu.memory_space<hbm>>) dst(%arg7 : memref<6x1x128xi32, #tpu.memory_space<vmem>>)
      %dma_wait3A_205 = arith.constant 0 : i32
      %dma_wait3A_206 = arith.constant 0 : i32
      %dma_wait3A_207 = arith.constant 0 : i32
      %dma_wait3A_208 = tpu.memref_slice %arg4[%dma_wait3A_205, %dma_wait3A_206, %dma_wait3A_207] : memref<1344x1x128xi32, #tpu.memory_space<hbm>> -> memref<6x1x128xi32, #tpu.memory_space<hbm>>
      %dma_wait3A_209 = arith.constant 0 : i32
      %dma_wait3A_210 = arith.constant 0 : i32
      %dma_wait3A_211 = arith.constant 0 : i32
      %dma_wait3A_212 = tpu.memref_slice %arg4[%dma_wait3A_209, %dma_wait3A_210, %dma_wait3A_211] : memref<1344x1x128xi32, #tpu.memory_space<hbm>> -> memref<6x1x128xi32, #tpu.memory_space<hbm>>
      tpu.wait_dma2 semaphore(%arg19 : memref<!tpu.dma_semaphore, #tpu.memory_space<semaphore_mem>>) src(%dma_wait3A_212 : memref<6x1x128xi32, #tpu.memory_space<hbm>>) dst(%arg7 : memref<6x1x128xi32, #tpu.memory_space<vmem>>)
      %scan3A_213 = arith.constant 0 : i32
      %scan3A_214 = arith.constant 6 : i32
      %scan3A_215 = arith.addi %scan3A_213, %scan3A_214 : i32
      %scan3A_216 = arith.constant 1 : i32
      scf.for %scan3A_474 = %scan3A_213 to %scan3A_215 step %scan3A_216  : i32 {
        %mul3A_475 = arith.constant 2 : i32
        %mul3A_476 = arith.muli %mul3A_475, %scan3A_474 : i32
        %add3A_477 = arith.constant 1 : i32
        %add3A_478 = arith.addi %mul3A_476, %add3A_477 : i32
        %dma_wait3A_479 = arith.constant 0 : i32
        %dma_wait3A_480 = arith.constant 0 : i32
        %dma_wait3A_481 = arith.constant 0 : i32
        %dma_wait3A_482 = tpu.memref_slice %arg8[%dma_wait3A_479, %dma_wait3A_480, %dma_wait3A_481] : memref<6x1x128xi32, #tpu.memory_space<vmem>> -> memref<1x1x128xi32, #tpu.memory_space<vmem>>
        %dma_wait3A_483 = tpu.memref_squeeze %dma_wait3A_482 : memref<1x1x128xi32, #tpu.memory_space<vmem>> -> memref<128xi32, #tpu.memory_space<vmem>>
        %dma_wait3A_484 = arith.constant 0 : i32
        %dma_wait3A_485 = arith.constant 0 : i32
        %dma_wait3A_486 = tpu.memref_slice %arg14[%dma_wait3A_484, %dma_wait3A_485] : memref<10240x128xf32, #tpu.memory_space<vmem_shared>> -> memref<10240x128xf32, #tpu.memory_space<vmem_shared>>
        tpu.wait_indirect_dma semaphore(%arg17 : memref<!tpu.dma_semaphore, #tpu.memory_space<semaphore_mem>>) src(%arg11 : memref<128x128xf32, #tpu.memory_space<vmem>>) dst(%dma_wait3A_486 : memref<10240x128xf32, #tpu.memory_space<vmem_shared>>)
        %dma_start3A_487 = arith.constant 0 : i32
        %dma_start3A_488 = arith.constant 0 : i32
        %dma_start3A_489 = arith.constant 0 : i32
        %dma_start3A_490 = tpu.memref_slice %arg9[%dma_start3A_487, %dma_start3A_488, %dma_start3A_489] : memref<6x1x128xi32, #tpu.memory_space<vmem>> -> memref<1x1x128xi32, #tpu.memory_space<vmem>>
        %dma_start3A_491 = tpu.memref_squeeze %dma_start3A_490 : memref<1x1x128xi32, #tpu.memory_space<vmem>> -> memref<128xi32, #tpu.memory_space<vmem>>
        %dma_start3A_492 = arith.constant 0 : i32
        %dma_start3A_493 = arith.constant 0 : i32
        %dma_start3A_494 = tpu.memref_slice %arg3[%dma_start3A_492, %dma_start3A_493] : memref<10240x128xf32, #tpu.memory_space<hbm>> -> memref<10240x128xf32, #tpu.memory_space<hbm>>
        tpu.enqueue_indirect_dma source(%dma_start3A_494 : memref<10240x128xf32, #tpu.memory_space<hbm>>) target(%arg11 : memref<128x128xf32, #tpu.memory_space<vmem>>) offsets(%dma_start3A_491 : memref<128xi32, #tpu.memory_space<vmem>>) semaphore(%arg15 : memref<!tpu.dma_semaphore, #tpu.memory_space<semaphore_mem>>)
        %dma_wait3A_495 = arith.constant 0 : i32
        %dma_wait3A_496 = arith.constant 0 : i32
        %dma_wait3A_497 = arith.constant 0 : i32
        %dma_wait3A_498 = tpu.memref_slice %arg7[%dma_wait3A_495, %dma_wait3A_496, %dma_wait3A_497] : memref<6x1x128xi32, #tpu.memory_space<vmem>> -> memref<1x1x128xi32, #tpu.memory_space<vmem>>
        %dma_wait3A_499 = tpu.memref_squeeze %dma_wait3A_498 : memref<1x1x128xi32, #tpu.memory_space<vmem>> -> memref<128xi32, #tpu.memory_space<vmem>>
        %dma_wait3A_500 = arith.constant 0 : i32
        %dma_wait3A_501 = arith.constant 0 : i32
        %dma_wait3A_502 = tpu.memref_slice %arg3[%dma_wait3A_500, %dma_wait3A_501] : memref<10240x128xf32, #tpu.memory_space<hbm>> -> memref<10240x128xf32, #tpu.memory_space<hbm>>
        tpu.wait_indirect_dma semaphore(%arg16 : memref<!tpu.dma_semaphore, #tpu.memory_space<semaphore_mem>>) src(%dma_wait3A_502 : memref<10240x128xf32, #tpu.memory_space<hbm>>) dst(%arg12 : memref<128x128xf32, #tpu.memory_space<vmem>>)
        %dma_start3A_503 = arith.constant 5 : i32
        %dma_start3A_504 = arith.constant 0 : i32
        %dma_start3A_505 = arith.constant 0 : i32
        %dma_start3A_506 = tpu.memref_slice %arg8[%dma_start3A_503, %dma_start3A_504, %dma_start3A_505] : memref<6x1x128xi32, #tpu.memory_space<vmem>> -> memref<1x1x128xi32, #tpu.memory_space<vmem>>
        %dma_start3A_507 = tpu.memref_squeeze %dma_start3A_506 : memref<1x1x128xi32, #tpu.memory_space<vmem>> -> memref<128xi32, #tpu.memory_space<vmem>>
        %dma_start3A_508 = arith.constant 0 : i32
        %dma_start3A_509 = arith.constant 0 : i32
        %dma_start3A_510 = tpu.memref_slice %arg14[%dma_start3A_508, %dma_start3A_509] : memref<10240x128xf32, #tpu.memory_space<vmem_shared>> -> memref<10240x128xf32, #tpu.memory_space<vmem_shared>>
        tpu.enqueue_indirect_dma source(%arg12 : memref<128x128xf32, #tpu.memory_space<vmem>>) target(%dma_start3A_510 : memref<10240x128xf32, #tpu.memory_space<vmem_shared>>) offsets(%dma_start3A_507 : memref<128xi32, #tpu.memory_space<vmem>>) semaphore(%arg18 : memref<!tpu.dma_semaphore, #tpu.memory_space<semaphore_mem>>) {add = true}
        %dma_wait3A_511 = arith.constant 0 : i32
        %dma_wait3A_512 = arith.constant 0 : i32
        %dma_wait3A_513 = arith.constant 0 : i32
        %dma_wait3A_514 = tpu.memref_slice %arg8[%dma_wait3A_511, %dma_wait3A_512, %dma_wait3A_513] : memref<6x1x128xi32, #tpu.memory_space<vmem>> -> memref<1x1x128xi32, #tpu.memory_space<vmem>>
        %dma_wait3A_515 = tpu.memref_squeeze %dma_wait3A_514 : memref<1x1x128xi32, #tpu.memory_space<vmem>> -> memref<128xi32, #tpu.memory_space<vmem>>
        %dma_wait3A_516 = arith.constant 0 : i32
        %dma_wait3A_517 = arith.constant 0 : i32
        %dma_wait3A_518 = tpu.memref_slice %arg14[%dma_wait3A_516, %dma_wait3A_517] : memref<10240x128xf32, #tpu.memory_space<vmem_shared>> -> memref<10240x128xf32, #tpu.memory_space<vmem_shared>>
        tpu.wait_indirect_dma semaphore(%arg18 : memref<!tpu.dma_semaphore, #tpu.memory_space<semaphore_mem>>) src(%arg12 : memref<128x128xf32, #tpu.memory_space<vmem>>) dst(%dma_wait3A_518 : memref<10240x128xf32, #tpu.memory_space<vmem_shared>>)
        %dma_start3A_519 = arith.constant 1 : i32
        %dma_start3A_520 = arith.constant 0 : i32
        %dma_start3A_521 = arith.constant 0 : i32
        %dma_start3A_522 = tpu.memref_slice %arg9[%dma_start3A_519, %dma_start3A_520, %dma_start3A_521] : memref<6x1x128xi32, #tpu.memory_space<vmem>> -> memref<1x1x128xi32, #tpu.memory_space<vmem>>
        %dma_start3A_523 = tpu.memref_squeeze %dma_start3A_522 : memref<1x1x128xi32, #tpu.memory_space<vmem>> -> memref<128xi32, #tpu.memory_space<vmem>>
        %dma_start3A_524 = arith.constant 0 : i32
        %dma_start3A_525 = arith.constant 0 : i32
        %dma_start3A_526 = tpu.memref_slice %arg3[%dma_start3A_524, %dma_start3A_525] : memref<10240x128xf32, #tpu.memory_space<hbm>> -> memref<10240x128xf32, #tpu.memory_space<hbm>>
        tpu.enqueue_indirect_dma source(%dma_start3A_526 : memref<10240x128xf32, #tpu.memory_space<hbm>>) target(%arg12 : memref<128x128xf32, #tpu.memory_space<vmem>>) offsets(%dma_start3A_523 : memref<128xi32, #tpu.memory_space<vmem>>) semaphore(%arg16 : memref<!tpu.dma_semaphore, #tpu.memory_space<semaphore_mem>>)
        %dma_wait3A_527 = arith.constant 0 : i32
        %dma_wait3A_528 = arith.constant 0 : i32
        %dma_wait3A_529 = arith.constant 0 : i32
        %dma_wait3A_530 = tpu.memref_slice %arg7[%dma_wait3A_527, %dma_wait3A_528, %dma_wait3A_529] : memref<6x1x128xi32, #tpu.memory_space<vmem>> -> memref<1x1x128xi32, #tpu.memory_space<vmem>>
        %dma_wait3A_531 = tpu.memref_squeeze %dma_wait3A_530 : memref<1x1x128xi32, #tpu.memory_space<vmem>> -> memref<128xi32, #tpu.memory_space<vmem>>
        %dma_wait3A_532 = arith.constant 0 : i32
        %dma_wait3A_533 = arith.constant 0 : i32
        %dma_wait3A_534 = tpu.memref_slice %arg3[%dma_wait3A_532, %dma_wait3A_533] : memref<10240x128xf32, #tpu.memory_space<hbm>> -> memref<10240x128xf32, #tpu.memory_space<hbm>>
        tpu.wait_indirect_dma semaphore(%arg15 : memref<!tpu.dma_semaphore, #tpu.memory_space<semaphore_mem>>) src(%dma_wait3A_534 : memref<10240x128xf32, #tpu.memory_space<hbm>>) dst(%arg11 : memref<128x128xf32, #tpu.memory_space<vmem>>)
        %dma_start3A_535 = arith.constant 0 : i32
        %dma_start3A_536 = arith.constant 0 : i32
        %dma_start3A_537 = arith.constant 0 : i32
        %dma_start3A_538 = tpu.memref_slice %arg10[%dma_start3A_535, %dma_start3A_536, %dma_start3A_537] : memref<6x1x128xi32, #tpu.memory_space<vmem>> -> memref<1x1x128xi32, #tpu.memory_space<vmem>>
        %dma_start3A_539 = tpu.memref_squeeze %dma_start3A_538 : memref<1x1x128xi32, #tpu.memory_space<vmem>> -> memref<128xi32, #tpu.memory_space<vmem>>
        %dma_start3A_540 = arith.constant 0 : i32
        %dma_start3A_541 = arith.constant 0 : i32
        %dma_start3A_542 = tpu.memref_slice %arg14[%dma_start3A_540, %dma_start3A_541] : memref<10240x128xf32, #tpu.memory_space<vmem_shared>> -> memref<10240x128xf32, #tpu.memory_space<vmem_shared>>
        tpu.enqueue_indirect_dma source(%arg11 : memref<128x128xf32, #tpu.memory_space<vmem>>) target(%dma_start3A_542 : memref<10240x128xf32, #tpu.memory_space<vmem_shared>>) offsets(%dma_start3A_539 : memref<128xi32, #tpu.memory_space<vmem>>) semaphore(%arg17 : memref<!tpu.dma_semaphore, #tpu.memory_space<semaphore_mem>>) {add = true}
        %dma_wait3A_543 = arith.constant 0 : i32
        %dma_wait3A_544 = arith.constant 0 : i32
        %dma_wait3A_545 = arith.constant 0 : i32
        %dma_wait3A_546 = tpu.memref_slice %arg8[%dma_wait3A_543, %dma_wait3A_544, %dma_wait3A_545] : memref<6x1x128xi32, #tpu.memory_space<vmem>> -> memref<1x1x128xi32, #tpu.memory_space<vmem>>
        %dma_wait3A_547 = tpu.memref_squeeze %dma_wait3A_546 : memref<1x1x128xi32, #tpu.memory_space<vmem>> -> memref<128xi32, #tpu.memory_space<vmem>>
        %dma_wait3A_548 = arith.constant 0 : i32
        %dma_wait3A_549 = arith.constant 0 : i32
        %dma_wait3A_550 = tpu.memref_slice %arg14[%dma_wait3A_548, %dma_wait3A_549] : memref<10240x128xf32, #tpu.memory_space<vmem_shared>> -> memref<10240x128xf32, #tpu.memory_space<vmem_shared>>
        tpu.wait_indirect_dma semaphore(%arg17 : memref<!tpu.dma_semaphore, #tpu.memory_space<semaphore_mem>>) src(%arg11 : memref<128x128xf32, #tpu.memory_space<vmem>>) dst(%dma_wait3A_550 : memref<10240x128xf32, #tpu.memory_space<vmem_shared>>)
        %dma_start3A_551 = arith.constant 2 : i32
        %dma_start3A_552 = arith.constant 0 : i32
        %dma_start3A_553 = arith.constant 0 : i32
        %dma_start3A_554 = tpu.memref_slice %arg9[%dma_start3A_551, %dma_start3A_552, %dma_start3A_553] : memref<6x1x128xi32, #tpu.memory_space<vmem>> -> memref<1x1x128xi32, #tpu.memory_space<vmem>>
        %dma_start3A_555 = tpu.memref_squeeze %dma_start3A_554 : memref<1x1x128xi32, #tpu.memory_space<vmem>> -> memref<128xi32, #tpu.memory_space<vmem>>
        %dma_start3A_556 = arith.constant 0 : i32
        %dma_start3A_557 = arith.constant 0 : i32
        %dma_start3A_558 = tpu.memref_slice %arg3[%dma_start3A_556, %dma_start3A_557] : memref<10240x128xf32, #tpu.memory_space<hbm>> -> memref<10240x128xf32, #tpu.memory_space<hbm>>
        tpu.enqueue_indirect_dma source(%dma_start3A_558 : memref<10240x128xf32, #tpu.memory_space<hbm>>) target(%arg11 : memref<128x128xf32, #tpu.memory_space<vmem>>) offsets(%dma_start3A_555 : memref<128xi32, #tpu.memory_space<vmem>>) semaphore(%arg15 : memref<!tpu.dma_semaphore, #tpu.memory_space<semaphore_mem>>)
        %dma_wait3A_559 = arith.constant 0 : i32
        %dma_wait3A_560 = arith.constant 0 : i32
        %dma_wait3A_561 = arith.constant 0 : i32
        %dma_wait3A_562 = tpu.memref_slice %arg7[%dma_wait3A_559, %dma_wait3A_560, %dma_wait3A_561] : memref<6x1x128xi32, #tpu.memory_space<vmem>> -> memref<1x1x128xi32, #tpu.memory_space<vmem>>
        %dma_wait3A_563 = tpu.memref_squeeze %dma_wait3A_562 : memref<1x1x128xi32, #tpu.memory_space<vmem>> -> memref<128xi32, #tpu.memory_space<vmem>>
        %dma_wait3A_564 = arith.constant 0 : i32
        %dma_wait3A_565 = arith.constant 0 : i32
        %dma_wait3A_566 = tpu.memref_slice %arg3[%dma_wait3A_564, %dma_wait3A_565] : memref<10240x128xf32, #tpu.memory_space<hbm>> -> memref<10240x128xf32, #tpu.memory_space<hbm>>
        tpu.wait_indirect_dma semaphore(%arg16 : memref<!tpu.dma_semaphore, #tpu.memory_space<semaphore_mem>>) src(%dma_wait3A_566 : memref<10240x128xf32, #tpu.memory_space<hbm>>) dst(%arg12 : memref<128x128xf32, #tpu.memory_space<vmem>>)
        %dma_start3A_567 = arith.constant 1 : i32
        %dma_start3A_568 = arith.constant 0 : i32
        %dma_start3A_569 = arith.constant 0 : i32
        %dma_start3A_570 = tpu.memref_slice %arg10[%dma_start3A_567, %dma_start3A_568, %dma_start3A_569] : memref<6x1x128xi32, #tpu.memory_space<vmem>> -> memref<1x1x128xi32, #tpu.memory_space<vmem>>
        %dma_start3A_571 = tpu.memref_squeeze %dma_start3A_570 : memref<1x1x128xi32, #tpu.memory_space<vmem>> -> memref<128xi32, #tpu.memory_space<vmem>>
        %dma_start3A_572 = arith.constant 0 : i32
        %dma_start3A_573 = arith.constant 0 : i32
        %dma_start3A_574 = tpu.memref_slice %arg14[%dma_start3A_572, %dma_start3A_573] : memref<10240x128xf32, #tpu.memory_space<vmem_shared>> -> memref<10240x128xf32, #tpu.memory_space<vmem_shared>>
        tpu.enqueue_indirect_dma source(%arg12 : memref<128x128xf32, #tpu.memory_space<vmem>>) target(%dma_start3A_574 : memref<10240x128xf32, #tpu.memory_space<vmem_shared>>) offsets(%dma_start3A_571 : memref<128xi32, #tpu.memory_space<vmem>>) semaphore(%arg18 : memref<!tpu.dma_semaphore, #tpu.memory_space<semaphore_mem>>) {add = true}
        %add3A_575 = arith.constant 1 : i32
        %add3A_576 = arith.addi %add3A_478, %add3A_575 : i32
        %mul3A_577 = arith.constant 6 : i32
        %mul3A_578 = arith.muli %add3A_576, %mul3A_577 : i32
        %min3A_579 = arith.constant 78 : i32
        %min3A_580 = arith.minsi %mul3A_578, %min3A_579 : i32
        %add3A_581 = arith.addi %mul3A_11, %min3A_580 : i32
        %dma_start3A_582 = arith.constant 0 : i32
        %dma_start3A_583 = arith.constant 0 : i32
        %dma_start3A_584 = tpu.memref_slice %arg4[%add3A_581, %dma_start3A_582, %dma_start3A_583] : memref<1344x1x128xi32, #tpu.memory_space<hbm>> -> memref<6x1x128xi32, #tpu.memory_space<hbm>>
        %dma_start3A_585 = arith.constant 0 : i32
        %dma_start3A_586 = arith.constant 0 : i32
        %dma_start3A_587 = tpu.memref_slice %arg4[%add3A_581, %dma_start3A_585, %dma_start3A_586] : memref<1344x1x128xi32, #tpu.memory_space<hbm>> -> memref<6x1x128xi32, #tpu.memory_space<hbm>>
        tpu.enqueue_dma source(%dma_start3A_587 : memref<6x1x128xi32, #tpu.memory_space<hbm>>) target(%arg7 : memref<6x1x128xi32, #tpu.memory_space<vmem>>) target_semaphore(%arg19 : memref<!tpu.dma_semaphore, #tpu.memory_space<semaphore_mem>>)
        %dma_start3A_588 = arith.constant 0 : i32
        %dma_start3A_589 = arith.constant 0 : i32
        %dma_start3A_590 = tpu.memref_slice %arg5[%add3A_581, %dma_start3A_588, %dma_start3A_589] : memref<1344x1x128xi32, #tpu.memory_space<hbm>> -> memref<6x1x128xi32, #tpu.memory_space<hbm>>
        %dma_start3A_591 = arith.constant 0 : i32
        %dma_start3A_592 = arith.constant 0 : i32
        %dma_start3A_593 = tpu.memref_slice %arg5[%add3A_581, %dma_start3A_591, %dma_start3A_592] : memref<1344x1x128xi32, #tpu.memory_space<hbm>> -> memref<6x1x128xi32, #tpu.memory_space<hbm>>
        tpu.enqueue_dma source(%dma_start3A_593 : memref<6x1x128xi32, #tpu.memory_space<hbm>>) target(%arg8 : memref<6x1x128xi32, #tpu.memory_space<vmem>>) target_semaphore(%arg19 : memref<!tpu.dma_semaphore, #tpu.memory_space<semaphore_mem>>)
        %dma_wait3A_594 = arith.constant 0 : i32
        %dma_wait3A_595 = arith.constant 0 : i32
        %dma_wait3A_596 = arith.constant 0 : i32
        %dma_wait3A_597 = tpu.memref_slice %arg8[%dma_wait3A_594, %dma_wait3A_595, %dma_wait3A_596] : memref<6x1x128xi32, #tpu.memory_space<vmem>> -> memref<1x1x128xi32, #tpu.memory_space<vmem>>
        %dma_wait3A_598 = tpu.memref_squeeze %dma_wait3A_597 : memref<1x1x128xi32, #tpu.memory_space<vmem>> -> memref<128xi32, #tpu.memory_space<vmem>>
        %dma_wait3A_599 = arith.constant 0 : i32
        %dma_wait3A_600 = arith.constant 0 : i32
        %dma_wait3A_601 = tpu.memref_slice %arg14[%dma_wait3A_599, %dma_wait3A_600] : memref<10240x128xf32, #tpu.memory_space<vmem_shared>> -> memref<10240x128xf32, #tpu.memory_space<vmem_shared>>
        tpu.wait_indirect_dma semaphore(%arg18 : memref<!tpu.dma_semaphore, #tpu.memory_space<semaphore_mem>>) src(%arg12 : memref<128x128xf32, #tpu.memory_space<vmem>>) dst(%dma_wait3A_601 : memref<10240x128xf32, #tpu.memory_space<vmem_shared>>)
        %dma_start3A_602 = arith.constant 3 : i32
        %dma_start3A_603 = arith.constant 0 : i32
        %dma_start3A_604 = arith.constant 0 : i32
        %dma_start3A_605 = tpu.memref_slice %arg9[%dma_start3A_602, %dma_start3A_603, %dma_start3A_604] : memref<6x1x128xi32, #tpu.memory_space<vmem>> -> memref<1x1x128xi32, #tpu.memory_space<vmem>>
        %dma_start3A_606 = tpu.memref_squeeze %dma_start3A_605 : memref<1x1x128xi32, #tpu.memory_space<vmem>> -> memref<128xi32, #tpu.memory_space<vmem>>
        %dma_start3A_607 = arith.constant 0 : i32
        %dma_start3A_608 = arith.constant 0 : i32
        %dma_start3A_609 = tpu.memref_slice %arg3[%dma_start3A_607, %dma_start3A_608] : memref<10240x128xf32, #tpu.memory_space<hbm>> -> memref<10240x128xf32, #tpu.memory_space<hbm>>
        tpu.enqueue_indirect_dma source(%dma_start3A_609 : memref<10240x128xf32, #tpu.memory_space<hbm>>) target(%arg12 : memref<128x128xf32, #tpu.memory_space<vmem>>) offsets(%dma_start3A_606 : memref<128xi32, #tpu.memory_space<vmem>>) semaphore(%arg16 : memref<!tpu.dma_semaphore, #tpu.memory_space<semaphore_mem>>)
        %dma_wait3A_610 = arith.constant 0 : i32
        %dma_wait3A_611 = arith.constant 0 : i32
        %dma_wait3A_612 = arith.constant 0 : i32
        %dma_wait3A_613 = tpu.memref_slice %arg7[%dma_wait3A_610, %dma_wait3A_611, %dma_wait3A_612] : memref<6x1x128xi32, #tpu.memory_space<vmem>> -> memref<1x1x128xi32, #tpu.memory_space<vmem>>
        %dma_wait3A_614 = tpu.memref_squeeze %dma_wait3A_613 : memref<1x1x128xi32, #tpu.memory_space<vmem>> -> memref<128xi32, #tpu.memory_space<vmem>>
        %dma_wait3A_615 = arith.constant 0 : i32
        %dma_wait3A_616 = arith.constant 0 : i32
        %dma_wait3A_617 = tpu.memref_slice %arg3[%dma_wait3A_615, %dma_wait3A_616] : memref<10240x128xf32, #tpu.memory_space<hbm>> -> memref<10240x128xf32, #tpu.memory_space<hbm>>
        tpu.wait_indirect_dma semaphore(%arg15 : memref<!tpu.dma_semaphore, #tpu.memory_space<semaphore_mem>>) src(%dma_wait3A_617 : memref<10240x128xf32, #tpu.memory_space<hbm>>) dst(%arg11 : memref<128x128xf32, #tpu.memory_space<vmem>>)
        %dma_start3A_618 = arith.constant 2 : i32
        %dma_start3A_619 = arith.constant 0 : i32
        %dma_start3A_620 = arith.constant 0 : i32
        %dma_start3A_621 = tpu.memref_slice %arg10[%dma_start3A_618, %dma_start3A_619, %dma_start3A_620] : memref<6x1x128xi32, #tpu.memory_space<vmem>> -> memref<1x1x128xi32, #tpu.memory_space<vmem>>
        %dma_start3A_622 = tpu.memref_squeeze %dma_start3A_621 : memref<1x1x128xi32, #tpu.memory_space<vmem>> -> memref<128xi32, #tpu.memory_space<vmem>>
        %dma_start3A_623 = arith.constant 0 : i32
        %dma_start3A_624 = arith.constant 0 : i32
        %dma_start3A_625 = tpu.memref_slice %arg14[%dma_start3A_623, %dma_start3A_624] : memref<10240x128xf32, #tpu.memory_space<vmem_shared>> -> memref<10240x128xf32, #tpu.memory_space<vmem_shared>>
        tpu.enqueue_indirect_dma source(%arg11 : memref<128x128xf32, #tpu.memory_space<vmem>>) target(%dma_start3A_625 : memref<10240x128xf32, #tpu.memory_space<vmem_shared>>) offsets(%dma_start3A_622 : memref<128xi32, #tpu.memory_space<vmem>>) semaphore(%arg17 : memref<!tpu.dma_semaphore, #tpu.memory_space<semaphore_mem>>) {add = true}
        %dma_wait3A_626 = arith.constant 0 : i32
        %dma_wait3A_627 = arith.constant 0 : i32
        %dma_wait3A_628 = arith.constant 0 : i32
        %dma_wait3A_629 = tpu.memref_slice %arg8[%dma_wait3A_626, %dma_wait3A_627, %dma_wait3A_628] : memref<6x1x128xi32, #tpu.memory_space<vmem>> -> memref<1x1x128xi32, #tpu.memory_space<vmem>>
        %dma_wait3A_630 = tpu.memref_squeeze %dma_wait3A_629 : memref<1x1x128xi32, #tpu.memory_space<vmem>> -> memref<128xi32, #tpu.memory_space<vmem>>
        %dma_wait3A_631 = arith.constant 0 : i32
        %dma_wait3A_632 = arith.constant 0 : i32
        %dma_wait3A_633 = tpu.memref_slice %arg14[%dma_wait3A_631, %dma_wait3A_632] : memref<10240x128xf32, #tpu.memory_space<vmem_shared>> -> memref<10240x128xf32, #tpu.memory_space<vmem_shared>>
        tpu.wait_indirect_dma semaphore(%arg17 : memref<!tpu.dma_semaphore, #tpu.memory_space<semaphore_mem>>) src(%arg11 : memref<128x128xf32, #tpu.memory_space<vmem>>) dst(%dma_wait3A_633 : memref<10240x128xf32, #tpu.memory_space<vmem_shared>>)
        %dma_start3A_634 = arith.constant 4 : i32
        %dma_start3A_635 = arith.constant 0 : i32
        %dma_start3A_636 = arith.constant 0 : i32
        %dma_start3A_637 = tpu.memref_slice %arg9[%dma_start3A_634, %dma_start3A_635, %dma_start3A_636] : memref<6x1x128xi32, #tpu.memory_space<vmem>> -> memref<1x1x128xi32, #tpu.memory_space<vmem>>
        %dma_start3A_638 = tpu.memref_squeeze %dma_start3A_637 : memref<1x1x128xi32, #tpu.memory_space<vmem>> -> memref<128xi32, #tpu.memory_space<vmem>>
        %dma_start3A_639 = arith.constant 0 : i32
        %dma_start3A_640 = arith.constant 0 : i32
        %dma_start3A_641 = tpu.memref_slice %arg3[%dma_start3A_639, %dma_start3A_640] : memref<10240x128xf32, #tpu.memory_space<hbm>> -> memref<10240x128xf32, #tpu.memory_space<hbm>>
        tpu.enqueue_indirect_dma source(%dma_start3A_641 : memref<10240x128xf32, #tpu.memory_space<hbm>>) target(%arg11 : memref<128x128xf32, #tpu.memory_space<vmem>>) offsets(%dma_start3A_638 : memref<128xi32, #tpu.memory_space<vmem>>) semaphore(%arg15 : memref<!tpu.dma_semaphore, #tpu.memory_space<semaphore_mem>>)
        %dma_wait3A_642 = arith.constant 0 : i32
        %dma_wait3A_643 = arith.constant 0 : i32
        %dma_wait3A_644 = arith.constant 0 : i32
        %dma_wait3A_645 = tpu.memref_slice %arg7[%dma_wait3A_642, %dma_wait3A_643, %dma_wait3A_644] : memref<6x1x128xi32, #tpu.memory_space<vmem>> -> memref<1x1x128xi32, #tpu.memory_space<vmem>>
        %dma_wait3A_646 = tpu.memref_squeeze %dma_wait3A_645 : memref<1x1x128xi32, #tpu.memory_space<vmem>> -> memref<128xi32, #tpu.memory_space<vmem>>
        %dma_wait3A_647 = arith.constant 0 : i32
        %dma_wait3A_648 = arith.constant 0 : i32
        %dma_wait3A_649 = tpu.memref_slice %arg3[%dma_wait3A_647, %dma_wait3A_648] : memref<10240x128xf32, #tpu.memory_space<hbm>> -> memref<10240x128xf32, #tpu.memory_space<hbm>>
        tpu.wait_indirect_dma semaphore(%arg16 : memref<!tpu.dma_semaphore, #tpu.memory_space<semaphore_mem>>) src(%dma_wait3A_649 : memref<10240x128xf32, #tpu.memory_space<hbm>>) dst(%arg12 : memref<128x128xf32, #tpu.memory_space<vmem>>)
        %dma_start3A_650 = arith.constant 3 : i32
        %dma_start3A_651 = arith.constant 0 : i32
        %dma_start3A_652 = arith.constant 0 : i32
        %dma_start3A_653 = tpu.memref_slice %arg10[%dma_start3A_650, %dma_start3A_651, %dma_start3A_652] : memref<6x1x128xi32, #tpu.memory_space<vmem>> -> memref<1x1x128xi32, #tpu.memory_space<vmem>>
        %dma_start3A_654 = tpu.memref_squeeze %dma_start3A_653 : memref<1x1x128xi32, #tpu.memory_space<vmem>> -> memref<128xi32, #tpu.memory_space<vmem>>
        %dma_start3A_655 = arith.constant 0 : i32
        %dma_start3A_656 = arith.constant 0 : i32
        %dma_start3A_657 = tpu.memref_slice %arg14[%dma_start3A_655, %dma_start3A_656] : memref<10240x128xf32, #tpu.memory_space<vmem_shared>> -> memref<10240x128xf32, #tpu.memory_space<vmem_shared>>
        tpu.enqueue_indirect_dma source(%arg12 : memref<128x128xf32, #tpu.memory_space<vmem>>) target(%dma_start3A_657 : memref<10240x128xf32, #tpu.memory_space<vmem_shared>>) offsets(%dma_start3A_654 : memref<128xi32, #tpu.memory_space<vmem>>) semaphore(%arg18 : memref<!tpu.dma_semaphore, #tpu.memory_space<semaphore_mem>>) {add = true}
        %dma_wait3A_658 = arith.constant 0 : i32
        %dma_wait3A_659 = arith.constant 0 : i32
        %dma_wait3A_660 = arith.constant 0 : i32
        %dma_wait3A_661 = tpu.memref_slice %arg8[%dma_wait3A_658, %dma_wait3A_659, %dma_wait3A_660] : memref<6x1x128xi32, #tpu.memory_space<vmem>> -> memref<1x1x128xi32, #tpu.memory_space<vmem>>
        %dma_wait3A_662 = tpu.memref_squeeze %dma_wait3A_661 : memref<1x1x128xi32, #tpu.memory_space<vmem>> -> memref<128xi32, #tpu.memory_space<vmem>>
        %dma_wait3A_663 = arith.constant 0 : i32
        %dma_wait3A_664 = arith.constant 0 : i32
        %dma_wait3A_665 = tpu.memref_slice %arg14[%dma_wait3A_663, %dma_wait3A_664] : memref<10240x128xf32, #tpu.memory_space<vmem_shared>> -> memref<10240x128xf32, #tpu.memory_space<vmem_shared>>
        tpu.wait_indirect_dma semaphore(%arg18 : memref<!tpu.dma_semaphore, #tpu.memory_space<semaphore_mem>>) src(%arg12 : memref<128x128xf32, #tpu.memory_space<vmem>>) dst(%dma_wait3A_665 : memref<10240x128xf32, #tpu.memory_space<vmem_shared>>)
        %dma_start3A_666 = arith.constant 5 : i32
        %dma_start3A_667 = arith.constant 0 : i32
        %dma_start3A_668 = arith.constant 0 : i32
        %dma_start3A_669 = tpu.memref_slice %arg9[%dma_start3A_666, %dma_start3A_667, %dma_start3A_668] : memref<6x1x128xi32, #tpu.memory_space<vmem>> -> memref<1x1x128xi32, #tpu.memory_space<vmem>>
        %dma_start3A_670 = tpu.memref_squeeze %dma_start3A_669 : memref<1x1x128xi32, #tpu.memory_space<vmem>> -> memref<128xi32, #tpu.memory_space<vmem>>
        %dma_start3A_671 = arith.constant 0 : i32
        %dma_start3A_672 = arith.constant 0 : i32
        %dma_start3A_673 = tpu.memref_slice %arg3[%dma_start3A_671, %dma_start3A_672] : memref<10240x128xf32, #tpu.memory_space<hbm>> -> memref<10240x128xf32, #tpu.memory_space<hbm>>
        tpu.enqueue_indirect_dma source(%dma_start3A_673 : memref<10240x128xf32, #tpu.memory_space<hbm>>) target(%arg12 : memref<128x128xf32, #tpu.memory_space<vmem>>) offsets(%dma_start3A_670 : memref<128xi32, #tpu.memory_space<vmem>>) semaphore(%arg16 : memref<!tpu.dma_semaphore, #tpu.memory_space<semaphore_mem>>)
        %dma_wait3A_674 = arith.constant 0 : i32
        %dma_wait3A_675 = arith.constant 0 : i32
        %dma_wait3A_676 = arith.constant 0 : i32
        %dma_wait3A_677 = tpu.memref_slice %arg7[%dma_wait3A_674, %dma_wait3A_675, %dma_wait3A_676] : memref<6x1x128xi32, #tpu.memory_space<vmem>> -> memref<1x1x128xi32, #tpu.memory_space<vmem>>
        %dma_wait3A_678 = tpu.memref_squeeze %dma_wait3A_677 : memref<1x1x128xi32, #tpu.memory_space<vmem>> -> memref<128xi32, #tpu.memory_space<vmem>>
        %dma_wait3A_679 = arith.constant 0 : i32
        %dma_wait3A_680 = arith.constant 0 : i32
        %dma_wait3A_681 = tpu.memref_slice %arg3[%dma_wait3A_679, %dma_wait3A_680] : memref<10240x128xf32, #tpu.memory_space<hbm>> -> memref<10240x128xf32, #tpu.memory_space<hbm>>
        tpu.wait_indirect_dma semaphore(%arg15 : memref<!tpu.dma_semaphore, #tpu.memory_space<semaphore_mem>>) src(%dma_wait3A_681 : memref<10240x128xf32, #tpu.memory_space<hbm>>) dst(%arg11 : memref<128x128xf32, #tpu.memory_space<vmem>>)
        %dma_start3A_682 = arith.constant 4 : i32
        %dma_start3A_683 = arith.constant 0 : i32
        %dma_start3A_684 = arith.constant 0 : i32
        %dma_start3A_685 = tpu.memref_slice %arg10[%dma_start3A_682, %dma_start3A_683, %dma_start3A_684] : memref<6x1x128xi32, #tpu.memory_space<vmem>> -> memref<1x1x128xi32, #tpu.memory_space<vmem>>
        %dma_start3A_686 = tpu.memref_squeeze %dma_start3A_685 : memref<1x1x128xi32, #tpu.memory_space<vmem>> -> memref<128xi32, #tpu.memory_space<vmem>>
        %dma_start3A_687 = arith.constant 0 : i32
        %dma_start3A_688 = arith.constant 0 : i32
        %dma_start3A_689 = tpu.memref_slice %arg14[%dma_start3A_687, %dma_start3A_688] : memref<10240x128xf32, #tpu.memory_space<vmem_shared>> -> memref<10240x128xf32, #tpu.memory_space<vmem_shared>>
        tpu.enqueue_indirect_dma source(%arg11 : memref<128x128xf32, #tpu.memory_space<vmem>>) target(%dma_start3A_689 : memref<10240x128xf32, #tpu.memory_space<vmem_shared>>) offsets(%dma_start3A_686 : memref<128xi32, #tpu.memory_space<vmem>>) semaphore(%arg17 : memref<!tpu.dma_semaphore, #tpu.memory_space<semaphore_mem>>) {add = true}
        %dma_wait3A_690 = arith.constant 0 : i32
        %dma_wait3A_691 = arith.constant 0 : i32
        %dma_wait3A_692 = arith.constant 0 : i32
        %dma_wait3A_693 = tpu.memref_slice %arg4[%dma_wait3A_690, %dma_wait3A_691, %dma_wait3A_692] : memref<1344x1x128xi32, #tpu.memory_space<hbm>> -> memref<6x1x128xi32, #tpu.memory_space<hbm>>
        %dma_wait3A_694 = arith.constant 0 : i32
        %dma_wait3A_695 = arith.constant 0 : i32
        %dma_wait3A_696 = arith.constant 0 : i32
        %dma_wait3A_697 = tpu.memref_slice %arg4[%dma_wait3A_694, %dma_wait3A_695, %dma_wait3A_696] : memref<1344x1x128xi32, #tpu.memory_space<hbm>> -> memref<6x1x128xi32, #tpu.memory_space<hbm>>
        tpu.wait_dma2 semaphore(%arg19 : memref<!tpu.dma_semaphore, #tpu.memory_space<semaphore_mem>>) src(%dma_wait3A_697 : memref<6x1x128xi32, #tpu.memory_space<hbm>>) dst(%arg7 : memref<6x1x128xi32, #tpu.memory_space<vmem>>)
        %dma_wait3A_698 = arith.constant 0 : i32
        %dma_wait3A_699 = arith.constant 0 : i32
        %dma_wait3A_700 = arith.constant 0 : i32
        %dma_wait3A_701 = tpu.memref_slice %arg4[%dma_wait3A_698, %dma_wait3A_699, %dma_wait3A_700] : memref<1344x1x128xi32, #tpu.memory_space<hbm>> -> memref<6x1x128xi32, #tpu.memory_space<hbm>>
        %dma_wait3A_702 = arith.constant 0 : i32
        %dma_wait3A_703 = arith.constant 0 : i32
        %dma_wait3A_704 = arith.constant 0 : i32
        %dma_wait3A_705 = tpu.memref_slice %arg4[%dma_wait3A_702, %dma_wait3A_703, %dma_wait3A_704] : memref<1344x1x128xi32, #tpu.memory_space<hbm>> -> memref<6x1x128xi32, #tpu.memory_space<hbm>>
        tpu.wait_dma2 semaphore(%arg19 : memref<!tpu.dma_semaphore, #tpu.memory_space<semaphore_mem>>) src(%dma_wait3A_705 : memref<6x1x128xi32, #tpu.memory_space<hbm>>) dst(%arg7 : memref<6x1x128xi32, #tpu.memory_space<vmem>>)
        %add3A_706 = arith.constant 1 : i32
        %add3A_707 = arith.addi %add3A_478, %add3A_706 : i32
        %dma_wait3A_708 = arith.constant 0 : i32
        %dma_wait3A_709 = arith.constant 0 : i32
        %dma_wait3A_710 = arith.constant 0 : i32
        %dma_wait3A_711 = tpu.memref_slice %arg8[%dma_wait3A_708, %dma_wait3A_709, %dma_wait3A_710] : memref<6x1x128xi32, #tpu.memory_space<vmem>> -> memref<1x1x128xi32, #tpu.memory_space<vmem>>
        %dma_wait3A_712 = tpu.memref_squeeze %dma_wait3A_711 : memref<1x1x128xi32, #tpu.memory_space<vmem>> -> memref<128xi32, #tpu.memory_space<vmem>>
        %dma_wait3A_713 = arith.constant 0 : i32
        %dma_wait3A_714 = arith.constant 0 : i32
        %dma_wait3A_715 = tpu.memref_slice %arg14[%dma_wait3A_713, %dma_wait3A_714] : memref<10240x128xf32, #tpu.memory_space<vmem_shared>> -> memref<10240x128xf32, #tpu.memory_space<vmem_shared>>
        tpu.wait_indirect_dma semaphore(%arg17 : memref<!tpu.dma_semaphore, #tpu.memory_space<semaphore_mem>>) src(%arg11 : memref<128x128xf32, #tpu.memory_space<vmem>>) dst(%dma_wait3A_715 : memref<10240x128xf32, #tpu.memory_space<vmem_shared>>)
        %dma_start3A_716 = arith.constant 0 : i32
        %dma_start3A_717 = arith.constant 0 : i32
        %dma_start3A_718 = arith.constant 0 : i32
        %dma_start3A_719 = tpu.memref_slice %arg7[%dma_start3A_716, %dma_start3A_717, %dma_start3A_718] : memref<6x1x128xi32, #tpu.memory_space<vmem>> -> memref<1x1x128xi32, #tpu.memory_space<vmem>>
        %dma_start3A_720 = tpu.memref_squeeze %dma_start3A_719 : memref<1x1x128xi32, #tpu.memory_space<vmem>> -> memref<128xi32, #tpu.memory_space<vmem>>
        %dma_start3A_721 = arith.constant 0 : i32
        %dma_start3A_722 = arith.constant 0 : i32
        %dma_start3A_723 = tpu.memref_slice %arg3[%dma_start3A_721, %dma_start3A_722] : memref<10240x128xf32, #tpu.memory_space<hbm>> -> memref<10240x128xf32, #tpu.memory_space<hbm>>
        tpu.enqueue_indirect_dma source(%dma_start3A_723 : memref<10240x128xf32, #tpu.memory_space<hbm>>) target(%arg11 : memref<128x128xf32, #tpu.memory_space<vmem>>) offsets(%dma_start3A_720 : memref<128xi32, #tpu.memory_space<vmem>>) semaphore(%arg15 : memref<!tpu.dma_semaphore, #tpu.memory_space<semaphore_mem>>)
        %dma_wait3A_724 = arith.constant 0 : i32
        %dma_wait3A_725 = arith.constant 0 : i32
        %dma_wait3A_726 = arith.constant 0 : i32
        %dma_wait3A_727 = tpu.memref_slice %arg7[%dma_wait3A_724, %dma_wait3A_725, %dma_wait3A_726] : memref<6x1x128xi32, #tpu.memory_space<vmem>> -> memref<1x1x128xi32, #tpu.memory_space<vmem>>
        %dma_wait3A_728 = tpu.memref_squeeze %dma_wait3A_727 : memref<1x1x128xi32, #tpu.memory_space<vmem>> -> memref<128xi32, #tpu.memory_space<vmem>>
        %dma_wait3A_729 = arith.constant 0 : i32
        %dma_wait3A_730 = arith.constant 0 : i32
        %dma_wait3A_731 = tpu.memref_slice %arg3[%dma_wait3A_729, %dma_wait3A_730] : memref<10240x128xf32, #tpu.memory_space<hbm>> -> memref<10240x128xf32, #tpu.memory_space<hbm>>
        tpu.wait_indirect_dma semaphore(%arg16 : memref<!tpu.dma_semaphore, #tpu.memory_space<semaphore_mem>>) src(%dma_wait3A_731 : memref<10240x128xf32, #tpu.memory_space<hbm>>) dst(%arg12 : memref<128x128xf32, #tpu.memory_space<vmem>>)
        %dma_start3A_732 = arith.constant 5 : i32
        %dma_start3A_733 = arith.constant 0 : i32
        %dma_start3A_734 = arith.constant 0 : i32
        %dma_start3A_735 = tpu.memref_slice %arg10[%dma_start3A_732, %dma_start3A_733, %dma_start3A_734] : memref<6x1x128xi32, #tpu.memory_space<vmem>> -> memref<1x1x128xi32, #tpu.memory_space<vmem>>
        %dma_start3A_736 = tpu.memref_squeeze %dma_start3A_735 : memref<1x1x128xi32, #tpu.memory_space<vmem>> -> memref<128xi32, #tpu.memory_space<vmem>>
        %dma_start3A_737 = arith.constant 0 : i32
        %dma_start3A_738 = arith.constant 0 : i32
        %dma_start3A_739 = tpu.memref_slice %arg14[%dma_start3A_737, %dma_start3A_738] : memref<10240x128xf32, #tpu.memory_space<vmem_shared>> -> memref<10240x128xf32, #tpu.memory_space<vmem_shared>>
        tpu.enqueue_indirect_dma source(%arg12 : memref<128x128xf32, #tpu.memory_space<vmem>>) target(%dma_start3A_739 : memref<10240x128xf32, #tpu.memory_space<vmem_shared>>) offsets(%dma_start3A_736 : memref<128xi32, #tpu.memory_space<vmem>>) semaphore(%arg18 : memref<!tpu.dma_semaphore, #tpu.memory_space<semaphore_mem>>) {add = true}
        %dma_wait3A_740 = arith.constant 0 : i32
        %dma_wait3A_741 = arith.constant 0 : i32
        %dma_wait3A_742 = arith.constant 0 : i32
        %dma_wait3A_743 = tpu.memref_slice %arg8[%dma_wait3A_740, %dma_wait3A_741, %dma_wait3A_742] : memref<6x1x128xi32, #tpu.memory_space<vmem>> -> memref<1x1x128xi32, #tpu.memory_space<vmem>>
        %dma_wait3A_744 = tpu.memref_squeeze %dma_wait3A_743 : memref<1x1x128xi32, #tpu.memory_space<vmem>> -> memref<128xi32, #tpu.memory_space<vmem>>
        %dma_wait3A_745 = arith.constant 0 : i32
        %dma_wait3A_746 = arith.constant 0 : i32
        %dma_wait3A_747 = tpu.memref_slice %arg14[%dma_wait3A_745, %dma_wait3A_746] : memref<10240x128xf32, #tpu.memory_space<vmem_shared>> -> memref<10240x128xf32, #tpu.memory_space<vmem_shared>>
        tpu.wait_indirect_dma semaphore(%arg18 : memref<!tpu.dma_semaphore, #tpu.memory_space<semaphore_mem>>) src(%arg12 : memref<128x128xf32, #tpu.memory_space<vmem>>) dst(%dma_wait3A_747 : memref<10240x128xf32, #tpu.memory_space<vmem_shared>>)
        %dma_start3A_748 = arith.constant 1 : i32
        %dma_start3A_749 = arith.constant 0 : i32
        %dma_start3A_750 = arith.constant 0 : i32
        %dma_start3A_751 = tpu.memref_slice %arg7[%dma_start3A_748, %dma_start3A_749, %dma_start3A_750] : memref<6x1x128xi32, #tpu.memory_space<vmem>> -> memref<1x1x128xi32, #tpu.memory_space<vmem>>
        %dma_start3A_752 = tpu.memref_squeeze %dma_start3A_751 : memref<1x1x128xi32, #tpu.memory_space<vmem>> -> memref<128xi32, #tpu.memory_space<vmem>>
        %dma_start3A_753 = arith.constant 0 : i32
        %dma_start3A_754 = arith.constant 0 : i32
        %dma_start3A_755 = tpu.memref_slice %arg3[%dma_start3A_753, %dma_start3A_754] : memref<10240x128xf32, #tpu.memory_space<hbm>> -> memref<10240x128xf32, #tpu.memory_space<hbm>>
        tpu.enqueue_indirect_dma source(%dma_start3A_755 : memref<10240x128xf32, #tpu.memory_space<hbm>>) target(%arg12 : memref<128x128xf32, #tpu.memory_space<vmem>>) offsets(%dma_start3A_752 : memref<128xi32, #tpu.memory_space<vmem>>) semaphore(%arg16 : memref<!tpu.dma_semaphore, #tpu.memory_space<semaphore_mem>>)
        %dma_wait3A_756 = arith.constant 0 : i32
        %dma_wait3A_757 = arith.constant 0 : i32
        %dma_wait3A_758 = arith.constant 0 : i32
        %dma_wait3A_759 = tpu.memref_slice %arg7[%dma_wait3A_756, %dma_wait3A_757, %dma_wait3A_758] : memref<6x1x128xi32, #tpu.memory_space<vmem>> -> memref<1x1x128xi32, #tpu.memory_space<vmem>>
        %dma_wait3A_760 = tpu.memref_squeeze %dma_wait3A_759 : memref<1x1x128xi32, #tpu.memory_space<vmem>> -> memref<128xi32, #tpu.memory_space<vmem>>
        %dma_wait3A_761 = arith.constant 0 : i32
        %dma_wait3A_762 = arith.constant 0 : i32
        %dma_wait3A_763 = tpu.memref_slice %arg3[%dma_wait3A_761, %dma_wait3A_762] : memref<10240x128xf32, #tpu.memory_space<hbm>> -> memref<10240x128xf32, #tpu.memory_space<hbm>>
        tpu.wait_indirect_dma semaphore(%arg15 : memref<!tpu.dma_semaphore, #tpu.memory_space<semaphore_mem>>) src(%dma_wait3A_763 : memref<10240x128xf32, #tpu.memory_space<hbm>>) dst(%arg11 : memref<128x128xf32, #tpu.memory_space<vmem>>)
        %dma_start3A_764 = arith.constant 0 : i32
        %dma_start3A_765 = arith.constant 0 : i32
        %dma_start3A_766 = arith.constant 0 : i32
        %dma_start3A_767 = tpu.memref_slice %arg8[%dma_start3A_764, %dma_start3A_765, %dma_start3A_766] : memref<6x1x128xi32, #tpu.memory_space<vmem>> -> memref<1x1x128xi32, #tpu.memory_space<vmem>>
        %dma_start3A_768 = tpu.memref_squeeze %dma_start3A_767 : memref<1x1x128xi32, #tpu.memory_space<vmem>> -> memref<128xi32, #tpu.memory_space<vmem>>
        %dma_start3A_769 = arith.constant 0 : i32
        %dma_start3A_770 = arith.constant 0 : i32
        %dma_start3A_771 = tpu.memref_slice %arg14[%dma_start3A_769, %dma_start3A_770] : memref<10240x128xf32, #tpu.memory_space<vmem_shared>> -> memref<10240x128xf32, #tpu.memory_space<vmem_shared>>
        tpu.enqueue_indirect_dma source(%arg11 : memref<128x128xf32, #tpu.memory_space<vmem>>) target(%dma_start3A_771 : memref<10240x128xf32, #tpu.memory_space<vmem_shared>>) offsets(%dma_start3A_768 : memref<128xi32, #tpu.memory_space<vmem>>) semaphore(%arg17 : memref<!tpu.dma_semaphore, #tpu.memory_space<semaphore_mem>>) {add = true}
        %dma_wait3A_772 = arith.constant 0 : i32
        %dma_wait3A_773 = arith.constant 0 : i32
        %dma_wait3A_774 = arith.constant 0 : i32
        %dma_wait3A_775 = tpu.memref_slice %arg8[%dma_wait3A_772, %dma_wait3A_773, %dma_wait3A_774] : memref<6x1x128xi32, #tpu.memory_space<vmem>> -> memref<1x1x128xi32, #tpu.memory_space<vmem>>
        %dma_wait3A_776 = tpu.memref_squeeze %dma_wait3A_775 : memref<1x1x128xi32, #tpu.memory_space<vmem>> -> memref<128xi32, #tpu.memory_space<vmem>>
        %dma_wait3A_777 = arith.constant 0 : i32
        %dma_wait3A_778 = arith.constant 0 : i32
        %dma_wait3A_779 = tpu.memref_slice %arg14[%dma_wait3A_777, %dma_wait3A_778] : memref<10240x128xf32, #tpu.memory_space<vmem_shared>> -> memref<10240x128xf32, #tpu.memory_space<vmem_shared>>
        tpu.wait_indirect_dma semaphore(%arg17 : memref<!tpu.dma_semaphore, #tpu.memory_space<semaphore_mem>>) src(%arg11 : memref<128x128xf32, #tpu.memory_space<vmem>>) dst(%dma_wait3A_779 : memref<10240x128xf32, #tpu.memory_space<vmem_shared>>)
        %dma_start3A_780 = arith.constant 2 : i32
        %dma_start3A_781 = arith.constant 0 : i32
        %dma_start3A_782 = arith.constant 0 : i32
        %dma_start3A_783 = tpu.memref_slice %arg7[%dma_start3A_780, %dma_start3A_781, %dma_start3A_782] : memref<6x1x128xi32, #tpu.memory_space<vmem>> -> memref<1x1x128xi32, #tpu.memory_space<vmem>>
        %dma_start3A_784 = tpu.memref_squeeze %dma_start3A_783 : memref<1x1x128xi32, #tpu.memory_space<vmem>> -> memref<128xi32, #tpu.memory_space<vmem>>
        %dma_start3A_785 = arith.constant 0 : i32
        %dma_start3A_786 = arith.constant 0 : i32
        %dma_start3A_787 = tpu.memref_slice %arg3[%dma_start3A_785, %dma_start3A_786] : memref<10240x128xf32, #tpu.memory_space<hbm>> -> memref<10240x128xf32, #tpu.memory_space<hbm>>
        tpu.enqueue_indirect_dma source(%dma_start3A_787 : memref<10240x128xf32, #tpu.memory_space<hbm>>) target(%arg11 : memref<128x128xf32, #tpu.memory_space<vmem>>) offsets(%dma_start3A_784 : memref<128xi32, #tpu.memory_space<vmem>>) semaphore(%arg15 : memref<!tpu.dma_semaphore, #tpu.memory_space<semaphore_mem>>)
        %dma_wait3A_788 = arith.constant 0 : i32
        %dma_wait3A_789 = arith.constant 0 : i32
        %dma_wait3A_790 = arith.constant 0 : i32
        %dma_wait3A_791 = tpu.memref_slice %arg7[%dma_wait3A_788, %dma_wait3A_789, %dma_wait3A_790] : memref<6x1x128xi32, #tpu.memory_space<vmem>> -> memref<1x1x128xi32, #tpu.memory_space<vmem>>
        %dma_wait3A_792 = tpu.memref_squeeze %dma_wait3A_791 : memref<1x1x128xi32, #tpu.memory_space<vmem>> -> memref<128xi32, #tpu.memory_space<vmem>>
        %dma_wait3A_793 = arith.constant 0 : i32
        %dma_wait3A_794 = arith.constant 0 : i32
        %dma_wait3A_795 = tpu.memref_slice %arg3[%dma_wait3A_793, %dma_wait3A_794] : memref<10240x128xf32, #tpu.memory_space<hbm>> -> memref<10240x128xf32, #tpu.memory_space<hbm>>
        tpu.wait_indirect_dma semaphore(%arg16 : memref<!tpu.dma_semaphore, #tpu.memory_space<semaphore_mem>>) src(%dma_wait3A_795 : memref<10240x128xf32, #tpu.memory_space<hbm>>) dst(%arg12 : memref<128x128xf32, #tpu.memory_space<vmem>>)
        %dma_start3A_796 = arith.constant 1 : i32
        %dma_start3A_797 = arith.constant 0 : i32
        %dma_start3A_798 = arith.constant 0 : i32
        %dma_start3A_799 = tpu.memref_slice %arg8[%dma_start3A_796, %dma_start3A_797, %dma_start3A_798] : memref<6x1x128xi32, #tpu.memory_space<vmem>> -> memref<1x1x128xi32, #tpu.memory_space<vmem>>
        %dma_start3A_800 = tpu.memref_squeeze %dma_start3A_799 : memref<1x1x128xi32, #tpu.memory_space<vmem>> -> memref<128xi32, #tpu.memory_space<vmem>>
        %dma_start3A_801 = arith.constant 0 : i32
        %dma_start3A_802 = arith.constant 0 : i32
        %dma_start3A_803 = tpu.memref_slice %arg14[%dma_start3A_801, %dma_start3A_802] : memref<10240x128xf32, #tpu.memory_space<vmem_shared>> -> memref<10240x128xf32, #tpu.memory_space<vmem_shared>>
        tpu.enqueue_indirect_dma source(%arg12 : memref<128x128xf32, #tpu.memory_space<vmem>>) target(%dma_start3A_803 : memref<10240x128xf32, #tpu.memory_space<vmem_shared>>) offsets(%dma_start3A_800 : memref<128xi32, #tpu.memory_space<vmem>>) semaphore(%arg18 : memref<!tpu.dma_semaphore, #tpu.memory_space<semaphore_mem>>) {add = true}
        %add3A_804 = arith.constant 1 : i32
        %add3A_805 = arith.addi %add3A_707, %add3A_804 : i32
        %mul3A_806 = arith.constant 6 : i32
        %mul3A_807 = arith.muli %add3A_805, %mul3A_806 : i32
        %min3A_808 = arith.constant 78 : i32
        %min3A_809 = arith.minsi %mul3A_807, %min3A_808 : i32
        %add3A_810 = arith.addi %mul3A_11, %min3A_809 : i32
        %dma_start3A_811 = arith.constant 0 : i32
        %dma_start3A_812 = arith.constant 0 : i32
        %dma_start3A_813 = tpu.memref_slice %arg4[%add3A_810, %dma_start3A_811, %dma_start3A_812] : memref<1344x1x128xi32, #tpu.memory_space<hbm>> -> memref<6x1x128xi32, #tpu.memory_space<hbm>>
        %dma_start3A_814 = arith.constant 0 : i32
        %dma_start3A_815 = arith.constant 0 : i32
        %dma_start3A_816 = tpu.memref_slice %arg4[%add3A_810, %dma_start3A_814, %dma_start3A_815] : memref<1344x1x128xi32, #tpu.memory_space<hbm>> -> memref<6x1x128xi32, #tpu.memory_space<hbm>>
        tpu.enqueue_dma source(%dma_start3A_816 : memref<6x1x128xi32, #tpu.memory_space<hbm>>) target(%arg9 : memref<6x1x128xi32, #tpu.memory_space<vmem>>) target_semaphore(%arg19 : memref<!tpu.dma_semaphore, #tpu.memory_space<semaphore_mem>>)
        %dma_start3A_817 = arith.constant 0 : i32
        %dma_start3A_818 = arith.constant 0 : i32
        %dma_start3A_819 = tpu.memref_slice %arg5[%add3A_810, %dma_start3A_817, %dma_start3A_818] : memref<1344x1x128xi32, #tpu.memory_space<hbm>> -> memref<6x1x128xi32, #tpu.memory_space<hbm>>
        %dma_start3A_820 = arith.constant 0 : i32
        %dma_start3A_821 = arith.constant 0 : i32
        %dma_start3A_822 = tpu.memref_slice %arg5[%add3A_810, %dma_start3A_820, %dma_start3A_821] : memref<1344x1x128xi32, #tpu.memory_space<hbm>> -> memref<6x1x128xi32, #tpu.memory_space<hbm>>
        tpu.enqueue_dma source(%dma_start3A_822 : memref<6x1x128xi32, #tpu.memory_space<hbm>>) target(%arg10 : memref<6x1x128xi32, #tpu.memory_space<vmem>>) target_semaphore(%arg19 : memref<!tpu.dma_semaphore, #tpu.memory_space<semaphore_mem>>)
        %dma_wait3A_823 = arith.constant 0 : i32
        %dma_wait3A_824 = arith.constant 0 : i32
        %dma_wait3A_825 = arith.constant 0 : i32
        %dma_wait3A_826 = tpu.memref_slice %arg8[%dma_wait3A_823, %dma_wait3A_824, %dma_wait3A_825] : memref<6x1x128xi32, #tpu.memory_space<vmem>> -> memref<1x1x128xi32, #tpu.memory_space<vmem>>
        %dma_wait3A_827 = tpu.memref_squeeze %dma_wait3A_826 : memref<1x1x128xi32, #tpu.memory_space<vmem>> -> memref<128xi32, #tpu.memory_space<vmem>>
        %dma_wait3A_828 = arith.constant 0 : i32
        %dma_wait3A_829 = arith.constant 0 : i32
        %dma_wait3A_830 = tpu.memref_slice %arg14[%dma_wait3A_828, %dma_wait3A_829] : memref<10240x128xf32, #tpu.memory_space<vmem_shared>> -> memref<10240x128xf32, #tpu.memory_space<vmem_shared>>
        tpu.wait_indirect_dma semaphore(%arg18 : memref<!tpu.dma_semaphore, #tpu.memory_space<semaphore_mem>>) src(%arg12 : memref<128x128xf32, #tpu.memory_space<vmem>>) dst(%dma_wait3A_830 : memref<10240x128xf32, #tpu.memory_space<vmem_shared>>)
        %dma_start3A_831 = arith.constant 3 : i32
        %dma_start3A_832 = arith.constant 0 : i32
        %dma_start3A_833 = arith.constant 0 : i32
        %dma_start3A_834 = tpu.memref_slice %arg7[%dma_start3A_831, %dma_start3A_832, %dma_start3A_833] : memref<6x1x128xi32, #tpu.memory_space<vmem>> -> memref<1x1x128xi32, #tpu.memory_space<vmem>>
        %dma_start3A_835 = tpu.memref_squeeze %dma_start3A_834 : memref<1x1x128xi32, #tpu.memory_space<vmem>> -> memref<128xi32, #tpu.memory_space<vmem>>
        %dma_start3A_836 = arith.constant 0 : i32
        %dma_start3A_837 = arith.constant 0 : i32
        %dma_start3A_838 = tpu.memref_slice %arg3[%dma_start3A_836, %dma_start3A_837] : memref<10240x128xf32, #tpu.memory_space<hbm>> -> memref<10240x128xf32, #tpu.memory_space<hbm>>
        tpu.enqueue_indirect_dma source(%dma_start3A_838 : memref<10240x128xf32, #tpu.memory_space<hbm>>) target(%arg12 : memref<128x128xf32, #tpu.memory_space<vmem>>) offsets(%dma_start3A_835 : memref<128xi32, #tpu.memory_space<vmem>>) semaphore(%arg16 : memref<!tpu.dma_semaphore, #tpu.memory_space<semaphore_mem>>)
        %dma_wait3A_839 = arith.constant 0 : i32
        %dma_wait3A_840 = arith.constant 0 : i32
        %dma_wait3A_841 = arith.constant 0 : i32
        %dma_wait3A_842 = tpu.memref_slice %arg7[%dma_wait3A_839, %dma_wait3A_840, %dma_wait3A_841] : memref<6x1x128xi32, #tpu.memory_space<vmem>> -> memref<1x1x128xi32, #tpu.memory_space<vmem>>
        %dma_wait3A_843 = tpu.memref_squeeze %dma_wait3A_842 : memref<1x1x128xi32, #tpu.memory_space<vmem>> -> memref<128xi32, #tpu.memory_space<vmem>>
        %dma_wait3A_844 = arith.constant 0 : i32
        %dma_wait3A_845 = arith.constant 0 : i32
        %dma_wait3A_846 = tpu.memref_slice %arg3[%dma_wait3A_844, %dma_wait3A_845] : memref<10240x128xf32, #tpu.memory_space<hbm>> -> memref<10240x128xf32, #tpu.memory_space<hbm>>
        tpu.wait_indirect_dma semaphore(%arg15 : memref<!tpu.dma_semaphore, #tpu.memory_space<semaphore_mem>>) src(%dma_wait3A_846 : memref<10240x128xf32, #tpu.memory_space<hbm>>) dst(%arg11 : memref<128x128xf32, #tpu.memory_space<vmem>>)
        %dma_start3A_847 = arith.constant 2 : i32
        %dma_start3A_848 = arith.constant 0 : i32
        %dma_start3A_849 = arith.constant 0 : i32
        %dma_start3A_850 = tpu.memref_slice %arg8[%dma_start3A_847, %dma_start3A_848, %dma_start3A_849] : memref<6x1x128xi32, #tpu.memory_space<vmem>> -> memref<1x1x128xi32, #tpu.memory_space<vmem>>
        %dma_start3A_851 = tpu.memref_squeeze %dma_start3A_850 : memref<1x1x128xi32, #tpu.memory_space<vmem>> -> memref<128xi32, #tpu.memory_space<vmem>>
        %dma_start3A_852 = arith.constant 0 : i32
        %dma_start3A_853 = arith.constant 0 : i32
        %dma_start3A_854 = tpu.memref_slice %arg14[%dma_start3A_852, %dma_start3A_853] : memref<10240x128xf32, #tpu.memory_space<vmem_shared>> -> memref<10240x128xf32, #tpu.memory_space<vmem_shared>>
        tpu.enqueue_indirect_dma source(%arg11 : memref<128x128xf32, #tpu.memory_space<vmem>>) target(%dma_start3A_854 : memref<10240x128xf32, #tpu.memory_space<vmem_shared>>) offsets(%dma_start3A_851 : memref<128xi32, #tpu.memory_space<vmem>>) semaphore(%arg17 : memref<!tpu.dma_semaphore, #tpu.memory_space<semaphore_mem>>) {add = true}
        %dma_wait3A_855 = arith.constant 0 : i32
        %dma_wait3A_856 = arith.constant 0 : i32
        %dma_wait3A_857 = arith.constant 0 : i32
        %dma_wait3A_858 = tpu.memref_slice %arg8[%dma_wait3A_855, %dma_wait3A_856, %dma_wait3A_857] : memref<6x1x128xi32, #tpu.memory_space<vmem>> -> memref<1x1x128xi32, #tpu.memory_space<vmem>>
        %dma_wait3A_859 = tpu.memref_squeeze %dma_wait3A_858 : memref<1x1x128xi32, #tpu.memory_space<vmem>> -> memref<128xi32, #tpu.memory_space<vmem>>
        %dma_wait3A_860 = arith.constant 0 : i32
        %dma_wait3A_861 = arith.constant 0 : i32
        %dma_wait3A_862 = tpu.memref_slice %arg14[%dma_wait3A_860, %dma_wait3A_861] : memref<10240x128xf32, #tpu.memory_space<vmem_shared>> -> memref<10240x128xf32, #tpu.memory_space<vmem_shared>>
        tpu.wait_indirect_dma semaphore(%arg17 : memref<!tpu.dma_semaphore, #tpu.memory_space<semaphore_mem>>) src(%arg11 : memref<128x128xf32, #tpu.memory_space<vmem>>) dst(%dma_wait3A_862 : memref<10240x128xf32, #tpu.memory_space<vmem_shared>>)
        %dma_start3A_863 = arith.constant 4 : i32
        %dma_start3A_864 = arith.constant 0 : i32
        %dma_start3A_865 = arith.constant 0 : i32
        %dma_start3A_866 = tpu.memref_slice %arg7[%dma_start3A_863, %dma_start3A_864, %dma_start3A_865] : memref<6x1x128xi32, #tpu.memory_space<vmem>> -> memref<1x1x128xi32, #tpu.memory_space<vmem>>
        %dma_start3A_867 = tpu.memref_squeeze %dma_start3A_866 : memref<1x1x128xi32, #tpu.memory_space<vmem>> -> memref<128xi32, #tpu.memory_space<vmem>>
        %dma_start3A_868 = arith.constant 0 : i32
        %dma_start3A_869 = arith.constant 0 : i32
        %dma_start3A_870 = tpu.memref_slice %arg3[%dma_start3A_868, %dma_start3A_869] : memref<10240x128xf32, #tpu.memory_space<hbm>> -> memref<10240x128xf32, #tpu.memory_space<hbm>>
        tpu.enqueue_indirect_dma source(%dma_start3A_870 : memref<10240x128xf32, #tpu.memory_space<hbm>>) target(%arg11 : memref<128x128xf32, #tpu.memory_space<vmem>>) offsets(%dma_start3A_867 : memref<128xi32, #tpu.memory_space<vmem>>) semaphore(%arg15 : memref<!tpu.dma_semaphore, #tpu.memory_space<semaphore_mem>>)
        %dma_wait3A_871 = arith.constant 0 : i32
        %dma_wait3A_872 = arith.constant 0 : i32
        %dma_wait3A_873 = arith.constant 0 : i32
        %dma_wait3A_874 = tpu.memref_slice %arg7[%dma_wait3A_871, %dma_wait3A_872, %dma_wait3A_873] : memref<6x1x128xi32, #tpu.memory_space<vmem>> -> memref<1x1x128xi32, #tpu.memory_space<vmem>>
        %dma_wait3A_875 = tpu.memref_squeeze %dma_wait3A_874 : memref<1x1x128xi32, #tpu.memory_space<vmem>> -> memref<128xi32, #tpu.memory_space<vmem>>
        %dma_wait3A_876 = arith.constant 0 : i32
        %dma_wait3A_877 = arith.constant 0 : i32
        %dma_wait3A_878 = tpu.memref_slice %arg3[%dma_wait3A_876, %dma_wait3A_877] : memref<10240x128xf32, #tpu.memory_space<hbm>> -> memref<10240x128xf32, #tpu.memory_space<hbm>>
        tpu.wait_indirect_dma semaphore(%arg16 : memref<!tpu.dma_semaphore, #tpu.memory_space<semaphore_mem>>) src(%dma_wait3A_878 : memref<10240x128xf32, #tpu.memory_space<hbm>>) dst(%arg12 : memref<128x128xf32, #tpu.memory_space<vmem>>)
        %dma_start3A_879 = arith.constant 3 : i32
        %dma_start3A_880 = arith.constant 0 : i32
        %dma_start3A_881 = arith.constant 0 : i32
        %dma_start3A_882 = tpu.memref_slice %arg8[%dma_start3A_879, %dma_start3A_880, %dma_start3A_881] : memref<6x1x128xi32, #tpu.memory_space<vmem>> -> memref<1x1x128xi32, #tpu.memory_space<vmem>>
        %dma_start3A_883 = tpu.memref_squeeze %dma_start3A_882 : memref<1x1x128xi32, #tpu.memory_space<vmem>> -> memref<128xi32, #tpu.memory_space<vmem>>
        %dma_start3A_884 = arith.constant 0 : i32
        %dma_start3A_885 = arith.constant 0 : i32
        %dma_start3A_886 = tpu.memref_slice %arg14[%dma_start3A_884, %dma_start3A_885] : memref<10240x128xf32, #tpu.memory_space<vmem_shared>> -> memref<10240x128xf32, #tpu.memory_space<vmem_shared>>
        tpu.enqueue_indirect_dma source(%arg12 : memref<128x128xf32, #tpu.memory_space<vmem>>) target(%dma_start3A_886 : memref<10240x128xf32, #tpu.memory_space<vmem_shared>>) offsets(%dma_start3A_883 : memref<128xi32, #tpu.memory_space<vmem>>) semaphore(%arg18 : memref<!tpu.dma_semaphore, #tpu.memory_space<semaphore_mem>>) {add = true}
        %dma_wait3A_887 = arith.constant 0 : i32
        %dma_wait3A_888 = arith.constant 0 : i32
        %dma_wait3A_889 = arith.constant 0 : i32
        %dma_wait3A_890 = tpu.memref_slice %arg8[%dma_wait3A_887, %dma_wait3A_888, %dma_wait3A_889] : memref<6x1x128xi32, #tpu.memory_space<vmem>> -> memref<1x1x128xi32, #tpu.memory_space<vmem>>
        %dma_wait3A_891 = tpu.memref_squeeze %dma_wait3A_890 : memref<1x1x128xi32, #tpu.memory_space<vmem>> -> memref<128xi32, #tpu.memory_space<vmem>>
        %dma_wait3A_892 = arith.constant 0 : i32
        %dma_wait3A_893 = arith.constant 0 : i32
        %dma_wait3A_894 = tpu.memref_slice %arg14[%dma_wait3A_892, %dma_wait3A_893] : memref<10240x128xf32, #tpu.memory_space<vmem_shared>> -> memref<10240x128xf32, #tpu.memory_space<vmem_shared>>
        tpu.wait_indirect_dma semaphore(%arg18 : memref<!tpu.dma_semaphore, #tpu.memory_space<semaphore_mem>>) src(%arg12 : memref<128x128xf32, #tpu.memory_space<vmem>>) dst(%dma_wait3A_894 : memref<10240x128xf32, #tpu.memory_space<vmem_shared>>)
        %dma_start3A_895 = arith.constant 5 : i32
        %dma_start3A_896 = arith.constant 0 : i32
        %dma_start3A_897 = arith.constant 0 : i32
        %dma_start3A_898 = tpu.memref_slice %arg7[%dma_start3A_895, %dma_start3A_896, %dma_start3A_897] : memref<6x1x128xi32, #tpu.memory_space<vmem>> -> memref<1x1x128xi32, #tpu.memory_space<vmem>>
        %dma_start3A_899 = tpu.memref_squeeze %dma_start3A_898 : memref<1x1x128xi32, #tpu.memory_space<vmem>> -> memref<128xi32, #tpu.memory_space<vmem>>
        %dma_start3A_900 = arith.constant 0 : i32
        %dma_start3A_901 = arith.constant 0 : i32
        %dma_start3A_902 = tpu.memref_slice %arg3[%dma_start3A_900, %dma_start3A_901] : memref<10240x128xf32, #tpu.memory_space<hbm>> -> memref<10240x128xf32, #tpu.memory_space<hbm>>
        tpu.enqueue_indirect_dma source(%dma_start3A_902 : memref<10240x128xf32, #tpu.memory_space<hbm>>) target(%arg12 : memref<128x128xf32, #tpu.memory_space<vmem>>) offsets(%dma_start3A_899 : memref<128xi32, #tpu.memory_space<vmem>>) semaphore(%arg16 : memref<!tpu.dma_semaphore, #tpu.memory_space<semaphore_mem>>)
        %dma_wait3A_903 = arith.constant 0 : i32
        %dma_wait3A_904 = arith.constant 0 : i32
        %dma_wait3A_905 = arith.constant 0 : i32
        %dma_wait3A_906 = tpu.memref_slice %arg7[%dma_wait3A_903, %dma_wait3A_904, %dma_wait3A_905] : memref<6x1x128xi32, #tpu.memory_space<vmem>> -> memref<1x1x128xi32, #tpu.memory_space<vmem>>
        %dma_wait3A_907 = tpu.memref_squeeze %dma_wait3A_906 : memref<1x1x128xi32, #tpu.memory_space<vmem>> -> memref<128xi32, #tpu.memory_space<vmem>>
        %dma_wait3A_908 = arith.constant 0 : i32
        %dma_wait3A_909 = arith.constant 0 : i32
        %dma_wait3A_910 = tpu.memref_slice %arg3[%dma_wait3A_908, %dma_wait3A_909] : memref<10240x128xf32, #tpu.memory_space<hbm>> -> memref<10240x128xf32, #tpu.memory_space<hbm>>
        tpu.wait_indirect_dma semaphore(%arg15 : memref<!tpu.dma_semaphore, #tpu.memory_space<semaphore_mem>>) src(%dma_wait3A_910 : memref<10240x128xf32, #tpu.memory_space<hbm>>) dst(%arg11 : memref<128x128xf32, #tpu.memory_space<vmem>>)
        %dma_start3A_911 = arith.constant 4 : i32
        %dma_start3A_912 = arith.constant 0 : i32
        %dma_start3A_913 = arith.constant 0 : i32
        %dma_start3A_914 = tpu.memref_slice %arg8[%dma_start3A_911, %dma_start3A_912, %dma_start3A_913] : memref<6x1x128xi32, #tpu.memory_space<vmem>> -> memref<1x1x128xi32, #tpu.memory_space<vmem>>
        %dma_start3A_915 = tpu.memref_squeeze %dma_start3A_914 : memref<1x1x128xi32, #tpu.memory_space<vmem>> -> memref<128xi32, #tpu.memory_space<vmem>>
        %dma_start3A_916 = arith.constant 0 : i32
        %dma_start3A_917 = arith.constant 0 : i32
        %dma_start3A_918 = tpu.memref_slice %arg14[%dma_start3A_916, %dma_start3A_917] : memref<10240x128xf32, #tpu.memory_space<vmem_shared>> -> memref<10240x128xf32, #tpu.memory_space<vmem_shared>>
        tpu.enqueue_indirect_dma source(%arg11 : memref<128x128xf32, #tpu.memory_space<vmem>>) target(%dma_start3A_918 : memref<10240x128xf32, #tpu.memory_space<vmem_shared>>) offsets(%dma_start3A_915 : memref<128xi32, #tpu.memory_space<vmem>>) semaphore(%arg17 : memref<!tpu.dma_semaphore, #tpu.memory_space<semaphore_mem>>) {add = true}
        %dma_wait3A_919 = arith.constant 0 : i32
        %dma_wait3A_920 = arith.constant 0 : i32
        %dma_wait3A_921 = arith.constant 0 : i32
        %dma_wait3A_922 = tpu.memref_slice %arg4[%dma_wait3A_919, %dma_wait3A_920, %dma_wait3A_921] : memref<1344x1x128xi32, #tpu.memory_space<hbm>> -> memref<6x1x128xi32, #tpu.memory_space<hbm>>
        %dma_wait3A_923 = arith.constant 0 : i32
        %dma_wait3A_924 = arith.constant 0 : i32
        %dma_wait3A_925 = arith.constant 0 : i32
        %dma_wait3A_926 = tpu.memref_slice %arg4[%dma_wait3A_923, %dma_wait3A_924, %dma_wait3A_925] : memref<1344x1x128xi32, #tpu.memory_space<hbm>> -> memref<6x1x128xi32, #tpu.memory_space<hbm>>
        tpu.wait_dma2 semaphore(%arg19 : memref<!tpu.dma_semaphore, #tpu.memory_space<semaphore_mem>>) src(%dma_wait3A_926 : memref<6x1x128xi32, #tpu.memory_space<hbm>>) dst(%arg7 : memref<6x1x128xi32, #tpu.memory_space<vmem>>)
        %dma_wait3A_927 = arith.constant 0 : i32
        %dma_wait3A_928 = arith.constant 0 : i32
        %dma_wait3A_929 = arith.constant 0 : i32
        %dma_wait3A_930 = tpu.memref_slice %arg4[%dma_wait3A_927, %dma_wait3A_928, %dma_wait3A_929] : memref<1344x1x128xi32, #tpu.memory_space<hbm>> -> memref<6x1x128xi32, #tpu.memory_space<hbm>>
        %dma_wait3A_931 = arith.constant 0 : i32
        %dma_wait3A_932 = arith.constant 0 : i32
        %dma_wait3A_933 = arith.constant 0 : i32
        %dma_wait3A_934 = tpu.memref_slice %arg4[%dma_wait3A_931, %dma_wait3A_932, %dma_wait3A_933] : memref<1344x1x128xi32, #tpu.memory_space<hbm>> -> memref<6x1x128xi32, #tpu.memory_space<hbm>>
        tpu.wait_dma2 semaphore(%arg19 : memref<!tpu.dma_semaphore, #tpu.memory_space<semaphore_mem>>) src(%dma_wait3A_934 : memref<6x1x128xi32, #tpu.memory_space<hbm>>) dst(%arg7 : memref<6x1x128xi32, #tpu.memory_space<vmem>>)
      }
      %scan3A_217 = arith.constant 6 : i32
      %dma_wait3A_218 = arith.constant 0 : i32
      %dma_wait3A_219 = arith.constant 0 : i32
      %dma_wait3A_220 = arith.constant 0 : i32
      %dma_wait3A_221 = tpu.memref_slice %arg8[%dma_wait3A_218, %dma_wait3A_219, %dma_wait3A_220] : memref<6x1x128xi32, #tpu.memory_space<vmem>> -> memref<1x1x128xi32, #tpu.memory_space<vmem>>
      %dma_wait3A_222 = tpu.memref_squeeze %dma_wait3A_221 : memref<1x1x128xi32, #tpu.memory_space<vmem>> -> memref<128xi32, #tpu.memory_space<vmem>>
      %dma_wait3A_223 = arith.constant 0 : i32
      %dma_wait3A_224 = arith.constant 0 : i32
      %dma_wait3A_225 = tpu.memref_slice %arg14[%dma_wait3A_223, %dma_wait3A_224] : memref<10240x128xf32, #tpu.memory_space<vmem_shared>> -> memref<10240x128xf32, #tpu.memory_space<vmem_shared>>
      tpu.wait_indirect_dma semaphore(%arg17 : memref<!tpu.dma_semaphore, #tpu.memory_space<semaphore_mem>>) src(%arg11 : memref<128x128xf32, #tpu.memory_space<vmem>>) dst(%dma_wait3A_225 : memref<10240x128xf32, #tpu.memory_space<vmem_shared>>)
      %dma_start3A_226 = arith.constant 0 : i32
      %dma_start3A_227 = arith.constant 0 : i32
      %dma_start3A_228 = arith.constant 0 : i32
      %dma_start3A_229 = tpu.memref_slice %arg9[%dma_start3A_226, %dma_start3A_227, %dma_start3A_228] : memref<6x1x128xi32, #tpu.memory_space<vmem>> -> memref<1x1x128xi32, #tpu.memory_space<vmem>>
      %dma_start3A_230 = tpu.memref_squeeze %dma_start3A_229 : memref<1x1x128xi32, #tpu.memory_space<vmem>> -> memref<128xi32, #tpu.memory_space<vmem>>
      %dma_start3A_231 = arith.constant 0 : i32
      %dma_start3A_232 = arith.constant 0 : i32
      %dma_start3A_233 = tpu.memref_slice %arg3[%dma_start3A_231, %dma_start3A_232] : memref<10240x128xf32, #tpu.memory_space<hbm>> -> memref<10240x128xf32, #tpu.memory_space<hbm>>
      tpu.enqueue_indirect_dma source(%dma_start3A_233 : memref<10240x128xf32, #tpu.memory_space<hbm>>) target(%arg11 : memref<128x128xf32, #tpu.memory_space<vmem>>) offsets(%dma_start3A_230 : memref<128xi32, #tpu.memory_space<vmem>>) semaphore(%arg15 : memref<!tpu.dma_semaphore, #tpu.memory_space<semaphore_mem>>)
      %dma_wait3A_234 = arith.constant 0 : i32
      %dma_wait3A_235 = arith.constant 0 : i32
      %dma_wait3A_236 = arith.constant 0 : i32
      %dma_wait3A_237 = tpu.memref_slice %arg7[%dma_wait3A_234, %dma_wait3A_235, %dma_wait3A_236] : memref<6x1x128xi32, #tpu.memory_space<vmem>> -> memref<1x1x128xi32, #tpu.memory_space<vmem>>
      %dma_wait3A_238 = tpu.memref_squeeze %dma_wait3A_237 : memref<1x1x128xi32, #tpu.memory_space<vmem>> -> memref<128xi32, #tpu.memory_space<vmem>>
      %dma_wait3A_239 = arith.constant 0 : i32
      %dma_wait3A_240 = arith.constant 0 : i32
      %dma_wait3A_241 = tpu.memref_slice %arg3[%dma_wait3A_239, %dma_wait3A_240] : memref<10240x128xf32, #tpu.memory_space<hbm>> -> memref<10240x128xf32, #tpu.memory_space<hbm>>
      tpu.wait_indirect_dma semaphore(%arg16 : memref<!tpu.dma_semaphore, #tpu.memory_space<semaphore_mem>>) src(%dma_wait3A_241 : memref<10240x128xf32, #tpu.memory_space<hbm>>) dst(%arg12 : memref<128x128xf32, #tpu.memory_space<vmem>>)
      %dma_start3A_242 = arith.constant 5 : i32
      %dma_start3A_243 = arith.constant 0 : i32
      %dma_start3A_244 = arith.constant 0 : i32
      %dma_start3A_245 = tpu.memref_slice %arg8[%dma_start3A_242, %dma_start3A_243, %dma_start3A_244] : memref<6x1x128xi32, #tpu.memory_space<vmem>> -> memref<1x1x128xi32, #tpu.memory_space<vmem>>
      %dma_start3A_246 = tpu.memref_squeeze %dma_start3A_245 : memref<1x1x128xi32, #tpu.memory_space<vmem>> -> memref<128xi32, #tpu.memory_space<vmem>>
      %dma_start3A_247 = arith.constant 0 : i32
      %dma_start3A_248 = arith.constant 0 : i32
      %dma_start3A_249 = tpu.memref_slice %arg14[%dma_start3A_247, %dma_start3A_248] : memref<10240x128xf32, #tpu.memory_space<vmem_shared>> -> memref<10240x128xf32, #tpu.memory_space<vmem_shared>>
      tpu.enqueue_indirect_dma source(%arg12 : memref<128x128xf32, #tpu.memory_space<vmem>>) target(%dma_start3A_249 : memref<10240x128xf32, #tpu.memory_space<vmem_shared>>) offsets(%dma_start3A_246 : memref<128xi32, #tpu.memory_space<vmem>>) semaphore(%arg18 : memref<!tpu.dma_semaphore, #tpu.memory_space<semaphore_mem>>) {add = true}
      %dma_wait3A_250 = arith.constant 0 : i32
      %dma_wait3A_251 = arith.constant 0 : i32
      %dma_wait3A_252 = arith.constant 0 : i32
      %dma_wait3A_253 = tpu.memref_slice %arg8[%dma_wait3A_250, %dma_wait3A_251, %dma_wait3A_252] : memref<6x1x128xi32, #tpu.memory_space<vmem>> -> memref<1x1x128xi32, #tpu.memory_space<vmem>>
      %dma_wait3A_254 = tpu.memref_squeeze %dma_wait3A_253 : memref<1x1x128xi32, #tpu.memory_space<vmem>> -> memref<128xi32, #tpu.memory_space<vmem>>
      %dma_wait3A_255 = arith.constant 0 : i32
      %dma_wait3A_256 = arith.constant 0 : i32
      %dma_wait3A_257 = tpu.memref_slice %arg14[%dma_wait3A_255, %dma_wait3A_256] : memref<10240x128xf32, #tpu.memory_space<vmem_shared>> -> memref<10240x128xf32, #tpu.memory_space<vmem_shared>>
      tpu.wait_indirect_dma semaphore(%arg18 : memref<!tpu.dma_semaphore, #tpu.memory_space<semaphore_mem>>) src(%arg12 : memref<128x128xf32, #tpu.memory_space<vmem>>) dst(%dma_wait3A_257 : memref<10240x128xf32, #tpu.memory_space<vmem_shared>>)
      %dma_start3A_258 = arith.constant 1 : i32
      %dma_start3A_259 = arith.constant 0 : i32
      %dma_start3A_260 = arith.constant 0 : i32
      %dma_start3A_261 = tpu.memref_slice %arg9[%dma_start3A_258, %dma_start3A_259, %dma_start3A_260] : memref<6x1x128xi32, #tpu.memory_space<vmem>> -> memref<1x1x128xi32, #tpu.memory_space<vmem>>
      %dma_start3A_262 = tpu.memref_squeeze %dma_start3A_261 : memref<1x1x128xi32, #tpu.memory_space<vmem>> -> memref<128xi32, #tpu.memory_space<vmem>>
      %dma_start3A_263 = arith.constant 0 : i32
      %dma_start3A_264 = arith.constant 0 : i32
      %dma_start3A_265 = tpu.memref_slice %arg3[%dma_start3A_263, %dma_start3A_264] : memref<10240x128xf32, #tpu.memory_space<hbm>> -> memref<10240x128xf32, #tpu.memory_space<hbm>>
      tpu.enqueue_indirect_dma source(%dma_start3A_265 : memref<10240x128xf32, #tpu.memory_space<hbm>>) target(%arg12 : memref<128x128xf32, #tpu.memory_space<vmem>>) offsets(%dma_start3A_262 : memref<128xi32, #tpu.memory_space<vmem>>) semaphore(%arg16 : memref<!tpu.dma_semaphore, #tpu.memory_space<semaphore_mem>>)
      %dma_wait3A_266 = arith.constant 0 : i32
      %dma_wait3A_267 = arith.constant 0 : i32
      %dma_wait3A_268 = arith.constant 0 : i32
      %dma_wait3A_269 = tpu.memref_slice %arg7[%dma_wait3A_266, %dma_wait3A_267, %dma_wait3A_268] : memref<6x1x128xi32, #tpu.memory_space<vmem>> -> memref<1x1x128xi32, #tpu.memory_space<vmem>>
      %dma_wait3A_270 = tpu.memref_squeeze %dma_wait3A_269 : memref<1x1x128xi32, #tpu.memory_space<vmem>> -> memref<128xi32, #tpu.memory_space<vmem>>
      %dma_wait3A_271 = arith.constant 0 : i32
      %dma_wait3A_272 = arith.constant 0 : i32
      %dma_wait3A_273 = tpu.memref_slice %arg3[%dma_wait3A_271, %dma_wait3A_272] : memref<10240x128xf32, #tpu.memory_space<hbm>> -> memref<10240x128xf32, #tpu.memory_space<hbm>>
      tpu.wait_indirect_dma semaphore(%arg15 : memref<!tpu.dma_semaphore, #tpu.memory_space<semaphore_mem>>) src(%dma_wait3A_273 : memref<10240x128xf32, #tpu.memory_space<hbm>>) dst(%arg11 : memref<128x128xf32, #tpu.memory_space<vmem>>)
      %dma_start3A_274 = arith.constant 0 : i32
      %dma_start3A_275 = arith.constant 0 : i32
      %dma_start3A_276 = arith.constant 0 : i32
      %dma_start3A_277 = tpu.memref_slice %arg10[%dma_start3A_274, %dma_start3A_275, %dma_start3A_276] : memref<6x1x128xi32, #tpu.memory_space<vmem>> -> memref<1x1x128xi32, #tpu.memory_space<vmem>>
      %dma_start3A_278 = tpu.memref_squeeze %dma_start3A_277 : memref<1x1x128xi32, #tpu.memory_space<vmem>> -> memref<128xi32, #tpu.memory_space<vmem>>
      %dma_start3A_279 = arith.constant 0 : i32
      %dma_start3A_280 = arith.constant 0 : i32
      %dma_start3A_281 = tpu.memref_slice %arg14[%dma_start3A_279, %dma_start3A_280] : memref<10240x128xf32, #tpu.memory_space<vmem_shared>> -> memref<10240x128xf32, #tpu.memory_space<vmem_shared>>
      tpu.enqueue_indirect_dma source(%arg11 : memref<128x128xf32, #tpu.memory_space<vmem>>) target(%dma_start3A_281 : memref<10240x128xf32, #tpu.memory_space<vmem_shared>>) offsets(%dma_start3A_278 : memref<128xi32, #tpu.memory_space<vmem>>) semaphore(%arg17 : memref<!tpu.dma_semaphore, #tpu.memory_space<semaphore_mem>>) {add = true}
      %dma_wait3A_282 = arith.constant 0 : i32
      %dma_wait3A_283 = arith.constant 0 : i32
      %dma_wait3A_284 = arith.constant 0 : i32
      %dma_wait3A_285 = tpu.memref_slice %arg8[%dma_wait3A_282, %dma_wait3A_283, %dma_wait3A_284] : memref<6x1x128xi32, #tpu.memory_space<vmem>> -> memref<1x1x128xi32, #tpu.memory_space<vmem>>
      %dma_wait3A_286 = tpu.memref_squeeze %dma_wait3A_285 : memref<1x1x128xi32, #tpu.memory_space<vmem>> -> memref<128xi32, #tpu.memory_space<vmem>>
      %dma_wait3A_287 = arith.constant 0 : i32
      %dma_wait3A_288 = arith.constant 0 : i32
      %dma_wait3A_289 = tpu.memref_slice %arg14[%dma_wait3A_287, %dma_wait3A_288] : memref<10240x128xf32, #tpu.memory_space<vmem_shared>> -> memref<10240x128xf32, #tpu.memory_space<vmem_shared>>
      tpu.wait_indirect_dma semaphore(%arg17 : memref<!tpu.dma_semaphore, #tpu.memory_space<semaphore_mem>>) src(%arg11 : memref<128x128xf32, #tpu.memory_space<vmem>>) dst(%dma_wait3A_289 : memref<10240x128xf32, #tpu.memory_space<vmem_shared>>)
      %dma_start3A_290 = arith.constant 2 : i32
      %dma_start3A_291 = arith.constant 0 : i32
      %dma_start3A_292 = arith.constant 0 : i32
      %dma_start3A_293 = tpu.memref_slice %arg9[%dma_start3A_290, %dma_start3A_291, %dma_start3A_292] : memref<6x1x128xi32, #tpu.memory_space<vmem>> -> memref<1x1x128xi32, #tpu.memory_space<vmem>>
      %dma_start3A_294 = tpu.memref_squeeze %dma_start3A_293 : memref<1x1x128xi32, #tpu.memory_space<vmem>> -> memref<128xi32, #tpu.memory_space<vmem>>
      %dma_start3A_295 = arith.constant 0 : i32
      %dma_start3A_296 = arith.constant 0 : i32
      %dma_start3A_297 = tpu.memref_slice %arg3[%dma_start3A_295, %dma_start3A_296] : memref<10240x128xf32, #tpu.memory_space<hbm>> -> memref<10240x128xf32, #tpu.memory_space<hbm>>
      tpu.enqueue_indirect_dma source(%dma_start3A_297 : memref<10240x128xf32, #tpu.memory_space<hbm>>) target(%arg11 : memref<128x128xf32, #tpu.memory_space<vmem>>) offsets(%dma_start3A_294 : memref<128xi32, #tpu.memory_space<vmem>>) semaphore(%arg15 : memref<!tpu.dma_semaphore, #tpu.memory_space<semaphore_mem>>)
      %dma_wait3A_298 = arith.constant 0 : i32
      %dma_wait3A_299 = arith.constant 0 : i32
      %dma_wait3A_300 = arith.constant 0 : i32
      %dma_wait3A_301 = tpu.memref_slice %arg7[%dma_wait3A_298, %dma_wait3A_299, %dma_wait3A_300] : memref<6x1x128xi32, #tpu.memory_space<vmem>> -> memref<1x1x128xi32, #tpu.memory_space<vmem>>
      %dma_wait3A_302 = tpu.memref_squeeze %dma_wait3A_301 : memref<1x1x128xi32, #tpu.memory_space<vmem>> -> memref<128xi32, #tpu.memory_space<vmem>>
      %dma_wait3A_303 = arith.constant 0 : i32
      %dma_wait3A_304 = arith.constant 0 : i32
      %dma_wait3A_305 = tpu.memref_slice %arg3[%dma_wait3A_303, %dma_wait3A_304] : memref<10240x128xf32, #tpu.memory_space<hbm>> -> memref<10240x128xf32, #tpu.memory_space<hbm>>
      tpu.wait_indirect_dma semaphore(%arg16 : memref<!tpu.dma_semaphore, #tpu.memory_space<semaphore_mem>>) src(%dma_wait3A_305 : memref<10240x128xf32, #tpu.memory_space<hbm>>) dst(%arg12 : memref<128x128xf32, #tpu.memory_space<vmem>>)
      %dma_start3A_306 = arith.constant 1 : i32
      %dma_start3A_307 = arith.constant 0 : i32
      %dma_start3A_308 = arith.constant 0 : i32
      %dma_start3A_309 = tpu.memref_slice %arg10[%dma_start3A_306, %dma_start3A_307, %dma_start3A_308] : memref<6x1x128xi32, #tpu.memory_space<vmem>> -> memref<1x1x128xi32, #tpu.memory_space<vmem>>
      %dma_start3A_310 = tpu.memref_squeeze %dma_start3A_309 : memref<1x1x128xi32, #tpu.memory_space<vmem>> -> memref<128xi32, #tpu.memory_space<vmem>>
      %dma_start3A_311 = arith.constant 0 : i32
      %dma_start3A_312 = arith.constant 0 : i32
      %dma_start3A_313 = tpu.memref_slice %arg14[%dma_start3A_311, %dma_start3A_312] : memref<10240x128xf32, #tpu.memory_space<vmem_shared>> -> memref<10240x128xf32, #tpu.memory_space<vmem_shared>>
      tpu.enqueue_indirect_dma source(%arg12 : memref<128x128xf32, #tpu.memory_space<vmem>>) target(%dma_start3A_313 : memref<10240x128xf32, #tpu.memory_space<vmem_shared>>) offsets(%dma_start3A_310 : memref<128xi32, #tpu.memory_space<vmem>>) semaphore(%arg18 : memref<!tpu.dma_semaphore, #tpu.memory_space<semaphore_mem>>) {add = true}
      %min3A_314 = arith.constant 84 : i32
      %min3A_315 = arith.constant 78 : i32
      %min3A_316 = arith.minsi %min3A_314, %min3A_315 : i32
      %add3A_317 = arith.addi %mul3A_11, %min3A_316 : i32
      %dma_start3A_318 = arith.constant 0 : i32
      %dma_start3A_319 = arith.constant 0 : i32
      %dma_start3A_320 = tpu.memref_slice %arg4[%add3A_317, %dma_start3A_318, %dma_start3A_319] : memref<1344x1x128xi32, #tpu.memory_space<hbm>> -> memref<6x1x128xi32, #tpu.memory_space<hbm>>
      %dma_start3A_321 = arith.constant 0 : i32
      %dma_start3A_322 = arith.constant 0 : i32
      %dma_start3A_323 = tpu.memref_slice %arg4[%add3A_317, %dma_start3A_321, %dma_start3A_322] : memref<1344x1x128xi32, #tpu.memory_space<hbm>> -> memref<6x1x128xi32, #tpu.memory_space<hbm>>
      tpu.enqueue_dma source(%dma_start3A_323 : memref<6x1x128xi32, #tpu.memory_space<hbm>>) target(%arg7 : memref<6x1x128xi32, #tpu.memory_space<vmem>>) target_semaphore(%arg19 : memref<!tpu.dma_semaphore, #tpu.memory_space<semaphore_mem>>)
      %dma_start3A_324 = arith.constant 0 : i32
      %dma_start3A_325 = arith.constant 0 : i32
      %dma_start3A_326 = tpu.memref_slice %arg5[%add3A_317, %dma_start3A_324, %dma_start3A_325] : memref<1344x1x128xi32, #tpu.memory_space<hbm>> -> memref<6x1x128xi32, #tpu.memory_space<hbm>>
      %dma_start3A_327 = arith.constant 0 : i32
      %dma_start3A_328 = arith.constant 0 : i32
      %dma_start3A_329 = tpu.memref_slice %arg5[%add3A_317, %dma_start3A_327, %dma_start3A_328] : memref<1344x1x128xi32, #tpu.memory_space<hbm>> -> memref<6x1x128xi32, #tpu.memory_space<hbm>>
      tpu.enqueue_dma source(%dma_start3A_329 : memref<6x1x128xi32, #tpu.memory_space<hbm>>) target(%arg8 : memref<6x1x128xi32, #tpu.memory_space<vmem>>) target_semaphore(%arg19 : memref<!tpu.dma_semaphore, #tpu.memory_space<semaphore_mem>>)
      %dma_wait3A_330 = arith.constant 0 : i32
      %dma_wait3A_331 = arith.constant 0 : i32
      %dma_wait3A_332 = arith.constant 0 : i32
      %dma_wait3A_333 = tpu.memref_slice %arg8[%dma_wait3A_330, %dma_wait3A_331, %dma_wait3A_332] : memref<6x1x128xi32, #tpu.memory_space<vmem>> -> memref<1x1x128xi32, #tpu.memory_space<vmem>>
      %dma_wait3A_334 = tpu.memref_squeeze %dma_wait3A_333 : memref<1x1x128xi32, #tpu.memory_space<vmem>> -> memref<128xi32, #tpu.memory_space<vmem>>
      %dma_wait3A_335 = arith.constant 0 : i32
      %dma_wait3A_336 = arith.constant 0 : i32
      %dma_wait3A_337 = tpu.memref_slice %arg14[%dma_wait3A_335, %dma_wait3A_336] : memref<10240x128xf32, #tpu.memory_space<vmem_shared>> -> memref<10240x128xf32, #tpu.memory_space<vmem_shared>>
      tpu.wait_indirect_dma semaphore(%arg18 : memref<!tpu.dma_semaphore, #tpu.memory_space<semaphore_mem>>) src(%arg12 : memref<128x128xf32, #tpu.memory_space<vmem>>) dst(%dma_wait3A_337 : memref<10240x128xf32, #tpu.memory_space<vmem_shared>>)
      %dma_start3A_338 = arith.constant 3 : i32
      %dma_start3A_339 = arith.constant 0 : i32
      %dma_start3A_340 = arith.constant 0 : i32
      %dma_start3A_341 = tpu.memref_slice %arg9[%dma_start3A_338, %dma_start3A_339, %dma_start3A_340] : memref<6x1x128xi32, #tpu.memory_space<vmem>> -> memref<1x1x128xi32, #tpu.memory_space<vmem>>
      %dma_start3A_342 = tpu.memref_squeeze %dma_start3A_341 : memref<1x1x128xi32, #tpu.memory_space<vmem>> -> memref<128xi32, #tpu.memory_space<vmem>>
      %dma_start3A_343 = arith.constant 0 : i32
      %dma_start3A_344 = arith.constant 0 : i32
      %dma_start3A_345 = tpu.memref_slice %arg3[%dma_start3A_343, %dma_start3A_344] : memref<10240x128xf32, #tpu.memory_space<hbm>> -> memref<10240x128xf32, #tpu.memory_space<hbm>>
      tpu.enqueue_indirect_dma source(%dma_start3A_345 : memref<10240x128xf32, #tpu.memory_space<hbm>>) target(%arg12 : memref<128x128xf32, #tpu.memory_space<vmem>>) offsets(%dma_start3A_342 : memref<128xi32, #tpu.memory_space<vmem>>) semaphore(%arg16 : memref<!tpu.dma_semaphore, #tpu.memory_space<semaphore_mem>>)
      %dma_wait3A_346 = arith.constant 0 : i32
      %dma_wait3A_347 = arith.constant 0 : i32
      %dma_wait3A_348 = arith.constant 0 : i32
      %dma_wait3A_349 = tpu.memref_slice %arg7[%dma_wait3A_346, %dma_wait3A_347, %dma_wait3A_348] : memref<6x1x128xi32, #tpu.memory_space<vmem>> -> memref<1x1x128xi32, #tpu.memory_space<vmem>>
      %dma_wait3A_350 = tpu.memref_squeeze %dma_wait3A_349 : memref<1x1x128xi32, #tpu.memory_space<vmem>> -> memref<128xi32, #tpu.memory_space<vmem>>
      %dma_wait3A_351 = arith.constant 0 : i32
      %dma_wait3A_352 = arith.constant 0 : i32
      %dma_wait3A_353 = tpu.memref_slice %arg3[%dma_wait3A_351, %dma_wait3A_352] : memref<10240x128xf32, #tpu.memory_space<hbm>> -> memref<10240x128xf32, #tpu.memory_space<hbm>>
      tpu.wait_indirect_dma semaphore(%arg15 : memref<!tpu.dma_semaphore, #tpu.memory_space<semaphore_mem>>) src(%dma_wait3A_353 : memref<10240x128xf32, #tpu.memory_space<hbm>>) dst(%arg11 : memref<128x128xf32, #tpu.memory_space<vmem>>)
      %dma_start3A_354 = arith.constant 2 : i32
      %dma_start3A_355 = arith.constant 0 : i32
      %dma_start3A_356 = arith.constant 0 : i32
      %dma_start3A_357 = tpu.memref_slice %arg10[%dma_start3A_354, %dma_start3A_355, %dma_start3A_356] : memref<6x1x128xi32, #tpu.memory_space<vmem>> -> memref<1x1x128xi32, #tpu.memory_space<vmem>>
      %dma_start3A_358 = tpu.memref_squeeze %dma_start3A_357 : memref<1x1x128xi32, #tpu.memory_space<vmem>> -> memref<128xi32, #tpu.memory_space<vmem>>
      %dma_start3A_359 = arith.constant 0 : i32
      %dma_start3A_360 = arith.constant 0 : i32
      %dma_start3A_361 = tpu.memref_slice %arg14[%dma_start3A_359, %dma_start3A_360] : memref<10240x128xf32, #tpu.memory_space<vmem_shared>> -> memref<10240x128xf32, #tpu.memory_space<vmem_shared>>
      tpu.enqueue_indirect_dma source(%arg11 : memref<128x128xf32, #tpu.memory_space<vmem>>) target(%dma_start3A_361 : memref<10240x128xf32, #tpu.memory_space<vmem_shared>>) offsets(%dma_start3A_358 : memref<128xi32, #tpu.memory_space<vmem>>) semaphore(%arg17 : memref<!tpu.dma_semaphore, #tpu.memory_space<semaphore_mem>>) {add = true}
      %dma_wait3A_362 = arith.constant 0 : i32
      %dma_wait3A_363 = arith.constant 0 : i32
      %dma_wait3A_364 = arith.constant 0 : i32
      %dma_wait3A_365 = tpu.memref_slice %arg8[%dma_wait3A_362, %dma_wait3A_363, %dma_wait3A_364] : memref<6x1x128xi32, #tpu.memory_space<vmem>> -> memref<1x1x128xi32, #tpu.memory_space<vmem>>
      %dma_wait3A_366 = tpu.memref_squeeze %dma_wait3A_365 : memref<1x1x128xi32, #tpu.memory_space<vmem>> -> memref<128xi32, #tpu.memory_space<vmem>>
      %dma_wait3A_367 = arith.constant 0 : i32
      %dma_wait3A_368 = arith.constant 0 : i32
      %dma_wait3A_369 = tpu.memref_slice %arg14[%dma_wait3A_367, %dma_wait3A_368] : memref<10240x128xf32, #tpu.memory_space<vmem_shared>> -> memref<10240x128xf32, #tpu.memory_space<vmem_shared>>
      tpu.wait_indirect_dma semaphore(%arg17 : memref<!tpu.dma_semaphore, #tpu.memory_space<semaphore_mem>>) src(%arg11 : memref<128x128xf32, #tpu.memory_space<vmem>>) dst(%dma_wait3A_369 : memref<10240x128xf32, #tpu.memory_space<vmem_shared>>)
      %dma_start3A_370 = arith.constant 4 : i32
      %dma_start3A_371 = arith.constant 0 : i32
      %dma_start3A_372 = arith.constant 0 : i32
      %dma_start3A_373 = tpu.memref_slice %arg9[%dma_start3A_370, %dma_start3A_371, %dma_start3A_372] : memref<6x1x128xi32, #tpu.memory_space<vmem>> -> memref<1x1x128xi32, #tpu.memory_space<vmem>>
      %dma_start3A_374 = tpu.memref_squeeze %dma_start3A_373 : memref<1x1x128xi32, #tpu.memory_space<vmem>> -> memref<128xi32, #tpu.memory_space<vmem>>
      %dma_start3A_375 = arith.constant 0 : i32
      %dma_start3A_376 = arith.constant 0 : i32
      %dma_start3A_377 = tpu.memref_slice %arg3[%dma_start3A_375, %dma_start3A_376] : memref<10240x128xf32, #tpu.memory_space<hbm>> -> memref<10240x128xf32, #tpu.memory_space<hbm>>
      tpu.enqueue_indirect_dma source(%dma_start3A_377 : memref<10240x128xf32, #tpu.memory_space<hbm>>) target(%arg11 : memref<128x128xf32, #tpu.memory_space<vmem>>) offsets(%dma_start3A_374 : memref<128xi32, #tpu.memory_space<vmem>>) semaphore(%arg15 : memref<!tpu.dma_semaphore, #tpu.memory_space<semaphore_mem>>)
      %dma_wait3A_378 = arith.constant 0 : i32
      %dma_wait3A_379 = arith.constant 0 : i32
      %dma_wait3A_380 = arith.constant 0 : i32
      %dma_wait3A_381 = tpu.memref_slice %arg7[%dma_wait3A_378, %dma_wait3A_379, %dma_wait3A_380] : memref<6x1x128xi32, #tpu.memory_space<vmem>> -> memref<1x1x128xi32, #tpu.memory_space<vmem>>
      %dma_wait3A_382 = tpu.memref_squeeze %dma_wait3A_381 : memref<1x1x128xi32, #tpu.memory_space<vmem>> -> memref<128xi32, #tpu.memory_space<vmem>>
      %dma_wait3A_383 = arith.constant 0 : i32
      %dma_wait3A_384 = arith.constant 0 : i32
      %dma_wait3A_385 = tpu.memref_slice %arg3[%dma_wait3A_383, %dma_wait3A_384] : memref<10240x128xf32, #tpu.memory_space<hbm>> -> memref<10240x128xf32, #tpu.memory_space<hbm>>
      tpu.wait_indirect_dma semaphore(%arg16 : memref<!tpu.dma_semaphore, #tpu.memory_space<semaphore_mem>>) src(%dma_wait3A_385 : memref<10240x128xf32, #tpu.memory_space<hbm>>) dst(%arg12 : memref<128x128xf32, #tpu.memory_space<vmem>>)
      %dma_start3A_386 = arith.constant 3 : i32
      %dma_start3A_387 = arith.constant 0 : i32
      %dma_start3A_388 = arith.constant 0 : i32
      %dma_start3A_389 = tpu.memref_slice %arg10[%dma_start3A_386, %dma_start3A_387, %dma_start3A_388] : memref<6x1x128xi32, #tpu.memory_space<vmem>> -> memref<1x1x128xi32, #tpu.memory_space<vmem>>
      %dma_start3A_390 = tpu.memref_squeeze %dma_start3A_389 : memref<1x1x128xi32, #tpu.memory_space<vmem>> -> memref<128xi32, #tpu.memory_space<vmem>>
      %dma_start3A_391 = arith.constant 0 : i32
      %dma_start3A_392 = arith.constant 0 : i32
      %dma_start3A_393 = tpu.memref_slice %arg14[%dma_start3A_391, %dma_start3A_392] : memref<10240x128xf32, #tpu.memory_space<vmem_shared>> -> memref<10240x128xf32, #tpu.memory_space<vmem_shared>>
      tpu.enqueue_indirect_dma source(%arg12 : memref<128x128xf32, #tpu.memory_space<vmem>>) target(%dma_start3A_393 : memref<10240x128xf32, #tpu.memory_space<vmem_shared>>) offsets(%dma_start3A_390 : memref<128xi32, #tpu.memory_space<vmem>>) semaphore(%arg18 : memref<!tpu.dma_semaphore, #tpu.memory_space<semaphore_mem>>) {add = true}
      %dma_wait3A_394 = arith.constant 0 : i32
      %dma_wait3A_395 = arith.constant 0 : i32
      %dma_wait3A_396 = arith.constant 0 : i32
      %dma_wait3A_397 = tpu.memref_slice %arg8[%dma_wait3A_394, %dma_wait3A_395, %dma_wait3A_396] : memref<6x1x128xi32, #tpu.memory_space<vmem>> -> memref<1x1x128xi32, #tpu.memory_space<vmem>>
      %dma_wait3A_398 = tpu.memref_squeeze %dma_wait3A_397 : memref<1x1x128xi32, #tpu.memory_space<vmem>> -> memref<128xi32, #tpu.memory_space<vmem>>
      %dma_wait3A_399 = arith.constant 0 : i32
      %dma_wait3A_400 = arith.constant 0 : i32
      %dma_wait3A_401 = tpu.memref_slice %arg14[%dma_wait3A_399, %dma_wait3A_400] : memref<10240x128xf32, #tpu.memory_space<vmem_shared>> -> memref<10240x128xf32, #tpu.memory_space<vmem_shared>>
      tpu.wait_indirect_dma semaphore(%arg18 : memref<!tpu.dma_semaphore, #tpu.memory_space<semaphore_mem>>) src(%arg12 : memref<128x128xf32, #tpu.memory_space<vmem>>) dst(%dma_wait3A_401 : memref<10240x128xf32, #tpu.memory_space<vmem_shared>>)
      %dma_start3A_402 = arith.constant 5 : i32
      %dma_start3A_403 = arith.constant 0 : i32
      %dma_start3A_404 = arith.constant 0 : i32
      %dma_start3A_405 = tpu.memref_slice %arg9[%dma_start3A_402, %dma_start3A_403, %dma_start3A_404] : memref<6x1x128xi32, #tpu.memory_space<vmem>> -> memref<1x1x128xi32, #tpu.memory_space<vmem>>
      %dma_start3A_406 = tpu.memref_squeeze %dma_start3A_405 : memref<1x1x128xi32, #tpu.memory_space<vmem>> -> memref<128xi32, #tpu.memory_space<vmem>>
      %dma_start3A_407 = arith.constant 0 : i32
      %dma_start3A_408 = arith.constant 0 : i32
      %dma_start3A_409 = tpu.memref_slice %arg3[%dma_start3A_407, %dma_start3A_408] : memref<10240x128xf32, #tpu.memory_space<hbm>> -> memref<10240x128xf32, #tpu.memory_space<hbm>>
      tpu.enqueue_indirect_dma source(%dma_start3A_409 : memref<10240x128xf32, #tpu.memory_space<hbm>>) target(%arg12 : memref<128x128xf32, #tpu.memory_space<vmem>>) offsets(%dma_start3A_406 : memref<128xi32, #tpu.memory_space<vmem>>) semaphore(%arg16 : memref<!tpu.dma_semaphore, #tpu.memory_space<semaphore_mem>>)
      %dma_wait3A_410 = arith.constant 0 : i32
      %dma_wait3A_411 = arith.constant 0 : i32
      %dma_wait3A_412 = arith.constant 0 : i32
      %dma_wait3A_413 = tpu.memref_slice %arg7[%dma_wait3A_410, %dma_wait3A_411, %dma_wait3A_412] : memref<6x1x128xi32, #tpu.memory_space<vmem>> -> memref<1x1x128xi32, #tpu.memory_space<vmem>>
      %dma_wait3A_414 = tpu.memref_squeeze %dma_wait3A_413 : memref<1x1x128xi32, #tpu.memory_space<vmem>> -> memref<128xi32, #tpu.memory_space<vmem>>
      %dma_wait3A_415 = arith.constant 0 : i32
      %dma_wait3A_416 = arith.constant 0 : i32
      %dma_wait3A_417 = tpu.memref_slice %arg3[%dma_wait3A_415, %dma_wait3A_416] : memref<10240x128xf32, #tpu.memory_space<hbm>> -> memref<10240x128xf32, #tpu.memory_space<hbm>>
      tpu.wait_indirect_dma semaphore(%arg15 : memref<!tpu.dma_semaphore, #tpu.memory_space<semaphore_mem>>) src(%dma_wait3A_417 : memref<10240x128xf32, #tpu.memory_space<hbm>>) dst(%arg11 : memref<128x128xf32, #tpu.memory_space<vmem>>)
      %dma_start3A_418 = arith.constant 4 : i32
      %dma_start3A_419 = arith.constant 0 : i32
      %dma_start3A_420 = arith.constant 0 : i32
      %dma_start3A_421 = tpu.memref_slice %arg10[%dma_start3A_418, %dma_start3A_419, %dma_start3A_420] : memref<6x1x128xi32, #tpu.memory_space<vmem>> -> memref<1x1x128xi32, #tpu.memory_space<vmem>>
      %dma_start3A_422 = tpu.memref_squeeze %dma_start3A_421 : memref<1x1x128xi32, #tpu.memory_space<vmem>> -> memref<128xi32, #tpu.memory_space<vmem>>
      %dma_start3A_423 = arith.constant 0 : i32
      %dma_start3A_424 = arith.constant 0 : i32
      %dma_start3A_425 = tpu.memref_slice %arg14[%dma_start3A_423, %dma_start3A_424] : memref<10240x128xf32, #tpu.memory_space<vmem_shared>> -> memref<10240x128xf32, #tpu.memory_space<vmem_shared>>
      tpu.enqueue_indirect_dma source(%arg11 : memref<128x128xf32, #tpu.memory_space<vmem>>) target(%dma_start3A_425 : memref<10240x128xf32, #tpu.memory_space<vmem_shared>>) offsets(%dma_start3A_422 : memref<128xi32, #tpu.memory_space<vmem>>) semaphore(%arg17 : memref<!tpu.dma_semaphore, #tpu.memory_space<semaphore_mem>>) {add = true}
      %dma_wait3A_426 = arith.constant 0 : i32
      %dma_wait3A_427 = arith.constant 0 : i32
      %dma_wait3A_428 = arith.constant 0 : i32
      %dma_wait3A_429 = tpu.memref_slice %arg4[%dma_wait3A_426, %dma_wait3A_427, %dma_wait3A_428] : memref<1344x1x128xi32, #tpu.memory_space<hbm>> -> memref<6x1x128xi32, #tpu.memory_space<hbm>>
      %dma_wait3A_430 = arith.constant 0 : i32
      %dma_wait3A_431 = arith.constant 0 : i32
      %dma_wait3A_432 = arith.constant 0 : i32
      %dma_wait3A_433 = tpu.memref_slice %arg4[%dma_wait3A_430, %dma_wait3A_431, %dma_wait3A_432] : memref<1344x1x128xi32, #tpu.memory_space<hbm>> -> memref<6x1x128xi32, #tpu.memory_space<hbm>>
      tpu.wait_dma2 semaphore(%arg19 : memref<!tpu.dma_semaphore, #tpu.memory_space<semaphore_mem>>) src(%dma_wait3A_433 : memref<6x1x128xi32, #tpu.memory_space<hbm>>) dst(%arg7 : memref<6x1x128xi32, #tpu.memory_space<vmem>>)
      %dma_wait3A_434 = arith.constant 0 : i32
      %dma_wait3A_435 = arith.constant 0 : i32
      %dma_wait3A_436 = arith.constant 0 : i32
      %dma_wait3A_437 = tpu.memref_slice %arg4[%dma_wait3A_434, %dma_wait3A_435, %dma_wait3A_436] : memref<1344x1x128xi32, #tpu.memory_space<hbm>> -> memref<6x1x128xi32, #tpu.memory_space<hbm>>
      %dma_wait3A_438 = arith.constant 0 : i32
      %dma_wait3A_439 = arith.constant 0 : i32
      %dma_wait3A_440 = arith.constant 0 : i32
      %dma_wait3A_441 = tpu.memref_slice %arg4[%dma_wait3A_438, %dma_wait3A_439, %dma_wait3A_440] : memref<1344x1x128xi32, #tpu.memory_space<hbm>> -> memref<6x1x128xi32, #tpu.memory_space<hbm>>
      tpu.wait_dma2 semaphore(%arg19 : memref<!tpu.dma_semaphore, #tpu.memory_space<semaphore_mem>>) src(%dma_wait3A_441 : memref<6x1x128xi32, #tpu.memory_space<hbm>>) dst(%arg7 : memref<6x1x128xi32, #tpu.memory_space<vmem>>)
      %dma_wait3A_442 = arith.constant 0 : i32
      %dma_wait3A_443 = arith.constant 0 : i32
      %dma_wait3A_444 = arith.constant 0 : i32
      %dma_wait3A_445 = tpu.memref_slice %arg7[%dma_wait3A_442, %dma_wait3A_443, %dma_wait3A_444] : memref<6x1x128xi32, #tpu.memory_space<vmem>> -> memref<1x1x128xi32, #tpu.memory_space<vmem>>
      %dma_wait3A_446 = tpu.memref_squeeze %dma_wait3A_445 : memref<1x1x128xi32, #tpu.memory_space<vmem>> -> memref<128xi32, #tpu.memory_space<vmem>>
      %dma_wait3A_447 = arith.constant 0 : i32
      %dma_wait3A_448 = arith.constant 0 : i32
      %dma_wait3A_449 = tpu.memref_slice %arg3[%dma_wait3A_447, %dma_wait3A_448] : memref<10240x128xf32, #tpu.memory_space<hbm>> -> memref<10240x128xf32, #tpu.memory_space<hbm>>
      tpu.wait_indirect_dma semaphore(%arg16 : memref<!tpu.dma_semaphore, #tpu.memory_space<semaphore_mem>>) src(%dma_wait3A_449 : memref<10240x128xf32, #tpu.memory_space<hbm>>) dst(%arg12 : memref<128x128xf32, #tpu.memory_space<vmem>>)
      %dma_wait3A_450 = arith.constant 0 : i32
      %dma_wait3A_451 = arith.constant 0 : i32
      %dma_wait3A_452 = arith.constant 0 : i32
      %dma_wait3A_453 = tpu.memref_slice %arg8[%dma_wait3A_450, %dma_wait3A_451, %dma_wait3A_452] : memref<6x1x128xi32, #tpu.memory_space<vmem>> -> memref<1x1x128xi32, #tpu.memory_space<vmem>>
      %dma_wait3A_454 = tpu.memref_squeeze %dma_wait3A_453 : memref<1x1x128xi32, #tpu.memory_space<vmem>> -> memref<128xi32, #tpu.memory_space<vmem>>
      %dma_wait3A_455 = arith.constant 0 : i32
      %dma_wait3A_456 = arith.constant 0 : i32
      %dma_wait3A_457 = tpu.memref_slice %arg14[%dma_wait3A_455, %dma_wait3A_456] : memref<10240x128xf32, #tpu.memory_space<vmem_shared>> -> memref<10240x128xf32, #tpu.memory_space<vmem_shared>>
      tpu.wait_indirect_dma semaphore(%arg17 : memref<!tpu.dma_semaphore, #tpu.memory_space<semaphore_mem>>) src(%arg11 : memref<128x128xf32, #tpu.memory_space<vmem>>) dst(%dma_wait3A_457 : memref<10240x128xf32, #tpu.memory_space<vmem_shared>>)
      %dma_start3A_458 = arith.constant 5 : i32
      %dma_start3A_459 = arith.constant 0 : i32
      %dma_start3A_460 = arith.constant 0 : i32
      %dma_start3A_461 = tpu.memref_slice %arg10[%dma_start3A_458, %dma_start3A_459, %dma_start3A_460] : memref<6x1x128xi32, #tpu.memory_space<vmem>> -> memref<1x1x128xi32, #tpu.memory_space<vmem>>
      %dma_start3A_462 = tpu.memref_squeeze %dma_start3A_461 : memref<1x1x128xi32, #tpu.memory_space<vmem>> -> memref<128xi32, #tpu.memory_space<vmem>>
      %dma_start3A_463 = arith.constant 0 : i32
      %dma_start3A_464 = arith.constant 0 : i32
      %dma_start3A_465 = tpu.memref_slice %arg14[%dma_start3A_463, %dma_start3A_464] : memref<10240x128xf32, #tpu.memory_space<vmem_shared>> -> memref<10240x128xf32, #tpu.memory_space<vmem_shared>>
      tpu.enqueue_indirect_dma source(%arg12 : memref<128x128xf32, #tpu.memory_space<vmem>>) target(%dma_start3A_465 : memref<10240x128xf32, #tpu.memory_space<vmem_shared>>) offsets(%dma_start3A_462 : memref<128xi32, #tpu.memory_space<vmem>>) semaphore(%arg18 : memref<!tpu.dma_semaphore, #tpu.memory_space<semaphore_mem>>) {add = true}
      %dma_wait3A_466 = arith.constant 0 : i32
      %dma_wait3A_467 = arith.constant 0 : i32
      %dma_wait3A_468 = arith.constant 0 : i32
      %dma_wait3A_469 = tpu.memref_slice %arg8[%dma_wait3A_466, %dma_wait3A_467, %dma_wait3A_468] : memref<6x1x128xi32, #tpu.memory_space<vmem>> -> memref<1x1x128xi32, #tpu.memory_space<vmem>>
      %dma_wait3A_470 = tpu.memref_squeeze %dma_wait3A_469 : memref<1x1x128xi32, #tpu.memory_space<vmem>> -> memref<128xi32, #tpu.memory_space<vmem>>
      %dma_wait3A_471 = arith.constant 0 : i32
      %dma_wait3A_472 = arith.constant 0 : i32
      %dma_wait3A_473 = tpu.memref_slice %arg14[%dma_wait3A_471, %dma_wait3A_472] : memref<10240x128xf32, #tpu.memory_space<vmem_shared>> -> memref<10240x128xf32, #tpu.memory_space<vmem_shared>>
      tpu.wait_indirect_dma semaphore(%arg18 : memref<!tpu.dma_semaphore, #tpu.memory_space<semaphore_mem>>) src(%arg12 : memref<128x128xf32, #tpu.memory_space<vmem>>) dst(%dma_wait3A_473 : memref<10240x128xf32, #tpu.memory_space<vmem_shared>>)
    } else {
    }
    %barrier3A_19 = arith.constant 0 : index
    tpu.barrier barrier_id(%barrier3A_19)
    %scan3A_20 = arith.constant 0 : i32
    %scan3A_21 = arith.constant 5 : i32
    %scan3A_22 = arith.addi %scan3A_20, %scan3A_21 : i32
    %scan3A_23 = arith.constant 1 : i32
    scf.for %scan3A_25 = %scan3A_20 to %scan3A_22 step %scan3A_23  : i32 {
      %mul3A_26 = arith.constant 128 : i32
      %mul3A_27 = arith.muli %scan3A_25, %mul3A_26 : i32
      %add3A = arith.addi %mul3A_0, %mul3A_27 : i32
      "tpu.region"() ({
        %run_scoped3A = tpu.sem_alloc : memref<!tpu.dma_semaphore, #tpu.memory_space<semaphore_mem>>
        %dma_start3A = arith.constant 0 : i32
        %dma_start3A_28 = tpu.memref_slice %arg14[%add3A, %dma_start3A] : memref<10240x128xf32, #tpu.memory_space<vmem_shared>> -> memref<128x128xf32, #tpu.memory_space<vmem_shared>>
        %dma_start3A_29 = arith.constant 0 : i32
        %dma_start3A_30 = tpu.memref_slice %arg14[%add3A, %dma_start3A_29] : memref<10240x128xf32, #tpu.memory_space<vmem_shared>> -> memref<128x128xf32, #tpu.memory_space<vmem_shared>>
        tpu.enqueue_dma source(%dma_start3A_30 : memref<128x128xf32, #tpu.memory_space<vmem_shared>>) target(%arg11 : memref<128x128xf32, #tpu.memory_space<vmem>>) target_semaphore(%run_scoped3A : memref<!tpu.dma_semaphore, #tpu.memory_space<semaphore_mem>>)
        %dma_wait3A = arith.constant 0 : i32
        %dma_wait3A_31 = tpu.memref_slice %arg14[%add3A, %dma_wait3A] : memref<10240x128xf32, #tpu.memory_space<vmem_shared>> -> memref<128x128xf32, #tpu.memory_space<vmem_shared>>
        %dma_wait3A_32 = arith.constant 0 : i32
        %dma_wait3A_33 = tpu.memref_slice %arg14[%add3A, %dma_wait3A_32] : memref<10240x128xf32, #tpu.memory_space<vmem_shared>> -> memref<128x128xf32, #tpu.memory_space<vmem_shared>>
        tpu.wait_dma2 semaphore(%run_scoped3A : memref<!tpu.dma_semaphore, #tpu.memory_space<semaphore_mem>>) src(%dma_wait3A_33 : memref<128x128xf32, #tpu.memory_space<vmem_shared>>) dst(%arg11 : memref<128x128xf32, #tpu.memory_space<vmem>>)
        tpu.yield
      }) : () -> ()
      "tpu.region"() ({
        %run_scoped3A = tpu.sem_alloc : memref<!tpu.dma_semaphore, #tpu.memory_space<semaphore_mem>>
        %dma_start3A = arith.constant 0 : i32
        %dma_start3A_28 = tpu.memref_slice %arg6[%arg0, %add3A, %dma_start3A] : memref<2x10240x128xf32, #tpu.memory_space<hbm>> -> memref<1x128x128xf32, #tpu.memory_space<hbm>>
        %dma_start3A_29 = tpu.memref_squeeze %dma_start3A_28 : memref<1x128x128xf32, #tpu.memory_space<hbm>> -> memref<128x128xf32, #tpu.memory_space<hbm>>
        %dma_start3A_30 = arith.constant 0 : i32
        %dma_start3A_31 = tpu.memref_slice %arg6[%arg0, %add3A, %dma_start3A_30] : memref<2x10240x128xf32, #tpu.memory_space<hbm>> -> memref<1x128x128xf32, #tpu.memory_space<hbm>>
        %dma_start3A_32 = tpu.memref_squeeze %dma_start3A_31 : memref<1x128x128xf32, #tpu.memory_space<hbm>> -> memref<128x128xf32, #tpu.memory_space<hbm>>
        tpu.enqueue_dma source(%arg11 : memref<128x128xf32, #tpu.memory_space<vmem>>) target(%dma_start3A_32 : memref<128x128xf32, #tpu.memory_space<hbm>>) target_semaphore(%run_scoped3A : memref<!tpu.dma_semaphore, #tpu.memory_space<semaphore_mem>>)
        %dma_wait3A = arith.constant 0 : i32
        %dma_wait3A_33 = tpu.memref_slice %arg6[%arg0, %add3A, %dma_wait3A] : memref<2x10240x128xf32, #tpu.memory_space<hbm>> -> memref<1x128x128xf32, #tpu.memory_space<hbm>>
        %dma_wait3A_34 = tpu.memref_squeeze %dma_wait3A_33 : memref<1x128x128xf32, #tpu.memory_space<hbm>> -> memref<128x128xf32, #tpu.memory_space<hbm>>
        %dma_wait3A_35 = arith.constant 0 : i32
        %dma_wait3A_36 = tpu.memref_slice %arg6[%arg0, %add3A, %dma_wait3A_35] : memref<2x10240x128xf32, #tpu.memory_space<hbm>> -> memref<1x128x128xf32, #tpu.memory_space<hbm>>
        %dma_wait3A_37 = tpu.memref_squeeze %dma_wait3A_36 : memref<1x128x128xf32, #tpu.memory_space<hbm>> -> memref<128x128xf32, #tpu.memory_space<hbm>>
        tpu.wait_dma2 semaphore(%run_scoped3A : memref<!tpu.dma_semaphore, #tpu.memory_space<semaphore_mem>>) src(%arg11 : memref<128x128xf32, #tpu.memory_space<vmem>>) dst(%dma_wait3A_37 : memref<128x128xf32, #tpu.memory_space<hbm>>)
        tpu.yield
      }) : () -> ()
    }
    %scan3A_24 = arith.constant 5 : i32
    return
  }
}

module attributes {stable_mosaic.version = 14 : i64} {
  func.func @_prescale_body(%arg0: i32, %arg1: memref<1024xf32, #tpu.memory_space<vmem>>, %arg2: memref<1024xf32, #tpu.memory_space<vmem>>, %arg3: memref<1024x256xf32, #tpu.memory_space<vmem>>, %arg4: memref<1024xf32, #tpu.memory_space<vmem>>, %arg5: memref<1024x128xf32, #tpu.memory_space<vmem>>, %arg6: memref<1024x128xf32, #tpu.memory_space<vmem>>) attributes {dimension_semantics = [#tpu.dimension_semantics<arbitrary>], iteration_bounds = array<i64: 10>, scalar_prefetch = 0 : i64, scratch_operands = 0 : i64, tpu.core_type = #tpu.core_type<tc>, window_params = [{transform_indices = @transform_0, window_bounds = array<i64: 1024>}, {transform_indices = @transform_1, window_bounds = array<i64: 1024>}, {transform_indices = @transform_2, window_bounds = array<i64: 1024, 256>}, {transform_indices = @transform_3, window_bounds = array<i64: 1024>}, {transform_indices = @transform_4, window_bounds = array<i64: 1024, 128>}, {transform_indices = @transform_5, window_bounds = array<i64: 1024, 128>}]} {
    %get3A = arith.constant 0 : index
    %get3A_0 = vector.load %arg1[%get3A] : memref<1024xf32, #tpu.memory_space<vmem>>, vector<1024xf32>
    %get3A_1 = arith.constant 0 : index
    %get3A_2 = vector.load %arg2[%get3A_1] : memref<1024xf32, #tpu.memory_space<vmem>>, vector<1024xf32>
    %add3A = arith.addf %get3A_0, %get3A_2 : vector<1024xf32>
    %max3A = arith.constant 1.000000e+00 : f32
    %max3A_3 = vector.broadcast %max3A : f32 to vector<1024xf32>
    %max3A_4 = arith.maximumf %add3A, %max3A_3 : vector<1024xf32>
    %rsqrt3A = math.rsqrt %max3A_4 : vector<1024xf32>
    %swap3A = arith.constant 0 : index
    %swap3A_5 = vector.load %arg4[%swap3A] : memref<1024xf32, #tpu.memory_space<vmem>>, vector<1024xf32>
    tpu.vector_store %arg4[%swap3A], %rsqrt3A {strides = array<i32>} : memref<1024xf32, #tpu.memory_space<vmem>>, vector<1024xf32>,
    %get3A_6 = arith.constant 0 : index
    %get3A_7 = arith.constant 0 : index
    %get3A_8 = vector.load %arg3[%get3A_6, %get3A_7] : memref<1024x256xf32, #tpu.memory_space<vmem>>, vector<1024x256xf32>
    %broadcast_in_dim3A = vector.shape_cast %rsqrt3A : vector<1024xf32> to vector<1024x1xf32>
    %mul3A = vector.broadcast %broadcast_in_dim3A : vector<1024x1xf32> to vector<1024x256xf32>
    %mul3A_9 = arith.mulf %get3A_8, %mul3A : vector<1024x256xf32>
    %slice3A = vector.extract_strided_slice %mul3A_9 {offsets = [0, 0], sizes = [1024, 128], strides = [1, 1]} : vector<1024x256xf32> to vector<1024x128xf32>
    %swap3A_10 = arith.constant 0 : index
    %swap3A_11 = arith.constant 0 : index
    %swap3A_12 = vector.load %arg5[%swap3A_10, %swap3A_11] : memref<1024x128xf32, #tpu.memory_space<vmem>>, vector<1024x128xf32>
    tpu.vector_store %arg5[%swap3A_10, %swap3A_11], %slice3A {strides = array<i32>} : memref<1024x128xf32, #tpu.memory_space<vmem>>, vector<1024x128xf32>,
    %slice3A_13 = vector.extract_strided_slice %mul3A_9 {offsets = [0, 128], sizes = [1024, 128], strides = [1, 1]} : vector<1024x256xf32> to vector<1024x128xf32>
    %swap3A_14 = arith.constant 0 : index
    %swap3A_15 = arith.constant 0 : index
    %swap3A_16 = vector.load %arg6[%swap3A_14, %swap3A_15] : memref<1024x128xf32, #tpu.memory_space<vmem>>, vector<1024x128xf32>
    tpu.vector_store %arg6[%swap3A_14, %swap3A_15], %slice3A_13 {strides = array<i32>} : memref<1024x128xf32, #tpu.memory_space<vmem>>, vector<1024x128xf32>,
    return
  }
  func.func @transform_0(%arg0: i32) -> i32 {
    %c0_i32 = arith.constant 0 : i32
    return %arg0 : i32
  }
  func.func @transform_1(%arg0: i32) -> i32 {
    %add3A = arith.constant 10 : i32
    %add3A_0 = arith.addi %arg0, %add3A : i32
    %c0_i32 = arith.constant 0 : i32
    return %add3A_0 : i32
  }
  func.func @transform_2(%arg0: i32) -> (i32, i32) {
    %c0_i32 = arith.constant 0 : i32
    %c0_i32_0 = arith.constant 0 : i32
    return %arg0, %c0_i32 : i32, i32
  }
  func.func @transform_3(%arg0: i32) -> i32 {
    %c0_i32 = arith.constant 0 : i32
    return %arg0 : i32
  }
  func.func @transform_4(%arg0: i32) -> (i32, i32) {
    %c0_i32 = arith.constant 0 : i32
    %c0_i32_0 = arith.constant 0 : i32
    return %arg0, %c0_i32 : i32, i32
  }
  func.func @transform_5(%arg0: i32) -> (i32, i32) {
    %c0_i32 = arith.constant 0 : i32
    %c0_i32_0 = arith.constant 0 : i32
    return %arg0, %c0_i32 : i32, i32
  }
}

module attributes {stable_mosaic.version = 14 : i64} {
  func.func @_final_body(%arg0: memref<2x10240xf32, #tpu.memory_space<vmem>>, %arg1: memref<10240xf32, #tpu.memory_space<vmem>>, %arg2: memref<1xf32, #tpu.memory_space<smem>>, %arg3: memref<10000xf32, #tpu.memory_space<vmem>>) attributes {dimension_semantics = [], scalar_prefetch = 0 : i64, scratch_operands = 0 : i64, tpu.core_type = #tpu.core_type<tc>} {
    %get3A = arith.constant 0 : index
    %get3A_0 = arith.constant 0 : index
    %get3A_1 = vector.load %arg0[%get3A, %get3A_0] : memref<2x10240xf32, #tpu.memory_space<vmem>>, vector<1x10240xf32>
    %get3A_2 = vector.shape_cast %get3A_1 : vector<1x10240xf32> to vector<10240xf32>
    %get3A_3 = arith.constant 1 : index
    %get3A_4 = arith.constant 0 : index
    %get3A_5 = vector.load %arg0[%get3A_3, %get3A_4] : memref<2x10240xf32, #tpu.memory_space<vmem>>, vector<1x10240xf32>
    %get3A_6 = vector.shape_cast %get3A_5 : vector<1x10240xf32> to vector<10240xf32>
    %add3A = arith.addf %get3A_2, %get3A_6 : vector<10240xf32>
    %get3A_7 = arith.constant 0 : index
    %get3A_8 = vector.load %arg1[%get3A_7] : memref<10240xf32, #tpu.memory_space<vmem>>, vector<10240xf32>
    %mul3A = arith.mulf %add3A, %get3A_8 : vector<10240xf32>
    %get3A_9 = arith.constant 0 : index
    %get3A_10 = memref.load %arg2[%get3A_9] : memref<1xf32, #tpu.memory_space<smem>>
    %add3A_11 = vector.broadcast %get3A_10 : f32 to vector<10240xf32>
    %add3A_12 = arith.addf %mul3A, %add3A_11 : vector<10240xf32>
    %logistic3A = arith.negf %add3A_12 : vector<10240xf32>
    %logistic3A_13 = math.exp %logistic3A : vector<10240xf32>
    %logistic3A_14 = arith.constant 1.000000e+00 : f32
    %logistic3A_15 = vector.broadcast %logistic3A_14 : f32 to vector<10240xf32>
    %logistic3A_16 = arith.addf %logistic3A_15, %logistic3A_13 : vector<10240xf32>
    %logistic3A_17 = arith.divf %logistic3A_15, %logistic3A_16 : vector<10240xf32>
    %slice3A = vector.extract_strided_slice %logistic3A_17 {offsets = [0], sizes = [10000], strides = [1]} : vector<10240xf32> to vector<10000xf32>
    %swap3A = arith.constant 0 : index
    %swap3A_18 = vector.load %arg3[%swap3A] : memref<10000xf32, #tpu.memory_space<vmem>>, vector<10000xf32>
    tpu.vector_store %arg3[%swap3A], %slice3A {strides = array<i32>} : memref<10000xf32, #tpu.memory_space<vmem>>, vector<10000xf32>,
    return
  }
}

module attributes {stable_mosaic.version = 14 : i64} {
  func.func @_dense_body(%arg0: i32, %arg1: memref<512xf32, #tpu.memory_space<vmem>>, %arg2: memref<1x512x128xf32, #tpu.memory_space<vmem>>, %arg3: memref<1x512x128xf32, #tpu.memory_space<vmem>>, %arg4: memref<256x512xbf16, #tpu.memory_space<vmem>>, %arg5: memref<512xf32, #tpu.memory_space<vmem>>, %arg6: memref<512x128xbf16, #tpu.memory_space<vmem>>, %arg7: memref<512xf32, #tpu.memory_space<vmem>>) attributes {dimension_semantics = [#tpu.dimension_semantics<arbitrary>], iteration_bounds = array<i64: 20>, scalar_prefetch = 0 : i64, scratch_operands = 0 : i64, tpu.core_type = #tpu.core_type<tc>, window_params = [{transform_indices = @transform_0, window_bounds = array<i64: 512>}, {transform_indices = @transform_1, window_bounds = array<i64: 1, 512, 128>}, {transform_indices = @transform_2, window_bounds = array<i64: 1, 512, 128>}, {pipeline_mode = #tpu.pipeline_mode<synchronous>, transform_indices = @transform_3, window_bounds = array<i64: 256, 512>}, {pipeline_mode = #tpu.pipeline_mode<synchronous>, transform_indices = @transform_4, window_bounds = array<i64: 512>}, {pipeline_mode = #tpu.pipeline_mode<synchronous>, transform_indices = @transform_5, window_bounds = array<i64: 512, 128>}, {transform_indices = @transform_6, window_bounds = array<i64: 512>}]} {
    %get3A = arith.constant 0 : index
    %get3A_0 = vector.load %arg1[%get3A] : memref<512xf32, #tpu.memory_space<vmem>>, vector<512xf32>
    %get3A_1 = arith.constant 0 : index
    %get3A_2 = arith.constant 0 : index
    %get3A_3 = arith.constant 0 : index
    %get3A_4 = vector.load %arg2[%get3A_1, %get3A_2, %get3A_3] : memref<1x512x128xf32, #tpu.memory_space<vmem>>, vector<1x512x128xf32>
    %get3A_5 = vector.shape_cast %get3A_4 : vector<1x512x128xf32> to vector<512x128xf32>
    %broadcast_in_dim3A = vector.shape_cast %get3A_0 : vector<512xf32> to vector<512x1xf32>
    %mul3A = vector.broadcast %broadcast_in_dim3A : vector<512x1xf32> to vector<512x128xf32>
    %mul3A_6 = arith.mulf %get3A_5, %mul3A : vector<512x128xf32>
    %convert_element_type3A = arith.truncf %mul3A_6 : vector<512x128xf32> to vector<512x128xbf16>
    %get3A_7 = arith.constant 0 : index
    %get3A_8 = arith.constant 0 : index
    %get3A_9 = arith.constant 0 : index
    %get3A_10 = vector.load %arg3[%get3A_7, %get3A_8, %get3A_9] : memref<1x512x128xf32, #tpu.memory_space<vmem>>, vector<1x512x128xf32>
    %get3A_11 = vector.shape_cast %get3A_10 : vector<1x512x128xf32> to vector<512x128xf32>
    %broadcast_in_dim3A_12 = vector.shape_cast %get3A_0 : vector<512xf32> to vector<512x1xf32>
    %mul3A_13 = vector.broadcast %broadcast_in_dim3A_12 : vector<512x1xf32> to vector<512x128xf32>
    %mul3A_14 = arith.mulf %get3A_11, %mul3A_13 : vector<512x128xf32>
    %convert_element_type3A_15 = arith.truncf %mul3A_14 : vector<512x128xf32> to vector<512x128xbf16>
    %get3A_16 = arith.constant 0 : index
    %get3A_17 = arith.constant 0 : index
    %get3A_18 = vector.load %arg4[%get3A_16, %get3A_17] : memref<256x512xbf16, #tpu.memory_space<vmem>>, vector<128x512xbf16>
    %dot_general3A = arith.constant dense<0.000000e+00> : vector<512x512xf32>
    %dot_general3A_19 = tpu.matmul %convert_element_type3A, %get3A_18, %dot_general3A {dimension_numbers = #tpu.dot_dimension_numbers<[1], [0], [0], [1], [0, 0, 1, 1], [], []>, transpose_lhs_hint = false} : vector<512x128xbf16>, vector<128x512xbf16>, vector<512x512xf32> -> vector<512x512xf32>
    %get3A_20 = arith.constant 128 : index
    %get3A_21 = arith.constant 0 : index
    %get3A_22 = vector.load %arg4[%get3A_20, %get3A_21] : memref<256x512xbf16, #tpu.memory_space<vmem>>, vector<128x512xbf16>
    %dot_general3A_23 = arith.constant dense<0.000000e+00> : vector<512x512xf32>
    %dot_general3A_24 = tpu.matmul %convert_element_type3A_15, %get3A_22, %dot_general3A_23 {dimension_numbers = #tpu.dot_dimension_numbers<[1], [0], [0], [1], [0, 0, 1, 1], [], []>, transpose_lhs_hint = false} : vector<512x128xbf16>, vector<128x512xbf16>, vector<512x512xf32> -> vector<512x512xf32>
    %add3A = arith.addf %dot_general3A_19, %dot_general3A_24 : vector<512x512xf32>
    %get3A_25 = arith.constant 0 : index
    %get3A_26 = vector.load %arg5[%get3A_25] : memref<512xf32, #tpu.memory_space<vmem>>, vector<512xf32>
    %broadcast_in_dim3A_27 = vector.shape_cast %get3A_26 : vector<512xf32> to vector<1x512xf32>
    %add3A_28 = vector.broadcast %broadcast_in_dim3A_27 : vector<1x512xf32> to vector<512x512xf32>
    %add3A_29 = arith.addf %add3A, %add3A_28 : vector<512x512xf32>
    %max3A = arith.constant 0.000000e+00 : f32
    %max3A_30 = vector.broadcast %max3A : f32 to vector<512x512xf32>
    %max3A_31 = arith.maximumf %add3A_29, %max3A_30 : vector<512x512xf32>
    %convert_element_type3A_32 = arith.truncf %max3A_31 : vector<512x512xf32> to vector<512x512xbf16>
    %get3A_33 = arith.constant 0 : index
    %get3A_34 = arith.constant 0 : index
    %get3A_35 = vector.load %arg6[%get3A_33, %get3A_34] : memref<512x128xbf16, #tpu.memory_space<vmem>>, vector<512x128xbf16>
    %dot_general3A_36 = arith.constant dense<0.000000e+00> : vector<512x128xf32>
    %dot_general3A_37 = tpu.matmul %convert_element_type3A_32, %get3A_35, %dot_general3A_36 {dimension_numbers = #tpu.dot_dimension_numbers<[1], [0], [0], [1], [0, 0, 1, 1], [], []>, transpose_lhs_hint = false} : vector<512x512xbf16>, vector<512x128xbf16>, vector<512x128xf32> -> vector<512x128xf32>
    %slice3A = vector.extract_strided_slice %dot_general3A_37 {offsets = [0, 0], sizes = [512, 1], strides = [1, 1]} : vector<512x128xf32> to vector<512x1xf32>
    %squeeze3A = vector.shape_cast %slice3A : vector<512x1xf32> to vector<512xf32>
    %mul3A_38 = arith.mulf %squeeze3A, %get3A_0 : vector<512xf32>
    %swap3A = arith.constant 0 : index
    %swap3A_39 = vector.load %arg7[%swap3A] : memref<512xf32, #tpu.memory_space<vmem>>, vector<512xf32>
    tpu.vector_store %arg7[%swap3A], %mul3A_38 {strides = array<i32>} : memref<512xf32, #tpu.memory_space<vmem>>, vector<512xf32>,
    return
  }
  func.func @transform_0(%arg0: i32) -> i32 {
    %c0_i32 = arith.constant 0 : i32
    return %arg0 : i32
  }
  func.func @transform_1(%arg0: i32) -> (i32, i32, i32) {
    %c0_i32 = arith.constant 0 : i32
    %c0_i32_0 = arith.constant 0 : i32
    %c0_i32_1 = arith.constant 0 : i32
    return %c0_i32, %arg0, %c0_i32_0 : i32, i32, i32
  }
  func.func @transform_2(%arg0: i32) -> (i32, i32, i32) {
    %c1_i32 = arith.constant 1 : i32
    %c0_i32 = arith.constant 0 : i32
    %c0_i32_0 = arith.constant 0 : i32
    return %c1_i32, %arg0, %c0_i32 : i32, i32, i32
  }
  func.func @transform_3(%arg0: i32) -> (i32, i32) {
    %c0_i32 = arith.constant 0 : i32
    %c0_i32_0 = arith.constant 0 : i32
    %c0_i32_1 = arith.constant 0 : i32
    return %c0_i32, %c0_i32_0 : i32, i32
  }
  func.func @transform_4(%arg0: i32) -> i32 {
    %c0_i32 = arith.constant 0 : i32
    %c0_i32_0 = arith.constant 0 : i32
    return %c0_i32 : i32
  }
  func.func @transform_5(%arg0: i32) -> (i32, i32) {
    %c0_i32 = arith.constant 0 : i32
    %c0_i32_0 = arith.constant 0 : i32
    %c0_i32_1 = arith.constant 0 : i32
    return %c0_i32, %c0_i32_0 : i32, i32
  }
  func.func @transform_6(%arg0: i32) -> i32 {
    %c0_i32 = arith.constant 0 : i32
    return %arg0 : i32
  }
}

</mosaic_0001>

<sc_bundles>
// kernel: kernel.11.cloned.1.call-start
scs
__scs_entry_jumppad:
0x0: {  	(pc) =	sbr.rel $0x88, $3  }
0x1: {  	(tag) =	ssettag $0x0;
	lr =	simm.s32 $0x1  }
0x2: {  	[smem:$0x3F9B] =	sst lr;
	_ =	strace $0xD0000000  }
0x3: {  	_ = 	snop  }
0x4: {  	_ = 	snop  }
0x5: {  	_ = 	snop  }
0x6: {  	_ = 	snop  }
0x7: {  	_ = 	snop  }
__scs_overlays_trampoline_lowered:
0x8: {  	[smem:$0x3FAA] =	sst s0  }
0x9: {  	[smem:$0x3FAB] =	sst s1  }
0xa: {  	[smem:$0x3FAC] =	sst s2  }
0xb: {  	[smem:$0x3FAD] =	sst s3  }
0xc: {  	[smem:$0x3FAE] =	sst s4  }
0xd: {  	[smem:$0x3FAF] =	sst s5  }
0xe: {  	[smem:$0x3FB0] =	sst s6  }
0xf: {  	[smem:$0x3FB1] =	sst s7  }
0x10: {  	[smem:$0x3FB2] =	sst s8  }
0x11: {  	[smem:$0x3FB3] =	sst s9;
	s0 =	simm.s32 @!p0 $0x0  }
0x12: {  	s1 =	sld [smem:$0x3F99];
	s0 =	simm.s32 @p0 $0x1  }
0x13: {  	[smem:$0x3FB4] =	sst s0;
	s0 =	simm.s32 @!p1 $0x0  }
0x14: {  	s2 =	sld [smem:$0x3F98];
	s0 =	simm.s32 @p1 $0x1  }
0x15: {  	[smem:$0x3FB5] =	sst s0;
	s0 =	simm.s32 @!p2 $0x0  }
0x16: {  	s3 =	sld [smem:$0x3FDB];
	s0 =	simm.s32 @p2 $0x1  }
0x17: {  	s4 =	simm.s32 $0x1BF5;
	[smem:$0x3FB7] =	sst s0  }
0x18: {  	s0 =	sld [smem:$0x3F9A];
	_ =	swait.ge [sflag:s4], $0x0  }
0x19: {  	s7 =	sld [smem:$0x3F9B]  }
0x1a: {  	s8 =	sadd.s32 $0xFFFFE003, lr  }
0x1b: {  	s9 =	sadd.s32 $0xFFFFFEF7, lr;
	s5 =	simm.s32 $0xFFFFFFFF;
	p2 =	slt.u32 s8, $0xFFFFF086  }
0x1c: {  	p1 =	slt.u32 s9, $0xF7A;
	s5 =	simm.s32 @!p2 $0x0  }
0x1d: {  	s5 =	simm.s32 @p1 $0x1;
	p0 =	seq.s32 s7, s2  }
0x1e: {  	s7 =	smul.u32 @!p0 $0xF7A, s2;
	p2 =	seq.s32 @!p0 s5, $0x0  }
0x1f: {  	s9 =	smul.u32 $0xF7A, s1;
	s8 =	simm.s32 @!p0 $0x1BF5;
	p2 =	por !p2, p0  }
0x20: {  	[sflag:s8] =	ssyncset.s32 @!p0 $0xFFFFF086;
	s6 =	sadd.s32 @!p0 s3, s7;
	s7 =	simm.s32 @!p0 $0x108  }
0x21: {  	s3 =	sadd.s32 s3, s9;
	s6 =	sadd.s32 @!p0 $0x88, s6;
	s7 =	simm.s32 @p2 $0x1082  }
0x22: {  	[simem:s7], [sflag:s8] =	dma.local @!p0 [hbm:s6], $0xF7A  }
0x23: {  	s9 =	sor.u32 $0xD0000000, s2;
	s6 =	simm.s32 $0x108;
	_ =	swait.ge @!p0 [sflag:s8], $0x0  }
0x24: {  	s3 =	sadd.s32 $0x88, s3;
	s6 =	simm.s32 @!p1 $0x1082;
	[sflag:s4] =	ssyncset.s32 $0xFFFFF086  }
0x25: {  	[simem:s6], [sflag:s4] =	dma.local [hbm:s3], $0xF7A  }
0x26: {  	[smem:$0x3F9B] =	sst s1;
	(tag) =	ssettag s2;
	_ =	strace s9  }
0x27: {  	s1 =	sld [smem:$0x3FAB]  }
0x28: {  	s2 =	sld [smem:$0x3FAC]  }
0x29: {  	s4 =	sld [smem:$0x3FAE]  }
0x2a: {  	p0 =	seq.s32 s5, $0x0;
	s5 =	sld [smem:$0x3FAF]  }
0x2b: {  	s6 =	sld [smem:$0x3FB0]  }
0x2c: {  	s7 =	sld [smem:$0x3FB1]  }
0x2d: {  	s3 =	simm.s32 $0x108;
	s8 =	sld [smem:$0x3FB2]  }
0x2e: {  	s3 =	simm.s32 @!p0 $0x1082;
	s9 =	sld [smem:$0x3FB3]  }
0x2f: {  	lr =	sadd.s32 s0, s3;
	s0 =	sld [smem:$0x3FAA]  }
0x30: {  	s3 =	sld [smem:$0x3FAD]  }
0x31: {  	[smem:$0x3FB6] =	sst s10  }
0x32: {  	s10 =	sld [smem:$0x3FB4];
	_ =	sdelay $0x3  }
0x33: {  	p0 =	seq.s32 s10, $0x1;
	s10 =	sld [smem:$0x3FB6];
	_ =	sdelay $0x3  }
0x34: {  	[smem:$0x3FB6] =	sst s10  }
0x35: {  	s10 =	sld [smem:$0x3FB5];
	_ =	sdelay $0x3  }
0x36: {  	p1 =	seq.s32 s10, $0x1;
	s10 =	sld [smem:$0x3FB6];
	_ =	sdelay $0x3  }
0x37: {  	[smem:$0x3FB6] =	sst s10  }
0x38: {  	s10 =	sld [smem:$0x3FB7]  }
0x39: {  	_ = 	snop;
	(pc) =	sbr.ind lr, $3  }
0x3a: {  	_ = 	snop  }
0x3b: {  	_ = 	snop  }
0x3c: {  	p2 =	seq.s32 s10, $0x1;
	s10 =	sld [smem:$0x3FB6]  }
0x3d: {  	_ =	shalt  }
0x3e: {  	_ =	shalt  }
0x3f: {  	_ =	shalt  }
0x40: {  	_ =	shalt  }
0x41: {  	_ =	shalt  }
0x42: {  	_ =	shalt  }
0x43: {  	_ =	shalt  }
0x44: {  	_ =	shalt  }
0x45: {  	_ =	shalt  }
0x46: {  	_ =	shalt  }
0x47: {  	_ =	shalt  }
0x48: {  	_ =	shalt  }
0x49: {  	_ =	shalt  }
0x4a: {  	_ =	shalt  }
0x4b: {  	_ =	shalt  }
0x4c: {  	_ =	shalt  }
0x4d: {  	_ =	shalt  }
0x4e: {  	_ =	shalt  }
0x4f: {  	_ =	shalt  }
0x50: {  	_ =	shalt  }
0x51: {  	_ =	shalt  }
0x52: {  	_ =	shalt  }
0x53: {  	_ =	shalt  }
0x54: {  	_ =	shalt  }
0x55: {  	_ =	shalt  }
0x56: {  	_ =	shalt  }
0x57: {  	_ =	shalt  }
0x58: {  	_ =	shalt  }
0x59: {  	_ =	shalt  }
0x5a: {  	_ =	shalt  }
0x5b: {  	_ =	shalt  }
0x5c: {  	_ =	shalt  }
0x5d: {  	_ =	shalt  }
0x5e: {  	_ =	shalt  }
0x5f: {  	_ =	shalt  }
0x60: {  	_ =	shalt  }
0x61: {  	_ =	shalt  }
0x62: {  	_ =	shalt  }
0x63: {  	_ =	shalt  }
0x64: {  	_ =	shalt  }
0x65: {  	_ =	shalt  }
0x66: {  	_ =	shalt  }
0x67: {  	_ =	shalt  }
0x68: {  	_ =	shalt  }
0x69: {  	_ =	shalt  }
0x6a: {  	_ =	shalt  }
0x6b: {  	_ =	shalt  }
0x6c: {  	_ =	shalt  }
0x6d: {  	_ =	shalt  }
0x6e: {  	_ =	shalt  }
0x6f: {  	_ =	shalt  }
0x70: {  	_ =	shalt  }
0x71: {  	_ =	shalt  }
0x72: {  	_ =	shalt  }
0x73: {  	_ =	shalt  }
0x74: {  	_ =	shalt  }
0x75: {  	_ =	shalt  }
0x76: {  	_ =	shalt  }
0x77: {  	_ =	shalt  }
0x78: {  	_ =	shalt  }
0x79: {  	_ =	shalt  }
0x7a: {  	_ =	shalt  }
0x7b: {  	_ =	shalt  }
0x7c: {  	_ =	shalt  }
0x7d: {  	_ =	shalt  }
0x7e: {  	_ =	shalt  }
0x7f: {  	_ =	shalt  }
0x80: {  	_ =	shalt  }
0x81: {  	_ =	shalt  }
0x82: {  	_ =	shalt  }
0x83: {  	_ =	shalt  }
0x84: {  	_ =	shalt  }
0x85: {  	_ =	shalt  }
0x86: {  	_ =	shalt  }
0x87: {  	_ =	shalt  }
.Lfunc_end0:
.L_simem_size_0:
called_computation.1_lowered:
.L_overlay_start_0:
0x88: {  	s2 =	sld [smem:$0x3FD9]  }
0x89: {  	s3 =	sld [smem:$0x3FFE];
	_ =	sdelay $0x1  }
0x8a: {  	s1 =	srdreg.scid  }
0x8b: {  	s0 =	sand.u32 $0x1, s1  }
0x8c: {  	s16 =	sshll.u32 s0, $0xA;
	s2 =	sadd.s32 s3, s2  }
0x8d: {  	s2 =	sadd.s32 s2, s16  }
0x8e: {  	[smem:$0x3FC2] =	sst s2  }
0x8f: {  	_ = 	snop  }
0x90: {  	(tm) =	ssettm $0x1  }
0x91: {  	s17 =	sld [smem:$0x3FFB];
	_ =	sdelay $0x3  }
0x92: {  	_ =	strace s17  }
0x93: {  	s2 =	sld [smem:$0x3FFC];
	_ =	sdelay $0x3  }
0x94: {  	_ =	strace s2  }
0x95: {  	s2 =	sld [smem:$0x3FFD];
	_ =	sdelay $0x3  }
0x96: {  	_ =	strace s2  }
0x97: {  	_ =	strace $0x8FFFFFFF  }
0x98: {  	s18 =	sld [smem:$0x3FDB];
	_ =	sdelay $0x1  }
0x99: {  	s19 =	simm.s32 $_scs_section_size  }
0x9a: {  	s4 =	simm.s32 $_size__tile_overlayer_lowered;
	s5 =	simm.s32 $_tile_overlayer_lowered  }
0x9b: {  	s22 =	simm.s32 $0x1BFF;
	s21 =	sshll.u32 s5, $0x1;
	s2 =	sadd.s32 s19, s18  }
0x9c: {  	s6 =	simm.s32 $0x0;
	s20 =	sshll.u32 s4, $0x1;
	s4 =	sadd.s32 s21, s2  }
0x9d: {  	[timem:s6], [sflag:s22] =	dma.local [hbm:s4], s20  }
0x9e: {  	_ =	swait.ge [sflag:s22], s20  }
0x9f: {  	s3 =	ssub.s32 $0x0, s20;
	[sflag:s22] =	ssyncset.done $0x0  }
0xa0: {  	[sflag:s22] =	ssyncadd.s32 s3;
	_ =	sdelay $0x1  }
0xa1: {  	s23 =	simm.s32 $0x1B8B  }
0xa2: {  	_ =	swait.ge [sflag:s23], $0x1  }
0xa3: {  	[sflag:s23] =	ssyncset.done $0x0  }
0xa4: {  	s25 =	simm.s32 $0x1B8E;
	s24 =	sld [smem:$0x3FFE];
	[sflag:s23] =	ssyncadd.s32 $0xFFFFFFFF  }
0xa5: {  	s26 =	simm.s32 $execute0_lowered;
	[smem:$0x3FD2] =	sst s25  }
0xa6: {  	s4 =	sshll.u32 s26, $0x1;
	_ =	strace $0x80000049;
	[dreg:$0x1] =	wrdreg $0xFFFFFFFF  }
0xa7: {  	s28 =	simm.s32 $_size_execute0_lowered;
	s2 =	sadd.s32 s2, s4;
	[dreg:$0x0] =	wrdreg $0x0  }
0xa8: {  	s4 =	sshll.u32 s28, $0x1;
	[dreg:$0x2] =	wrdreg s2  }
0xa9: {  	[dreg:$0x3] =	wrdreg s4  }
0xaa: {  	[dreg:$0x4] =	wrdreg $0xC0  }
0xab: {  	_ =	task [dreg:s6], $0x5FFFF  }
0xac: {  	[dreg:$0x1] =	wrdreg $0xFFFFFFFF  }
0xad: {  	[dreg:$0x0] =	wrdreg $0x60  }
0xae: {  	[dreg:$0x2] =	wrdreg s24  }
0xaf: {  	[dreg:$0x3] =	wrdreg $0x94000  }
0xb0: {  	[dreg:$0x4] =	wrdreg $0x9  }
0xb1: {  	_ =	task.clear_ibuf [dreg:s6], $0x5FFFF;
	_ =	strace $0x90000049  }
0xb2: {  	s29 =	simm.s32 $0x9;
	_ =	strace $0x8000004B  }
0xb3: {  	_ =	swait.ge [sflag:s29], $0x1  }
0xb4: {  	[sflag:s29] =	ssyncadd.s32 $0xFFFFFFFF  }
0xb5: {  	_ =	strace $0x9000004B  }
0xb6: {  	_ =	sfence  }
0xb7: {  	s30 =	sld [smem:$0x0];
	_ =	sdelay $0x2  }
0xb8: {  	s31 =	sshll.u32 s1, $0xD;
	s1 =	sshrl.u32 s1, $0x2  }
0xb9: {  	s3 =	sand.u32 $0x4000, s31;
	s1 =	sadd.s32 s1, s30  }
0xba: {  	s0 =	sor.u32 s3, s0;
	s1 =	sshll.u32 s1, $0x11  }
0xbb: {  	s0 =	sor.u32 s1, s0  }
0xbc: {  	s0 =	sadd.s32 $0x8F2B, s0  }
0xbd: {  	[sflag:s0] =	ssyncadd.remote.s32 $0x1  }
0xbe: {  	_ =	sfence.sel $0xFFFF  }
0xbf: {  	[dreg:$0x0] =	wrdreg $0xFFFFFFFF;
	(pc) =	sbr.abs _section_cstart, $3  }
0xc0: {  	[dreg:$0x1] =	wrdreg $0xFFFFFFFF  }
0xc1: {  	_ =	task.clear_ibuf [dreg:s6], $0x2FFFF;
	_ =	strace $0x9FFFFFFF  }
0xc2: {  	(tm) =	ssettm $0x7FFFFFFF  }
0xc3: {  	_ =	shalt  }
tec
execute0_lowered:
.L_overlay_start_1:
0x0: {  	(tag) =	ssettag $0x1  }
0x1: {  	s0 =	rddreg [dreg:$0x0]  }
0x2: {  	s1 =	rddreg [dreg:$0x1];
	s2 =	simm.s32 $0x0  }
0x3: {  	s3 =	srdreg.scid;
	s14 =	stileid.u32;
	s28 =	simm.s32 $0xC00  }
0x4: {  	s29 =	simm.s32 $0x4C00;
	s30 =	simm.s32 $0x1;
	s31 =	simm.s32 $0x3  }
0x5: {  	[smem:$0x7FF] =	sst s2;
	s4 =	sadd.s32 $0xCA00, s0;
	s6 =	smul.u32 $0x50000, s14  }
0x6: {  	s5 =	sadd.s32 $0x34A00, s0;
	s9 =	sadd.s32 $0x7600, s0;
	s11 =	smul.u32 $0x2A00, s14  }
0x7: {  	s3 =	sand.u32 $0x1, s3;
	s10 =	sadd.s32 $0x1800, s0;
	s15 =	smul.u32 $0x540, s14  }
0x8: {  	s0 =	sadd.s32 $0x5CA00, s0;
	s14 =	smul.u32 $0x14000, s14;
	_ =	strace $0x8000004A  }
0x9: {  	s7 =	ssub.s32 $0x2, s3;
	p0 =	seq.s32 s3, $0x1;
	s3 =	smul.u32 $0x140000, s3  }
0xa: {  	s8 =	sshrl.u32 s7, $0x1;
	s6 =	sshrl.u32 s6, $0x2;
	s11 =	sshrl.u32 s11, $0x3  }
0xb: {  	s17 =	sadd.s32 $0x4000, s14;
	s20 =	sadd.s32 $0x8000, s14;
	s23 =	sadd.s32 $0xC000, s14  }
0xc: {  	s24 =	sadd.s32 $0x10000, s14;
	s12 =	ssub.s32 s7, s8;
	s6 =	sadd.s32 s6, s1  }
0xd: {  	s7 =	sadd.s32 s9, s15;
	s13 =	sadd.s32 $0x60, s11;
	s8 =	sadd.s32 s10, s15  }
0xe: {  	s11 =	sadd.s32 $0x4E0, s11;
	s16 =	sadd.s32 s3, s14;
	s19 =	sadd.s32 s3, s17  }
0xf: {  	s21 =	sadd.s32 s20, s1;
	s22 =	sadd.s32 s3, s20;
	s25 =	sadd.s32 s3, s23  }
0x10: {  	s3 =	sadd.s32 s3, s24;
	s26 =	sadd.s32 s24, s1;
	[dreg:$0xb] =	wrdreg s21  }
0x11: {  	s24 =	simm.s32 $0x6;
	s15 =	sadd.s32 s9, s13;
	[dreg:$0xf] =	wrdreg s26  }
0x12: {  	s13 =	sadd.s32 s10, s13;
	s9 =	sadd.s32 s9, s11;
	[dreg:$0x3] =	wrdreg s15  }
0x13: {  	s10 =	sadd.s32 s10, s11;
	s18 =	smax.u32 s12, $0x1;
	[dreg:$0x4] =	wrdreg s13  }
0x14: {  	s3 =	sshrl.u32 s3, $0x3;
	s21 =	simm.s32 $0x8C00;
	[dreg:$0x5] =	wrdreg s9  }
0x15: {  	s26 =	simm.s32 $0x80;
	[dreg:$0x6] =	wrdreg s10;
	s9 =	sshrl.u32 s16, $0x3  }
0x16: {  	s11 =	simm.s32 $0x900;
	[dreg:$0x7] =	wrdreg s18;
	s9 =	sadd.s32 s0, s9  }
0x17: {  	s10 =	sadd.s32 s17, s1;
	[dreg:$0x8] =	wrdreg s9;
	s9 =	sshrl.u32 s19, $0x3  }
0x18: {  	s12 =	simm.s32 $0x4;
	[dreg:$0x9] =	wrdreg s10;
	s9 =	sadd.s32 s0, s9  }
0x19: {  	s10 =	sadd.s32 s23, s1;
	[dreg:$0xa] =	wrdreg s9;
	s9 =	sshrl.u32 s22, $0x3  }
.Ltmp0:
0x1a: {  	[dreg:$0xd] =	wrdreg s10;
	s9 =	sadd.s32 s0, s9;
	(pc) =	sbr.rel .LBB2_1-.Ltmp0, $4  }
0x1b: {  	s10 =	simm.s32 $0x600;
	[dreg:$0xc] =	wrdreg s9;
	s9 =	sshrl.u32 s25, $0x3  }
0x1c: {  	s19 =	simm.s32 $0x5;
	s22 =	simm.s32 $0x100;
	s9 =	sadd.s32 s0, s9  }
0x1d: {  	s25 =	simm.s32 $0x300;
	s0 =	sadd.s32 s0, s3;
	[dreg:$0xe] =	wrdreg s9  }
0x1e: {  	v0 =	vimm.f32 $0.0e+00;
	s3 =	simm.s32 $0x2;
	[dreg:$0x10] =	wrdreg s0;
	s9 =	simm.s32 $0x0  }
.LBB2_8:
0x1f: {  	[sflag:s19] =	ssyncadd.s32 $0xFFFFFD00  }
0x20: {  	s18 =	smov.u32 s4;
	s21 =	simm.s32 $0x8C00;
	s9 =	rddreg [dreg:$0x11]  }
.LBB2_12:
0x21: {  	_ =	swait.ge [sflag:s31], $0x4000  }
0x22: {  	[sflag:s31] =	ssyncset.done $0x0  }
0x23: {  	[sflag:s31] =	ssyncadd.s32 $0xFFFFC000  }
0x24: {  	[tilespmem:s28], [sflag:$0x1] =	stream.indirect.gather [hbm4b:s18+s26], $0x80, s10, s26, $0xb8;
	[tilespmem:$0x1D400] =	vst v63  }
0x25: {  	_ =	swait.ge [sflag:s3], $0x4000  }
0x26: {  	[sflag:s3] =	ssyncset.done $0x0  }
0x27: {  	s0 =	simm.s32 $0x580;
	[sflag:s3] =	ssyncadd.s32 $0xFFFFC000  }
0x28: {  	[spmem:s1] =	stream.indirect.scatter.add.f32 [tilespmem:s29], [sflag:$0x4], $0x80, s0, s26, $0xb8;
	[tilespmem:$0x1D400] =	vst v63  }
0x29: {  	_ =	swait.ge [sflag:s12], $0x4000  }
0x2a: {  	[sflag:s12] =	ssyncset.done $0x0  }
0x2b: {  	s14 =	simm.s32 $0x680;
	[sflag:s12] =	ssyncadd.s32 $0xFFFFC000  }
0x2c: {  	[tilespmem:s29], [sflag:$0x2] =	stream.indirect.gather [hbm4b:s18+s26], $0x80, s14, s26, $0xb8;
	[tilespmem:$0x1D400] =	vst v63  }
0x2d: {  	_ =	swait.ge [sflag:s30], $0x4000  }
0x2e: {  	[sflag:s30] =	ssyncset.done $0x0  }
0x2f: {  	[sflag:s30] =	ssyncadd.s32 $0xFFFFC000  }
0x30: {  	[spmem:s1] =	stream.indirect.scatter.add.f32 [tilespmem:s28], [sflag:$0x3], $0x80, s11, s26, $0xb8;
	[tilespmem:$0x1D400] =	vst v63  }
0x31: {  	_ =	swait.ge [sflag:s31], $0x4000  }
0x32: {  	[sflag:s31] =	ssyncset.done $0x0  }
0x33: {  	s15 =	simm.s32 $0x700;
	[sflag:s31] =	ssyncadd.s32 $0xFFFFC000  }
0x34: {  	[tilespmem:s28], [sflag:$0x1] =	stream.indirect.gather [hbm4b:s18+s26], $0x80, s15, s26, $0xb8;
	[tilespmem:$0x1D400] =	vst v63  }
0x35: {  	_ =	swait.ge [sflag:s3], $0x4000  }
0x36: {  	[sflag:s3] =	ssyncset.done $0x0  }
0x37: {  	s16 =	simm.s32 $0x980;
	[sflag:s3] =	ssyncadd.s32 $0xFFFFC000  }
0x38: {  	[spmem:s1] =	stream.indirect.scatter.add.f32 [tilespmem:s29], [sflag:$0x4], $0x80, s16, s26, $0xb8;
	[tilespmem:$0x1D400] =	vst v63  }
0x39: {  	s20 =	rddreg [dreg:$0x5]  }
0x3a: {  	[tilespmem:s2], [sflag:$0x5] =	stream.linear.gather [hbm4b:s20+s2], $0x300, $0x38;
	[tilespmem:$0x1D400] =	vst v63  }
0x3b: {  	s17 =	rddreg [dreg:$0x6]  }
0x3c: {  	[tilespmem:s25], [sflag:$0x5] =	stream.linear.gather [hbm4b:s17+s2], $0x300, $0x38;
	[tilespmem:$0x1D400] =	vst v63  }
0x3d: {  	_ =	swait.ge [sflag:s12], $0x4000  }
0x3e: {  	[sflag:s12] =	ssyncset.done $0x0  }
0x3f: {  	s23 =	simm.s32 $0x780;
	[sflag:s12] =	ssyncadd.s32 $0xFFFFC000  }
0x40: {  	[tilespmem:s29], [sflag:$0x2] =	stream.indirect.gather [hbm4b:s18+s26], $0x80, s23, s26, $0xb8;
	[tilespmem:$0x1D400] =	vst v63  }
0x41: {  	_ =	swait.ge [sflag:s30], $0x4000  }
0x42: {  	[sflag:s30] =	ssyncset.done $0x0  }
0x43: {  	s13 =	simm.s32 $0xA00;
	[sflag:s30] =	ssyncadd.s32 $0xFFFFC000  }
0x44: {  	[spmem:s1] =	stream.indirect.scatter.add.f32 [tilespmem:s28], [sflag:$0x3], $0x80, s13, s26, $0xb8;
	[tilespmem:$0x1D400] =	vst v63  }
0x45: {  	_ =	swait.ge [sflag:s31], $0x4000  }
0x46: {  	[sflag:s31] =	ssyncset.done $0x0  }
0x47: {  	s14 =	simm.s32 $0x800;
	[sflag:s31] =	ssyncadd.s32 $0xFFFFC000  }
0x48: {  	[tilespmem:s28], [sflag:$0x1] =	stream.indirect.gather [hbm4b:s18+s26], $0x80, s14, s26, $0xb8;
	[tilespmem:$0x1D400] =	vst v63  }
0x49: {  	_ =	swait.ge [sflag:s3], $0x4000  }
0x4a: {  	[sflag:s3] =	ssyncset.done $0x0  }
0x4b: {  	s15 =	simm.s32 $0xA80;
	[sflag:s3] =	ssyncadd.s32 $0xFFFFC000  }
0x4c: {  	[spmem:s1] =	stream.indirect.scatter.add.f32 [tilespmem:s29], [sflag:$0x4], $0x80, s15, s26, $0xb8;
	[tilespmem:$0x1D400] =	vst v63  }
0x4d: {  	_ =	swait.ge [sflag:s12], $0x4000  }
0x4e: {  	[sflag:s12] =	ssyncset.done $0x0  }
0x4f: {  	s16 =	simm.s32 $0x880;
	[sflag:s12] =	ssyncadd.s32 $0xFFFFC000  }
0x50: {  	[tilespmem:s29], [sflag:$0x2] =	stream.indirect.gather [hbm4b:s18+s26], $0x80, s16, s26, $0xb8;
	[tilespmem:$0x1D400] =	vst v63  }
0x51: {  	_ =	swait.ge [sflag:s30], $0x4000  }
0x52: {  	[sflag:s30] =	ssyncset.done $0x0  }
0x53: {  	s17 =	simm.s32 $0xB00;
	[sflag:s30] =	ssyncadd.s32 $0xFFFFC000  }
0x54: {  	[spmem:s1] =	stream.indirect.scatter.add.f32 [tilespmem:s28], [sflag:$0x3], $0x80, s17, s26, $0xb8;
	[tilespmem:$0x1D400] =	vst v63  }
0x55: {  	_ =	swait.ge [sflag:s19], $0x300  }
0x56: {  	[sflag:s19] =	ssyncset.done $0x0  }
0x57: {  	[sflag:s19] =	ssyncadd.s32 $0xFFFFFD00  }
0x58: {  	_ =	swait.ge [sflag:s19], $0x300  }
0x59: {  	[sflag:s19] =	ssyncset.done $0x0  }
0x5a: {  	[sflag:s19] =	ssyncadd.s32 $0xFFFFFD00  }
0x5b: {  	_ =	swait.ge [sflag:s3], $0x4000  }
0x5c: {  	[sflag:s3] =	ssyncset.done $0x0  }
0x5d: {  	[sflag:s3] =	ssyncadd.s32 $0xFFFFC000  }
0x5e: {  	_ =	swait.ge [sflag:s31], $0x4000  }
0x5f: {  	[sflag:s31] =	ssyncset.done $0x0  }
0x60: {  	s18 =	simm.s32 $0xB80;
	[sflag:s31] =	ssyncadd.s32 $0xFFFFC000  }
0x61: {  	[spmem:s1] =	stream.indirect.scatter.add.f32 [tilespmem:s29], [sflag:$0x4], $0x80, s18, s26, $0xb8;
	[tilespmem:$0x1D400] =	vst v63  }
0x62: {  	_ =	swait.ge [sflag:s12], $0x4000  }
0x63: {  	[sflag:s12] =	ssyncset.done $0x0  }
0x64: {  	[sflag:s12] =	ssyncadd.s32 $0xFFFFC000  }
0x65: {  	[bflag:$0x0] =	sbarrier.arrive $0xFFFF  }
0x66: {  	[tilespmem:s28], [sflag:$0x6] =	stream.linear.gather [spmem:s6], $0x4000, $0x38;
	[tilespmem:$0x1D400] =	vst v63  }
0x67: {  	_ =	swait.ge [sflag:s24], $0x4000  }
0x68: {  	[sflag:s24] =	ssyncset.done $0x0  }
0x69: {  	s20 =	rddreg [dreg:$0x8];
	[sflag:s24] =	ssyncadd.s32 $0xFFFFC000  }
0x6a: {  	[hbm4b:s20+s2] =	stream.linear.scatter [tilespmem:s28], [sflag:$0x6], $0x4000, $0x38;
	[tilespmem:$0x1D400] =	vst v63  }
0x6b: {  	_ =	swait.ge [sflag:s24], $0x4000  }
0x6c: {  	[sflag:s24] =	ssyncset.done $0x0  }
0x6d: {  	s23 =	rddreg [dreg:$0x9];
	[sflag:s24] =	ssyncadd.s32 $0xFFFFC000  }
0x6e: {  	[tilespmem:s28], [sflag:$0x6] =	stream.linear.gather [spmem:s23], $0x4000, $0x38;
	[tilespmem:$0x1D400] =	vst v63  }
0x6f: {  	_ =	swait.ge [sflag:s24], $0x4000  }
0x70: {  	[sflag:s24] =	ssyncset.done $0x0  }
0x71: {  	s0 =	rddreg [dreg:$0xa];
	[sflag:s24] =	ssyncadd.s32 $0xFFFFC000  }
0x72: {  	[hbm4b:s0+s2] =	stream.linear.scatter [tilespmem:s28], [sflag:$0x6], $0x4000, $0x38;
	[tilespmem:$0x1D400] =	vst v63  }
0x73: {  	_ =	swait.ge [sflag:s24], $0x4000  }
0x74: {  	[sflag:s24] =	ssyncset.done $0x0  }
0x75: {  	s13 =	rddreg [dreg:$0xb];
	[sflag:s24] =	ssyncadd.s32 $0xFFFFC000  }
0x76: {  	[tilespmem:s28], [sflag:$0x6] =	stream.linear.gather [spmem:s13], $0x4000, $0x38;
	[tilespmem:$0x1D400] =	vst v63  }
0x77: {  	_ =	swait.ge [sflag:s24], $0x4000  }
0x78: {  	[sflag:s24] =	ssyncset.done $0x0  }
0x79: {  	s14 =	rddreg [dreg:$0xc];
	[sflag:s24] =	ssyncadd.s32 $0xFFFFC000  }
0x7a: {  	[hbm4b:s14+s2] =	stream.linear.scatter [tilespmem:s28], [sflag:$0x6], $0x4000, $0x38;
	[tilespmem:$0x1D400] =	vst v63  }
0x7b: {  	_ =	swait.ge [sflag:s24], $0x4000  }
0x7c: {  	[sflag:s24] =	ssyncset.done $0x0  }
0x7d: {  	s15 =	rddreg [dreg:$0xd];
	[sflag:s24] =	ssyncadd.s32 $0xFFFFC000  }
0x7e: {  	[tilespmem:s28], [sflag:$0x6] =	stream.linear.gather [spmem:s15], $0x4000, $0x38;
	[tilespmem:$0x1D400] =	vst v63  }
0x7f: {  	_ =	swait.ge [sflag:s24], $0x4000  }
0x80: {  	[sflag:s24] =	ssyncset.done $0x0  }
0x81: {  	s16 =	rddreg [dreg:$0xe];
	[sflag:s24] =	ssyncadd.s32 $0xFFFFC000  }
0x82: {  	[hbm4b:s16+s2] =	stream.linear.scatter [tilespmem:s28], [sflag:$0x6], $0x4000, $0x38;
	[tilespmem:$0x1D400] =	vst v63  }
0x83: {  	_ =	swait.ge [sflag:s24], $0x4000  }
0x84: {  	[sflag:s24] =	ssyncset.done $0x0  }
0x85: {  	s17 =	rddreg [dreg:$0xf];
	[sflag:s24] =	ssyncadd.s32 $0xFFFFC000  }
0x86: {  	[tilespmem:s28], [sflag:$0x6] =	stream.linear.gather [spmem:s17], $0x4000, $0x38;
	[tilespmem:$0x1D400] =	vst v63  }
0x87: {  	_ =	swait.ge [sflag:s24], $0x4000  }
0x88: {  	[sflag:s24] =	ssyncset.done $0x0  }
0x89: {  	s20 =	rddreg [dreg:$0x10];
	[sflag:s24] =	ssyncadd.s32 $0xFFFFC000  }
0x8a: {  	[hbm4b:s20+s2] =	stream.linear.scatter [tilespmem:s28], [sflag:$0x6], $0x4000, $0x38;
	[tilespmem:$0x1D400] =	vst v63  }
0x8b: {  	_ =	swait.ge [sflag:s24], $0x4000  }
0x8c: {  	s9 =	sadd.s32 $0x1, s9;
	s23 =	rddreg [dreg:$0x7]  }
0x8d: {  	p1 =	sne.s32 s9, s23  }
.Ltmp1:
0x8e: {  	_ = 	snop;
	(pc) =	sbr.rel @!p1 .LBB2_13-.Ltmp1, $3  }
0x8f: {  	_ =	sdelay $0x1  }
0x90: {  	[sflag:s24] =	ssyncset.done $0x0  }
0x91: {  	[sflag:s24] =	ssyncadd.s32 $0xFFFFC000  }
.LBB2_1:
0x92: {  	s18 =	simm.s32 $0x0;
	s20 =	simm.s32 $0x200  }
.LBB2_2:
0x93: {  	p1 =	sne.s32 s20, $0x1E00;
	[tilespmem:s18+$0x8C70] =	vst v0  }
0x94: {  	[tilespmem:s18+$0x8C00] =	vst v0  }
0x95: {  	[tilespmem:s18+$0x8C10] =	vst v0  }
.Ltmp2:
0x96: {  	[tilespmem:s18+$0x8C20] =	vst v0;
	(pc) =	sbr.rel @p1 .LBB2_2-.Ltmp2, $4  }
0x97: {  	[tilespmem:s18+$0x8C30] =	vst v0  }
0x98: {  	[tilespmem:s18+$0x8C40] =	vst v0  }
0x99: {  	[tilespmem:s18+$0x8C50] =	vst v0  }
0x9a: {  	[tilespmem:s18+$0x8C60] =	vst v0;
	s18 =	sshra.s32 s20, $0x2;
	s20 =	sadd.s32 $0x200, s20  }
0x9b: {  	[tilespmem:s18+$0x8C70] =	vst v0  }
0x9c: {  	[tilespmem:s18+$0x8C00] =	vst v0  }
0x9d: {  	[tilespmem:s18+$0x8C10] =	vst v0  }
0x9e: {  	[tilespmem:s18+$0x8C20] =	vst v0  }
0x9f: {  	[tilespmem:s18+$0x8C30] =	vst v0  }
0xa0: {  	[tilespmem:s18+$0x8C40] =	vst v0  }
0xa1: {  	[tilespmem:s18+$0x8C50] =	vst v0  }
0xa2: {  	[tilespmem:s18+$0x8C60] =	vst v0;
	s23 =	sadd.s32 $0x0, s6  }
0xa3: {  	[spmem:s23] =	stream.linear.scatter [tilespmem:s21], [sflag:$0x6], $0x800, $0x38;
	[tilespmem:$0x1D400] =	vst v63  }
0xa4: {  	s18 =	simm.s32 $0x2000;
	_ =	swait.ge [sflag:s24], $0x800  }
.LBB2_4:
0xa5: {  	s20 =	sshra.s32 s18, $0x2;
	[sflag:s24] =	ssyncset.done $0x0;
	p1 =	sne.s32 s18, $0x4E000  }
.Ltmp3:
0xa6: {  	s20 =	sadd.s32 s20, s6;
	[sflag:s24] =	ssyncadd.s32 $0xFFFFF800;
	(pc) =	sbr.rel @p1 .LBB2_4-.Ltmp3, $3  }
0xa7: {  	[spmem:s20] =	stream.linear.scatter [tilespmem:s21], [sflag:$0x6], $0x800, $0x38;
	[tilespmem:$0x1D400] =	vst v63  }
0xa8: {  	s18 =	sadd.s32 $0x2000, s18;
	_ =	sdelay $0x1  }
0xa9: {  	_ =	swait.ge [sflag:s24], $0x800  }
0xaa: {  	[sflag:s24] =	ssyncset.done $0x0  }
0xab: {  	[dreg:$0x11] =	wrdreg s9;
	[sflag:s24] =	ssyncadd.s32 $0xFFFFF800  }
0xac: {  	[bflag:$0x0] =	sbarrier.arrive $0xFFFF  }
0xad: {  	[tilespmem:s2], [sflag:$0x6] =	stream.linear.gather [hbm4b:s7+s2], $0x300, $0x38;
	[tilespmem:$0x1D400] =	vst v63  }
0xae: {  	_ =	swait.ge [sflag:s24], $0x300  }
0xaf: {  	[sflag:s24] =	ssyncset.done $0x0  }
.Ltmp4:
0xb0: {  	[sflag:s24] =	ssyncadd.s32 $0xFFFFFD00;
	(pc) =	sbr.rel @!p0 .LBB2_6-.Ltmp4, $4  }
0xb1: {  	[tilespmem:s25], [sflag:$0x6] =	stream.linear.gather [hbm4b:s8+s2], $0x300, $0x38;
	[tilespmem:$0x1D400] =	vst v63  }
0xb2: {  	_ =	swait.ge [sflag:s24], $0x300  }
0xb3: {  	[sflag:s24] =	ssyncset.done $0x0  }
0xb4: {  	[sflag:s24] =	ssyncadd.s32 $0xFFFFFD00  }
0xb5: {  	[tilespmem:s28], [sflag:$0x1] =	stream.indirect.gather [hbm4b:s5+s26], $0x80, s2, s26, $0xb8;
	[tilespmem:$0x1D400] =	vst v63  }
0xb6: {  	_ = 	snop  }
0xb7: {  	[tilespmem:s29], [sflag:$0x2] =	stream.indirect.gather [hbm4b:s5+s26], $0x80, s26, s26, $0xb8;
	[tilespmem:$0x1D400] =	vst v63  }
0xb8: {  	_ =	swait.ge [sflag:s30], $0x4000  }
0xb9: {  	[sflag:s30] =	ssyncset.done $0x0  }
0xba: {  	[sflag:s30] =	ssyncadd.s32 $0xFFFFC000  }
0xbb: {  	[spmem:s1] =	stream.indirect.scatter.add.f32 [tilespmem:s28], [sflag:$0x3], $0x80, s25, s26, $0xb8;
	[tilespmem:$0x1D400] =	vst v63  }
0xbc: {  	_ =	swait.ge [sflag:s31], $0x4000  }
0xbd: {  	[sflag:s31] =	ssyncset.done $0x0  }
0xbe: {  	[sflag:s31] =	ssyncadd.s32 $0xFFFFC000  }
0xbf: {  	[tilespmem:s28], [sflag:$0x1] =	stream.indirect.gather [hbm4b:s5+s26], $0x80, s22, s26, $0xb8;
	[tilespmem:$0x1D400] =	vst v63  }
0xc0: {  	_ =	swait.ge [sflag:s3], $0x4000  }
0xc1: {  	[sflag:s3] =	ssyncset.done $0x0  }
0xc2: {  	s13 =	simm.s32 $0x380;
	[sflag:s3] =	ssyncadd.s32 $0xFFFFC000  }
0xc3: {  	[spmem:s1] =	stream.indirect.scatter.add.f32 [tilespmem:s29], [sflag:$0x4], $0x80, s13, s26, $0xb8;
	[tilespmem:$0x1D400] =	vst v63  }
0xc4: {  	s18 =	rddreg [dreg:$0x3]  }
0xc5: {  	[tilespmem:s10], [sflag:$0x5] =	stream.linear.gather [hbm4b:s18+s2], $0x300, $0x38;
	[tilespmem:$0x1D400] =	vst v63  }
0xc6: {  	s0 =	rddreg [dreg:$0x4]  }
0xc7: {  	[tilespmem:s11], [sflag:$0x5] =	stream.linear.gather [hbm4b:s0+s2], $0x300, $0x38;
	[tilespmem:$0x1D400] =	vst v63  }
0xc8: {  	_ =	swait.ge [sflag:s12], $0x4000  }
0xc9: {  	[sflag:s12] =	ssyncset.done $0x0  }
0xca: {  	s14 =	simm.s32 $0x180;
	[sflag:s12] =	ssyncadd.s32 $0xFFFFC000  }
0xcb: {  	[tilespmem:s29], [sflag:$0x2] =	stream.indirect.gather [hbm4b:s5+s26], $0x80, s14, s26, $0xb8;
	[tilespmem:$0x1D400] =	vst v63  }
0xcc: {  	_ =	swait.ge [sflag:s30], $0x4000  }
0xcd: {  	[sflag:s30] =	ssyncset.done $0x0  }
0xce: {  	s15 =	simm.s32 $0x400;
	[sflag:s30] =	ssyncadd.s32 $0xFFFFC000  }
0xcf: {  	[spmem:s1] =	stream.indirect.scatter.add.f32 [tilespmem:s28], [sflag:$0x3], $0x80, s15, s26, $0xb8;
	[tilespmem:$0x1D400] =	vst v63  }
0xd0: {  	_ =	swait.ge [sflag:s31], $0x4000  }
0xd1: {  	[sflag:s31] =	ssyncset.done $0x0  }
0xd2: {  	s16 =	simm.s32 $0x200;
	[sflag:s31] =	ssyncadd.s32 $0xFFFFC000  }
0xd3: {  	[tilespmem:s28], [sflag:$0x1] =	stream.indirect.gather [hbm4b:s5+s26], $0x80, s16, s26, $0xb8;
	[tilespmem:$0x1D400] =	vst v63  }
0xd4: {  	_ =	swait.ge [sflag:s3], $0x4000  }
0xd5: {  	[sflag:s3] =	ssyncset.done $0x0  }
0xd6: {  	s17 =	simm.s32 $0x480;
	[sflag:s3] =	ssyncadd.s32 $0xFFFFC000  }
0xd7: {  	[spmem:s1] =	stream.indirect.scatter.add.f32 [tilespmem:s29], [sflag:$0x4], $0x80, s17, s26, $0xb8;
	[tilespmem:$0x1D400] =	vst v63  }
0xd8: {  	_ =	swait.ge [sflag:s12], $0x4000  }
0xd9: {  	[sflag:s12] =	ssyncset.done $0x0  }
0xda: {  	s23 =	simm.s32 $0x280;
	[sflag:s12] =	ssyncadd.s32 $0xFFFFC000  }
0xdb: {  	[tilespmem:s29], [sflag:$0x2] =	stream.indirect.gather [hbm4b:s5+s26], $0x80, s23, s26, $0xb8;
	[tilespmem:$0x1D400] =	vst v63  }
0xdc: {  	_ =	swait.ge [sflag:s30], $0x4000  }
0xdd: {  	[sflag:s30] =	ssyncset.done $0x0  }
0xde: {  	s0 =	simm.s32 $0x500;
	[sflag:s30] =	ssyncadd.s32 $0xFFFFC000  }
0xdf: {  	[spmem:s1] =	stream.indirect.scatter.add.f32 [tilespmem:s28], [sflag:$0x3], $0x80, s0, s26, $0xb8;
	[tilespmem:$0x1D400] =	vst v63  }
0xe0: {  	_ =	swait.ge [sflag:s19], $0x300  }
0xe1: {  	[sflag:s19] =	ssyncset.done $0x0  }
0xe2: {  	[sflag:s19] =	ssyncadd.s32 $0xFFFFFD00  }
0xe3: {  	_ =	swait.ge [sflag:s19], $0x300  }
0xe4: {  	[sflag:s19] =	ssyncset.done $0x0  }
0xe5: {  	[sflag:s19] =	ssyncadd.s32 $0xFFFFFD00  }
0xe6: {  	_ =	swait.ge [sflag:s31], $0x4000  }
0xe7: {  	[sflag:s31] =	ssyncset.done $0x0  }
0xe8: {  	[sflag:s31] =	ssyncadd.s32 $0xFFFFC000  }
0xe9: {  	[tilespmem:s28], [sflag:$0x1] =	stream.indirect.gather [hbm4b:s5+s26], $0x80, s10, s26, $0xb8;
	[tilespmem:$0x1D400] =	vst v63  }
0xea: {  	_ =	swait.ge [sflag:s3], $0x4000  }
0xeb: {  	[sflag:s3] =	ssyncset.done $0x0  }
0xec: {  	s9 =	simm.s32 $0x580;
	[sflag:s3] =	ssyncadd.s32 $0xFFFFC000  }
0xed: {  	[spmem:s1] =	stream.indirect.scatter.add.f32 [tilespmem:s29], [sflag:$0x4], $0x80, s9, s26, $0xb8;
	[tilespmem:$0x1D400] =	vst v63  }
0xee: {  	_ =	swait.ge [sflag:s12], $0x4000  }
0xef: {  	[sflag:s12] =	ssyncset.done $0x0  }
0xf0: {  	s18 =	simm.s32 $0x680;
	[sflag:s12] =	ssyncadd.s32 $0xFFFFC000  }
0xf1: {  	[tilespmem:s29], [sflag:$0x2] =	stream.indirect.gather [hbm4b:s5+s26], $0x80, s18, s26, $0xb8;
	[tilespmem:$0x1D400] =	vst v63  }
0xf2: {  	_ =	swait.ge [sflag:s30], $0x4000  }
0xf3: {  	[sflag:s30] =	ssyncset.done $0x0  }
0xf4: {  	[sflag:s30] =	ssyncadd.s32 $0xFFFFC000  }
0xf5: {  	[spmem:s1] =	stream.indirect.scatter.add.f32 [tilespmem:s28], [sflag:$0x3], $0x80, s11, s26, $0xb8;
	[tilespmem:$0x1D400] =	vst v63  }
0xf6: {  	_ =	swait.ge [sflag:s31], $0x4000  }
0xf7: {  	[sflag:s31] =	ssyncset.done $0x0  }
0xf8: {  	s20 =	simm.s32 $0x700;
	[sflag:s31] =	ssyncadd.s32 $0xFFFFC000  }
0xf9: {  	[tilespmem:s28], [sflag:$0x1] =	stream.indirect.gather [hbm4b:s5+s26], $0x80, s20, s26, $0xb8;
	[tilespmem:$0x1D400] =	vst v63  }
0xfa: {  	_ =	swait.ge [sflag:s3], $0x4000  }
0xfb: {  	[sflag:s3] =	ssyncset.done $0x0  }
0xfc: {  	s21 =	simm.s32 $0x980;
	s18 =	sadd.s32 $0xFFFFFB80, s7;
	[sflag:s3] =	ssyncadd.s32 $0xFFFFC000  }
0xfd: {  	[spmem:s1] =	stream.indirect.scatter.add.f32 [tilespmem:s29], [sflag:$0x4], $0x80, s21, s26, $0xb8;
	[tilespmem:$0x1D400] =	vst v63  }
0xfe: {  	s20 =	sadd.s32 $0x540, s18;
	s21 =	sadd.s32 $0xFFFFFB80, s8  }
0xff: {  	[tilespmem:s2], [sflag:$0x5] =	stream.linear.gather [hbm4b:s20+s2], $0x300, $0x38;
	[tilespmem:$0x1D400] =	vst v63  }
0x100: {  	s9 =	sadd.s32 $0x540, s21  }
0x101: {  	[tilespmem:s25], [sflag:$0x5] =	stream.linear.gather [hbm4b:s9+s2], $0x300, $0x38;
	[tilespmem:$0x1D400] =	vst v63  }
0x102: {  	_ =	swait.ge [sflag:s12], $0x4000  }
0x103: {  	[sflag:s12] =	ssyncset.done $0x0  }
0x104: {  	s20 =	simm.s32 $0x780;
	[sflag:s12] =	ssyncadd.s32 $0xFFFFC000  }
0x105: {  	[tilespmem:s29], [sflag:$0x2] =	stream.indirect.gather [hbm4b:s5+s26], $0x80, s20, s26, $0xb8;
	[tilespmem:$0x1D400] =	vst v63  }
0x106: {  	_ =	swait.ge [sflag:s30], $0x4000  }
0x107: {  	[sflag:s30] =	ssyncset.done $0x0  }
0x108: {  	s9 =	simm.s32 $0xA00;
	[sflag:s30] =	ssyncadd.s32 $0xFFFFC000  }
0x109: {  	[spmem:s1] =	stream.indirect.scatter.add.f32 [tilespmem:s28], [sflag:$0x3], $0x80, s9, s26, $0xb8;
	[tilespmem:$0x1D400] =	vst v63  }
0x10a: {  	_ =	swait.ge [sflag:s31], $0x4000  }
0x10b: {  	[sflag:s31] =	ssyncset.done $0x0  }
0x10c: {  	s20 =	simm.s32 $0x800;
	[sflag:s31] =	ssyncadd.s32 $0xFFFFC000  }
0x10d: {  	[tilespmem:s28], [sflag:$0x1] =	stream.indirect.gather [hbm4b:s5+s26], $0x80, s20, s26, $0xb8;
	[tilespmem:$0x1D400] =	vst v63  }
0x10e: {  	_ =	swait.ge [sflag:s3], $0x4000  }
0x10f: {  	[sflag:s3] =	ssyncset.done $0x0  }
0x110: {  	s9 =	simm.s32 $0xA80;
	[sflag:s3] =	ssyncadd.s32 $0xFFFFC000  }
0x111: {  	[spmem:s1] =	stream.indirect.scatter.add.f32 [tilespmem:s29], [sflag:$0x4], $0x80, s9, s26, $0xb8;
	[tilespmem:$0x1D400] =	vst v63  }
0x112: {  	_ =	swait.ge [sflag:s12], $0x4000  }
0x113: {  	[sflag:s12] =	ssyncset.done $0x0  }
0x114: {  	s20 =	simm.s32 $0x880;
	[sflag:s12] =	ssyncadd.s32 $0xFFFFC000  }
0x115: {  	[tilespmem:s29], [sflag:$0x2] =	stream.indirect.gather [hbm4b:s5+s26], $0x80, s20, s26, $0xb8;
	[tilespmem:$0x1D400] =	vst v63  }
0x116: {  	_ =	swait.ge [sflag:s30], $0x4000  }
0x117: {  	[sflag:s30] =	ssyncset.done $0x0  }
0x118: {  	s9 =	simm.s32 $0xB00;
	[sflag:s30] =	ssyncadd.s32 $0xFFFFC000  }
0x119: {  	[spmem:s1] =	stream.indirect.scatter.add.f32 [tilespmem:s28], [sflag:$0x3], $0x80, s9, s26, $0xb8;
	[tilespmem:$0x1D400] =	vst v63  }
0x11a: {  	_ =	swait.ge [sflag:s19], $0x300  }
0x11b: {  	[sflag:s19] =	ssyncset.done $0x0  }
0x11c: {  	[sflag:s19] =	ssyncadd.s32 $0xFFFFFD00  }
0x11d: {  	_ =	swait.ge [sflag:s19], $0x300  }
0x11e: {  	[sflag:s19] =	ssyncset.done $0x0  }
0x11f: {  	[sflag:s19] =	ssyncadd.s32 $0xFFFFFD00  }
0x120: {  	_ =	swait.ge [sflag:s31], $0x4000  }
0x121: {  	[sflag:s31] =	ssyncset.done $0x0  }
0x122: {  	[sflag:s31] =	ssyncadd.s32 $0xFFFFC000  }
0x123: {  	[tilespmem:s28], [sflag:$0x1] =	stream.indirect.gather [hbm4b:s5+s26], $0x80, s2, s26, $0xb8;
	[tilespmem:$0x1D400] =	vst v63  }
0x124: {  	_ =	swait.ge [sflag:s3], $0x4000  }
0x125: {  	[sflag:s3] =	ssyncset.done $0x0  }
0x126: {  	s20 =	simm.s32 $0xB80;
	[sflag:s3] =	ssyncadd.s32 $0xFFFFC000  }
0x127: {  	[spmem:s1] =	stream.indirect.scatter.add.f32 [tilespmem:s29], [sflag:$0x4], $0x80, s20, s26, $0xb8;
	[tilespmem:$0x1D400] =	vst v63  }
0x128: {  	_ =	swait.ge [sflag:s12], $0x4000  }
0x129: {  	[sflag:s12] =	ssyncset.done $0x0  }
0x12a: {  	[sflag:s12] =	ssyncadd.s32 $0xFFFFC000  }
0x12b: {  	[tilespmem:s29], [sflag:$0x2] =	stream.indirect.gather [hbm4b:s5+s26], $0x80, s26, s26, $0xb8;
	[tilespmem:$0x1D400] =	vst v63  }
0x12c: {  	_ =	swait.ge [sflag:s30], $0x4000  }
0x12d: {  	[sflag:s30] =	ssyncset.done $0x0  }
0x12e: {  	[sflag:s30] =	ssyncadd.s32 $0xFFFFC000  }
0x12f: {  	[spmem:s1] =	stream.indirect.scatter.add.f32 [tilespmem:s28], [sflag:$0x3], $0x80, s25, s26, $0xb8;
	[tilespmem:$0x1D400] =	vst v63  }
0x130: {  	_ =	swait.ge [sflag:s31], $0x4000  }
0x131: {  	[sflag:s31] =	ssyncset.done $0x0  }
0x132: {  	[sflag:s31] =	ssyncadd.s32 $0xFFFFC000  }
0x133: {  	[tilespmem:s28], [sflag:$0x1] =	stream.indirect.gather [hbm4b:s5+s26], $0x80, s22, s26, $0xb8;
	[tilespmem:$0x1D400] =	vst v63  }
0x134: {  	_ =	swait.ge [sflag:s3], $0x4000  }
0x135: {  	[sflag:s3] =	ssyncset.done $0x0  }
0x136: {  	[sflag:s3] =	ssyncadd.s32 $0xFFFFC000  }
0x137: {  	[spmem:s1] =	stream.indirect.scatter.add.f32 [tilespmem:s29], [sflag:$0x4], $0x80, s13, s26, $0xb8;
	[tilespmem:$0x1D400] =	vst v63  }
0x138: {  	s18 =	sadd.s32 $0x5A0, s18  }
0x139: {  	[tilespmem:s10], [sflag:$0x5] =	stream.linear.gather [hbm4b:s18+s2], $0x300, $0x38;
	[tilespmem:$0x1D400] =	vst v63  }
0x13a: {  	s21 =	sadd.s32 $0x5A0, s21  }
0x13b: {  	[tilespmem:s11], [sflag:$0x5] =	stream.linear.gather [hbm4b:s21+s2], $0x300, $0x38;
	[tilespmem:$0x1D400] =	vst v63  }
0x13c: {  	_ =	swait.ge [sflag:s12], $0x4000  }
0x13d: {  	[sflag:s12] =	ssyncset.done $0x0  }
0x13e: {  	[sflag:s12] =	ssyncadd.s32 $0xFFFFC000  }
0x13f: {  	[tilespmem:s29], [sflag:$0x2] =	stream.indirect.gather [hbm4b:s5+s26], $0x80, s14, s26, $0xb8;
	[tilespmem:$0x1D400] =	vst v63  }
0x140: {  	_ =	swait.ge [sflag:s30], $0x4000  }
0x141: {  	[sflag:s30] =	ssyncset.done $0x0  }
0x142: {  	[sflag:s30] =	ssyncadd.s32 $0xFFFFC000  }
0x143: {  	[spmem:s1] =	stream.indirect.scatter.add.f32 [tilespmem:s28], [sflag:$0x3], $0x80, s15, s26, $0xb8;
	[tilespmem:$0x1D400] =	vst v63  }
0x144: {  	_ =	swait.ge [sflag:s31], $0x4000  }
0x145: {  	[sflag:s31] =	ssyncset.done $0x0  }
0x146: {  	[sflag:s31] =	ssyncadd.s32 $0xFFFFC000  }
0x147: {  	[tilespmem:s28], [sflag:$0x1] =	stream.indirect.gather [hbm4b:s5+s26], $0x80, s16, s26, $0xb8;
	[tilespmem:$0x1D400] =	vst v63  }
0x148: {  	_ =	swait.ge [sflag:s3], $0x4000  }
0x149: {  	[sflag:s3] =	ssyncset.done $0x0  }
0x14a: {  	[sflag:s3] =	ssyncadd.s32 $0xFFFFC000  }
0x14b: {  	[spmem:s1] =	stream.indirect.scatter.add.f32 [tilespmem:s29], [sflag:$0x4], $0x80, s17, s26, $0xb8;
	[tilespmem:$0x1D400] =	vst v63  }
0x14c: {  	_ =	swait.ge [sflag:s12], $0x4000  }
0x14d: {  	[sflag:s12] =	ssyncset.done $0x0  }
0x14e: {  	[sflag:s12] =	ssyncadd.s32 $0xFFFFC000  }
0x14f: {  	[tilespmem:s29], [sflag:$0x2] =	stream.indirect.gather [hbm4b:s5+s26], $0x80, s23, s26, $0xb8;
	[tilespmem:$0x1D400] =	vst v63  }
0x150: {  	_ =	swait.ge [sflag:s30], $0x4000  }
0x151: {  	[sflag:s30] =	ssyncset.done $0x0  }
0x152: {  	s22 =	simm.s32 $0x500;
	[sflag:s30] =	ssyncadd.s32 $0xFFFFC000  }
0x153: {  	[spmem:s1] =	stream.indirect.scatter.add.f32 [tilespmem:s28], [sflag:$0x3], $0x80, s22, s26, $0xb8;
	[tilespmem:$0x1D400] =	vst v63  }
0x154: {  	_ =	swait.ge [sflag:s19], $0x300  }
0x155: {  	s9 =	simm.s32 $0x380;
	s13 =	simm.s32 $0x180;
	[sflag:s19] =	ssyncset.done $0x0  }
0x156: {  	s18 =	simm.s32 $0xFFFFFC40;
	s14 =	simm.s32 $0x400;
	[sflag:s19] =	ssyncadd.s32 $0xFFFFFD00  }
0x157: {  	s15 =	simm.s32 $0x200;
	s16 =	simm.s32 $0x480;
	_ =	swait.ge [sflag:s19], $0x300  }
0x158: {  	s17 =	simm.s32 $0x280;
	s23 =	simm.s32 $0x500;
	[sflag:s19] =	ssyncset.done $0x0  }
.LBB2_10:
0x159: {  	p1 =	sne.s32 s18, $0xFFFFFF40  }
0x15a: {  	[sflag:s19] =	ssyncadd.s32 $0xFFFFFD00;
	s21 =	smov.u32 s18;
	s18 =	sadd.s32 $0xC0, s18  }
0x15b: {  	_ =	swait.ge [sflag:s31], $0x4000  }
0x15c: {  	[sflag:s31] =	ssyncset.done $0x0  }
0x15d: {  	[sflag:s31] =	ssyncadd.s32 $0xFFFFC000  }
0x15e: {  	[tilespmem:s28], [sflag:$0x1] =	stream.indirect.gather [hbm4b:s5+s26], $0x80, s10, s26, $0xb8;
	[tilespmem:$0x1D400] =	vst v63  }
0x15f: {  	_ =	swait.ge [sflag:s3], $0x4000  }
0x160: {  	[sflag:s3] =	ssyncset.done $0x0  }
0x161: {  	s20 =	simm.s32 $0x580;
	[sflag:s3] =	ssyncadd.s32 $0xFFFFC000  }
0x162: {  	[spmem:s1] =	stream.indirect.scatter.add.f32 [tilespmem:s29], [sflag:$0x4], $0x80, s20, s26, $0xb8;
	[tilespmem:$0x1D400] =	vst v63  }
0x163: {  	_ =	swait.ge [sflag:s12], $0x4000  }
0x164: {  	[sflag:s12] =	ssyncset.done $0x0  }
0x165: {  	s20 =	simm.s32 $0x680;
	[sflag:s12] =	ssyncadd.s32 $0xFFFFC000  }
0x166: {  	[tilespmem:s29], [sflag:$0x2] =	stream.indirect.gather [hbm4b:s5+s26], $0x80, s20, s26, $0xb8;
	[tilespmem:$0x1D400] =	vst v63  }
0x167: {  	_ =	swait.ge [sflag:s30], $0x4000  }
0x168: {  	[sflag:s30] =	ssyncset.done $0x0  }
0x169: {  	[sflag:s30] =	ssyncadd.s32 $0xFFFFC000  }
0x16a: {  	[spmem:s1] =	stream.indirect.scatter.add.f32 [tilespmem:s28], [sflag:$0x3], $0x80, s11, s26, $0xb8;
	[tilespmem:$0x1D400] =	vst v63  }
0x16b: {  	_ =	swait.ge [sflag:s31], $0x4000  }
0x16c: {  	[sflag:s31] =	ssyncset.done $0x0  }
0x16d: {  	s20 =	simm.s32 $0x700;
	[sflag:s31] =	ssyncadd.s32 $0xFFFFC000  }
0x16e: {  	[tilespmem:s28], [sflag:$0x1] =	stream.indirect.gather [hbm4b:s5+s26], $0x80, s20, s26, $0xb8;
	[tilespmem:$0x1D400] =	vst v63  }
0x16f: {  	_ =	swait.ge [sflag:s3], $0x4000  }
0x170: {  	[sflag:s3] =	ssyncset.done $0x0  }
0x171: {  	s22 =	simm.s32 $0x980;
	s20 =	sadd.s32 s21, s7;
	[sflag:s3] =	ssyncadd.s32 $0xFFFFC000  }
0x172: {  	[spmem:s1] =	stream.indirect.scatter.add.f32 [tilespmem:s29], [sflag:$0x4], $0x80, s22, s26, $0xb8;
	[tilespmem:$0x1D400] =	vst v63  }
0x173: {  	s21 =	sadd.s32 s21, s8;
	s22 =	sadd.s32 $0x540, s20  }
0x174: {  	[tilespmem:s2], [sflag:$0x5] =	stream.linear.gather [hbm4b:s22+s2], $0x300, $0x38;
	[tilespmem:$0x1D400] =	vst v63  }
0x175: {  	s22 =	sadd.s32 $0x540, s21  }
0x176: {  	[tilespmem:s25], [sflag:$0x5] =	stream.linear.gather [hbm4b:s22+s2], $0x300, $0x38;
	[tilespmem:$0x1D400] =	vst v63  }
0x177: {  	s22 =	simm.s32 $0x100  }
0x178: {  	_ =	swait.ge [sflag:s12], $0x4000  }
0x179: {  	[sflag:s12] =	ssyncset.done $0x0  }
0x17a: {  	s0 =	simm.s32 $0x780;
	[sflag:s12] =	ssyncadd.s32 $0xFFFFC000  }
0x17b: {  	[tilespmem:s29], [sflag:$0x2] =	stream.indirect.gather [hbm4b:s5+s26], $0x80, s0, s26, $0xb8;
	[tilespmem:$0x1D400] =	vst v63  }
0x17c: {  	_ =	swait.ge [sflag:s30], $0x4000  }
0x17d: {  	[sflag:s30] =	ssyncset.done $0x0  }
0x17e: {  	s0 =	simm.s32 $0xA00;
	[sflag:s30] =	ssyncadd.s32 $0xFFFFC000  }
0x17f: {  	[spmem:s1] =	stream.indirect.scatter.add.f32 [tilespmem:s28], [sflag:$0x3], $0x80, s0, s26, $0xb8;
	[tilespmem:$0x1D400] =	vst v63  }
0x180: {  	_ =	swait.ge [sflag:s31], $0x4000  }
0x181: {  	[sflag:s31] =	ssyncset.done $0x0  }
0x182: {  	s0 =	simm.s32 $0x800;
	[sflag:s31] =	ssyncadd.s32 $0xFFFFC000  }
0x183: {  	[tilespmem:s28], [sflag:$0x1] =	stream.indirect.gather [hbm4b:s5+s26], $0x80, s0, s26, $0xb8;
	[tilespmem:$0x1D400] =	vst v63  }
0x184: {  	_ =	swait.ge [sflag:s3], $0x4000  }
0x185: {  	[sflag:s3] =	ssyncset.done $0x0  }
0x186: {  	s0 =	simm.s32 $0xA80;
	[sflag:s3] =	ssyncadd.s32 $0xFFFFC000  }
0x187: {  	[spmem:s1] =	stream.indirect.scatter.add.f32 [tilespmem:s29], [sflag:$0x4], $0x80, s0, s26, $0xb8;
	[tilespmem:$0x1D400] =	vst v63  }
0x188: {  	_ =	swait.ge [sflag:s12], $0x4000  }
0x189: {  	[sflag:s12] =	ssyncset.done $0x0  }
0x18a: {  	s0 =	simm.s32 $0x880;
	[sflag:s12] =	ssyncadd.s32 $0xFFFFC000  }
0x18b: {  	[tilespmem:s29], [sflag:$0x2] =	stream.indirect.gather [hbm4b:s5+s26], $0x80, s0, s26, $0xb8;
	[tilespmem:$0x1D400] =	vst v63  }
0x18c: {  	_ =	swait.ge [sflag:s30], $0x4000  }
0x18d: {  	[sflag:s30] =	ssyncset.done $0x0  }
0x18e: {  	s0 =	simm.s32 $0xB00;
	[sflag:s30] =	ssyncadd.s32 $0xFFFFC000  }
0x18f: {  	[spmem:s1] =	stream.indirect.scatter.add.f32 [tilespmem:s28], [sflag:$0x3], $0x80, s0, s26, $0xb8;
	[tilespmem:$0x1D400] =	vst v63  }
0x190: {  	_ =	swait.ge [sflag:s19], $0x300  }
0x191: {  	[sflag:s19] =	ssyncset.done $0x0  }
0x192: {  	[sflag:s19] =	ssyncadd.s32 $0xFFFFFD00  }
0x193: {  	_ =	swait.ge [sflag:s19], $0x300  }
0x194: {  	[sflag:s19] =	ssyncset.done $0x0  }
0x195: {  	[sflag:s19] =	ssyncadd.s32 $0xFFFFFD00  }
0x196: {  	_ =	swait.ge [sflag:s31], $0x4000  }
0x197: {  	[sflag:s31] =	ssyncset.done $0x0  }
0x198: {  	[sflag:s31] =	ssyncadd.s32 $0xFFFFC000  }
0x199: {  	[tilespmem:s28], [sflag:$0x1] =	stream.indirect.gather [hbm4b:s5+s26], $0x80, s2, s26, $0xb8;
	[tilespmem:$0x1D400] =	vst v63  }
0x19a: {  	_ =	swait.ge [sflag:s3], $0x4000  }
0x19b: {  	[sflag:s3] =	ssyncset.done $0x0  }
0x19c: {  	s0 =	simm.s32 $0xB80;
	[sflag:s3] =	ssyncadd.s32 $0xFFFFC000  }
0x19d: {  	[spmem:s1] =	stream.indirect.scatter.add.f32 [tilespmem:s29], [sflag:$0x4], $0x80, s0, s26, $0xb8;
	[tilespmem:$0x1D400] =	vst v63  }
0x19e: {  	_ =	swait.ge [sflag:s12], $0x4000  }
0x19f: {  	[sflag:s12] =	ssyncset.done $0x0  }
0x1a0: {  	[sflag:s12] =	ssyncadd.s32 $0xFFFFC000  }
0x1a1: {  	[tilespmem:s29], [sflag:$0x2] =	stream.indirect.gather [hbm4b:s5+s26], $0x80, s26, s26, $0xb8;
	[tilespmem:$0x1D400] =	vst v63  }
0x1a2: {  	_ =	swait.ge [sflag:s30], $0x4000  }
0x1a3: {  	[sflag:s30] =	ssyncset.done $0x0  }
0x1a4: {  	[sflag:s30] =	ssyncadd.s32 $0xFFFFC000  }
0x1a5: {  	[spmem:s1] =	stream.indirect.scatter.add.f32 [tilespmem:s28], [sflag:$0x3], $0x80, s25, s26, $0xb8;
	[tilespmem:$0x1D400] =	vst v63  }
0x1a6: {  	_ =	swait.ge [sflag:s31], $0x4000  }
0x1a7: {  	[sflag:s31] =	ssyncset.done $0x0  }
0x1a8: {  	[sflag:s31] =	ssyncadd.s32 $0xFFFFC000  }
0x1a9: {  	[tilespmem:s28], [sflag:$0x1] =	stream.indirect.gather [hbm4b:s5+s26], $0x80, s22, s26, $0xb8;
	[tilespmem:$0x1D400] =	vst v63  }
0x1aa: {  	_ =	swait.ge [sflag:s3], $0x4000  }
0x1ab: {  	[sflag:s3] =	ssyncset.done $0x0  }
0x1ac: {  	[sflag:s3] =	ssyncadd.s32 $0xFFFFC000  }
0x1ad: {  	[spmem:s1] =	stream.indirect.scatter.add.f32 [tilespmem:s29], [sflag:$0x4], $0x80, s9, s26, $0xb8;
	[tilespmem:$0x1D400] =	vst v63  }
0x1ae: {  	s20 =	sadd.s32 $0x5A0, s20  }
0x1af: {  	[tilespmem:s10], [sflag:$0x5] =	stream.linear.gather [hbm4b:s20+s2], $0x300, $0x38;
	[tilespmem:$0x1D400] =	vst v63  }
0x1b0: {  	s20 =	sadd.s32 $0x5A0, s21  }
0x1b1: {  	[tilespmem:s11], [sflag:$0x5] =	stream.linear.gather [hbm4b:s20+s2], $0x300, $0x38;
	[tilespmem:$0x1D400] =	vst v63  }
0x1b2: {  	_ =	swait.ge [sflag:s12], $0x4000  }
0x1b3: {  	[sflag:s12] =	ssyncset.done $0x0  }
0x1b4: {  	[sflag:s12] =	ssyncadd.s32 $0xFFFFC000  }
0x1b5: {  	[tilespmem:s29], [sflag:$0x2] =	stream.indirect.gather [hbm4b:s5+s26], $0x80, s13, s26, $0xb8;
	[tilespmem:$0x1D400] =	vst v63  }
0x1b6: {  	_ =	swait.ge [sflag:s30], $0x4000  }
0x1b7: {  	[sflag:s30] =	ssyncset.done $0x0  }
0x1b8: {  	[sflag:s30] =	ssyncadd.s32 $0xFFFFC000  }
0x1b9: {  	[spmem:s1] =	stream.indirect.scatter.add.f32 [tilespmem:s28], [sflag:$0x3], $0x80, s14, s26, $0xb8;
	[tilespmem:$0x1D400] =	vst v63  }
0x1ba: {  	_ =	swait.ge [sflag:s31], $0x4000  }
0x1bb: {  	[sflag:s31] =	ssyncset.done $0x0  }
0x1bc: {  	[sflag:s31] =	ssyncadd.s32 $0xFFFFC000  }
0x1bd: {  	[tilespmem:s28], [sflag:$0x1] =	stream.indirect.gather [hbm4b:s5+s26], $0x80, s15, s26, $0xb8;
	[tilespmem:$0x1D400] =	vst v63  }
0x1be: {  	_ =	swait.ge [sflag:s3], $0x4000  }
0x1bf: {  	[sflag:s3] =	ssyncset.done $0x0  }
0x1c0: {  	[sflag:s3] =	ssyncadd.s32 $0xFFFFC000  }
0x1c1: {  	[spmem:s1] =	stream.indirect.scatter.add.f32 [tilespmem:s29], [sflag:$0x4], $0x80, s16, s26, $0xb8;
	[tilespmem:$0x1D400] =	vst v63  }
0x1c2: {  	_ =	swait.ge [sflag:s12], $0x4000  }
0x1c3: {  	[sflag:s12] =	ssyncset.done $0x0  }
0x1c4: {  	[sflag:s12] =	ssyncadd.s32 $0xFFFFC000  }
0x1c5: {  	[tilespmem:s29], [sflag:$0x2] =	stream.indirect.gather [hbm4b:s5+s26], $0x80, s17, s26, $0xb8;
	[tilespmem:$0x1D400] =	vst v63  }
0x1c6: {  	_ =	swait.ge [sflag:s30], $0x4000  }
0x1c7: {  	[sflag:s30] =	ssyncset.done $0x0  }
0x1c8: {  	[sflag:s30] =	ssyncadd.s32 $0xFFFFC000  }
0x1c9: {  	[spmem:s1] =	stream.indirect.scatter.add.f32 [tilespmem:s28], [sflag:$0x3], $0x80, s23, s26, $0xb8;
	[tilespmem:$0x1D400] =	vst v63  }
.Ltmp5:
0x1ca: {  	_ =	swait.ge [sflag:s19], $0x300;
	(pc) =	sbr.rel @p1 .LBB2_10-.Ltmp5, $4  }
0x1cb: {  	[sflag:s19] =	ssyncset.done $0x0  }
0x1cc: {  	[sflag:s19] =	ssyncadd.s32 $0xFFFFFD00  }
0x1cd: {  	_ =	swait.ge [sflag:s19], $0x300  }
0x1ce: {  	[sflag:s19] =	ssyncset.done $0x0  }
.Ltmp6:
0x1cf: {  	(pc) =	sbr.rel .LBB2_12-.Ltmp6, $3  }
0x1d0: {  	_ =	sdelay $0x1  }
0x1d1: {  	[sflag:s19] =	ssyncadd.s32 $0xFFFFFD00  }
0x1d2: {  	s18 =	smov.u32 s5;
	s21 =	simm.s32 $0x8C00;
	s9 =	rddreg [dreg:$0x11]  }
.LBB2_6:
0x1d3: {  	[tilespmem:s28], [sflag:$0x1] =	stream.indirect.gather [hbm4b:s4+s26], $0x80, s2, s26, $0xb8;
	[tilespmem:$0x1D400] =	vst v63  }
0x1d4: {  	_ = 	snop  }
0x1d5: {  	[tilespmem:s29], [sflag:$0x2] =	stream.indirect.gather [hbm4b:s4+s26], $0x80, s26, s26, $0xb8;
	[tilespmem:$0x1D400] =	vst v63  }
0x1d6: {  	_ =	swait.ge [sflag:s30], $0x4000  }
0x1d7: {  	[sflag:s30] =	ssyncset.done $0x0  }
0x1d8: {  	[sflag:s30] =	ssyncadd.s32 $0xFFFFC000  }
0x1d9: {  	[spmem:s1] =	stream.indirect.scatter.add.f32 [tilespmem:s28], [sflag:$0x3], $0x80, s25, s26, $0xb8;
	[tilespmem:$0x1D400] =	vst v63  }
0x1da: {  	_ =	swait.ge [sflag:s31], $0x4000  }
0x1db: {  	[sflag:s31] =	ssyncset.done $0x0  }
0x1dc: {  	[sflag:s31] =	ssyncadd.s32 $0xFFFFC000  }
0x1dd: {  	[tilespmem:s28], [sflag:$0x1] =	stream.indirect.gather [hbm4b:s4+s26], $0x80, s22, s26, $0xb8;
	[tilespmem:$0x1D400] =	vst v63  }
0x1de: {  	_ =	swait.ge [sflag:s3], $0x4000  }
0x1df: {  	[sflag:s3] =	ssyncset.done $0x0  }
0x1e0: {  	s13 =	simm.s32 $0x380;
	[sflag:s3] =	ssyncadd.s32 $0xFFFFC000  }
0x1e1: {  	[spmem:s1] =	stream.indirect.scatter.add.f32 [tilespmem:s29], [sflag:$0x4], $0x80, s13, s26, $0xb8;
	[tilespmem:$0x1D400] =	vst v63  }
0x1e2: {  	s18 =	rddreg [dreg:$0x3]  }
0x1e3: {  	[tilespmem:s10], [sflag:$0x5] =	stream.linear.gather [hbm4b:s18+s2], $0x300, $0x38;
	[tilespmem:$0x1D400] =	vst v63  }
0x1e4: {  	s0 =	rddreg [dreg:$0x4]  }
0x1e5: {  	[tilespmem:s11], [sflag:$0x5] =	stream.linear.gather [hbm4b:s0+s2], $0x300, $0x38;
	[tilespmem:$0x1D400] =	vst v63  }
0x1e6: {  	_ =	swait.ge [sflag:s12], $0x4000  }
0x1e7: {  	[sflag:s12] =	ssyncset.done $0x0  }
0x1e8: {  	s14 =	simm.s32 $0x180;
	[sflag:s12] =	ssyncadd.s32 $0xFFFFC000  }
0x1e9: {  	[tilespmem:s29], [sflag:$0x2] =	stream.indirect.gather [hbm4b:s4+s26], $0x80, s14, s26, $0xb8;
	[tilespmem:$0x1D400] =	vst v63  }
0x1ea: {  	_ =	swait.ge [sflag:s30], $0x4000  }
0x1eb: {  	[sflag:s30] =	ssyncset.done $0x0  }
0x1ec: {  	s15 =	simm.s32 $0x400;
	[sflag:s30] =	ssyncadd.s32 $0xFFFFC000  }
0x1ed: {  	[spmem:s1] =	stream.indirect.scatter.add.f32 [tilespmem:s28], [sflag:$0x3], $0x80, s15, s26, $0xb8;
	[tilespmem:$0x1D400] =	vst v63  }
0x1ee: {  	_ =	swait.ge [sflag:s31], $0x4000  }
0x1ef: {  	[sflag:s31] =	ssyncset.done $0x0  }
0x1f0: {  	s16 =	simm.s32 $0x200;
	[sflag:s31] =	ssyncadd.s32 $0xFFFFC000  }
0x1f1: {  	[tilespmem:s28], [sflag:$0x1] =	stream.indirect.gather [hbm4b:s4+s26], $0x80, s16, s26, $0xb8;
	[tilespmem:$0x1D400] =	vst v63  }
0x1f2: {  	_ =	swait.ge [sflag:s3], $0x4000  }
0x1f3: {  	[sflag:s3] =	ssyncset.done $0x0  }
0x1f4: {  	s17 =	simm.s32 $0x480;
	[sflag:s3] =	ssyncadd.s32 $0xFFFFC000  }
0x1f5: {  	[spmem:s1] =	stream.indirect.scatter.add.f32 [tilespmem:s29], [sflag:$0x4], $0x80, s17, s26, $0xb8;
	[tilespmem:$0x1D400] =	vst v63  }
0x1f6: {  	_ =	swait.ge [sflag:s12], $0x4000  }
0x1f7: {  	[sflag:s12] =	ssyncset.done $0x0  }
0x1f8: {  	s23 =	simm.s32 $0x280;
	[sflag:s12] =	ssyncadd.s32 $0xFFFFC000  }
0x1f9: {  	[tilespmem:s29], [sflag:$0x2] =	stream.indirect.gather [hbm4b:s4+s26], $0x80, s23, s26, $0xb8;
	[tilespmem:$0x1D400] =	vst v63  }
0x1fa: {  	_ =	swait.ge [sflag:s30], $0x4000  }
0x1fb: {  	[sflag:s30] =	ssyncset.done $0x0  }
0x1fc: {  	s0 =	simm.s32 $0x500;
	[sflag:s30] =	ssyncadd.s32 $0xFFFFC000  }
0x1fd: {  	[spmem:s1] =	stream.indirect.scatter.add.f32 [tilespmem:s28], [sflag:$0x3], $0x80, s0, s26, $0xb8;
	[tilespmem:$0x1D400] =	vst v63  }
0x1fe: {  	_ =	swait.ge [sflag:s19], $0x300  }
0x1ff: {  	[sflag:s19] =	ssyncset.done $0x0  }
0x200: {  	[sflag:s19] =	ssyncadd.s32 $0xFFFFFD00  }
0x201: {  	_ =	swait.ge [sflag:s19], $0x300  }
0x202: {  	[sflag:s19] =	ssyncset.done $0x0  }
0x203: {  	[sflag:s19] =	ssyncadd.s32 $0xFFFFFD00  }
0x204: {  	_ =	swait.ge [sflag:s31], $0x4000  }
0x205: {  	[sflag:s31] =	ssyncset.done $0x0  }
0x206: {  	[sflag:s31] =	ssyncadd.s32 $0xFFFFC000  }
0x207: {  	[tilespmem:s28], [sflag:$0x1] =	stream.indirect.gather [hbm4b:s4+s26], $0x80, s10, s26, $0xb8;
	[tilespmem:$0x1D400] =	vst v63  }
0x208: {  	_ =	swait.ge [sflag:s3], $0x4000  }
0x209: {  	[sflag:s3] =	ssyncset.done $0x0  }
0x20a: {  	s9 =	simm.s32 $0x580;
	[sflag:s3] =	ssyncadd.s32 $0xFFFFC000  }
0x20b: {  	[spmem:s1] =	stream.indirect.scatter.add.f32 [tilespmem:s29], [sflag:$0x4], $0x80, s9, s26, $0xb8;
	[tilespmem:$0x1D400] =	vst v63  }
0x20c: {  	_ =	swait.ge [sflag:s12], $0x4000  }
0x20d: {  	[sflag:s12] =	ssyncset.done $0x0  }
0x20e: {  	s18 =	simm.s32 $0x680;
	[sflag:s12] =	ssyncadd.s32 $0xFFFFC000  }
0x20f: {  	[tilespmem:s29], [sflag:$0x2] =	stream.indirect.gather [hbm4b:s4+s26], $0x80, s18, s26, $0xb8;
	[tilespmem:$0x1D400] =	vst v63  }
0x210: {  	_ =	swait.ge [sflag:s30], $0x4000  }
0x211: {  	[sflag:s30] =	ssyncset.done $0x0  }
0x212: {  	[sflag:s30] =	ssyncadd.s32 $0xFFFFC000  }
0x213: {  	[spmem:s1] =	stream.indirect.scatter.add.f32 [tilespmem:s28], [sflag:$0x3], $0x80, s11, s26, $0xb8;
	[tilespmem:$0x1D400] =	vst v63  }
0x214: {  	_ =	swait.ge [sflag:s31], $0x4000  }
0x215: {  	[sflag:s31] =	ssyncset.done $0x0  }
0x216: {  	s20 =	simm.s32 $0x700;
	[sflag:s31] =	ssyncadd.s32 $0xFFFFC000  }
0x217: {  	[tilespmem:s28], [sflag:$0x1] =	stream.indirect.gather [hbm4b:s4+s26], $0x80, s20, s26, $0xb8;
	[tilespmem:$0x1D400] =	vst v63  }
0x218: {  	_ =	swait.ge [sflag:s3], $0x4000  }
0x219: {  	[sflag:s3] =	ssyncset.done $0x0  }
0x21a: {  	s21 =	simm.s32 $0x980;
	s18 =	sadd.s32 $0xFFFFFB80, s7;
	[sflag:s3] =	ssyncadd.s32 $0xFFFFC000  }
0x21b: {  	[spmem:s1] =	stream.indirect.scatter.add.f32 [tilespmem:s29], [sflag:$0x4], $0x80, s21, s26, $0xb8;
	[tilespmem:$0x1D400] =	vst v63  }
0x21c: {  	s20 =	sadd.s32 $0x540, s18;
	s21 =	sadd.s32 $0xFFFFFB80, s8  }
0x21d: {  	[tilespmem:s2], [sflag:$0x5] =	stream.linear.gather [hbm4b:s20+s2], $0x300, $0x38;
	[tilespmem:$0x1D400] =	vst v63  }
0x21e: {  	s9 =	sadd.s32 $0x540, s21  }
0x21f: {  	[tilespmem:s25], [sflag:$0x5] =	stream.linear.gather [hbm4b:s9+s2], $0x300, $0x38;
	[tilespmem:$0x1D400] =	vst v63  }
0x220: {  	_ =	swait.ge [sflag:s12], $0x4000  }
0x221: {  	[sflag:s12] =	ssyncset.done $0x0  }
0x222: {  	s20 =	simm.s32 $0x780;
	[sflag:s12] =	ssyncadd.s32 $0xFFFFC000  }
0x223: {  	[tilespmem:s29], [sflag:$0x2] =	stream.indirect.gather [hbm4b:s4+s26], $0x80, s20, s26, $0xb8;
	[tilespmem:$0x1D400] =	vst v63  }
0x224: {  	_ =	swait.ge [sflag:s30], $0x4000  }
0x225: {  	[sflag:s30] =	ssyncset.done $0x0  }
0x226: {  	s9 =	simm.s32 $0xA00;
	[sflag:s30] =	ssyncadd.s32 $0xFFFFC000  }
0x227: {  	[spmem:s1] =	stream.indirect.scatter.add.f32 [tilespmem:s28], [sflag:$0x3], $0x80, s9, s26, $0xb8;
	[tilespmem:$0x1D400] =	vst v63  }
0x228: {  	_ =	swait.ge [sflag:s31], $0x4000  }
0x229: {  	[sflag:s31] =	ssyncset.done $0x0  }
0x22a: {  	s20 =	simm.s32 $0x800;
	[sflag:s31] =	ssyncadd.s32 $0xFFFFC000  }
0x22b: {  	[tilespmem:s28], [sflag:$0x1] =	stream.indirect.gather [hbm4b:s4+s26], $0x80, s20, s26, $0xb8;
	[tilespmem:$0x1D400] =	vst v63  }
0x22c: {  	_ =	swait.ge [sflag:s3], $0x4000  }
0x22d: {  	[sflag:s3] =	ssyncset.done $0x0  }
0x22e: {  	s9 =	simm.s32 $0xA80;
	[sflag:s3] =	ssyncadd.s32 $0xFFFFC000  }
0x22f: {  	[spmem:s1] =	stream.indirect.scatter.add.f32 [tilespmem:s29], [sflag:$0x4], $0x80, s9, s26, $0xb8;
	[tilespmem:$0x1D400] =	vst v63  }
0x230: {  	_ =	swait.ge [sflag:s12], $0x4000  }
0x231: {  	[sflag:s12] =	ssyncset.done $0x0  }
0x232: {  	s20 =	simm.s32 $0x880;
	[sflag:s12] =	ssyncadd.s32 $0xFFFFC000  }
0x233: {  	[tilespmem:s29], [sflag:$0x2] =	stream.indirect.gather [hbm4b:s4+s26], $0x80, s20, s26, $0xb8;
	[tilespmem:$0x1D400] =	vst v63  }
0x234: {  	_ =	swait.ge [sflag:s30], $0x4000  }
0x235: {  	[sflag:s30] =	ssyncset.done $0x0  }
0x236: {  	s9 =	simm.s32 $0xB00;
	[sflag:s30] =	ssyncadd.s32 $0xFFFFC000  }
0x237: {  	[spmem:s1] =	stream.indirect.scatter.add.f32 [tilespmem:s28], [sflag:$0x3], $0x80, s9, s26, $0xb8;
	[tilespmem:$0x1D400] =	vst v63  }
0x238: {  	_ =	swait.ge [sflag:s19], $0x300  }
0x239: {  	[sflag:s19] =	ssyncset.done $0x0  }
0x23a: {  	[sflag:s19] =	ssyncadd.s32 $0xFFFFFD00  }
0x23b: {  	_ =	swait.ge [sflag:s19], $0x300  }
0x23c: {  	[sflag:s19] =	ssyncset.done $0x0  }
0x23d: {  	[sflag:s19] =	ssyncadd.s32 $0xFFFFFD00  }
0x23e: {  	_ =	swait.ge [sflag:s31], $0x4000  }
0x23f: {  	[sflag:s31] =	ssyncset.done $0x0  }
0x240: {  	[sflag:s31] =	ssyncadd.s32 $0xFFFFC000  }
0x241: {  	[tilespmem:s28], [sflag:$0x1] =	stream.indirect.gather [hbm4b:s4+s26], $0x80, s2, s26, $0xb8;
	[tilespmem:$0x1D400] =	vst v63  }
0x242: {  	_ =	swait.ge [sflag:s3], $0x4000  }
0x243: {  	[sflag:s3] =	ssyncset.done $0x0  }
0x244: {  	s20 =	simm.s32 $0xB80;
	[sflag:s3] =	ssyncadd.s32 $0xFFFFC000  }
0x245: {  	[spmem:s1] =	stream.indirect.scatter.add.f32 [tilespmem:s29], [sflag:$0x4], $0x80, s20, s26, $0xb8;
	[tilespmem:$0x1D400] =	vst v63  }
0x246: {  	_ =	swait.ge [sflag:s12], $0x4000  }
0x247: {  	[sflag:s12] =	ssyncset.done $0x0  }
0x248: {  	[sflag:s12] =	ssyncadd.s32 $0xFFFFC000  }
0x249: {  	[tilespmem:s29], [sflag:$0x2] =	stream.indirect.gather [hbm4b:s4+s26], $0x80, s26, s26, $0xb8;
	[tilespmem:$0x1D400] =	vst v63  }
0x24a: {  	_ =	swait.ge [sflag:s30], $0x4000  }
0x24b: {  	[sflag:s30] =	ssyncset.done $0x0  }
0x24c: {  	[sflag:s30] =	ssyncadd.s32 $0xFFFFC000  }
0x24d: {  	[spmem:s1] =	stream.indirect.scatter.add.f32 [tilespmem:s28], [sflag:$0x3], $0x80, s25, s26, $0xb8;
	[tilespmem:$0x1D400] =	vst v63  }
0x24e: {  	_ =	swait.ge [sflag:s31], $0x4000  }
0x24f: {  	[sflag:s31] =	ssyncset.done $0x0  }
0x250: {  	[sflag:s31] =	ssyncadd.s32 $0xFFFFC000  }
0x251: {  	[tilespmem:s28], [sflag:$0x1] =	stream.indirect.gather [hbm4b:s4+s26], $0x80, s22, s26, $0xb8;
	[tilespmem:$0x1D400] =	vst v63  }
0x252: {  	_ =	swait.ge [sflag:s3], $0x4000  }
0x253: {  	[sflag:s3] =	ssyncset.done $0x0  }
0x254: {  	[sflag:s3] =	ssyncadd.s32 $0xFFFFC000  }
0x255: {  	[spmem:s1] =	stream.indirect.scatter.add.f32 [tilespmem:s29], [sflag:$0x4], $0x80, s13, s26, $0xb8;
	[tilespmem:$0x1D400] =	vst v63  }
0x256: {  	s18 =	sadd.s32 $0x5A0, s18  }
0x257: {  	[tilespmem:s10], [sflag:$0x5] =	stream.linear.gather [hbm4b:s18+s2], $0x300, $0x38;
	[tilespmem:$0x1D400] =	vst v63  }
0x258: {  	s21 =	sadd.s32 $0x5A0, s21  }
0x259: {  	[tilespmem:s11], [sflag:$0x5] =	stream.linear.gather [hbm4b:s21+s2], $0x300, $0x38;
	[tilespmem:$0x1D400] =	vst v63  }
0x25a: {  	_ =	swait.ge [sflag:s12], $0x4000  }
0x25b: {  	[sflag:s12] =	ssyncset.done $0x0  }
0x25c: {  	[sflag:s12] =	ssyncadd.s32 $0xFFFFC000  }
0x25d: {  	[tilespmem:s29], [sflag:$0x2] =	stream.indirect.gather [hbm4b:s4+s26], $0x80, s14, s26, $0xb8;
	[tilespmem:$0x1D400] =	vst v63  }
0x25e: {  	_ =	swait.ge [sflag:s30], $0x4000  }
0x25f: {  	[sflag:s30] =	ssyncset.done $0x0  }
0x260: {  	[sflag:s30] =	ssyncadd.s32 $0xFFFFC000  }
0x261: {  	[spmem:s1] =	stream.indirect.scatter.add.f32 [tilespmem:s28], [sflag:$0x3], $0x80, s15, s26, $0xb8;
	[tilespmem:$0x1D400] =	vst v63  }
0x262: {  	_ =	swait.ge [sflag:s31], $0x4000  }
0x263: {  	[sflag:s31] =	ssyncset.done $0x0  }
0x264: {  	[sflag:s31] =	ssyncadd.s32 $0xFFFFC000  }
0x265: {  	[tilespmem:s28], [sflag:$0x1] =	stream.indirect.gather [hbm4b:s4+s26], $0x80, s16, s26, $0xb8;
	[tilespmem:$0x1D400] =	vst v63  }
0x266: {  	_ =	swait.ge [sflag:s3], $0x4000  }
0x267: {  	[sflag:s3] =	ssyncset.done $0x0  }
0x268: {  	[sflag:s3] =	ssyncadd.s32 $0xFFFFC000  }
0x269: {  	[spmem:s1] =	stream.indirect.scatter.add.f32 [tilespmem:s29], [sflag:$0x4], $0x80, s17, s26, $0xb8;
	[tilespmem:$0x1D400] =	vst v63  }
0x26a: {  	_ =	swait.ge [sflag:s12], $0x4000  }
0x26b: {  	[sflag:s12] =	ssyncset.done $0x0  }
0x26c: {  	[sflag:s12] =	ssyncadd.s32 $0xFFFFC000  }
0x26d: {  	[tilespmem:s29], [sflag:$0x2] =	stream.indirect.gather [hbm4b:s4+s26], $0x80, s23, s26, $0xb8;
	[tilespmem:$0x1D400] =	vst v63  }
0x26e: {  	_ =	swait.ge [sflag:s30], $0x4000  }
0x26f: {  	[sflag:s30] =	ssyncset.done $0x0  }
0x270: {  	s22 =	simm.s32 $0x500;
	[sflag:s30] =	ssyncadd.s32 $0xFFFFC000  }
0x271: {  	[spmem:s1] =	stream.indirect.scatter.add.f32 [tilespmem:s28], [sflag:$0x3], $0x80, s22, s26, $0xb8;
	[tilespmem:$0x1D400] =	vst v63  }
0x272: {  	_ =	swait.ge [sflag:s19], $0x300  }
0x273: {  	s9 =	simm.s32 $0x380;
	s13 =	simm.s32 $0x180;
	[sflag:s19] =	ssyncset.done $0x0  }
0x274: {  	s18 =	simm.s32 $0xFFFFFC40;
	s14 =	simm.s32 $0x400;
	[sflag:s19] =	ssyncadd.s32 $0xFFFFFD00  }
0x275: {  	s15 =	simm.s32 $0x200;
	s16 =	simm.s32 $0x480;
	_ =	swait.ge [sflag:s19], $0x300  }
0x276: {  	s17 =	simm.s32 $0x280;
	s23 =	simm.s32 $0x500;
	[sflag:s19] =	ssyncset.done $0x0  }
.LBB2_7:
0x277: {  	p1 =	seq.s32 s18, $0xFFFFFF40  }
0x278: {  	[sflag:s19] =	ssyncadd.s32 $0xFFFFFD00;
	s21 =	smov.u32 s18;
	s18 =	sadd.s32 $0xC0, s18  }
0x279: {  	_ =	swait.ge [sflag:s31], $0x4000  }
0x27a: {  	[sflag:s31] =	ssyncset.done $0x0  }
0x27b: {  	[sflag:s31] =	ssyncadd.s32 $0xFFFFC000  }
0x27c: {  	[tilespmem:s28], [sflag:$0x1] =	stream.indirect.gather [hbm4b:s4+s26], $0x80, s10, s26, $0xb8;
	[tilespmem:$0x1D400] =	vst v63  }
0x27d: {  	_ =	swait.ge [sflag:s3], $0x4000  }
0x27e: {  	[sflag:s3] =	ssyncset.done $0x0  }
0x27f: {  	s20 =	simm.s32 $0x580;
	[sflag:s3] =	ssyncadd.s32 $0xFFFFC000  }
0x280: {  	[spmem:s1] =	stream.indirect.scatter.add.f32 [tilespmem:s29], [sflag:$0x4], $0x80, s20, s26, $0xb8;
	[tilespmem:$0x1D400] =	vst v63  }
0x281: {  	_ =	swait.ge [sflag:s12], $0x4000  }
0x282: {  	[sflag:s12] =	ssyncset.done $0x0  }
0x283: {  	s20 =	simm.s32 $0x680;
	[sflag:s12] =	ssyncadd.s32 $0xFFFFC000  }
0x284: {  	[tilespmem:s29], [sflag:$0x2] =	stream.indirect.gather [hbm4b:s4+s26], $0x80, s20, s26, $0xb8;
	[tilespmem:$0x1D400] =	vst v63  }
0x285: {  	_ =	swait.ge [sflag:s30], $0x4000  }
0x286: {  	[sflag:s30] =	ssyncset.done $0x0  }
0x287: {  	[sflag:s30] =	ssyncadd.s32 $0xFFFFC000  }
0x288: {  	[spmem:s1] =	stream.indirect.scatter.add.f32 [tilespmem:s28], [sflag:$0x3], $0x80, s11, s26, $0xb8;
	[tilespmem:$0x1D400] =	vst v63  }
0x289: {  	_ =	swait.ge [sflag:s31], $0x4000  }
0x28a: {  	[sflag:s31] =	ssyncset.done $0x0  }
0x28b: {  	s20 =	simm.s32 $0x700;
	[sflag:s31] =	ssyncadd.s32 $0xFFFFC000  }
0x28c: {  	[tilespmem:s28], [sflag:$0x1] =	stream.indirect.gather [hbm4b:s4+s26], $0x80, s20, s26, $0xb8;
	[tilespmem:$0x1D400] =	vst v63  }
0x28d: {  	_ =	swait.ge [sflag:s3], $0x4000  }
0x28e: {  	[sflag:s3] =	ssyncset.done $0x0  }
0x28f: {  	s22 =	simm.s32 $0x980;
	s20 =	sadd.s32 s21, s7;
	[sflag:s3] =	ssyncadd.s32 $0xFFFFC000  }
0x290: {  	[spmem:s1] =	stream.indirect.scatter.add.f32 [tilespmem:s29], [sflag:$0x4], $0x80, s22, s26, $0xb8;
	[tilespmem:$0x1D400] =	vst v63  }
0x291: {  	s21 =	sadd.s32 s21, s8;
	s22 =	sadd.s32 $0x540, s20  }
0x292: {  	[tilespmem:s2], [sflag:$0x5] =	stream.linear.gather [hbm4b:s22+s2], $0x300, $0x38;
	[tilespmem:$0x1D400] =	vst v63  }
0x293: {  	s22 =	sadd.s32 $0x540, s21  }
0x294: {  	[tilespmem:s25], [sflag:$0x5] =	stream.linear.gather [hbm4b:s22+s2], $0x300, $0x38;
	[tilespmem:$0x1D400] =	vst v63  }
0x295: {  	s22 =	simm.s32 $0x100  }
0x296: {  	_ =	swait.ge [sflag:s12], $0x4000  }
0x297: {  	[sflag:s12] =	ssyncset.done $0x0  }
0x298: {  	s0 =	simm.s32 $0x780;
	[sflag:s12] =	ssyncadd.s32 $0xFFFFC000  }
0x299: {  	[tilespmem:s29], [sflag:$0x2] =	stream.indirect.gather [hbm4b:s4+s26], $0x80, s0, s26, $0xb8;
	[tilespmem:$0x1D400] =	vst v63  }
0x29a: {  	_ =	swait.ge [sflag:s30], $0x4000  }
0x29b: {  	[sflag:s30] =	ssyncset.done $0x0  }
0x29c: {  	s0 =	simm.s32 $0xA00;
	[sflag:s30] =	ssyncadd.s32 $0xFFFFC000  }
0x29d: {  	[spmem:s1] =	stream.indirect.scatter.add.f32 [tilespmem:s28], [sflag:$0x3], $0x80, s0, s26, $0xb8;
	[tilespmem:$0x1D400] =	vst v63  }
0x29e: {  	_ =	swait.ge [sflag:s31], $0x4000  }
0x29f: {  	[sflag:s31] =	ssyncset.done $0x0  }
0x2a0: {  	s0 =	simm.s32 $0x800;
	[sflag:s31] =	ssyncadd.s32 $0xFFFFC000  }
0x2a1: {  	[tilespmem:s28], [sflag:$0x1] =	stream.indirect.gather [hbm4b:s4+s26], $0x80, s0, s26, $0xb8;
	[tilespmem:$0x1D400] =	vst v63  }
0x2a2: {  	_ =	swait.ge [sflag:s3], $0x4000  }
0x2a3: {  	[sflag:s3] =	ssyncset.done $0x0  }
0x2a4: {  	s0 =	simm.s32 $0xA80;
	[sflag:s3] =	ssyncadd.s32 $0xFFFFC000  }
0x2a5: {  	[spmem:s1] =	stream.indirect.scatter.add.f32 [tilespmem:s29], [sflag:$0x4], $0x80, s0, s26, $0xb8;
	[tilespmem:$0x1D400] =	vst v63  }
0x2a6: {  	_ =	swait.ge [sflag:s12], $0x4000  }
0x2a7: {  	[sflag:s12] =	ssyncset.done $0x0  }
0x2a8: {  	s0 =	simm.s32 $0x880;
	[sflag:s12] =	ssyncadd.s32 $0xFFFFC000  }
0x2a9: {  	[tilespmem:s29], [sflag:$0x2] =	stream.indirect.gather [hbm4b:s4+s26], $0x80, s0, s26, $0xb8;
	[tilespmem:$0x1D400] =	vst v63  }
0x2aa: {  	_ =	swait.ge [sflag:s30], $0x4000  }
0x2ab: {  	[sflag:s30] =	ssyncset.done $0x0  }
0x2ac: {  	s0 =	simm.s32 $0xB00;
	[sflag:s30] =	ssyncadd.s32 $0xFFFFC000  }
0x2ad: {  	[spmem:s1] =	stream.indirect.scatter.add.f32 [tilespmem:s28], [sflag:$0x3], $0x80, s0, s26, $0xb8;
	[tilespmem:$0x1D400] =	vst v63  }
0x2ae: {  	_ =	swait.ge [sflag:s19], $0x300  }
0x2af: {  	[sflag:s19] =	ssyncset.done $0x0  }
0x2b0: {  	[sflag:s19] =	ssyncadd.s32 $0xFFFFFD00  }
0x2b1: {  	_ =	swait.ge [sflag:s19], $0x300  }
0x2b2: {  	[sflag:s19] =	ssyncset.done $0x0  }
0x2b3: {  	[sflag:s19] =	ssyncadd.s32 $0xFFFFFD00  }
0x2b4: {  	_ =	swait.ge [sflag:s31], $0x4000  }
0x2b5: {  	[sflag:s31] =	ssyncset.done $0x0  }
0x2b6: {  	[sflag:s31] =	ssyncadd.s32 $0xFFFFC000  }
0x2b7: {  	[tilespmem:s28], [sflag:$0x1] =	stream.indirect.gather [hbm4b:s4+s26], $0x80, s2, s26, $0xb8;
	[tilespmem:$0x1D400] =	vst v63  }
0x2b8: {  	_ =	swait.ge [sflag:s3], $0x4000  }
0x2b9: {  	[sflag:s3] =	ssyncset.done $0x0  }
0x2ba: {  	s0 =	simm.s32 $0xB80;
	[sflag:s3] =	ssyncadd.s32 $0xFFFFC000  }
0x2bb: {  	[spmem:s1] =	stream.indirect.scatter.add.f32 [tilespmem:s29], [sflag:$0x4], $0x80, s0, s26, $0xb8;
	[tilespmem:$0x1D400] =	vst v63  }
0x2bc: {  	_ =	swait.ge [sflag:s12], $0x4000  }
0x2bd: {  	[sflag:s12] =	ssyncset.done $0x0  }
0x2be: {  	[sflag:s12] =	ssyncadd.s32 $0xFFFFC000  }
0x2bf: {  	[tilespmem:s29], [sflag:$0x2] =	stream.indirect.gather [hbm4b:s4+s26], $0x80, s26, s26, $0xb8;
	[tilespmem:$0x1D400] =	vst v63  }
0x2c0: {  	_ =	swait.ge [sflag:s30], $0x4000  }
0x2c1: {  	[sflag:s30] =	ssyncset.done $0x0  }
0x2c2: {  	[sflag:s30] =	ssyncadd.s32 $0xFFFFC000  }
0x2c3: {  	[spmem:s1] =	stream.indirect.scatter.add.f32 [tilespmem:s28], [sflag:$0x3], $0x80, s25, s26, $0xb8;
	[tilespmem:$0x1D400] =	vst v63  }
0x2c4: {  	_ =	swait.ge [sflag:s31], $0x4000  }
0x2c5: {  	[sflag:s31] =	ssyncset.done $0x0  }
0x2c6: {  	[sflag:s31] =	ssyncadd.s32 $0xFFFFC000  }
0x2c7: {  	[tilespmem:s28], [sflag:$0x1] =	stream.indirect.gather [hbm4b:s4+s26], $0x80, s22, s26, $0xb8;
	[tilespmem:$0x1D400] =	vst v63  }
0x2c8: {  	_ =	swait.ge [sflag:s3], $0x4000  }
0x2c9: {  	[sflag:s3] =	ssyncset.done $0x0  }
0x2ca: {  	[sflag:s3] =	ssyncadd.s32 $0xFFFFC000  }
0x2cb: {  	[spmem:s1] =	stream.indirect.scatter.add.f32 [tilespmem:s29], [sflag:$0x4], $0x80, s9, s26, $0xb8;
	[tilespmem:$0x1D400] =	vst v63  }
0x2cc: {  	s20 =	sadd.s32 $0x5A0, s20  }
0x2cd: {  	[tilespmem:s10], [sflag:$0x5] =	stream.linear.gather [hbm4b:s20+s2], $0x300, $0x38;
	[tilespmem:$0x1D400] =	vst v63  }
0x2ce: {  	s20 =	sadd.s32 $0x5A0, s21  }
0x2cf: {  	[tilespmem:s11], [sflag:$0x5] =	stream.linear.gather [hbm4b:s20+s2], $0x300, $0x38;
	[tilespmem:$0x1D400] =	vst v63  }
0x2d0: {  	_ =	swait.ge [sflag:s12], $0x4000  }
0x2d1: {  	[sflag:s12] =	ssyncset.done $0x0  }
0x2d2: {  	[sflag:s12] =	ssyncadd.s32 $0xFFFFC000  }
0x2d3: {  	[tilespmem:s29], [sflag:$0x2] =	stream.indirect.gather [hbm4b:s4+s26], $0x80, s13, s26, $0xb8;
	[tilespmem:$0x1D400] =	vst v63  }
0x2d4: {  	_ =	swait.ge [sflag:s30], $0x4000  }
0x2d5: {  	[sflag:s30] =	ssyncset.done $0x0  }
0x2d6: {  	[sflag:s30] =	ssyncadd.s32 $0xFFFFC000  }
0x2d7: {  	[spmem:s1] =	stream.indirect.scatter.add.f32 [tilespmem:s28], [sflag:$0x3], $0x80, s14, s26, $0xb8;
	[tilespmem:$0x1D400] =	vst v63  }
0x2d8: {  	_ =	swait.ge [sflag:s31], $0x4000  }
0x2d9: {  	[sflag:s31] =	ssyncset.done $0x0  }
0x2da: {  	[sflag:s31] =	ssyncadd.s32 $0xFFFFC000  }
0x2db: {  	[tilespmem:s28], [sflag:$0x1] =	stream.indirect.gather [hbm4b:s4+s26], $0x80, s15, s26, $0xb8;
	[tilespmem:$0x1D400] =	vst v63  }
0x2dc: {  	_ =	swait.ge [sflag:s3], $0x4000  }
0x2dd: {  	[sflag:s3] =	ssyncset.done $0x0  }
0x2de: {  	[sflag:s3] =	ssyncadd.s32 $0xFFFFC000  }
0x2df: {  	[spmem:s1] =	stream.indirect.scatter.add.f32 [tilespmem:s29], [sflag:$0x4], $0x80, s16, s26, $0xb8;
	[tilespmem:$0x1D400] =	vst v63  }
0x2e0: {  	_ =	swait.ge [sflag:s12], $0x4000  }
0x2e1: {  	[sflag:s12] =	ssyncset.done $0x0  }
0x2e2: {  	[sflag:s12] =	ssyncadd.s32 $0xFFFFC000  }
0x2e3: {  	[tilespmem:s29], [sflag:$0x2] =	stream.indirect.gather [hbm4b:s4+s26], $0x80, s17, s26, $0xb8;
	[tilespmem:$0x1D400] =	vst v63  }
0x2e4: {  	_ =	swait.ge [sflag:s30], $0x4000  }
0x2e5: {  	[sflag:s30] =	ssyncset.done $0x0  }
0x2e6: {  	[sflag:s30] =	ssyncadd.s32 $0xFFFFC000  }
0x2e7: {  	[spmem:s1] =	stream.indirect.scatter.add.f32 [tilespmem:s28], [sflag:$0x3], $0x80, s23, s26, $0xb8;
	[tilespmem:$0x1D400] =	vst v63  }
.Ltmp7:
0x2e8: {  	_ =	swait.ge [sflag:s19], $0x300;
	(pc) =	sbr.rel @!p1 .LBB2_7-.Ltmp7, $4  }
0x2e9: {  	[sflag:s19] =	ssyncset.done $0x0  }
0x2ea: {  	[sflag:s19] =	ssyncadd.s32 $0xFFFFFD00  }
0x2eb: {  	_ =	swait.ge [sflag:s19], $0x300  }
0x2ec: {  	[sflag:s19] =	ssyncset.done $0x0  }
.Ltmp8:
0x2ed: {  	_ = 	snop;
	(pc) =	sbr.rel .LBB2_8-.Ltmp8, $1  }
0x2ee: {  	_ =	sdelay $0x3  }
.LBB2_13:
0x2ef: {  	_ =	sfence.sel $0x180000  }
0x2f0: {  	[bflag:$0x0] =	sbarrier.arrive $0xFFFF  }
0x2f1: {  	_ =	strace $0x9000004A  }
0x2f2: {  	s0 =	stileid.u32;
	[bflag:$0x2] =	sbarrier.arrive $0xFFFF  }
0x2f3: {  	p0 =	sne.s32 s0, $0x0;
	s0 =	rddreg [dreg:$0x2]  }
0x2f4: {  	s0 =	sadd.s32 @!p0 $0x100000, s0  }
0x2f5: {  	[sflag:s0] =	ssyncadd.tile.s32 @!p0 $0x1;
	_ =	shalt  }
.Lfunc_end2:
_tile_overlayer_lowered:
.L_overlay_start_2:
0x2f6: {  	(tag) =	ssettag $0x2  }
0x2f7: {  	s0 =	rddreg [dreg:$0x0];
	s2 =	stileid.u32  }
0x2f8: {  	s1 =	rddreg [dreg:$0x1];
	p0 =	sne.s32 s2, $0x0  }
0x2f9: {  	s3 =	rddreg [dreg:$0x2];
	[bflag:$0x3] =	sbarrier.arrive $0xFFFF;
	s2 =	simm.s32 @!p0 $0x1C06  }
0x2fa: {  	[timem:s3], [sflag:s2] =	dma.local @!p0 [hbm:s0], s1  }
0x2fb: {  	s0 =	simm.s32 @!p0 $0x6  }
0x2fc: {  	_ =	swait.ge @!p0 [sflag:s0], s1  }
0x2fd: {  	s1 =	ssub.s32 @!p0 $0x0, s1;
	[sflag:s0] =	ssyncset.done @!p0 $0x0  }
0x2fe: {  	[sflag:s0] =	ssyncadd.s32 @!p0 s1  }
0x2ff: {  	[bflag:$0x3] =	sbarrier.arrive $0xFFFF  }
0x300: {  	_ =	shalt  }

// kernel: kernel.14.cloned.1.call-start
scs
__scs_entry_jumppad:
0x0: {  	(pc) =	sbr.rel $0x88, $3  }
0x1: {  	(tag) =	ssettag $0x0;
	lr =	simm.s32 $0x1  }
0x2: {  	[smem:$0x3F9B] =	sst lr;
	_ =	strace $0xD0000000  }
0x3: {  	_ = 	snop  }
0x4: {  	_ = 	snop  }
0x5: {  	_ = 	snop  }
0x6: {  	_ = 	snop  }
0x7: {  	_ = 	snop  }
__scs_overlays_trampoline_lowered:
0x8: {  	[smem:$0x3FAA] =	sst s0  }
0x9: {  	[smem:$0x3FAB] =	sst s1  }
0xa: {  	[smem:$0x3FAC] =	sst s2  }
0xb: {  	[smem:$0x3FAD] =	sst s3  }
0xc: {  	[smem:$0x3FAE] =	sst s4  }
0xd: {  	[smem:$0x3FAF] =	sst s5  }
0xe: {  	[smem:$0x3FB0] =	sst s6  }
0xf: {  	[smem:$0x3FB1] =	sst s7  }
0x10: {  	[smem:$0x3FB2] =	sst s8  }
0x11: {  	[smem:$0x3FB3] =	sst s9;
	s0 =	simm.s32 @!p0 $0x0  }
0x12: {  	s1 =	sld [smem:$0x3F99];
	s0 =	simm.s32 @p0 $0x1  }
0x13: {  	[smem:$0x3FB4] =	sst s0;
	s0 =	simm.s32 @!p1 $0x0  }
0x14: {  	s2 =	sld [smem:$0x3F98];
	s0 =	simm.s32 @p1 $0x1  }
0x15: {  	[smem:$0x3FB5] =	sst s0;
	s0 =	simm.s32 @!p2 $0x0  }
0x16: {  	s3 =	sld [smem:$0x3FDB];
	s0 =	simm.s32 @p2 $0x1  }
0x17: {  	s4 =	simm.s32 $0x1BF5;
	[smem:$0x3FB7] =	sst s0  }
0x18: {  	s0 =	sld [smem:$0x3F9A];
	_ =	swait.ge [sflag:s4], $0x0  }
0x19: {  	s7 =	sld [smem:$0x3F9B]  }
0x1a: {  	s8 =	sadd.s32 $0xFFFFE003, lr  }
0x1b: {  	s9 =	sadd.s32 $0xFFFFFEF7, lr;
	s5 =	simm.s32 $0xFFFFFFFF;
	p2 =	slt.u32 s8, $0xFFFFF086  }
0x1c: {  	p1 =	slt.u32 s9, $0xF7A;
	s5 =	simm.s32 @!p2 $0x0  }
0x1d: {  	s5 =	simm.s32 @p1 $0x1;
	p0 =	seq.s32 s7, s2  }
0x1e: {  	s7 =	smul.u32 @!p0 $0xF7A, s2;
	p2 =	seq.s32 @!p0 s5, $0x0  }
0x1f: {  	s9 =	smul.u32 $0xF7A, s1;
	s8 =	simm.s32 @!p0 $0x1BF5;
	p2 =	por !p2, p0  }
0x20: {  	[sflag:s8] =	ssyncset.s32 @!p0 $0xFFFFF086;
	s6 =	sadd.s32 @!p0 s3, s7;
	s7 =	simm.s32 @!p0 $0x108  }
0x21: {  	s3 =	sadd.s32 s3, s9;
	s6 =	sadd.s32 @!p0 $0x88, s6;
	s7 =	simm.s32 @p2 $0x1082  }
0x22: {  	[simem:s7], [sflag:s8] =	dma.local @!p0 [hbm:s6], $0xF7A  }
0x23: {  	s9 =	sor.u32 $0xD0000000, s2;
	s6 =	simm.s32 $0x108;
	_ =	swait.ge @!p0 [sflag:s8], $0x0  }
0x24: {  	s3 =	sadd.s32 $0x88, s3;
	s6 =	simm.s32 @!p1 $0x1082;
	[sflag:s4] =	ssyncset.s32 $0xFFFFF086  }
0x25: {  	[simem:s6], [sflag:s4] =	dma.local [hbm:s3], $0xF7A  }
0x26: {  	[smem:$0x3F9B] =	sst s1;
	(tag) =	ssettag s2;
	_ =	strace s9  }
0x27: {  	s1 =	sld [smem:$0x3FAB]  }
0x28: {  	s2 =	sld [smem:$0x3FAC]  }
0x29: {  	s4 =	sld [smem:$0x3FAE]  }
0x2a: {  	p0 =	seq.s32 s5, $0x0;
	s5 =	sld [smem:$0x3FAF]  }
0x2b: {  	s6 =	sld [smem:$0x3FB0]  }
0x2c: {  	s7 =	sld [smem:$0x3FB1]  }
0x2d: {  	s3 =	simm.s32 $0x108;
	s8 =	sld [smem:$0x3FB2]  }
0x2e: {  	s3 =	simm.s32 @!p0 $0x1082;
	s9 =	sld [smem:$0x3FB3]  }
0x2f: {  	lr =	sadd.s32 s0, s3;
	s0 =	sld [smem:$0x3FAA]  }
0x30: {  	s3 =	sld [smem:$0x3FAD]  }
0x31: {  	[smem:$0x3FB6] =	sst s10  }
0x32: {  	s10 =	sld [smem:$0x3FB4];
	_ =	sdelay $0x3  }
0x33: {  	p0 =	seq.s32 s10, $0x1;
	s10 =	sld [smem:$0x3FB6];
	_ =	sdelay $0x3  }
0x34: {  	[smem:$0x3FB6] =	sst s10  }
0x35: {  	s10 =	sld [smem:$0x3FB5];
	_ =	sdelay $0x3  }
0x36: {  	p1 =	seq.s32 s10, $0x1;
	s10 =	sld [smem:$0x3FB6];
	_ =	sdelay $0x3  }
0x37: {  	[smem:$0x3FB6] =	sst s10  }
0x38: {  	s10 =	sld [smem:$0x3FB7]  }
0x39: {  	_ = 	snop;
	(pc) =	sbr.ind lr, $3  }
0x3a: {  	_ = 	snop  }
0x3b: {  	_ = 	snop  }
0x3c: {  	p2 =	seq.s32 s10, $0x1;
	s10 =	sld [smem:$0x3FB6]  }
0x3d: {  	_ =	shalt  }
0x3e: {  	_ =	shalt  }
0x3f: {  	_ =	shalt  }
0x40: {  	_ =	shalt  }
0x41: {  	_ =	shalt  }
0x42: {  	_ =	shalt  }
0x43: {  	_ =	shalt  }
0x44: {  	_ =	shalt  }
0x45: {  	_ =	shalt  }
0x46: {  	_ =	shalt  }
0x47: {  	_ =	shalt  }
0x48: {  	_ =	shalt  }
0x49: {  	_ =	shalt  }
0x4a: {  	_ =	shalt  }
0x4b: {  	_ =	shalt  }
0x4c: {  	_ =	shalt  }
0x4d: {  	_ =	shalt  }
0x4e: {  	_ =	shalt  }
0x4f: {  	_ =	shalt  }
0x50: {  	_ =	shalt  }
0x51: {  	_ =	shalt  }
0x52: {  	_ =	shalt  }
0x53: {  	_ =	shalt  }
0x54: {  	_ =	shalt  }
0x55: {  	_ =	shalt  }
0x56: {  	_ =	shalt  }
0x57: {  	_ =	shalt  }
0x58: {  	_ =	shalt  }
0x59: {  	_ =	shalt  }
0x5a: {  	_ =	shalt  }
0x5b: {  	_ =	shalt  }
0x5c: {  	_ =	shalt  }
0x5d: {  	_ =	shalt  }
0x5e: {  	_ =	shalt  }
0x5f: {  	_ =	shalt  }
0x60: {  	_ =	shalt  }
0x61: {  	_ =	shalt  }
0x62: {  	_ =	shalt  }
0x63: {  	_ =	shalt  }
0x64: {  	_ =	shalt  }
0x65: {  	_ =	shalt  }
0x66: {  	_ =	shalt  }
0x67: {  	_ =	shalt  }
0x68: {  	_ =	shalt  }
0x69: {  	_ =	shalt  }
0x6a: {  	_ =	shalt  }
0x6b: {  	_ =	shalt  }
0x6c: {  	_ =	shalt  }
0x6d: {  	_ =	shalt  }
0x6e: {  	_ =	shalt  }
0x6f: {  	_ =	shalt  }
0x70: {  	_ =	shalt  }
0x71: {  	_ =	shalt  }
0x72: {  	_ =	shalt  }
0x73: {  	_ =	shalt  }
0x74: {  	_ =	shalt  }
0x75: {  	_ =	shalt  }
0x76: {  	_ =	shalt  }
0x77: {  	_ =	shalt  }
0x78: {  	_ =	shalt  }
0x79: {  	_ =	shalt  }
0x7a: {  	_ =	shalt  }
0x7b: {  	_ =	shalt  }
0x7c: {  	_ =	shalt  }
0x7d: {  	_ =	shalt  }
0x7e: {  	_ =	shalt  }
0x7f: {  	_ =	shalt  }
0x80: {  	_ =	shalt  }
0x81: {  	_ =	shalt  }
0x82: {  	_ =	shalt  }
0x83: {  	_ =	shalt  }
0x84: {  	_ =	shalt  }
0x85: {  	_ =	shalt  }
0x86: {  	_ =	shalt  }
0x87: {  	_ =	shalt  }
.Lfunc_end0:
.L_simem_size_0:
called_computation.2_lowered:
.L_overlay_start_0:
0x88: {  	s2 =	sld [smem:$0x3FD9]  }
0x89: {  	s3 =	sld [smem:$0x3FFE];
	_ =	sdelay $0x1  }
0x8a: {  	s1 =	srdreg.scid  }
0x8b: {  	s0 =	sand.u32 $0x1, s1  }
0x8c: {  	s16 =	sshll.u32 s0, $0xA;
	s2 =	sadd.s32 s3, s2  }
0x8d: {  	s2 =	sadd.s32 s2, s16  }
0x8e: {  	[smem:$0x3FC2] =	sst s2  }
0x8f: {  	_ = 	snop  }
0x90: {  	(tm) =	ssettm $0x1  }
0x91: {  	s17 =	sld [smem:$0x3FFB];
	_ =	sdelay $0x3  }
0x92: {  	_ =	strace s17  }
0x93: {  	s2 =	sld [smem:$0x3FFC];
	_ =	sdelay $0x3  }
0x94: {  	_ =	strace s2  }
0x95: {  	s2 =	sld [smem:$0x3FFD];
	_ =	sdelay $0x3  }
0x96: {  	_ =	strace s2  }
0x97: {  	_ =	strace $0x8FFFFFFF  }
0x98: {  	s18 =	sld [smem:$0x3FDB];
	_ =	sdelay $0x1  }
0x99: {  	s19 =	simm.s32 $_scs_section_size  }
0x9a: {  	s4 =	simm.s32 $_size__tile_overlayer_lowered;
	s5 =	simm.s32 $_tile_overlayer_lowered  }
0x9b: {  	s22 =	simm.s32 $0x1BFF;
	s21 =	sshll.u32 s5, $0x1;
	s2 =	sadd.s32 s19, s18  }
0x9c: {  	s6 =	simm.s32 $0x0;
	s20 =	sshll.u32 s4, $0x1;
	s4 =	sadd.s32 s21, s2  }
0x9d: {  	[timem:s6], [sflag:s22] =	dma.local [hbm:s4], s20  }
0x9e: {  	_ =	swait.ge [sflag:s22], s20  }
0x9f: {  	s3 =	ssub.s32 $0x0, s20;
	[sflag:s22] =	ssyncset.done $0x0  }
0xa0: {  	[sflag:s22] =	ssyncadd.s32 s3;
	_ =	sdelay $0x1  }
0xa1: {  	s23 =	simm.s32 $0x1B8B  }
0xa2: {  	_ =	swait.ge [sflag:s23], $0x1  }
0xa3: {  	[sflag:s23] =	ssyncset.done $0x0  }
0xa4: {  	s25 =	simm.s32 $0x1B8E;
	s24 =	sld [smem:$0x3FFE];
	[sflag:s23] =	ssyncadd.s32 $0xFFFFFFFF  }
0xa5: {  	s26 =	simm.s32 $execute0_lowered;
	[smem:$0x3FD2] =	sst s25  }
0xa6: {  	s4 =	sshll.u32 s26, $0x1;
	_ =	strace $0x8000004C;
	[dreg:$0x1] =	wrdreg $0xFFFFFFFF  }
0xa7: {  	s28 =	simm.s32 $_size_execute0_lowered;
	s2 =	sadd.s32 s2, s4;
	[dreg:$0x0] =	wrdreg $0x0  }
0xa8: {  	s4 =	sshll.u32 s28, $0x1;
	[dreg:$0x2] =	wrdreg s2  }
0xa9: {  	[dreg:$0x3] =	wrdreg s4  }
0xaa: {  	[dreg:$0x4] =	wrdreg $0xC0  }
0xab: {  	_ =	task [dreg:s6], $0x5FFFF  }
0xac: {  	[dreg:$0x1] =	wrdreg $0xFFFFFFFF  }
0xad: {  	[dreg:$0x0] =	wrdreg $0x60  }
0xae: {  	[dreg:$0x2] =	wrdreg s24  }
0xaf: {  	[dreg:$0x3] =	wrdreg $0x55800  }
0xb0: {  	[dreg:$0x4] =	wrdreg $0x9  }
0xb1: {  	_ =	task.clear_ibuf [dreg:s6], $0x5FFFF;
	_ =	strace $0x9000004C  }
0xb2: {  	s29 =	simm.s32 $0x9;
	_ =	strace $0x8000004E  }
0xb3: {  	_ =	swait.ge [sflag:s29], $0x1  }
0xb4: {  	[sflag:s29] =	ssyncadd.s32 $0xFFFFFFFF  }
0xb5: {  	_ =	strace $0x9000004E  }
0xb6: {  	_ =	sfence  }
0xb7: {  	s30 =	sld [smem:$0x0];
	_ =	sdelay $0x2  }
0xb8: {  	s31 =	sshll.u32 s1, $0xD;
	s1 =	sshrl.u32 s1, $0x2  }
0xb9: {  	s3 =	sand.u32 $0x4000, s31;
	s1 =	sadd.s32 s1, s30  }
0xba: {  	s0 =	sor.u32 s3, s0;
	s1 =	sshll.u32 s1, $0x11  }
0xbb: {  	s0 =	sor.u32 s1, s0  }
0xbc: {  	s0 =	sadd.s32 $0x8F2B, s0  }
0xbd: {  	[sflag:s0] =	ssyncadd.remote.s32 $0x1  }
0xbe: {  	_ =	sfence.sel $0xFFFF  }
0xbf: {  	[dreg:$0x0] =	wrdreg $0xFFFFFFFF;
	(pc) =	sbr.abs _section_cstart, $3  }
0xc0: {  	[dreg:$0x1] =	wrdreg $0xFFFFFFFF  }
0xc1: {  	_ =	task.clear_ibuf [dreg:s6], $0x2FFFF;
	_ =	strace $0x9FFFFFFF  }
0xc2: {  	(tm) =	ssettm $0x7FFFFFFF  }
0xc3: {  	_ =	shalt  }
tec
execute0_lowered:
.L_overlay_start_1:
0x0: {  	(tag) =	ssettag $0x1  }
0x1: {  	s5 =	rddreg [dreg:$0x0]  }
0x2: {  	s1 =	rddreg [dreg:$0x1]  }
0x3: {  	s2 =	srdreg.scid;
	s0 =	rddreg [dreg:$0x2];
	s3 =	simm.s32 $0x0  }
0x4: {  	s11 =	simm.s32 $0x3;
	s12 =	simm.s32 $0x1500;
	s13 =	simm.s32 $0x2A00  }
0x5: {  	s14 =	simm.s32 $0x80;
	s15 =	simm.s32 $0x5200;
	s16 =	simm.s32 $0x1580  }
0x6: {  	s17 =	simm.s32 $0x5280;
	s18 =	simm.s32 $0x1;
	s19 =	simm.s32 $0x2  }
0x7: {  	s20 =	simm.s32 $0x100;
	s21 =	simm.s32 $0x0;
	s6 =	sand.u32 $0x1, s2  }
0x8: {  	s2 =	stileid.u32;
	[smem:$0x7FF] =	sst s3;
	s4 =	sshll.u32 s6, $0x4  }
0x9: {  	s7 =	smul.u32 $0x500, s2;
	_ =	strace $0x8000004D;
	s9 =	sshll.u32 s6, $0x7  }
0xa: {  	s28 =	smul.u32 $0xA00, s2;
	s6 =	ssub.s32 $0x2, s6;
	s4 =	sor.u32 s2, s4  }
0xb: {  	s29 =	sshrl.u32 s6, $0x1;
	s8 =	smul.u32 $0x2A0, s4;
	s4 =	sadd.s32 $0x6C00, s5  }
0xc: {  	s7 =	sor.u32 s9, s7;
	s30 =	sshrl.u32 s28, $0x2;
	s31 =	ssub.s32 s6, s29  }
0xd: {  	s7 =	sshrl.u32 s7, $0x3;
	s9 =	smax.u32 s31, $0x1;
	s8 =	sadd.s32 s8, s5  }
0xe: {  	s10 =	sadd.s32 s7, s5;
	s5 =	sadd.s32 s30, s1;
	s6 =	sadd.s32 $0x7600, s8  }
0xf: {  	v0 =	vimm.f32 $0.0e+00;
	s7 =	sadd.s32 $0x1800, s8;
	s8 =	sadd.s32 $0xCA00, s10;
	s10 =	simm.s32 $0x5300  }
.LBB2_1:
0x10: {  	[tilespmem:$0x5300] =	vst v0  }
0x11: {  	[tilespmem:$0x5310] =	vst v0  }
0x12: {  	[tilespmem:$0x5320] =	vst v0  }
0x13: {  	[tilespmem:$0x5330] =	vst v0  }
0x14: {  	[tilespmem:$0x5340] =	vst v0  }
0x15: {  	[tilespmem:$0x5350] =	vst v0  }
0x16: {  	[tilespmem:$0x5360] =	vst v0  }
0x17: {  	[tilespmem:$0x5370] =	vst v0  }
0x18: {  	[tilespmem:$0x5380] =	vst v0  }
0x19: {  	[tilespmem:$0x5390] =	vst v0  }
0x1a: {  	[tilespmem:$0x53A0] =	vst v0  }
0x1b: {  	[tilespmem:$0x53B0] =	vst v0  }
0x1c: {  	[tilespmem:$0x53C0] =	vst v0  }
0x1d: {  	[tilespmem:$0x53D0] =	vst v0  }
0x1e: {  	[tilespmem:$0x53E0] =	vst v0  }
0x1f: {  	[tilespmem:$0x53F0] =	vst v0  }
0x20: {  	[tilespmem:$0x5400] =	vst v0  }
0x21: {  	[tilespmem:$0x5410] =	vst v0  }
0x22: {  	[tilespmem:$0x5420] =	vst v0  }
0x23: {  	[tilespmem:$0x5430] =	vst v0  }
0x24: {  	[tilespmem:$0x5440] =	vst v0  }
0x25: {  	[tilespmem:$0x5450] =	vst v0  }
0x26: {  	[tilespmem:$0x5460] =	vst v0  }
0x27: {  	[tilespmem:$0x5470] =	vst v0  }
0x28: {  	[tilespmem:$0x5480] =	vst v0  }
0x29: {  	[tilespmem:$0x5490] =	vst v0  }
0x2a: {  	[tilespmem:$0x54A0] =	vst v0  }
0x2b: {  	[tilespmem:$0x54B0] =	vst v0  }
0x2c: {  	[tilespmem:$0x54C0] =	vst v0  }
0x2d: {  	[tilespmem:$0x54D0] =	vst v0  }
0x2e: {  	[tilespmem:$0x54E0] =	vst v0  }
0x2f: {  	[tilespmem:$0x54F0] =	vst v0  }
0x30: {  	[tilespmem:$0x5500] =	vst v0  }
0x31: {  	[tilespmem:$0x5510] =	vst v0  }
0x32: {  	[tilespmem:$0x5520] =	vst v0  }
0x33: {  	[tilespmem:$0x5530] =	vst v0  }
0x34: {  	[tilespmem:$0x5540] =	vst v0  }
0x35: {  	[tilespmem:$0x5550] =	vst v0  }
0x36: {  	[tilespmem:$0x5560] =	vst v0  }
0x37: {  	[tilespmem:$0x5570] =	vst v0  }
0x38: {  	[spmem:s5] =	stream.linear.scatter [tilespmem:s10], [sflag:$0x3], $0x280, $0x38;
	[tilespmem:$0x5800] =	vst v63  }
0x39: {  	_ =	swait.ge [sflag:s11], $0x280  }
0x3a: {  	[sflag:s11] =	ssyncset.done $0x0  }
0x3b: {  	[sflag:s11] =	ssyncadd.s32 $0xFFFFFD80  }
0x3c: {  	[tilespmem:s3], [sflag:$0x3] =	stream.linear.gather [hbm4b:s6+s3], $0x1500, $0x38;
	[tilespmem:$0x5800] =	vst v63  }
0x3d: {  	_ =	swait.ge [sflag:s11], $0x1500  }
0x3e: {  	[sflag:s11] =	ssyncset.done $0x0  }
0x3f: {  	[sflag:s11] =	ssyncadd.s32 $0xFFFFEB00  }
0x40: {  	[tilespmem:s12], [sflag:$0x3] =	stream.linear.gather [hbm4b:s7+s3], $0x1500, $0x38;
	[tilespmem:$0x5800] =	vst v63  }
0x41: {  	_ =	swait.ge [sflag:s11], $0x1500  }
0x42: {  	[sflag:s11] =	ssyncset.done $0x0  }
0x43: {  	[sflag:s11] =	ssyncadd.s32 $0xFFFFEB00  }
0x44: {  	[tilespmem:s13], [sflag:$0x3] =	stream.linear.gather [hbm4b:s4+s3], $0x2800, $0x38;
	[tilespmem:$0x5800] =	vst v63  }
0x45: {  	_ =	swait.ge [sflag:s11], $0x2800  }
0x46: {  	[sflag:s11] =	ssyncset.done $0x0  }
0x47: {  	[sflag:s11] =	ssyncadd.s32 $0xFFFFD800  }
0x48: {  	[bflag:$0x0] =	sbarrier.arrive $0xFFFF  }
0x49: {  	v1 =	vld [tilespmem:$0x0];
	_ =	sdelay $0x5  }
0x4a: {  	v2 =	vld [tilespmem:$0x10];
	_ =	sdelay $0x1  }
0x4b: {  	v1 =	vld.idx.msk [tilespmem:v1+s13+$0x0], $0xffff;
	_ =	sdelay $0x3  }
0x4c: {  	v3 =	vld [tilespmem:$0x20]  }
0x4d: {  	[tilespmem:$0x5200] =	vst v1  }
0x4e: {  	v1 =	vld.idx.msk [tilespmem:v2+s13+$0x0], $0xffff;
	_ =	sdelay $0x3  }
0x4f: {  	v2 =	vld [tilespmem:$0x30]  }
0x50: {  	[tilespmem:$0x5210] =	vst v1  }
0x51: {  	v1 =	vld.idx.msk [tilespmem:v3+s13+$0x0], $0xffff;
	_ =	sdelay $0x3  }
0x52: {  	v3 =	vld [tilespmem:$0x40]  }
0x53: {  	[tilespmem:$0x5220] =	vst v1  }
0x54: {  	v1 =	vld.idx.msk [tilespmem:v2+s13+$0x0], $0xffff;
	_ =	sdelay $0x3  }
0x55: {  	v2 =	vld [tilespmem:$0x50]  }
0x56: {  	[tilespmem:$0x5230] =	vst v1  }
0x57: {  	v1 =	vld.idx.msk [tilespmem:v3+s13+$0x0], $0xffff;
	_ =	sdelay $0x3  }
0x58: {  	v3 =	vld [tilespmem:$0x60]  }
0x59: {  	[tilespmem:$0x5240] =	vst v1  }
0x5a: {  	v1 =	vld.idx.msk [tilespmem:v2+s13+$0x0], $0xffff;
	_ =	sdelay $0x3  }
0x5b: {  	v2 =	vld [tilespmem:$0x70]  }
0x5c: {  	[tilespmem:$0x5250] =	vst v1  }
0x5d: {  	v1 =	vld.idx.msk [tilespmem:v3+s13+$0x0], $0xffff;
	_ =	sdelay $0x4  }
0x5e: {  	[tilespmem:$0x5260] =	vst v1  }
0x5f: {  	v1 =	vld.idx.msk [tilespmem:v2+s13+$0x0], $0xffff;
	_ =	sdelay $0x4  }
0x60: {  	[tilespmem:$0x5270] =	vst v1  }
0x61: {  	[spmem:s1] =	stream.indirect.scatter.add.f32 [tilespmem:s15], [sflag:$0x1], $0x1, s12, s14, $0xb8;
	[tilespmem:$0x5800] =	vst v63  }
0x62: {  	v1 =	vld [tilespmem:$0x80];
	_ =	sdelay $0x5  }
0x63: {  	v2 =	vld [tilespmem:$0x90];
	_ =	sdelay $0x1  }
0x64: {  	v1 =	vld.idx.msk [tilespmem:v1+s13+$0x0], $0xffff;
	_ =	sdelay $0x3  }
0x65: {  	v3 =	vld [tilespmem:$0xA0]  }
0x66: {  	[tilespmem:$0x5280] =	vst v1  }
0x67: {  	v1 =	vld.idx.msk [tilespmem:v2+s13+$0x0], $0xffff;
	_ =	sdelay $0x3  }
0x68: {  	v2 =	vld [tilespmem:$0xB0]  }
0x69: {  	[tilespmem:$0x5290] =	vst v1  }
0x6a: {  	v1 =	vld.idx.msk [tilespmem:v3+s13+$0x0], $0xffff;
	_ =	sdelay $0x3  }
0x6b: {  	v3 =	vld [tilespmem:$0xC0]  }
0x6c: {  	[tilespmem:$0x52A0] =	vst v1  }
0x6d: {  	v1 =	vld.idx.msk [tilespmem:v2+s13+$0x0], $0xffff;
	_ =	sdelay $0x3  }
0x6e: {  	v2 =	vld [tilespmem:$0xD0]  }
0x6f: {  	[tilespmem:$0x52B0] =	vst v1  }
0x70: {  	v1 =	vld.idx.msk [tilespmem:v3+s13+$0x0], $0xffff;
	_ =	sdelay $0x3  }
0x71: {  	v3 =	vld [tilespmem:$0xE0]  }
0x72: {  	[tilespmem:$0x52C0] =	vst v1  }
0x73: {  	v1 =	vld.idx.msk [tilespmem:v2+s13+$0x0], $0xffff;
	_ =	sdelay $0x3  }
0x74: {  	v2 =	vld [tilespmem:$0xF0]  }
0x75: {  	[tilespmem:$0x52D0] =	vst v1  }
0x76: {  	v1 =	vld.idx.msk [tilespmem:v3+s13+$0x0], $0xffff;
	_ =	sdelay $0x4  }
0x77: {  	[tilespmem:$0x52E0] =	vst v1  }
0x78: {  	v1 =	vld.idx.msk [tilespmem:v2+s13+$0x0], $0xffff;
	_ =	sdelay $0x4  }
0x79: {  	s22 =	simm.s32 $0x0;
	[tilespmem:$0x52F0] =	vst v1  }
0x7a: {  	[spmem:s1] =	stream.indirect.scatter.add.f32 [tilespmem:s17], [sflag:$0x2], $0x1, s16, s14, $0xb8;
	[tilespmem:$0x5800] =	vst v63  }
.LBB2_2:
0x7b: {  	_ =	swait.ge [sflag:s18], $0x80  }
0x7c: {  	[sflag:s18] =	ssyncset.done $0x0  }
0x7d: {  	s23 =	sshra.s32 s22, $0x2;
	[sflag:s18] =	ssyncadd.s32 $0xFFFFFF80  }
0x7e: {  	v1 =	vld [tilespmem:s23+$0x100];
	_ =	sdelay $0x7  }
0x7f: {  	v1 =	vld.idx.msk [tilespmem:v1+s13+$0x0], $0xffff;
	_ =	sdelay $0x4  }
0x80: {  	[tilespmem:$0x5200] =	vst v1  }
0x81: {  	v1 =	vld [tilespmem:s23+$0x110];
	_ =	sdelay $0x7  }
0x82: {  	v1 =	vld.idx.msk [tilespmem:v1+s13+$0x0], $0xffff;
	_ =	sdelay $0x4  }
0x83: {  	[tilespmem:$0x5210] =	vst v1  }
0x84: {  	v1 =	vld [tilespmem:s23+$0x120];
	_ =	sdelay $0x7  }
0x85: {  	v1 =	vld.idx.msk [tilespmem:v1+s13+$0x0], $0xffff;
	_ =	sdelay $0x4  }
0x86: {  	[tilespmem:$0x5220] =	vst v1  }
0x87: {  	v1 =	vld [tilespmem:s23+$0x130];
	_ =	sdelay $0x7  }
0x88: {  	v1 =	vld.idx.msk [tilespmem:v1+s13+$0x0], $0xffff;
	_ =	sdelay $0x4  }
0x89: {  	[tilespmem:$0x5230] =	vst v1  }
0x8a: {  	v1 =	vld [tilespmem:s23+$0x140];
	_ =	sdelay $0x7  }
0x8b: {  	v1 =	vld.idx.msk [tilespmem:v1+s13+$0x0], $0xffff;
	_ =	sdelay $0x4  }
0x8c: {  	[tilespmem:$0x5240] =	vst v1  }
0x8d: {  	v1 =	vld [tilespmem:s23+$0x150];
	_ =	sdelay $0x7  }
0x8e: {  	v1 =	vld.idx.msk [tilespmem:v1+s13+$0x0], $0xffff;
	_ =	sdelay $0x4  }
0x8f: {  	[tilespmem:$0x5250] =	vst v1  }
0x90: {  	v1 =	vld [tilespmem:s23+$0x160];
	_ =	sdelay $0x7  }
0x91: {  	v1 =	vld.idx.msk [tilespmem:v1+s13+$0x0], $0xffff;
	_ =	sdelay $0x4  }
0x92: {  	[tilespmem:$0x5260] =	vst v1  }
0x93: {  	v1 =	vld [tilespmem:s23+$0x170];
	_ =	sdelay $0x7  }
0x94: {  	v1 =	vld.idx.msk [tilespmem:v1+s13+$0x0], $0xffff;
	_ =	sdelay $0x4  }
0x95: {  	s24 =	sadd.s32 $0x1600, s23;
	[tilespmem:$0x5270] =	vst v1  }
0x96: {  	[spmem:s1] =	stream.indirect.scatter.add.f32 [tilespmem:s15], [sflag:$0x1], $0x1, s24, s14, $0xb8;
	[tilespmem:$0x5800] =	vst v63  }
0x97: {  	_ =	swait.ge [sflag:s19], $0x80  }
0x98: {  	[sflag:s19] =	ssyncset.done $0x0  }
0x99: {  	[sflag:s19] =	ssyncadd.s32 $0xFFFFFF80  }
0x9a: {  	v1 =	vld [tilespmem:s23+$0x180];
	_ =	sdelay $0x7  }
0x9b: {  	v1 =	vld.idx.msk [tilespmem:v1+s13+$0x0], $0xffff;
	_ =	sdelay $0x4  }
0x9c: {  	[tilespmem:$0x5280] =	vst v1  }
0x9d: {  	v1 =	vld [tilespmem:s23+$0x190];
	_ =	sdelay $0x7  }
0x9e: {  	v1 =	vld.idx.msk [tilespmem:v1+s13+$0x0], $0xffff;
	_ =	sdelay $0x4  }
0x9f: {  	[tilespmem:$0x5290] =	vst v1  }
0xa0: {  	v1 =	vld [tilespmem:s23+$0x1A0];
	_ =	sdelay $0x7  }
0xa1: {  	v1 =	vld.idx.msk [tilespmem:v1+s13+$0x0], $0xffff;
	_ =	sdelay $0x4  }
0xa2: {  	[tilespmem:$0x52A0] =	vst v1  }
0xa3: {  	v1 =	vld [tilespmem:s23+$0x1B0];
	_ =	sdelay $0x7  }
0xa4: {  	v1 =	vld.idx.msk [tilespmem:v1+s13+$0x0], $0xffff;
	_ =	sdelay $0x4  }
0xa5: {  	[tilespmem:$0x52B0] =	vst v1  }
0xa6: {  	v1 =	vld [tilespmem:s23+$0x1C0];
	_ =	sdelay $0x7  }
0xa7: {  	v1 =	vld.idx.msk [tilespmem:v1+s13+$0x0], $0xffff;
	_ =	sdelay $0x4  }
0xa8: {  	[tilespmem:$0x52C0] =	vst v1  }
0xa9: {  	v1 =	vld [tilespmem:s23+$0x1D0];
	_ =	sdelay $0x7  }
0xaa: {  	v1 =	vld.idx.msk [tilespmem:v1+s13+$0x0], $0xffff;
	_ =	sdelay $0x4  }
0xab: {  	[tilespmem:$0x52D0] =	vst v1  }
0xac: {  	v1 =	vld [tilespmem:s23+$0x1E0];
	_ =	sdelay $0x7  }
0xad: {  	v1 =	vld.idx.msk [tilespmem:v1+s13+$0x0], $0xffff;
	_ =	sdelay $0x4  }
0xae: {  	[tilespmem:$0x52E0] =	vst v1  }
0xaf: {  	v1 =	vld [tilespmem:s23+$0x1F0];
	_ =	sdelay $0x7  }
0xb0: {  	v1 =	vld.idx.msk [tilespmem:v1+s13+$0x0], $0xffff  }
0xb1: {  	p0 =	sne.s32 s22, $0x4C00  }
.Ltmp0:
0xb2: {  	_ = 	snop;
	(pc) =	sbr.rel @p0 .LBB2_2-.Ltmp0, $3  }
0xb3: {  	_ =	sdelay $0x1  }
0xb4: {  	s22 =	sadd.s32 $0x400, s22;
	s23 =	sadd.s32 $0x1680, s23;
	[tilespmem:$0x52F0] =	vst v1  }
0xb5: {  	[spmem:s1] =	stream.indirect.scatter.add.f32 [tilespmem:s17], [sflag:$0x2], $0x1, s23, s14, $0xb8;
	[tilespmem:$0x5800] =	vst v63  }
0xb6: {  	_ =	swait.ge [sflag:s18], $0x80  }
0xb7: {  	[sflag:s18] =	ssyncset.done $0x0  }
0xb8: {  	[sflag:s18] =	ssyncadd.s32 $0xFFFFFF80  }
0xb9: {  	_ =	swait.ge [sflag:s19], $0x80  }
0xba: {  	[sflag:s19] =	ssyncset.done $0x0  }
0xbb: {  	[sflag:s19] =	ssyncadd.s32 $0xFFFFFF80  }
0xbc: {  	[bflag:$0x0] =	sbarrier.arrive $0xFFFF  }
0xbd: {  	[tilespmem:s10], [sflag:$0x3] =	stream.linear.gather [spmem:s5], $0x280, $0x38;
	[tilespmem:$0x5800] =	vst v63  }
0xbe: {  	s21 =	sadd.s32 $0x1, s21;
	_ =	swait.ge [sflag:s11], $0x280  }
0xbf: {  	p0 =	sne.s32 s21, s9;
	[sflag:s11] =	ssyncset.done $0x0  }
.Ltmp1:
0xc0: {  	[sflag:s11] =	ssyncadd.s32 $0xFFFFFD80;
	(pc) =	sbr.rel @p0 .LBB2_1-.Ltmp1, $4  }
0xc1: {  	[hbm4b:s8+s14] =	stream.strided.scatter [tilespmem:s10], [sflag:$0x3], $0x280, s20, s14, $0x38;
	[tilespmem:$0x5800] =	vst v63  }
0xc2: {  	_ =	swait.ge [sflag:s11], $0x280  }
0xc3: {  	[sflag:s11] =	ssyncset.done $0x0  }
0xc4: {  	[sflag:s11] =	ssyncadd.s32 $0xFFFFFD80  }
0xc5: {  	_ =	sfence.sel $0x180000  }
0xc6: {  	[bflag:$0x0] =	sbarrier.arrive $0xFFFF  }
0xc7: {  	p0 =	sne.s32 s2, $0x0;
	_ =	strace $0x9000004D  }
0xc8: {  	s0 =	sadd.s32 @!p0 $0x100000, s0;
	[bflag:$0x2] =	sbarrier.arrive $0xFFFF  }
0xc9: {  	[sflag:s0] =	ssyncadd.tile.s32 @!p0 $0x1;
	_ =	shalt  }
.Lfunc_end2:
_tile_overlayer_lowered:
.L_overlay_start_2:
0xca: {  	(tag) =	ssettag $0x2  }
0xcb: {  	s0 =	rddreg [dreg:$0x0];
	s2 =	stileid.u32  }
0xcc: {  	s1 =	rddreg [dreg:$0x1];
	p0 =	sne.s32 s2, $0x0  }
0xcd: {  	s3 =	rddreg [dreg:$0x2];
	[bflag:$0x3] =	sbarrier.arrive $0xFFFF;
	s2 =	simm.s32 @!p0 $0x1C03  }
0xce: {  	[timem:s3], [sflag:s2] =	dma.local @!p0 [hbm:s0], s1  }
0xcf: {  	s0 =	simm.s32 @!p0 $0x3  }
0xd0: {  	_ =	swait.ge @!p0 [sflag:s0], s1  }
0xd1: {  	s1 =	ssub.s32 @!p0 $0x0, s1;
	[sflag:s0] =	ssyncset.done @!p0 $0x0  }
0xd2: {  	[sflag:s0] =	ssyncadd.s32 @!p0 s1  }
0xd3: {  	[bflag:$0x3] =	sbarrier.arrive $0xFFFF  }
0xd4: {  	_ =	shalt  }

// kernel: kernel.8.cloned.1.call-start
scs
__scs_entry_jumppad:
0x0: {  	(pc) =	sbr.rel $0x88, $3  }
0x1: {  	(tag) =	ssettag $0x0;
	lr =	simm.s32 $0x1  }
0x2: {  	[smem:$0x3F9B] =	sst lr;
	_ =	strace $0xD0000000  }
0x3: {  	_ = 	snop  }
0x4: {  	_ = 	snop  }
0x5: {  	_ = 	snop  }
0x6: {  	_ = 	snop  }
0x7: {  	_ = 	snop  }
__scs_overlays_trampoline_lowered:
0x8: {  	[smem:$0x3FAA] =	sst s0  }
0x9: {  	[smem:$0x3FAB] =	sst s1  }
0xa: {  	[smem:$0x3FAC] =	sst s2  }
0xb: {  	[smem:$0x3FAD] =	sst s3  }
0xc: {  	[smem:$0x3FAE] =	sst s4  }
0xd: {  	[smem:$0x3FAF] =	sst s5  }
0xe: {  	[smem:$0x3FB0] =	sst s6  }
0xf: {  	[smem:$0x3FB1] =	sst s7  }
0x10: {  	[smem:$0x3FB2] =	sst s8  }
0x11: {  	[smem:$0x3FB3] =	sst s9;
	s0 =	simm.s32 @!p0 $0x0  }
0x12: {  	s1 =	sld [smem:$0x3F99];
	s0 =	simm.s32 @p0 $0x1  }
0x13: {  	[smem:$0x3FB4] =	sst s0;
	s0 =	simm.s32 @!p1 $0x0  }
0x14: {  	s2 =	sld [smem:$0x3F98];
	s0 =	simm.s32 @p1 $0x1  }
0x15: {  	[smem:$0x3FB5] =	sst s0;
	s0 =	simm.s32 @!p2 $0x0  }
0x16: {  	s3 =	sld [smem:$0x3FDB];
	s0 =	simm.s32 @p2 $0x1  }
0x17: {  	s4 =	simm.s32 $0x1BF5;
	[smem:$0x3FB7] =	sst s0  }
0x18: {  	s0 =	sld [smem:$0x3F9A];
	_ =	swait.ge [sflag:s4], $0x0  }
0x19: {  	s7 =	sld [smem:$0x3F9B]  }
0x1a: {  	s8 =	sadd.s32 $0xFFFFE003, lr  }
0x1b: {  	s9 =	sadd.s32 $0xFFFFFEF7, lr;
	s5 =	simm.s32 $0xFFFFFFFF;
	p2 =	slt.u32 s8, $0xFFFFF086  }
0x1c: {  	p1 =	slt.u32 s9, $0xF7A;
	s5 =	simm.s32 @!p2 $0x0  }
0x1d: {  	s5 =	simm.s32 @p1 $0x1;
	p0 =	seq.s32 s7, s2  }
0x1e: {  	s7 =	smul.u32 @!p0 $0xF7A, s2;
	p2 =	seq.s32 @!p0 s5, $0x0  }
0x1f: {  	s9 =	smul.u32 $0xF7A, s1;
	s8 =	simm.s32 @!p0 $0x1BF5;
	p2 =	por !p2, p0  }
0x20: {  	[sflag:s8] =	ssyncset.s32 @!p0 $0xFFFFF086;
	s6 =	sadd.s32 @!p0 s3, s7;
	s7 =	simm.s32 @!p0 $0x108  }
0x21: {  	s3 =	sadd.s32 s3, s9;
	s6 =	sadd.s32 @!p0 $0x88, s6;
	s7 =	simm.s32 @p2 $0x1082  }
0x22: {  	[simem:s7], [sflag:s8] =	dma.local @!p0 [hbm:s6], $0xF7A  }
0x23: {  	s9 =	sor.u32 $0xD0000000, s2;
	s6 =	simm.s32 $0x108;
	_ =	swait.ge @!p0 [sflag:s8], $0x0  }
0x24: {  	s3 =	sadd.s32 $0x88, s3;
	s6 =	simm.s32 @!p1 $0x1082;
	[sflag:s4] =	ssyncset.s32 $0xFFFFF086  }
0x25: {  	[simem:s6], [sflag:s4] =	dma.local [hbm:s3], $0xF7A  }
0x26: {  	[smem:$0x3F9B] =	sst s1;
	(tag) =	ssettag s2;
	_ =	strace s9  }
0x27: {  	s1 =	sld [smem:$0x3FAB]  }
0x28: {  	s2 =	sld [smem:$0x3FAC]  }
0x29: {  	s4 =	sld [smem:$0x3FAE]  }
0x2a: {  	p0 =	seq.s32 s5, $0x0;
	s5 =	sld [smem:$0x3FAF]  }
0x2b: {  	s6 =	sld [smem:$0x3FB0]  }
0x2c: {  	s7 =	sld [smem:$0x3FB1]  }
0x2d: {  	s3 =	simm.s32 $0x108;
	s8 =	sld [smem:$0x3FB2]  }
0x2e: {  	s3 =	simm.s32 @!p0 $0x1082;
	s9 =	sld [smem:$0x3FB3]  }
0x2f: {  	lr =	sadd.s32 s0, s3;
	s0 =	sld [smem:$0x3FAA]  }
0x30: {  	s3 =	sld [smem:$0x3FAD]  }
0x31: {  	[smem:$0x3FB6] =	sst s10  }
0x32: {  	s10 =	sld [smem:$0x3FB4];
	_ =	sdelay $0x3  }
0x33: {  	p0 =	seq.s32 s10, $0x1;
	s10 =	sld [smem:$0x3FB6];
	_ =	sdelay $0x3  }
0x34: {  	[smem:$0x3FB6] =	sst s10  }
0x35: {  	s10 =	sld [smem:$0x3FB5];
	_ =	sdelay $0x3  }
0x36: {  	p1 =	seq.s32 s10, $0x1;
	s10 =	sld [smem:$0x3FB6];
	_ =	sdelay $0x3  }
0x37: {  	[smem:$0x3FB6] =	sst s10  }
0x38: {  	s10 =	sld [smem:$0x3FB7]  }
0x39: {  	_ = 	snop;
	(pc) =	sbr.ind lr, $3  }
0x3a: {  	_ = 	snop  }
0x3b: {  	_ = 	snop  }
0x3c: {  	p2 =	seq.s32 s10, $0x1;
	s10 =	sld [smem:$0x3FB6]  }
0x3d: {  	_ =	shalt  }
0x3e: {  	_ =	shalt  }
0x3f: {  	_ =	shalt  }
0x40: {  	_ =	shalt  }
0x41: {  	_ =	shalt  }
0x42: {  	_ =	shalt  }
0x43: {  	_ =	shalt  }
0x44: {  	_ =	shalt  }
0x45: {  	_ =	shalt  }
0x46: {  	_ =	shalt  }
0x47: {  	_ =	shalt  }
0x48: {  	_ =	shalt  }
0x49: {  	_ =	shalt  }
0x4a: {  	_ =	shalt  }
0x4b: {  	_ =	shalt  }
0x4c: {  	_ =	shalt  }
0x4d: {  	_ =	shalt  }
0x4e: {  	_ =	shalt  }
0x4f: {  	_ =	shalt  }
0x50: {  	_ =	shalt  }
0x51: {  	_ =	shalt  }
0x52: {  	_ =	shalt  }
0x53: {  	_ =	shalt  }
0x54: {  	_ =	shalt  }
0x55: {  	_ =	shalt  }
0x56: {  	_ =	shalt  }
0x57: {  	_ =	shalt  }
0x58: {  	_ =	shalt  }
0x59: {  	_ =	shalt  }
0x5a: {  	_ =	shalt  }
0x5b: {  	_ =	shalt  }
0x5c: {  	_ =	shalt  }
0x5d: {  	_ =	shalt  }
0x5e: {  	_ =	shalt  }
0x5f: {  	_ =	shalt  }
0x60: {  	_ =	shalt  }
0x61: {  	_ =	shalt  }
0x62: {  	_ =	shalt  }
0x63: {  	_ =	shalt  }
0x64: {  	_ =	shalt  }
0x65: {  	_ =	shalt  }
0x66: {  	_ =	shalt  }
0x67: {  	_ =	shalt  }
0x68: {  	_ =	shalt  }
0x69: {  	_ =	shalt  }
0x6a: {  	_ =	shalt  }
0x6b: {  	_ =	shalt  }
0x6c: {  	_ =	shalt  }
0x6d: {  	_ =	shalt  }
0x6e: {  	_ =	shalt  }
0x6f: {  	_ =	shalt  }
0x70: {  	_ =	shalt  }
0x71: {  	_ =	shalt  }
0x72: {  	_ =	shalt  }
0x73: {  	_ =	shalt  }
0x74: {  	_ =	shalt  }
0x75: {  	_ =	shalt  }
0x76: {  	_ =	shalt  }
0x77: {  	_ =	shalt  }
0x78: {  	_ =	shalt  }
0x79: {  	_ =	shalt  }
0x7a: {  	_ =	shalt  }
0x7b: {  	_ =	shalt  }
0x7c: {  	_ =	shalt  }
0x7d: {  	_ =	shalt  }
0x7e: {  	_ =	shalt  }
0x7f: {  	_ =	shalt  }
0x80: {  	_ =	shalt  }
0x81: {  	_ =	shalt  }
0x82: {  	_ =	shalt  }
0x83: {  	_ =	shalt  }
0x84: {  	_ =	shalt  }
0x85: {  	_ =	shalt  }
0x86: {  	_ =	shalt  }
0x87: {  	_ =	shalt  }
.Lfunc_end0:
.L_simem_size_0:
called_computation_lowered:
.L_overlay_start_0:
0x88: {  	s2 =	sld [smem:$0x3FD9]  }
0x89: {  	s3 =	sld [smem:$0x3FFE];
	_ =	sdelay $0x1  }
0x8a: {  	s1 =	srdreg.scid  }
0x8b: {  	s0 =	sand.u32 $0x1, s1  }
0x8c: {  	s16 =	sshll.u32 s0, $0xA;
	s2 =	sadd.s32 s3, s2  }
0x8d: {  	s2 =	sadd.s32 s2, s16  }
0x8e: {  	[smem:$0x3FC2] =	sst s2  }
0x8f: {  	_ = 	snop  }
0x90: {  	(tm) =	ssettm $0x1  }
0x91: {  	s17 =	sld [smem:$0x3FFB];
	_ =	sdelay $0x3  }
0x92: {  	_ =	strace s17  }
0x93: {  	s2 =	sld [smem:$0x3FFC];
	_ =	sdelay $0x3  }
0x94: {  	_ =	strace s2  }
0x95: {  	s2 =	sld [smem:$0x3FFD];
	_ =	sdelay $0x3  }
0x96: {  	_ =	strace s2  }
0x97: {  	_ =	strace $0x8FFFFFFF  }
0x98: {  	s18 =	sld [smem:$0x3FDB];
	_ =	sdelay $0x1  }
0x99: {  	s19 =	simm.s32 $_scs_section_size  }
0x9a: {  	s4 =	simm.s32 $_size__tile_overlayer_lowered;
	s5 =	simm.s32 $_tile_overlayer_lowered  }
0x9b: {  	s22 =	simm.s32 $0x1BFF;
	s21 =	sshll.u32 s5, $0x1;
	s2 =	sadd.s32 s19, s18  }
0x9c: {  	s6 =	simm.s32 $0x0;
	s20 =	sshll.u32 s4, $0x1;
	s4 =	sadd.s32 s21, s2  }
0x9d: {  	[timem:s6], [sflag:s22] =	dma.local [hbm:s4], s20  }
0x9e: {  	_ =	swait.ge [sflag:s22], s20  }
0x9f: {  	s3 =	ssub.s32 $0x0, s20;
	[sflag:s22] =	ssyncset.done $0x0  }
0xa0: {  	[sflag:s22] =	ssyncadd.s32 s3;
	_ =	sdelay $0x1  }
0xa1: {  	s23 =	simm.s32 $0x1B8B  }
0xa2: {  	_ =	swait.ge [sflag:s23], $0x1  }
0xa3: {  	[sflag:s23] =	ssyncset.done $0x0  }
0xa4: {  	s25 =	simm.s32 $0x1B8E;
	s24 =	sld [smem:$0x3FFE];
	[sflag:s23] =	ssyncadd.s32 $0xFFFFFFFF  }
0xa5: {  	s26 =	simm.s32 $execute0_lowered;
	[smem:$0x3FD2] =	sst s25  }
0xa6: {  	s4 =	sshll.u32 s26, $0x1;
	_ =	strace $0x80000046;
	[dreg:$0x1] =	wrdreg $0xFFFFFFFF  }
0xa7: {  	s28 =	simm.s32 $_size_execute0_lowered;
	s2 =	sadd.s32 s2, s4;
	[dreg:$0x0] =	wrdreg $0x0  }
0xa8: {  	s4 =	sshll.u32 s28, $0x1;
	[dreg:$0x2] =	wrdreg s2  }
0xa9: {  	[dreg:$0x3] =	wrdreg s4  }
0xaa: {  	[dreg:$0x4] =	wrdreg $0xC0  }
0xab: {  	_ =	task [dreg:s6], $0x5FFFF  }
0xac: {  	[dreg:$0x1] =	wrdreg $0xFFFFFFFF  }
0xad: {  	[dreg:$0x0] =	wrdreg $0x60  }
0xae: {  	[dreg:$0x2] =	wrdreg s24  }
0xaf: {  	[dreg:$0x3] =	wrdreg $0x18000  }
0xb0: {  	[dreg:$0x4] =	wrdreg $0x9  }
0xb1: {  	_ =	task.clear_ibuf [dreg:s6], $0x5FFFF;
	_ =	strace $0x90000046  }
0xb2: {  	s29 =	simm.s32 $0x9;
	_ =	strace $0x80000048  }
0xb3: {  	_ =	swait.ge [sflag:s29], $0x1  }
0xb4: {  	[sflag:s29] =	ssyncadd.s32 $0xFFFFFFFF  }
0xb5: {  	_ =	strace $0x90000048  }
0xb6: {  	_ =	sfence  }
0xb7: {  	s30 =	sld [smem:$0x0];
	_ =	sdelay $0x2  }
0xb8: {  	s31 =	sshll.u32 s1, $0xD;
	s1 =	sshrl.u32 s1, $0x2  }
0xb9: {  	s3 =	sand.u32 $0x4000, s31;
	s1 =	sadd.s32 s1, s30  }
0xba: {  	s0 =	sor.u32 s3, s0;
	s1 =	sshll.u32 s1, $0x11  }
0xbb: {  	s0 =	sor.u32 s1, s0  }
0xbc: {  	s0 =	sadd.s32 $0x8F2B, s0  }
0xbd: {  	[sflag:s0] =	ssyncadd.remote.s32 $0x1  }
0xbe: {  	_ =	sfence.sel $0xFFFF  }
0xbf: {  	[dreg:$0x0] =	wrdreg $0xFFFFFFFF;
	(pc) =	sbr.abs _section_cstart, $3  }
0xc0: {  	[dreg:$0x1] =	wrdreg $0xFFFFFFFF  }
0xc1: {  	_ =	task.clear_ibuf [dreg:s6], $0x2FFFF;
	_ =	strace $0x9FFFFFFF  }
0xc2: {  	(tm) =	ssettm $0x7FFFFFFF  }
0xc3: {  	_ =	shalt  }
tec
execute0_lowered:
.L_overlay_start_1:
0x0: {  	(tag) =	ssettag $0x1  }
0x1: {  	s4 =	rddreg [dreg:$0x0];
	s2 =	simm.s32 $0x0  }
0x2: {  	v0 =	vimm.f32 $1.000000000e+00;
	[smem:$0x7FF] =	sst s2  }
0x3: {  	s1 =	rddreg [dreg:$0x1];
	_ =	strace $0x80000047;
	[tilespmem:$0x1530] =	vst v0  }
0x4: {  	[tilespmem:$0x1540] =	vst v0  }
0x5: {  	[tilespmem:$0x1550] =	vst v0  }
0x6: {  	[tilespmem:$0x1560] =	vst v0  }
0x7: {  	v1 =	vimm.f32 $0.0e+00;
	[tilespmem:$0x1570] =	vst v0  }
0x8: {  	[tilespmem:$0x1580] =	vst v1  }
0x9: {  	[tilespmem:$0x1590] =	vst v1  }
0xa: {  	[tilespmem:$0x15A0] =	vst v1  }
0xb: {  	[tilespmem:$0x15B0] =	vst v1  }
0xc: {  	[tilespmem:$0x15C0] =	vst v1  }
0xd: {  	[tilespmem:$0x15D0] =	vst v1  }
0xe: {  	[tilespmem:$0x15E0] =	vst v1  }
0xf: {  	[tilespmem:$0x15F0] =	vst v1  }
0x10: {  	[tilespmem:$0x1600] =	vst v1  }
0x11: {  	[tilespmem:$0x1610] =	vst v1  }
0x12: {  	[tilespmem:$0x1620] =	vst v1  }
0x13: {  	[tilespmem:$0x1630] =	vst v1  }
0x14: {  	[tilespmem:$0x1640] =	vst v1  }
0x15: {  	[tilespmem:$0x1650] =	vst v1  }
0x16: {  	[tilespmem:$0x1660] =	vst v1  }
0x17: {  	[tilespmem:$0x1670] =	vst v1  }
0x18: {  	[tilespmem:$0x1500] =	vst v0  }
0x19: {  	[tilespmem:$0x17F0] =	vst v1  }
0x1a: {  	[tilespmem:$0x17E0] =	vst v1  }
0x1b: {  	s25 =	simm.s32 $0x180;
	[tilespmem:$0x17D0] =	vst v1  }
0x1c: {  	s26 =	simm.s32 $0x200;
	[tilespmem:$0x17C0] =	vst v1;
	[dreg:$0x5] =	wrdreg s25  }
0x1d: {  	s8 =	simm.s32 $0x400;
	[tilespmem:$0x17B0] =	vst v1;
	[dreg:$0x6] =	wrdreg s26  }
0x1e: {  	s9 =	simm.s32 $0x480;
	[tilespmem:$0x17A0] =	vst v1;
	[dreg:$0xa] =	wrdreg s8  }
0x1f: {  	s10 =	simm.s32 $0x500;
	[tilespmem:$0x1790] =	vst v1;
	[dreg:$0xb] =	wrdreg s9  }
0x20: {  	s11 =	simm.s32 $0x580;
	[tilespmem:$0x1780] =	vst v1;
	[dreg:$0xc] =	wrdreg s10  }
0x21: {  	s12 =	simm.s32 $0x600;
	[tilespmem:$0x1770] =	vst v1;
	[dreg:$0xd] =	wrdreg s11  }
0x22: {  	s13 =	simm.s32 $0x680;
	[tilespmem:$0x1760] =	vst v1;
	[dreg:$0xe] =	wrdreg s12  }
0x23: {  	s14 =	simm.s32 $0x700;
	[tilespmem:$0x1750] =	vst v1;
	[dreg:$0xf] =	wrdreg s13  }
0x24: {  	s15 =	simm.s32 $0x780;
	[tilespmem:$0x1740] =	vst v1;
	[dreg:$0x10] =	wrdreg s14  }
0x25: {  	s16 =	simm.s32 $0x800;
	[tilespmem:$0x1730] =	vst v1;
	[dreg:$0x11] =	wrdreg s15  }
0x26: {  	s0 =	srdreg.scid;
	s17 =	simm.s32 $0x880;
	[tilespmem:$0x1720] =	vst v1;
	[dreg:$0x12] =	wrdreg s16  }
0x27: {  	s3 =	stileid.u32;
	s19 =	simm.s32 $0x900;
	[tilespmem:$0x1710] =	vst v1;
	[dreg:$0x13] =	wrdreg s17  }
0x28: {  	s20 =	simm.s32 $0x980;
	s21 =	simm.s32 $0xA00;
	[tilespmem:$0x1700] =	vst v1;
	[dreg:$0x14] =	wrdreg s19  }
0x29: {  	s22 =	simm.s32 $0xA80;
	s0 =	sand.u32 $0x1, s0;
	[tilespmem:$0x16F0] =	vst v1;
	[dreg:$0x15] =	wrdreg s20  }
0x2a: {  	s6 =	smul.u32 $0x500, s3;
	s5 =	sshll.u32 s0, $0x4;
	[tilespmem:$0x16E0] =	vst v1;
	[dreg:$0x16] =	wrdreg s21  }
0x2b: {  	s7 =	sshll.u32 s0, $0x7;
	[tilespmem:$0x16D0] =	vst v1;
	[dreg:$0x17] =	wrdreg s22;
	s5 =	sor.u32 s3, s5  }
0x2c: {  	[tilespmem:$0x16C0] =	vst v1;
	s6 =	sor.u32 s7, s6;
	s7 =	simm.s32 $0x380;
	s5 =	smul.u32 $0x2A0, s5  }
0x2d: {  	[tilespmem:$0x16B0] =	vst v1;
	s6 =	sshrl.u32 s6, $0x3;
	[dreg:$0x9] =	wrdreg s7  }
0x2e: {  	[tilespmem:$0x16A0] =	vst v1;
	s5 =	sadd.s32 s5, s4;
	s4 =	sadd.s32 s6, s4;
	s6 =	simm.s32 $0x300  }
0x2f: {  	s18 =	smul.u32 $0xA00, s3;
	[tilespmem:$0x1690] =	vst v1;
	s5 =	sadd.s32 $0x1800, s5;
	[dreg:$0x8] =	wrdreg s6  }
0x30: {  	[tilespmem:$0x1680] =	vst v1;
	s4 =	sadd.s32 $0x6C00, s4;
	[dreg:$0x3] =	wrdreg s5;
	s5 =	simm.s32 $0x280  }
0x31: {  	[tilespmem:$0x1520] =	vst v0;
	s6 =	simm.s32 $0x1580;
	[dreg:$0x7] =	wrdreg s5;
	s5 =	sshrl.u32 s18, $0x2  }
0x32: {  	[tilespmem:$0x1510] =	vst v0;
	[dreg:$0x4] =	wrdreg s4;
	s4 =	sadd.s32 s5, s1;
	s5 =	simm.s32 $0x2  }
0x33: {  	[spmem:s4] =	stream.linear.scatter [tilespmem:s6], [sflag:$0x2], $0x280, $0x38;
	[tilespmem:$0x1A80] =	vst v63  }
0x34: {  	_ =	swait.ge [sflag:s5], $0x280  }
0x35: {  	[sflag:s5] =	ssyncset.done $0x0  }
0x36: {  	s23 =	rddreg [dreg:$0x3];
	[sflag:s5] =	ssyncadd.s32 $0xFFFFFD80  }
0x37: {  	[tilespmem:s2], [sflag:$0x2] =	stream.linear.gather [hbm4b:s23+s2], $0x1500, $0x38;
	[tilespmem:$0x1A80] =	vst v63  }
0x38: {  	_ =	swait.ge [sflag:s5], $0x1500  }
0x39: {  	[sflag:s5] =	ssyncset.done $0x0  }
0x3a: {  	[sflag:s5] =	ssyncadd.s32 $0xFFFFEB00  }
0x3b: {  	s8 =	simm.s32 $0x1500;
	s7 =	simm.s32 $0x80;
	[bflag:$0x0] =	sbarrier.arrive $0xFFFF  }
0x3c: {  	[spmem:s1] =	stream.indirect.scatter.add.f32 [tilespmem:s8], [sflag:$0x1], $0x1, s2, s7, $0xb8;
	[tilespmem:$0x1A80] =	vst v63  }
0x3d: {  	_ = 	snop  }
0x3e: {  	[spmem:s1] =	stream.indirect.scatter.add.f32 [tilespmem:s8], [sflag:$0x1], $0x1, s7, s7, $0xb8;
	[tilespmem:$0x1A80] =	vst v63  }
0x3f: {  	s9 =	simm.s32 $0x100  }
0x40: {  	[spmem:s1] =	stream.indirect.scatter.add.f32 [tilespmem:s8], [sflag:$0x1], $0x1, s9, s7, $0xb8;
	[tilespmem:$0x1A80] =	vst v63  }
0x41: {  	s10 =	rddreg [dreg:$0x5]  }
0x42: {  	[spmem:s1] =	stream.indirect.scatter.add.f32 [tilespmem:s8], [sflag:$0x1], $0x1, s10, s7, $0xb8;
	[tilespmem:$0x1A80] =	vst v63  }
0x43: {  	s11 =	rddreg [dreg:$0x6]  }
0x44: {  	[spmem:s1] =	stream.indirect.scatter.add.f32 [tilespmem:s8], [sflag:$0x1], $0x1, s11, s7, $0xb8;
	[tilespmem:$0x1A80] =	vst v63  }
0x45: {  	s12 =	rddreg [dreg:$0x7];
	s10 =	simm.s32 $0x1  }
0x46: {  	[spmem:s1] =	stream.indirect.scatter.add.f32 [tilespmem:s8], [sflag:$0x1], $0x1, s12, s7, $0xb8;
	[tilespmem:$0x1A80] =	vst v63  }
0x47: {  	_ =	swait.ge [sflag:s10], $0x80  }
0x48: {  	[sflag:s10] =	ssyncset.done $0x0  }
0x49: {  	[sflag:s10] =	ssyncadd.s32 $0xFFFFFF80  }
0x4a: {  	_ =	swait.ge [sflag:s10], $0x80  }
0x4b: {  	[sflag:s10] =	ssyncset.done $0x0  }
0x4c: {  	[sflag:s10] =	ssyncadd.s32 $0xFFFFFF80  }
0x4d: {  	_ =	swait.ge [sflag:s10], $0x80  }
0x4e: {  	[sflag:s10] =	ssyncset.done $0x0  }
0x4f: {  	[sflag:s10] =	ssyncadd.s32 $0xFFFFFF80  }
0x50: {  	_ =	swait.ge [sflag:s10], $0x80  }
0x51: {  	[sflag:s10] =	ssyncset.done $0x0  }
0x52: {  	[sflag:s10] =	ssyncadd.s32 $0xFFFFFF80  }
0x53: {  	_ =	swait.ge [sflag:s10], $0x80  }
0x54: {  	[sflag:s10] =	ssyncset.done $0x0  }
0x55: {  	[sflag:s10] =	ssyncadd.s32 $0xFFFFFF80  }
0x56: {  	_ =	swait.ge [sflag:s10], $0x80  }
0x57: {  	[sflag:s10] =	ssyncset.done $0x0  }
0x58: {  	s24 =	rddreg [dreg:$0x8];
	[sflag:s10] =	ssyncadd.s32 $0xFFFFFF80  }
0x59: {  	[spmem:s1] =	stream.indirect.scatter.add.f32 [tilespmem:s8], [sflag:$0x1], $0x1, s24, s7, $0xb8;
	[tilespmem:$0x1A80] =	vst v63  }
0x5a: {  	s25 =	rddreg [dreg:$0x9]  }
0x5b: {  	[spmem:s1] =	stream.indirect.scatter.add.f32 [tilespmem:s8], [sflag:$0x1], $0x1, s25, s7, $0xb8;
	[tilespmem:$0x1A80] =	vst v63  }
0x5c: {  	s26 =	rddreg [dreg:$0xa]  }
0x5d: {  	[spmem:s1] =	stream.indirect.scatter.add.f32 [tilespmem:s8], [sflag:$0x1], $0x1, s26, s7, $0xb8;
	[tilespmem:$0x1A80] =	vst v63  }
0x5e: {  	s3 =	rddreg [dreg:$0xb]  }
0x5f: {  	[spmem:s1] =	stream.indirect.scatter.add.f32 [tilespmem:s8], [sflag:$0x1], $0x1, s3, s7, $0xb8;
	[tilespmem:$0x1A80] =	vst v63  }
0x60: {  	s13 =	rddreg [dreg:$0xc]  }
0x61: {  	[spmem:s1] =	stream.indirect.scatter.add.f32 [tilespmem:s8], [sflag:$0x1], $0x1, s13, s7, $0xb8;
	[tilespmem:$0x1A80] =	vst v63  }
0x62: {  	s14 =	rddreg [dreg:$0xd]  }
0x63: {  	[spmem:s1] =	stream.indirect.scatter.add.f32 [tilespmem:s8], [sflag:$0x1], $0x1, s14, s7, $0xb8;
	[tilespmem:$0x1A80] =	vst v63  }
0x64: {  	_ =	swait.ge [sflag:s10], $0x80  }
0x65: {  	[sflag:s10] =	ssyncset.done $0x0  }
0x66: {  	[sflag:s10] =	ssyncadd.s32 $0xFFFFFF80  }
0x67: {  	_ =	swait.ge [sflag:s10], $0x80  }
0x68: {  	[sflag:s10] =	ssyncset.done $0x0  }
0x69: {  	[sflag:s10] =	ssyncadd.s32 $0xFFFFFF80  }
0x6a: {  	_ =	swait.ge [sflag:s10], $0x80  }
0x6b: {  	[sflag:s10] =	ssyncset.done $0x0  }
0x6c: {  	[sflag:s10] =	ssyncadd.s32 $0xFFFFFF80  }
0x6d: {  	_ =	swait.ge [sflag:s10], $0x80  }
0x6e: {  	[sflag:s10] =	ssyncset.done $0x0  }
0x6f: {  	[sflag:s10] =	ssyncadd.s32 $0xFFFFFF80  }
0x70: {  	_ =	swait.ge [sflag:s10], $0x80  }
0x71: {  	[sflag:s10] =	ssyncset.done $0x0  }
0x72: {  	[sflag:s10] =	ssyncadd.s32 $0xFFFFFF80  }
0x73: {  	_ =	swait.ge [sflag:s10], $0x80  }
0x74: {  	[sflag:s10] =	ssyncset.done $0x0  }
0x75: {  	s15 =	rddreg [dreg:$0xe];
	[sflag:s10] =	ssyncadd.s32 $0xFFFFFF80  }
0x76: {  	[spmem:s1] =	stream.indirect.scatter.add.f32 [tilespmem:s8], [sflag:$0x1], $0x1, s15, s7, $0xb8;
	[tilespmem:$0x1A80] =	vst v63  }
0x77: {  	s16 =	rddreg [dreg:$0xf]  }
0x78: {  	[spmem:s1] =	stream.indirect.scatter.add.f32 [tilespmem:s8], [sflag:$0x1], $0x1, s16, s7, $0xb8;
	[tilespmem:$0x1A80] =	vst v63  }
0x79: {  	s17 =	rddreg [dreg:$0x10]  }
0x7a: {  	[spmem:s1] =	stream.indirect.scatter.add.f32 [tilespmem:s8], [sflag:$0x1], $0x1, s17, s7, $0xb8;
	[tilespmem:$0x1A80] =	vst v63  }
0x7b: {  	s18 =	rddreg [dreg:$0x11]  }
0x7c: {  	[spmem:s1] =	stream.indirect.scatter.add.f32 [tilespmem:s8], [sflag:$0x1], $0x1, s18, s7, $0xb8;
	[tilespmem:$0x1A80] =	vst v63  }
0x7d: {  	s19 =	rddreg [dreg:$0x12]  }
0x7e: {  	[spmem:s1] =	stream.indirect.scatter.add.f32 [tilespmem:s8], [sflag:$0x1], $0x1, s19, s7, $0xb8;
	[tilespmem:$0x1A80] =	vst v63  }
0x7f: {  	s20 =	rddreg [dreg:$0x13]  }
0x80: {  	[spmem:s1] =	stream.indirect.scatter.add.f32 [tilespmem:s8], [sflag:$0x1], $0x1, s20, s7, $0xb8;
	[tilespmem:$0x1A80] =	vst v63  }
0x81: {  	_ =	swait.ge [sflag:s10], $0x80  }
0x82: {  	[sflag:s10] =	ssyncset.done $0x0  }
0x83: {  	[sflag:s10] =	ssyncadd.s32 $0xFFFFFF80  }
0x84: {  	_ =	swait.ge [sflag:s10], $0x80  }
0x85: {  	[sflag:s10] =	ssyncset.done $0x0  }
0x86: {  	[sflag:s10] =	ssyncadd.s32 $0xFFFFFF80  }
0x87: {  	_ =	swait.ge [sflag:s10], $0x80  }
0x88: {  	[sflag:s10] =	ssyncset.done $0x0  }
0x89: {  	[sflag:s10] =	ssyncadd.s32 $0xFFFFFF80  }
0x8a: {  	_ =	swait.ge [sflag:s10], $0x80  }
0x8b: {  	[sflag:s10] =	ssyncset.done $0x0  }
0x8c: {  	[sflag:s10] =	ssyncadd.s32 $0xFFFFFF80  }
0x8d: {  	_ =	swait.ge [sflag:s10], $0x80  }
0x8e: {  	[sflag:s10] =	ssyncset.done $0x0  }
0x8f: {  	[sflag:s10] =	ssyncadd.s32 $0xFFFFFF80  }
0x90: {  	_ =	swait.ge [sflag:s10], $0x80  }
0x91: {  	[sflag:s10] =	ssyncset.done $0x0  }
0x92: {  	s21 =	rddreg [dreg:$0x14];
	[sflag:s10] =	ssyncadd.s32 $0xFFFFFF80  }
0x93: {  	[spmem:s1] =	stream.indirect.scatter.add.f32 [tilespmem:s8], [sflag:$0x1], $0x1, s21, s7, $0xb8;
	[tilespmem:$0x1A80] =	vst v63  }
0x94: {  	s22 =	rddreg [dreg:$0x15]  }
0x95: {  	[spmem:s1] =	stream.indirect.scatter.add.f32 [tilespmem:s8], [sflag:$0x1], $0x1, s22, s7, $0xb8;
	[tilespmem:$0x1A80] =	vst v63  }
0x96: {  	s23 =	rddreg [dreg:$0x16]  }
0x97: {  	[spmem:s1] =	stream.indirect.scatter.add.f32 [tilespmem:s8], [sflag:$0x1], $0x1, s23, s7, $0xb8;
	[tilespmem:$0x1A80] =	vst v63  }
0x98: {  	s24 =	rddreg [dreg:$0x17]  }
0x99: {  	[spmem:s1] =	stream.indirect.scatter.add.f32 [tilespmem:s8], [sflag:$0x1], $0x1, s24, s7, $0xb8;
	[tilespmem:$0x1A80] =	vst v63  }
0x9a: {  	s25 =	simm.s32 $0xB00  }
0x9b: {  	[spmem:s1] =	stream.indirect.scatter.add.f32 [tilespmem:s8], [sflag:$0x1], $0x1, s25, s7, $0xb8;
	[tilespmem:$0x1A80] =	vst v63  }
0x9c: {  	s26 =	simm.s32 $0xB80  }
0x9d: {  	[spmem:s1] =	stream.indirect.scatter.add.f32 [tilespmem:s8], [sflag:$0x1], $0x1, s26, s7, $0xb8;
	[tilespmem:$0x1A80] =	vst v63  }
0x9e: {  	_ =	swait.ge [sflag:s10], $0x80  }
0x9f: {  	[sflag:s10] =	ssyncset.done $0x0  }
0xa0: {  	[sflag:s10] =	ssyncadd.s32 $0xFFFFFF80  }
0xa1: {  	_ =	swait.ge [sflag:s10], $0x80  }
0xa2: {  	[sflag:s10] =	ssyncset.done $0x0  }
0xa3: {  	[sflag:s10] =	ssyncadd.s32 $0xFFFFFF80  }
0xa4: {  	_ =	swait.ge [sflag:s10], $0x80  }
0xa5: {  	[sflag:s10] =	ssyncset.done $0x0  }
0xa6: {  	[sflag:s10] =	ssyncadd.s32 $0xFFFFFF80  }
0xa7: {  	_ =	swait.ge [sflag:s10], $0x80  }
0xa8: {  	[sflag:s10] =	ssyncset.done $0x0  }
0xa9: {  	[sflag:s10] =	ssyncadd.s32 $0xFFFFFF80  }
0xaa: {  	_ =	swait.ge [sflag:s10], $0x80  }
0xab: {  	[sflag:s10] =	ssyncset.done $0x0  }
0xac: {  	[sflag:s10] =	ssyncadd.s32 $0xFFFFFF80  }
0xad: {  	_ =	swait.ge [sflag:s10], $0x80  }
0xae: {  	[sflag:s10] =	ssyncset.done $0x0  }
0xaf: {  	s11 =	simm.s32 $0xC00;
	[sflag:s10] =	ssyncadd.s32 $0xFFFFFF80  }
0xb0: {  	[spmem:s1] =	stream.indirect.scatter.add.f32 [tilespmem:s8], [sflag:$0x1], $0x1, s11, s7, $0xb8;
	[tilespmem:$0x1A80] =	vst v63  }
0xb1: {  	s14 =	simm.s32 $0xC80  }
0xb2: {  	[spmem:s1] =	stream.indirect.scatter.add.f32 [tilespmem:s8], [sflag:$0x1], $0x1, s14, s7, $0xb8;
	[tilespmem:$0x1A80] =	vst v63  }
0xb3: {  	s15 =	simm.s32 $0xD00  }
0xb4: {  	[spmem:s1] =	stream.indirect.scatter.add.f32 [tilespmem:s8], [sflag:$0x1], $0x1, s15, s7, $0xb8;
	[tilespmem:$0x1A80] =	vst v63  }
0xb5: {  	s16 =	simm.s32 $0xD80  }
0xb6: {  	[spmem:s1] =	stream.indirect.scatter.add.f32 [tilespmem:s8], [sflag:$0x1], $0x1, s16, s7, $0xb8;
	[tilespmem:$0x1A80] =	vst v63  }
0xb7: {  	s17 =	simm.s32 $0xE00  }
0xb8: {  	[spmem:s1] =	stream.indirect.scatter.add.f32 [tilespmem:s8], [sflag:$0x1], $0x1, s17, s7, $0xb8;
	[tilespmem:$0x1A80] =	vst v63  }
0xb9: {  	s18 =	simm.s32 $0xE80  }
0xba: {  	[spmem:s1] =	stream.indirect.scatter.add.f32 [tilespmem:s8], [sflag:$0x1], $0x1, s18, s7, $0xb8;
	[tilespmem:$0x1A80] =	vst v63  }
0xbb: {  	_ =	swait.ge [sflag:s10], $0x80  }
0xbc: {  	[sflag:s10] =	ssyncset.done $0x0  }
0xbd: {  	[sflag:s10] =	ssyncadd.s32 $0xFFFFFF80  }
0xbe: {  	_ =	swait.ge [sflag:s10], $0x80  }
0xbf: {  	[sflag:s10] =	ssyncset.done $0x0  }
0xc0: {  	[sflag:s10] =	ssyncadd.s32 $0xFFFFFF80  }
0xc1: {  	_ =	swait.ge [sflag:s10], $0x80  }
0xc2: {  	[sflag:s10] =	ssyncset.done $0x0  }
0xc3: {  	[sflag:s10] =	ssyncadd.s32 $0xFFFFFF80  }
0xc4: {  	_ =	swait.ge [sflag:s10], $0x80  }
0xc5: {  	[sflag:s10] =	ssyncset.done $0x0  }
0xc6: {  	[sflag:s10] =	ssyncadd.s32 $0xFFFFFF80  }
0xc7: {  	_ =	swait.ge [sflag:s10], $0x80  }
0xc8: {  	[sflag:s10] =	ssyncset.done $0x0  }
0xc9: {  	[sflag:s10] =	ssyncadd.s32 $0xFFFFFF80  }
0xca: {  	_ =	swait.ge [sflag:s10], $0x80  }
0xcb: {  	[sflag:s10] =	ssyncset.done $0x0  }
0xcc: {  	s19 =	simm.s32 $0xF00;
	[sflag:s10] =	ssyncadd.s32 $0xFFFFFF80  }
0xcd: {  	[spmem:s1] =	stream.indirect.scatter.add.f32 [tilespmem:s8], [sflag:$0x1], $0x1, s19, s7, $0xb8;
	[tilespmem:$0x1A80] =	vst v63  }
0xce: {  	s20 =	simm.s32 $0xF80  }
0xcf: {  	[spmem:s1] =	stream.indirect.scatter.add.f32 [tilespmem:s8], [sflag:$0x1], $0x1, s20, s7, $0xb8;
	[tilespmem:$0x1A80] =	vst v63  }
0xd0: {  	s21 =	simm.s32 $0x1000  }
0xd1: {  	[spmem:s1] =	stream.indirect.scatter.add.f32 [tilespmem:s8], [sflag:$0x1], $0x1, s21, s7, $0xb8;
	[tilespmem:$0x1A80] =	vst v63  }
0xd2: {  	s22 =	simm.s32 $0x1080  }
0xd3: {  	[spmem:s1] =	stream.indirect.scatter.add.f32 [tilespmem:s8], [sflag:$0x1], $0x1, s22, s7, $0xb8;
	[tilespmem:$0x1A80] =	vst v63  }
0xd4: {  	s23 =	simm.s32 $0x1100  }
0xd5: {  	[spmem:s1] =	stream.indirect.scatter.add.f32 [tilespmem:s8], [sflag:$0x1], $0x1, s23, s7, $0xb8;
	[tilespmem:$0x1A80] =	vst v63  }
0xd6: {  	s24 =	simm.s32 $0x1180  }
0xd7: {  	[spmem:s1] =	stream.indirect.scatter.add.f32 [tilespmem:s8], [sflag:$0x1], $0x1, s24, s7, $0xb8;
	[tilespmem:$0x1A80] =	vst v63  }
0xd8: {  	_ =	swait.ge [sflag:s10], $0x80  }
0xd9: {  	[sflag:s10] =	ssyncset.done $0x0  }
0xda: {  	[sflag:s10] =	ssyncadd.s32 $0xFFFFFF80  }
0xdb: {  	_ =	swait.ge [sflag:s10], $0x80  }
0xdc: {  	[sflag:s10] =	ssyncset.done $0x0  }
0xdd: {  	[sflag:s10] =	ssyncadd.s32 $0xFFFFFF80  }
0xde: {  	_ =	swait.ge [sflag:s10], $0x80  }
0xdf: {  	[sflag:s10] =	ssyncset.done $0x0  }
0xe0: {  	[sflag:s10] =	ssyncadd.s32 $0xFFFFFF80  }
0xe1: {  	_ =	swait.ge [sflag:s10], $0x80  }
0xe2: {  	[sflag:s10] =	ssyncset.done $0x0  }
0xe3: {  	[sflag:s10] =	ssyncadd.s32 $0xFFFFFF80  }
0xe4: {  	_ =	swait.ge [sflag:s10], $0x80  }
0xe5: {  	[sflag:s10] =	ssyncset.done $0x0  }
0xe6: {  	[sflag:s10] =	ssyncadd.s32 $0xFFFFFF80  }
0xe7: {  	_ =	swait.ge [sflag:s10], $0x80  }
0xe8: {  	[sflag:s10] =	ssyncset.done $0x0  }
0xe9: {  	s25 =	simm.s32 $0x1200;
	[sflag:s10] =	ssyncadd.s32 $0xFFFFFF80  }
0xea: {  	[spmem:s1] =	stream.indirect.scatter.add.f32 [tilespmem:s8], [sflag:$0x1], $0x1, s25, s7, $0xb8;
	[tilespmem:$0x1A80] =	vst v63  }
0xeb: {  	s26 =	simm.s32 $0x1280  }
0xec: {  	[spmem:s1] =	stream.indirect.scatter.add.f32 [tilespmem:s8], [sflag:$0x1], $0x1, s26, s7, $0xb8;
	[tilespmem:$0x1A80] =	vst v63  }
0xed: {  	s28 =	simm.s32 $0x1300  }
0xee: {  	[spmem:s1] =	stream.indirect.scatter.add.f32 [tilespmem:s8], [sflag:$0x1], $0x1, s28, s7, $0xb8;
	[tilespmem:$0x1A80] =	vst v63  }
0xef: {  	s29 =	simm.s32 $0x1380  }
0xf0: {  	[spmem:s1] =	stream.indirect.scatter.add.f32 [tilespmem:s8], [sflag:$0x1], $0x1, s29, s7, $0xb8;
	[tilespmem:$0x1A80] =	vst v63  }
0xf1: {  	s30 =	simm.s32 $0x1400  }
0xf2: {  	[spmem:s1] =	stream.indirect.scatter.add.f32 [tilespmem:s8], [sflag:$0x1], $0x1, s30, s7, $0xb8;
	[tilespmem:$0x1A80] =	vst v63  }
0xf3: {  	s31 =	simm.s32 $0x1480  }
0xf4: {  	[spmem:s1] =	stream.indirect.scatter.add.f32 [tilespmem:s8], [sflag:$0x1], $0x1, s31, s7, $0xb8;
	[tilespmem:$0x1A80] =	vst v63  }
0xf5: {  	_ =	swait.ge [sflag:s10], $0x80  }
0xf6: {  	[sflag:s10] =	ssyncset.done $0x0  }
0xf7: {  	[sflag:s10] =	ssyncadd.s32 $0xFFFFFF80  }
0xf8: {  	_ =	swait.ge [sflag:s10], $0x80  }
0xf9: {  	[sflag:s10] =	ssyncset.done $0x0  }
0xfa: {  	[sflag:s10] =	ssyncadd.s32 $0xFFFFFF80  }
0xfb: {  	_ =	swait.ge [sflag:s10], $0x80  }
0xfc: {  	[sflag:s10] =	ssyncset.done $0x0  }
0xfd: {  	[sflag:s10] =	ssyncadd.s32 $0xFFFFFF80  }
0xfe: {  	_ =	swait.ge [sflag:s10], $0x80  }
0xff: {  	[sflag:s10] =	ssyncset.done $0x0  }
0x100: {  	[sflag:s10] =	ssyncadd.s32 $0xFFFFFF80  }
0x101: {  	_ =	swait.ge [sflag:s10], $0x80  }
0x102: {  	[sflag:s10] =	ssyncset.done $0x0  }
0x103: {  	s0 =	ssub.s32 $0x2, s0;
	[sflag:s10] =	ssyncadd.s32 $0xFFFFFF80  }
0x104: {  	s13 =	sshrl.u32 s0, $0x1;
	_ =	swait.ge [sflag:s10], $0x80  }
0x105: {  	s0 =	ssub.s32 s0, s13;
	[sflag:s10] =	ssyncset.done $0x0  }
0x106: {  	s0 =	smax.u32 s0, $0x1;
	[sflag:s10] =	ssyncadd.s32 $0xFFFFFF80  }
0x107: {  	p0 =	sne.s32 s0, $0x1;
	[bflag:$0x0] =	sbarrier.arrive $0xFFFF  }
0x108: {  	[tilespmem:s6], [sflag:$0x2] =	stream.linear.gather [spmem:s4], $0x280, $0x38;
	[tilespmem:$0x1A80] =	vst v63  }
.Ltmp0:
0x109: {  	_ =	swait.ge [sflag:s5], $0x280;
	(pc) =	sbr.rel @!p0 .LBB2_2-.Ltmp0, $4  }
0x10a: {  	[sflag:s5] =	ssyncset.done $0x0  }
0x10b: {  	s12 =	rddreg [dreg:$0x4];
	[sflag:s5] =	ssyncadd.s32 $0xFFFFFD80  }
0x10c: {  	[hbm4b:s12+s7] =	stream.strided.scatter [tilespmem:s6], [sflag:$0x2], $0x280, s9, s7, $0x38;
	[tilespmem:$0x1A80] =	vst v63  }
0x10d: {  	s0 =	sadd.s32 $0xFFFFFFFF, s0;
	_ =	swait.ge [sflag:s5], $0x280  }
.LBB2_1:
0x10e: {  	[sflag:s5] =	ssyncset.done $0x0  }
0x10f: {  	[sflag:s5] =	ssyncadd.s32 $0xFFFFFD80  }
0x110: {  	[tilespmem:$0x1530] =	vst v0  }
0x111: {  	[tilespmem:$0x1540] =	vst v0  }
0x112: {  	[tilespmem:$0x1550] =	vst v0  }
0x113: {  	[tilespmem:$0x1560] =	vst v0  }
0x114: {  	[tilespmem:$0x1570] =	vst v0  }
0x115: {  	[tilespmem:$0x1580] =	vst v1  }
0x116: {  	[tilespmem:$0x1590] =	vst v1  }
0x117: {  	[tilespmem:$0x15A0] =	vst v1  }
0x118: {  	[tilespmem:$0x15B0] =	vst v1  }
0x119: {  	[tilespmem:$0x15C0] =	vst v1  }
0x11a: {  	[tilespmem:$0x15D0] =	vst v1  }
0x11b: {  	[tilespmem:$0x15E0] =	vst v1  }
0x11c: {  	[tilespmem:$0x15F0] =	vst v1  }
0x11d: {  	[tilespmem:$0x1600] =	vst v1  }
0x11e: {  	[tilespmem:$0x1610] =	vst v1  }
0x11f: {  	[tilespmem:$0x1620] =	vst v1  }
0x120: {  	[tilespmem:$0x1630] =	vst v1  }
0x121: {  	[tilespmem:$0x1640] =	vst v1  }
0x122: {  	[tilespmem:$0x1650] =	vst v1  }
0x123: {  	[tilespmem:$0x1660] =	vst v1  }
0x124: {  	[tilespmem:$0x1670] =	vst v1  }
0x125: {  	[tilespmem:$0x1500] =	vst v0  }
0x126: {  	[tilespmem:$0x17F0] =	vst v1  }
0x127: {  	[tilespmem:$0x17E0] =	vst v1  }
0x128: {  	[tilespmem:$0x17D0] =	vst v1  }
0x129: {  	[tilespmem:$0x17C0] =	vst v1  }
0x12a: {  	[tilespmem:$0x17B0] =	vst v1  }
0x12b: {  	[tilespmem:$0x17A0] =	vst v1  }
0x12c: {  	[tilespmem:$0x1790] =	vst v1  }
0x12d: {  	[tilespmem:$0x1780] =	vst v1  }
0x12e: {  	[tilespmem:$0x1770] =	vst v1  }
0x12f: {  	[tilespmem:$0x1760] =	vst v1  }
0x130: {  	[tilespmem:$0x1750] =	vst v1  }
0x131: {  	[tilespmem:$0x1740] =	vst v1  }
0x132: {  	[tilespmem:$0x1730] =	vst v1  }
0x133: {  	[tilespmem:$0x1720] =	vst v1  }
0x134: {  	[tilespmem:$0x1710] =	vst v1  }
0x135: {  	[tilespmem:$0x1700] =	vst v1  }
0x136: {  	[tilespmem:$0x16F0] =	vst v1  }
0x137: {  	[tilespmem:$0x16E0] =	vst v1  }
0x138: {  	[tilespmem:$0x16D0] =	vst v1  }
0x139: {  	[tilespmem:$0x16C0] =	vst v1  }
0x13a: {  	[tilespmem:$0x16B0] =	vst v1  }
0x13b: {  	[tilespmem:$0x16A0] =	vst v1  }
0x13c: {  	[tilespmem:$0x1690] =	vst v1  }
0x13d: {  	[tilespmem:$0x1680] =	vst v1  }
0x13e: {  	[tilespmem:$0x1520] =	vst v0  }
0x13f: {  	[tilespmem:$0x1510] =	vst v0  }
0x140: {  	[spmem:s4] =	stream.linear.scatter [tilespmem:s6], [sflag:$0x2], $0x280, $0x38;
	[tilespmem:$0x1A80] =	vst v63  }
0x141: {  	_ =	swait.ge [sflag:s5], $0x280  }
0x142: {  	[sflag:s5] =	ssyncset.done $0x0  }
0x143: {  	s3 =	rddreg [dreg:$0x3];
	[sflag:s5] =	ssyncadd.s32 $0xFFFFFD80  }
0x144: {  	[tilespmem:s2], [sflag:$0x2] =	stream.linear.gather [hbm4b:s3+s2], $0x1500, $0x38;
	[tilespmem:$0x1A80] =	vst v63  }
0x145: {  	_ =	swait.ge [sflag:s5], $0x1500  }
0x146: {  	[sflag:s5] =	ssyncset.done $0x0  }
0x147: {  	[sflag:s5] =	ssyncadd.s32 $0xFFFFEB00  }
0x148: {  	[bflag:$0x0] =	sbarrier.arrive $0xFFFF  }
0x149: {  	[spmem:s1] =	stream.indirect.scatter.add.f32 [tilespmem:s8], [sflag:$0x1], $0x1, s2, s7, $0xb8;
	[tilespmem:$0x1A80] =	vst v63  }
0x14a: {  	_ = 	snop  }
0x14b: {  	[spmem:s1] =	stream.indirect.scatter.add.f32 [tilespmem:s8], [sflag:$0x1], $0x1, s7, s7, $0xb8;
	[tilespmem:$0x1A80] =	vst v63  }
0x14c: {  	_ = 	snop  }
0x14d: {  	[spmem:s1] =	stream.indirect.scatter.add.f32 [tilespmem:s8], [sflag:$0x1], $0x1, s9, s7, $0xb8;
	[tilespmem:$0x1A80] =	vst v63  }
0x14e: {  	s11 =	rddreg [dreg:$0x5]  }
0x14f: {  	[spmem:s1] =	stream.indirect.scatter.add.f32 [tilespmem:s8], [sflag:$0x1], $0x1, s11, s7, $0xb8;
	[tilespmem:$0x1A80] =	vst v63  }
0x150: {  	s12 =	rddreg [dreg:$0x6]  }
0x151: {  	[spmem:s1] =	stream.indirect.scatter.add.f32 [tilespmem:s8], [sflag:$0x1], $0x1, s12, s7, $0xb8;
	[tilespmem:$0x1A80] =	vst v63  }
0x152: {  	s13 =	rddreg [dreg:$0x7]  }
0x153: {  	[spmem:s1] =	stream.indirect.scatter.add.f32 [tilespmem:s8], [sflag:$0x1], $0x1, s13, s7, $0xb8;
	[tilespmem:$0x1A80] =	vst v63  }
0x154: {  	_ =	swait.ge [sflag:s10], $0x80  }
0x155: {  	[sflag:s10] =	ssyncset.done $0x0  }
0x156: {  	[sflag:s10] =	ssyncadd.s32 $0xFFFFFF80  }
0x157: {  	_ =	swait.ge [sflag:s10], $0x80  }
0x158: {  	[sflag:s10] =	ssyncset.done $0x0  }
0x159: {  	[sflag:s10] =	ssyncadd.s32 $0xFFFFFF80  }
0x15a: {  	_ =	swait.ge [sflag:s10], $0x80  }
0x15b: {  	[sflag:s10] =	ssyncset.done $0x0  }
0x15c: {  	[sflag:s10] =	ssyncadd.s32 $0xFFFFFF80  }
0x15d: {  	_ =	swait.ge [sflag:s10], $0x80  }
0x15e: {  	[sflag:s10] =	ssyncset.done $0x0  }
0x15f: {  	[sflag:s10] =	ssyncadd.s32 $0xFFFFFF80  }
0x160: {  	_ =	swait.ge [sflag:s10], $0x80  }
0x161: {  	[sflag:s10] =	ssyncset.done $0x0  }
0x162: {  	[sflag:s10] =	ssyncadd.s32 $0xFFFFFF80  }
0x163: {  	_ =	swait.ge [sflag:s10], $0x80  }
0x164: {  	[sflag:s10] =	ssyncset.done $0x0  }
0x165: {  	s12 =	rddreg [dreg:$0x8];
	[sflag:s10] =	ssyncadd.s32 $0xFFFFFF80  }
0x166: {  	[spmem:s1] =	stream.indirect.scatter.add.f32 [tilespmem:s8], [sflag:$0x1], $0x1, s12, s7, $0xb8;
	[tilespmem:$0x1A80] =	vst v63  }
0x167: {  	s13 =	rddreg [dreg:$0x9]  }
0x168: {  	[spmem:s1] =	stream.indirect.scatter.add.f32 [tilespmem:s8], [sflag:$0x1], $0x1, s13, s7, $0xb8;
	[tilespmem:$0x1A80] =	vst v63  }
0x169: {  	s12 =	rddreg [dreg:$0xa]  }
0x16a: {  	[spmem:s1] =	stream.indirect.scatter.add.f32 [tilespmem:s8], [sflag:$0x1], $0x1, s12, s7, $0xb8;
	[tilespmem:$0x1A80] =	vst v63  }
0x16b: {  	s13 =	rddreg [dreg:$0xb]  }
0x16c: {  	[spmem:s1] =	stream.indirect.scatter.add.f32 [tilespmem:s8], [sflag:$0x1], $0x1, s13, s7, $0xb8;
	[tilespmem:$0x1A80] =	vst v63  }
0x16d: {  	s12 =	rddreg [dreg:$0xc]  }
0x16e: {  	[spmem:s1] =	stream.indirect.scatter.add.f32 [tilespmem:s8], [sflag:$0x1], $0x1, s12, s7, $0xb8;
	[tilespmem:$0x1A80] =	vst v63  }
0x16f: {  	s13 =	rddreg [dreg:$0xd]  }
0x170: {  	[spmem:s1] =	stream.indirect.scatter.add.f32 [tilespmem:s8], [sflag:$0x1], $0x1, s13, s7, $0xb8;
	[tilespmem:$0x1A80] =	vst v63  }
0x171: {  	_ =	swait.ge [sflag:s10], $0x80  }
0x172: {  	[sflag:s10] =	ssyncset.done $0x0  }
0x173: {  	[sflag:s10] =	ssyncadd.s32 $0xFFFFFF80  }
0x174: {  	_ =	swait.ge [sflag:s10], $0x80  }
0x175: {  	[sflag:s10] =	ssyncset.done $0x0  }
0x176: {  	[sflag:s10] =	ssyncadd.s32 $0xFFFFFF80  }
0x177: {  	_ =	swait.ge [sflag:s10], $0x80  }
0x178: {  	[sflag:s10] =	ssyncset.done $0x0  }
0x179: {  	[sflag:s10] =	ssyncadd.s32 $0xFFFFFF80  }
0x17a: {  	_ =	swait.ge [sflag:s10], $0x80  }
0x17b: {  	[sflag:s10] =	ssyncset.done $0x0  }
0x17c: {  	[sflag:s10] =	ssyncadd.s32 $0xFFFFFF80  }
0x17d: {  	_ =	swait.ge [sflag:s10], $0x80  }
0x17e: {  	[sflag:s10] =	ssyncset.done $0x0  }
0x17f: {  	[sflag:s10] =	ssyncadd.s32 $0xFFFFFF80  }
0x180: {  	_ =	swait.ge [sflag:s10], $0x80  }
0x181: {  	[sflag:s10] =	ssyncset.done $0x0  }
0x182: {  	s11 =	rddreg [dreg:$0xe];
	[sflag:s10] =	ssyncadd.s32 $0xFFFFFF80  }
0x183: {  	[spmem:s1] =	stream.indirect.scatter.add.f32 [tilespmem:s8], [sflag:$0x1], $0x1, s11, s7, $0xb8;
	[tilespmem:$0x1A80] =	vst v63  }
0x184: {  	s3 =	rddreg [dreg:$0xf]  }
0x185: {  	[spmem:s1] =	stream.indirect.scatter.add.f32 [tilespmem:s8], [sflag:$0x1], $0x1, s3, s7, $0xb8;
	[tilespmem:$0x1A80] =	vst v63  }
0x186: {  	s13 =	rddreg [dreg:$0x10]  }
0x187: {  	[spmem:s1] =	stream.indirect.scatter.add.f32 [tilespmem:s8], [sflag:$0x1], $0x1, s13, s7, $0xb8;
	[tilespmem:$0x1A80] =	vst v63  }
0x188: {  	s12 =	rddreg [dreg:$0x11]  }
0x189: {  	[spmem:s1] =	stream.indirect.scatter.add.f32 [tilespmem:s8], [sflag:$0x1], $0x1, s12, s7, $0xb8;
	[tilespmem:$0x1A80] =	vst v63  }
0x18a: {  	s11 =	rddreg [dreg:$0x12]  }
0x18b: {  	[spmem:s1] =	stream.indirect.scatter.add.f32 [tilespmem:s8], [sflag:$0x1], $0x1, s11, s7, $0xb8;
	[tilespmem:$0x1A80] =	vst v63  }
0x18c: {  	s13 =	rddreg [dreg:$0x13]  }
0x18d: {  	[spmem:s1] =	stream.indirect.scatter.add.f32 [tilespmem:s8], [sflag:$0x1], $0x1, s13, s7, $0xb8;
	[tilespmem:$0x1A80] =	vst v63  }
0x18e: {  	_ =	swait.ge [sflag:s10], $0x80  }
0x18f: {  	[sflag:s10] =	ssyncset.done $0x0  }
0x190: {  	[sflag:s10] =	ssyncadd.s32 $0xFFFFFF80  }
0x191: {  	_ =	swait.ge [sflag:s10], $0x80  }
0x192: {  	[sflag:s10] =	ssyncset.done $0x0  }
0x193: {  	[sflag:s10] =	ssyncadd.s32 $0xFFFFFF80  }
0x194: {  	_ =	swait.ge [sflag:s10], $0x80  }
0x195: {  	[sflag:s10] =	ssyncset.done $0x0  }
0x196: {  	[sflag:s10] =	ssyncadd.s32 $0xFFFFFF80  }
0x197: {  	_ =	swait.ge [sflag:s10], $0x80  }
0x198: {  	[sflag:s10] =	ssyncset.done $0x0  }
0x199: {  	[sflag:s10] =	ssyncadd.s32 $0xFFFFFF80  }
0x19a: {  	_ =	swait.ge [sflag:s10], $0x80  }
0x19b: {  	[sflag:s10] =	ssyncset.done $0x0  }
0x19c: {  	[sflag:s10] =	ssyncadd.s32 $0xFFFFFF80  }
0x19d: {  	_ =	swait.ge [sflag:s10], $0x80  }
0x19e: {  	[sflag:s10] =	ssyncset.done $0x0  }
0x19f: {  	s13 =	rddreg [dreg:$0x14];
	[sflag:s10] =	ssyncadd.s32 $0xFFFFFF80  }
0x1a0: {  	[spmem:s1] =	stream.indirect.scatter.add.f32 [tilespmem:s8], [sflag:$0x1], $0x1, s13, s7, $0xb8;
	[tilespmem:$0x1A80] =	vst v63  }
0x1a1: {  	s11 =	rddreg [dreg:$0x15]  }
0x1a2: {  	[spmem:s1] =	stream.indirect.scatter.add.f32 [tilespmem:s8], [sflag:$0x1], $0x1, s11, s7, $0xb8;
	[tilespmem:$0x1A80] =	vst v63  }
0x1a3: {  	s12 =	rddreg [dreg:$0x16]  }
0x1a4: {  	[spmem:s1] =	stream.indirect.scatter.add.f32 [tilespmem:s8], [sflag:$0x1], $0x1, s12, s7, $0xb8;
	[tilespmem:$0x1A80] =	vst v63  }
0x1a5: {  	s13 =	rddreg [dreg:$0x17]  }
0x1a6: {  	[spmem:s1] =	stream.indirect.scatter.add.f32 [tilespmem:s8], [sflag:$0x1], $0x1, s13, s7, $0xb8;
	[tilespmem:$0x1A80] =	vst v63  }
0x1a7: {  	s13 =	simm.s32 $0xB00  }
0x1a8: {  	[spmem:s1] =	stream.indirect.scatter.add.f32 [tilespmem:s8], [sflag:$0x1], $0x1, s13, s7, $0xb8;
	[tilespmem:$0x1A80] =	vst v63  }
0x1a9: {  	s11 =	simm.s32 $0xB80  }
0x1aa: {  	[spmem:s1] =	stream.indirect.scatter.add.f32 [tilespmem:s8], [sflag:$0x1], $0x1, s11, s7, $0xb8;
	[tilespmem:$0x1A80] =	vst v63  }
0x1ab: {  	_ =	swait.ge [sflag:s10], $0x80  }
0x1ac: {  	[sflag:s10] =	ssyncset.done $0x0  }
0x1ad: {  	[sflag:s10] =	ssyncadd.s32 $0xFFFFFF80  }
0x1ae: {  	_ =	swait.ge [sflag:s10], $0x80  }
0x1af: {  	[sflag:s10] =	ssyncset.done $0x0  }
0x1b0: {  	[sflag:s10] =	ssyncadd.s32 $0xFFFFFF80  }
0x1b1: {  	_ =	swait.ge [sflag:s10], $0x80  }
0x1b2: {  	[sflag:s10] =	ssyncset.done $0x0  }
0x1b3: {  	[sflag:s10] =	ssyncadd.s32 $0xFFFFFF80  }
0x1b4: {  	_ =	swait.ge [sflag:s10], $0x80  }
0x1b5: {  	[sflag:s10] =	ssyncset.done $0x0  }
0x1b6: {  	[sflag:s10] =	ssyncadd.s32 $0xFFFFFF80  }
0x1b7: {  	_ =	swait.ge [sflag:s10], $0x80  }
0x1b8: {  	[sflag:s10] =	ssyncset.done $0x0  }
0x1b9: {  	[sflag:s10] =	ssyncadd.s32 $0xFFFFFF80  }
0x1ba: {  	_ =	swait.ge [sflag:s10], $0x80  }
0x1bb: {  	[sflag:s10] =	ssyncset.done $0x0  }
0x1bc: {  	s12 =	simm.s32 $0xC00;
	[sflag:s10] =	ssyncadd.s32 $0xFFFFFF80  }
0x1bd: {  	[spmem:s1] =	stream.indirect.scatter.add.f32 [tilespmem:s8], [sflag:$0x1], $0x1, s12, s7, $0xb8;
	[tilespmem:$0x1A80] =	vst v63  }
0x1be: {  	_ = 	snop  }
0x1bf: {  	[spmem:s1] =	stream.indirect.scatter.add.f32 [tilespmem:s8], [sflag:$0x1], $0x1, s14, s7, $0xb8;
	[tilespmem:$0x1A80] =	vst v63  }
0x1c0: {  	_ = 	snop  }
0x1c1: {  	[spmem:s1] =	stream.indirect.scatter.add.f32 [tilespmem:s8], [sflag:$0x1], $0x1, s15, s7, $0xb8;
	[tilespmem:$0x1A80] =	vst v63  }
0x1c2: {  	_ = 	snop  }
0x1c3: {  	[spmem:s1] =	stream.indirect.scatter.add.f32 [tilespmem:s8], [sflag:$0x1], $0x1, s16, s7, $0xb8;
	[tilespmem:$0x1A80] =	vst v63  }
0x1c4: {  	_ = 	snop  }
0x1c5: {  	[spmem:s1] =	stream.indirect.scatter.add.f32 [tilespmem:s8], [sflag:$0x1], $0x1, s17, s7, $0xb8;
	[tilespmem:$0x1A80] =	vst v63  }
0x1c6: {  	_ = 	snop  }
0x1c7: {  	[spmem:s1] =	stream.indirect.scatter.add.f32 [tilespmem:s8], [sflag:$0x1], $0x1, s18, s7, $0xb8;
	[tilespmem:$0x1A80] =	vst v63  }
0x1c8: {  	_ =	swait.ge [sflag:s10], $0x80  }
0x1c9: {  	[sflag:s10] =	ssyncset.done $0x0  }
0x1ca: {  	[sflag:s10] =	ssyncadd.s32 $0xFFFFFF80  }
0x1cb: {  	_ =	swait.ge [sflag:s10], $0x80  }
0x1cc: {  	[sflag:s10] =	ssyncset.done $0x0  }
0x1cd: {  	[sflag:s10] =	ssyncadd.s32 $0xFFFFFF80  }
0x1ce: {  	_ =	swait.ge [sflag:s10], $0x80  }
0x1cf: {  	[sflag:s10] =	ssyncset.done $0x0  }
0x1d0: {  	[sflag:s10] =	ssyncadd.s32 $0xFFFFFF80  }
0x1d1: {  	_ =	swait.ge [sflag:s10], $0x80  }
0x1d2: {  	[sflag:s10] =	ssyncset.done $0x0  }
0x1d3: {  	[sflag:s10] =	ssyncadd.s32 $0xFFFFFF80  }
0x1d4: {  	_ =	swait.ge [sflag:s10], $0x80  }
0x1d5: {  	[sflag:s10] =	ssyncset.done $0x0  }
0x1d6: {  	[sflag:s10] =	ssyncadd.s32 $0xFFFFFF80  }
0x1d7: {  	_ =	swait.ge [sflag:s10], $0x80  }
0x1d8: {  	[sflag:s10] =	ssyncset.done $0x0  }
0x1d9: {  	[sflag:s10] =	ssyncadd.s32 $0xFFFFFF80  }
0x1da: {  	[spmem:s1] =	stream.indirect.scatter.add.f32 [tilespmem:s8], [sflag:$0x1], $0x1, s19, s7, $0xb8;
	[tilespmem:$0x1A80] =	vst v63  }
0x1db: {  	_ = 	snop  }
0x1dc: {  	[spmem:s1] =	stream.indirect.scatter.add.f32 [tilespmem:s8], [sflag:$0x1], $0x1, s20, s7, $0xb8;
	[tilespmem:$0x1A80] =	vst v63  }
0x1dd: {  	_ = 	snop  }
0x1de: {  	[spmem:s1] =	stream.indirect.scatter.add.f32 [tilespmem:s8], [sflag:$0x1], $0x1, s21, s7, $0xb8;
	[tilespmem:$0x1A80] =	vst v63  }
0x1df: {  	_ = 	snop  }
0x1e0: {  	[spmem:s1] =	stream.indirect.scatter.add.f32 [tilespmem:s8], [sflag:$0x1], $0x1, s22, s7, $0xb8;
	[tilespmem:$0x1A80] =	vst v63  }
0x1e1: {  	_ = 	snop  }
0x1e2: {  	[spmem:s1] =	stream.indirect.scatter.add.f32 [tilespmem:s8], [sflag:$0x1], $0x1, s23, s7, $0xb8;
	[tilespmem:$0x1A80] =	vst v63  }
0x1e3: {  	_ = 	snop  }
0x1e4: {  	[spmem:s1] =	stream.indirect.scatter.add.f32 [tilespmem:s8], [sflag:$0x1], $0x1, s24, s7, $0xb8;
	[tilespmem:$0x1A80] =	vst v63  }
0x1e5: {  	_ =	swait.ge [sflag:s10], $0x80  }
0x1e6: {  	[sflag:s10] =	ssyncset.done $0x0  }
0x1e7: {  	[sflag:s10] =	ssyncadd.s32 $0xFFFFFF80  }
0x1e8: {  	_ =	swait.ge [sflag:s10], $0x80  }
0x1e9: {  	[sflag:s10] =	ssyncset.done $0x0  }
0x1ea: {  	[sflag:s10] =	ssyncadd.s32 $0xFFFFFF80  }
0x1eb: {  	_ =	swait.ge [sflag:s10], $0x80  }
0x1ec: {  	[sflag:s10] =	ssyncset.done $0x0  }
0x1ed: {  	[sflag:s10] =	ssyncadd.s32 $0xFFFFFF80  }
0x1ee: {  	_ =	swait.ge [sflag:s10], $0x80  }
0x1ef: {  	[sflag:s10] =	ssyncset.done $0x0  }
0x1f0: {  	[sflag:s10] =	ssyncadd.s32 $0xFFFFFF80  }
0x1f1: {  	_ =	swait.ge [sflag:s10], $0x80  }
0x1f2: {  	[sflag:s10] =	ssyncset.done $0x0  }
0x1f3: {  	[sflag:s10] =	ssyncadd.s32 $0xFFFFFF80  }
0x1f4: {  	_ =	swait.ge [sflag:s10], $0x80  }
0x1f5: {  	[sflag:s10] =	ssyncset.done $0x0  }
0x1f6: {  	[sflag:s10] =	ssyncadd.s32 $0xFFFFFF80  }
0x1f7: {  	[spmem:s1] =	stream.indirect.scatter.add.f32 [tilespmem:s8], [sflag:$0x1], $0x1, s25, s7, $0xb8;
	[tilespmem:$0x1A80] =	vst v63  }
0x1f8: {  	_ = 	snop  }
0x1f9: {  	[spmem:s1] =	stream.indirect.scatter.add.f32 [tilespmem:s8], [sflag:$0x1], $0x1, s26, s7, $0xb8;
	[tilespmem:$0x1A80] =	vst v63  }
0x1fa: {  	_ = 	snop  }
0x1fb: {  	[spmem:s1] =	stream.indirect.scatter.add.f32 [tilespmem:s8], [sflag:$0x1], $0x1, s28, s7, $0xb8;
	[tilespmem:$0x1A80] =	vst v63  }
0x1fc: {  	_ = 	snop  }
0x1fd: {  	[spmem:s1] =	stream.indirect.scatter.add.f32 [tilespmem:s8], [sflag:$0x1], $0x1, s29, s7, $0xb8;
	[tilespmem:$0x1A80] =	vst v63  }
0x1fe: {  	_ = 	snop  }
0x1ff: {  	[spmem:s1] =	stream.indirect.scatter.add.f32 [tilespmem:s8], [sflag:$0x1], $0x1, s30, s7, $0xb8;
	[tilespmem:$0x1A80] =	vst v63  }
0x200: {  	_ = 	snop  }
0x201: {  	[spmem:s1] =	stream.indirect.scatter.add.f32 [tilespmem:s8], [sflag:$0x1], $0x1, s31, s7, $0xb8;
	[tilespmem:$0x1A80] =	vst v63  }
0x202: {  	_ =	swait.ge [sflag:s10], $0x80  }
0x203: {  	[sflag:s10] =	ssyncset.done $0x0  }
0x204: {  	[sflag:s10] =	ssyncadd.s32 $0xFFFFFF80  }
0x205: {  	_ =	swait.ge [sflag:s10], $0x80  }
0x206: {  	[sflag:s10] =	ssyncset.done $0x0  }
0x207: {  	[sflag:s10] =	ssyncadd.s32 $0xFFFFFF80  }
0x208: {  	_ =	swait.ge [sflag:s10], $0x80  }
0x209: {  	[sflag:s10] =	ssyncset.done $0x0  }
0x20a: {  	[sflag:s10] =	ssyncadd.s32 $0xFFFFFF80  }
0x20b: {  	_ =	swait.ge [sflag:s10], $0x80  }
0x20c: {  	[sflag:s10] =	ssyncset.done $0x0  }
0x20d: {  	[sflag:s10] =	ssyncadd.s32 $0xFFFFFF80  }
0x20e: {  	_ =	swait.ge [sflag:s10], $0x80  }
0x20f: {  	[sflag:s10] =	ssyncset.done $0x0  }
0x210: {  	[sflag:s10] =	ssyncadd.s32 $0xFFFFFF80  }
0x211: {  	_ =	swait.ge [sflag:s10], $0x80  }
0x212: {  	[sflag:s10] =	ssyncset.done $0x0  }
0x213: {  	[sflag:s10] =	ssyncadd.s32 $0xFFFFFF80  }
0x214: {  	p0 =	sne.s32 s0, $0x1;
	[bflag:$0x0] =	sbarrier.arrive $0xFFFF  }
0x215: {  	[tilespmem:s6], [sflag:$0x2] =	stream.linear.gather [spmem:s4], $0x280, $0x38;
	[tilespmem:$0x1A80] =	vst v63  }
.Ltmp1:
0x216: {  	_ =	swait.ge [sflag:s5], $0x280;
	(pc) =	sbr.rel @p0 .LBB2_1-.Ltmp1, $4  }
0x217: {  	[sflag:s5] =	ssyncset.done $0x0  }
0x218: {  	s13 =	rddreg [dreg:$0x4];
	[sflag:s5] =	ssyncadd.s32 $0xFFFFFD80  }
0x219: {  	[hbm4b:s13+s7] =	stream.strided.scatter [tilespmem:s6], [sflag:$0x2], $0x280, s9, s7, $0x38;
	[tilespmem:$0x1A80] =	vst v63  }
0x21a: {  	s0 =	sadd.s32 $0xFFFFFFFF, s0;
	_ =	swait.ge [sflag:s5], $0x280  }
.LBB2_2:
0x21b: {  	[sflag:s5] =	ssyncset.done $0x0  }
0x21c: {  	[sflag:s5] =	ssyncadd.s32 $0xFFFFFD80  }
0x21d: {  	_ =	sfence.sel $0x180000  }
0x21e: {  	[bflag:$0x0] =	sbarrier.arrive $0xFFFF  }
0x21f: {  	_ =	strace $0x90000047  }
0x220: {  	s0 =	stileid.u32;
	[bflag:$0x2] =	sbarrier.arrive $0xFFFF  }
0x221: {  	p0 =	sne.s32 s0, $0x0;
	s0 =	rddreg [dreg:$0x2]  }
0x222: {  	s0 =	sadd.s32 @!p0 $0x100000, s0  }
0x223: {  	[sflag:s0] =	ssyncadd.tile.s32 @!p0 $0x1;
	_ =	shalt  }
.Lfunc_end2:
_tile_overlayer_lowered:
.L_overlay_start_2:
0x224: {  	(tag) =	ssettag $0x2  }
0x225: {  	s0 =	rddreg [dreg:$0x0];
	s2 =	stileid.u32  }
0x226: {  	s1 =	rddreg [dreg:$0x1];
	p0 =	sne.s32 s2, $0x0  }
0x227: {  	s3 =	rddreg [dreg:$0x2];
	[bflag:$0x3] =	sbarrier.arrive $0xFFFF;
	s2 =	simm.s32 @!p0 $0x1C02  }
0x228: {  	[timem:s3], [sflag:s2] =	dma.local @!p0 [hbm:s0], s1  }
0x229: {  	s0 =	simm.s32 @!p0 $0x2  }
0x22a: {  	_ =	swait.ge @!p0 [sflag:s0], s1  }
0x22b: {  	s1 =	ssub.s32 @!p0 $0x0, s1;
	[sflag:s0] =	ssyncset.done @!p0 $0x0  }
0x22c: {  	[sflag:s0] =	ssyncadd.s32 @!p0 s1  }
0x22d: {  	[bflag:$0x3] =	sbarrier.arrive $0xFFFF  }
0x22e: {  	_ =	shalt  }

</sc_bundles>
